<compile_context>
chip_gen: v7x
topology: tpu7x:2x2x1
jax: 0.10.2.dev20260603
libtpu: 0.0.44.dev20260713+nightly
codegen_flags: <defaults>
</compile_context>

<pallas_src>
import functools

import jax
import jax.numpy as jnp
from jax import lax
from jax.experimental import pallas as pl
from jax.experimental.pallas import tpu as pltpu
from jax.experimental.pallas import tpu_sc as plsc

_D = 32
_L = 16
_NC = 2
_NS = 16
_NW = _NC * _NS
_NBUF = 14


@functools.lru_cache(maxsize=None)
def _build(batch, num_rows):
    bpw = batch // _NW
    last_win = ((num_rows - 1) // 128) * 128
    mesh = plsc.VectorSubcoreMesh(core_axis_name="c", subcore_axis_name="s")

    @functools.partial(
        pl.kernel,
        mesh=mesh,
        compiler_params=pltpu.CompilerParams(
            needs_layout_passes=False, disable_bounds_checks=True),
        out_type=jax.ShapeDtypeStruct((batch,), jnp.float32),
        scratch_types=[
            pltpu.VMEM((bpw,), jnp.int32),
            pltpu.VMEM((bpw,), jnp.int32),
            pltpu.VMEM((bpw,), jnp.int32),
            pltpu.VMEM((bpw,), jnp.int32),
            pltpu.VMEM((_NBUF, _D, 128), jnp.float32),
            pltpu.VMEM((_NBUF, _D, 128), jnp.float32),
            pltpu.VMEM((bpw,), jnp.float32),
            pltpu.SemaphoreType.DMA((_NBUF,)),
        ],
    )
    def _k(uidx_hbm, iidx_hbm, utab_t, itab_t, out_hbm,
           uws_v, iws_v, ul_v, il_v, uwin, iwin, out_v, sems):
        wid = lax.axis_index("s") * _NC + lax.axis_index("c")
        base = wid * bpw
        lane16 = lax.iota(jnp.int32, _L)

        pltpu.sync_copy(uidx_hbm.at[pl.ds(base, bpw)], ul_v)
        pltpu.sync_copy(iidx_hbm.at[pl.ds(base, bpw)], il_v)
        for c in range(bpw // _L):
            u = ul_v[pl.ds(c * _L, _L)]
            ws = jnp.minimum((u >> 7) << 7, last_win)
            uws_v[pl.ds(c * _L, _L)] = ws
            ul_v[pl.ds(c * _L, _L)] = u - ws
            v = il_v[pl.ds(c * _L, _L)]
            ws = jnp.minimum((v >> 7) << 7, last_win)
            iws_v[pl.ds(c * _L, _L)] = ws
            il_v[pl.ds(c * _L, _L)] = v - ws

        def get_scalar(ref, b):
            chunk = ref[pl.ds((b // _L) * _L, _L)]
            return jnp.sum(jnp.where(lane16 == (b % _L), chunk, 0))

        def fetch(b, slot):
            us = pl.multiple_of(get_scalar(uws_v, b), 128)
            vs = pl.multiple_of(get_scalar(iws_v, b), 128)
            pltpu.async_copy(
                utab_t.at[:, pl.ds(us, 128)], uwin.at[slot], sems.at[slot])
            pltpu.async_copy(
                itab_t.at[:, pl.ds(vs, 128)], iwin.at[slot], sems.at[slot])

        def drain(slot):
            pltpu.make_async_copy(
                utab_t.at[:, pl.ds(0, 128)], uwin.at[slot], sems.at[slot]
            ).wait()
            pltpu.make_async_copy(
                itab_t.at[:, pl.ds(0, 128)], iwin.at[slot], sems.at[slot]
            ).wait()

        def compute(b, slot):
            ul = jnp.full((_L,), get_scalar(ul_v, b), jnp.int32)
            vl = jnp.full((_L,), get_scalar(il_v, b), jnp.int32)
            sl = jnp.full((_L,), slot, jnp.int32)
            u_lo = plsc.load_gather(uwin, [sl, lane16, ul])
            u_hi = plsc.load_gather(uwin, [sl, lane16 + _L, ul])
            i_lo = plsc.load_gather(iwin, [sl, lane16, vl])
            i_hi = plsc.load_gather(iwin, [sl, lane16 + _L, vl])
            s = u_lo * i_lo + u_hi * i_hi
            tot = jnp.sum(s)
            plsc.store_scatter(
                out_v, [jnp.full((_L,), b, jnp.int32)],
                jnp.full((_L,), tot, jnp.float32),
                mask=lane16 == 0)

        for s in range(_NBUF - 1):
            fetch(s, s)

        pf = _NBUF - 1
        nchunks = bpw // _L

        def body(c, carry):
            cb = c * _L
            wsu_c = uws_v[pl.ds(cb, _L)]
            wsi_c = iws_v[pl.ds(cb, _L)]
            ul_c = ul_v[pl.ds(cb, _L)]
            il_c = il_v[pl.ds(cb, _L)]
            nb = lax.min(c + 1, nchunks - 1) * _L
            wsu_n = uws_v[pl.ds(nb, _L)]
            wsi_n = iws_v[pl.ds(nb, _L)]
            for l in range(_L):
                b = cb + l
                fl = (l + pf) % _L
                wsu_f = wsu_n if l + pf >= _L else wsu_c
                wsi_f = wsi_n if l + pf >= _L else wsi_c

                @pl.when(b + pf < bpw)
                def _(l=l, fl=fl, wsu_f=wsu_f, wsi_f=wsi_f, b=b):
                    us = pl.multiple_of(wsu_f[fl], 128)
                    vs = pl.multiple_of(wsi_f[fl], 128)
                    slot = lax.rem(b + pf, _NBUF)
                    pltpu.async_copy(utab_t.at[:, pl.ds(us, 128)],
                                     uwin.at[slot], sems.at[slot])
                    pltpu.async_copy(itab_t.at[:, pl.ds(vs, 128)],
                                     iwin.at[slot], sems.at[slot])
                slot = lax.rem(b, _NBUF)
                drain(slot)
                ul = jnp.full((_L,), ul_c[l], jnp.int32)
                vl = jnp.full((_L,), il_c[l], jnp.int32)
                sl = jnp.full((_L,), slot, jnp.int32)
                u_lo = plsc.load_gather(uwin, [sl, lane16, ul])
                u_hi = plsc.load_gather(uwin, [sl, lane16 + _L, ul])
                i_lo = plsc.load_gather(iwin, [sl, lane16, vl])
                i_hi = plsc.load_gather(iwin, [sl, lane16 + _L, vl])
                s = u_lo * i_lo + u_hi * i_hi
                tot = jnp.sum(s)
                plsc.store_scatter(
                    out_v, [jnp.full((_L,), b, jnp.int32)],
                    jnp.full((_L,), tot, jnp.float32),
                    mask=lane16 == 0)
            return carry

        lax.fori_loop(0, nchunks, body, 0)

        pltpu.sync_copy(out_v, out_hbm.at[pl.ds(base, bpw)])

    return _k


def kernel(user_indices, item_indices, user_table, item_table):
    batch = user_indices.shape[0]
    k = _build(batch, user_table.shape[0])
    return k(user_indices.astype(jnp.int32), item_indices.astype(jnp.int32),
             user_table.T, item_table.T)

# --- scband reference (transcript-rebuilt; emitter-appended) ---
"""Pipeline reference for scband-matrix-factorization-8469675507722 (READ-ONLY COPY).

The authoritative reference and input builder live on the scoring server;
editing this copy changes nothing except your own understanding.
"""

import jax, jax.numpy as jnp
import numpy as np

NUM_USERS = 1000000
NUM_ITEMS = 1000000
EMBED_DIM = 32
BATCH = 16384


def setup_inputs(seed: int = 0) -> dict:
    key = jax.random.key(seed)
    k1, k2, k3, k4 = jax.random.split(key, 4)
    user_indices = jax.random.randint(k1, (BATCH,), 0, NUM_USERS, dtype=jnp.int64 if jax.config.read('jax_enable_x64') else jnp.int32)
    item_indices = jax.random.randint(k2, (BATCH,), 0, NUM_ITEMS, dtype=jnp.int64 if jax.config.read('jax_enable_x64') else jnp.int32)
    user_table = jax.random.normal(k3, (NUM_USERS, EMBED_DIM), dtype=jnp.float32)
    item_table = jax.random.normal(k4, (NUM_ITEMS, EMBED_DIM), dtype=jnp.float32)
    return {
        'user_indices': user_indices,
        'item_indices': item_indices,
        'user_table': user_table,
        'item_table': item_table,
    }


def reference(user_indices, item_indices, user_table, item_table):
    # embedding lookups (gather rows)
    user_embeddings = jnp.take(user_table, user_indices, axis=0)
    item_embeddings = jnp.take(item_table, item_indices, axis=0)
    # elementwise product + reduce over embedding dim -> preference scores
    preference_scores = jnp.sum(user_embeddings * item_embeddings, axis=1)
    return preference_scores

if __name__ == "__main__":
    import jax
    _d = setup_inputs()
    print(jax.jit(kernel)(*tuple(_d.values())))

</pallas_src>

<mosaic_0001>
#map = affine_map<(d0, d1) -> (0)>
#map1 = affine_map<(d0, d1) -> (0, 0)>
module attributes {stable_mosaic.version = 14 : i64} {
  func.func @_k(%arg0: i32, %arg1: i32, %arg2: memref<16384xi32, #tpu.memory_space<hbm>>, %arg3: memref<16384xi32, #tpu.memory_space<hbm>>, %arg4: memref<32x1000000xf32, #tpu.memory_space<hbm>>, %arg5: memref<32x1000000xf32, #tpu.memory_space<hbm>>, %arg6: memref<16384xf32, #tpu.memory_space<hbm>>, %arg7: memref<512xi32, #tpu.memory_space<vmem>>, %arg8: memref<512xi32, #tpu.memory_space<vmem>>, %arg9: memref<512xi32, #tpu.memory_space<vmem>>, %arg10: memref<512xi32, #tpu.memory_space<vmem>>, %arg11: memref<14x32x128xf32, #tpu.memory_space<vmem>>, %arg12: memref<14x32x128xf32, #tpu.memory_space<vmem>>, %arg13: memref<512xf32, #tpu.memory_space<vmem>>, %arg14: memref<14x!tpu.dma_semaphore, #tpu.memory_space<semaphore_mem>>) attributes {dimension_semantics = [#tpu.dimension_semantics<core_parallel>, #tpu.dimension_semantics<subcore_parallel>], iteration_bounds = array<i64: 2, 16>, scalar_prefetch = 0 : i64, scratch_operands = 8 : i64, tpu.core_type = #tpu.core_type<sc_vector_subcore>, window_params = [{transform_indices = #map}, {transform_indices = #map}, {transform_indices = #map1}, {transform_indices = #map1}, {transform_indices = #map}]} {
    %mul3A = arith.constant 2 : i32
    %mul3A_0 = arith.muli %arg1, %mul3A : i32
    %add3A = arith.addi %mul3A_0, %arg0 : i32
    %mul3A_1 = arith.constant 512 : i32
    %mul3A_2 = arith.muli %add3A, %mul3A_1 : i32
    %iota3A = tpu.iota {dimensions = array<i32: 0>} : vector<16xi32>
    "tpu.region"() ({
      %run_scoped3A = tpu.sem_alloc : memref<!tpu.dma_semaphore, #tpu.memory_space<semaphore_mem>>
      %dma_start3A_1773 = tpu.memref_slice %arg2[%mul3A_2] : memref<16384xi32, #tpu.memory_space<hbm>> -> memref<512xi32, #tpu.memory_space<hbm>>
      %dma_start3A_1774 = tpu.memref_slice %arg2[%mul3A_2] : memref<16384xi32, #tpu.memory_space<hbm>> -> memref<512xi32, #tpu.memory_space<hbm>>
      tpu.enqueue_dma source(%dma_start3A_1774 : memref<512xi32, #tpu.memory_space<hbm>>) target(%arg9 : memref<512xi32, #tpu.memory_space<vmem>>) target_semaphore(%run_scoped3A : memref<!tpu.dma_semaphore, #tpu.memory_space<semaphore_mem>>)
      %dma_wait3A = tpu.memref_slice %arg2[%mul3A_2] : memref<16384xi32, #tpu.memory_space<hbm>> -> memref<512xi32, #tpu.memory_space<hbm>>
      %dma_wait3A_1775 = tpu.memref_slice %arg2[%mul3A_2] : memref<16384xi32, #tpu.memory_space<hbm>> -> memref<512xi32, #tpu.memory_space<hbm>>
      tpu.wait_dma2 semaphore(%run_scoped3A : memref<!tpu.dma_semaphore, #tpu.memory_space<semaphore_mem>>) src(%dma_wait3A_1775 : memref<512xi32, #tpu.memory_space<hbm>>) dst(%arg9 : memref<512xi32, #tpu.memory_space<vmem>>)
      tpu.yield
    }) : () -> ()
    "tpu.region"() ({
      %run_scoped3A = tpu.sem_alloc : memref<!tpu.dma_semaphore, #tpu.memory_space<semaphore_mem>>
      %dma_start3A_1773 = tpu.memref_slice %arg3[%mul3A_2] : memref<16384xi32, #tpu.memory_space<hbm>> -> memref<512xi32, #tpu.memory_space<hbm>>
      %dma_start3A_1774 = tpu.memref_slice %arg3[%mul3A_2] : memref<16384xi32, #tpu.memory_space<hbm>> -> memref<512xi32, #tpu.memory_space<hbm>>
      tpu.enqueue_dma source(%dma_start3A_1774 : memref<512xi32, #tpu.memory_space<hbm>>) target(%arg10 : memref<512xi32, #tpu.memory_space<vmem>>) target_semaphore(%run_scoped3A : memref<!tpu.dma_semaphore, #tpu.memory_space<semaphore_mem>>)
      %dma_wait3A = tpu.memref_slice %arg3[%mul3A_2] : memref<16384xi32, #tpu.memory_space<hbm>> -> memref<512xi32, #tpu.memory_space<hbm>>
      %dma_wait3A_1775 = tpu.memref_slice %arg3[%mul3A_2] : memref<16384xi32, #tpu.memory_space<hbm>> -> memref<512xi32, #tpu.memory_space<hbm>>
      tpu.wait_dma2 semaphore(%run_scoped3A : memref<!tpu.dma_semaphore, #tpu.memory_space<semaphore_mem>>) src(%dma_wait3A_1775 : memref<512xi32, #tpu.memory_space<hbm>>) dst(%arg10 : memref<512xi32, #tpu.memory_space<vmem>>)
      tpu.yield
    }) : () -> ()
    %get3A = arith.constant 0 : index
    %get3A_3 = tpu.vector_load %arg9[%get3A] {strides = array<i32>} : memref<512xi32, #tpu.memory_space<vmem>>, vector<16xi32>,
    %shift_right_arithmetic3A = arith.constant 7 : i32
    %shift_right_arithmetic3A_4 = vector.broadcast %shift_right_arithmetic3A : i32 to vector<16xi32>
    %shift_right_arithmetic3A_5 = arith.shrsi %get3A_3, %shift_right_arithmetic3A_4 : vector<16xi32>
    %shift_left3A = arith.constant 7 : i32
    %shift_left3A_6 = vector.broadcast %shift_left3A : i32 to vector<16xi32>
    %shift_left3A_7 = arith.shli %shift_right_arithmetic3A_5, %shift_left3A_6 : vector<16xi32>
    %min3A = arith.constant 999936 : i32
    %min3A_8 = vector.broadcast %min3A : i32 to vector<16xi32>
    %min3A_9 = arith.minsi %shift_left3A_7, %min3A_8 : vector<16xi32>
    %swap3A = arith.constant 0 : index
    %swap3A_10 = tpu.vector_load %arg7[%swap3A] {strides = array<i32>} : memref<512xi32, #tpu.memory_space<vmem>>, vector<16xi32>,
    tpu.vector_store %arg7[%swap3A], %min3A_9 {strides = array<i32>} : memref<512xi32, #tpu.memory_space<vmem>>, vector<16xi32>,
    %sub3A = arith.subi %get3A_3, %min3A_9 : vector<16xi32>
    %swap3A_11 = arith.constant 0 : index
    %swap3A_12 = tpu.vector_load %arg9[%swap3A_11] {strides = array<i32>} : memref<512xi32, #tpu.memory_space<vmem>>, vector<16xi32>,
    tpu.vector_store %arg9[%swap3A_11], %sub3A {strides = array<i32>} : memref<512xi32, #tpu.memory_space<vmem>>, vector<16xi32>,
    %get3A_13 = arith.constant 0 : index
    %get3A_14 = tpu.vector_load %arg10[%get3A_13] {strides = array<i32>} : memref<512xi32, #tpu.memory_space<vmem>>, vector<16xi32>,
    %shift_right_arithmetic3A_15 = arith.constant 7 : i32
    %shift_right_arithmetic3A_16 = vector.broadcast %shift_right_arithmetic3A_15 : i32 to vector<16xi32>
    %shift_right_arithmetic3A_17 = arith.shrsi %get3A_14, %shift_right_arithmetic3A_16 : vector<16xi32>
    %shift_left3A_18 = arith.constant 7 : i32
    %shift_left3A_19 = vector.broadcast %shift_left3A_18 : i32 to vector<16xi32>
    %shift_left3A_20 = arith.shli %shift_right_arithmetic3A_17, %shift_left3A_19 : vector<16xi32>
    %min3A_21 = arith.constant 999936 : i32
    %min3A_22 = vector.broadcast %min3A_21 : i32 to vector<16xi32>
    %min3A_23 = arith.minsi %shift_left3A_20, %min3A_22 : vector<16xi32>
    %swap3A_24 = arith.constant 0 : index
    %swap3A_25 = tpu.vector_load %arg8[%swap3A_24] {strides = array<i32>} : memref<512xi32, #tpu.memory_space<vmem>>, vector<16xi32>,
    tpu.vector_store %arg8[%swap3A_24], %min3A_23 {strides = array<i32>} : memref<512xi32, #tpu.memory_space<vmem>>, vector<16xi32>,
    %sub3A_26 = arith.subi %get3A_14, %min3A_23 : vector<16xi32>
    %swap3A_27 = arith.constant 0 : index
    %swap3A_28 = tpu.vector_load %arg10[%swap3A_27] {strides = array<i32>} : memref<512xi32, #tpu.memory_space<vmem>>, vector<16xi32>,
    tpu.vector_store %arg10[%swap3A_27], %sub3A_26 {strides = array<i32>} : memref<512xi32, #tpu.memory_space<vmem>>, vector<16xi32>,
    %get3A_29 = arith.constant 16 : index
    %get3A_30 = tpu.vector_load %arg9[%get3A_29] {strides = array<i32>} : memref<512xi32, #tpu.memory_space<vmem>>, vector<16xi32>,
    %shift_right_arithmetic3A_31 = arith.constant 7 : i32
    %shift_right_arithmetic3A_32 = vector.broadcast %shift_right_arithmetic3A_31 : i32 to vector<16xi32>
    %shift_right_arithmetic3A_33 = arith.shrsi %get3A_30, %shift_right_arithmetic3A_32 : vector<16xi32>
    %shift_left3A_34 = arith.constant 7 : i32
    %shift_left3A_35 = vector.broadcast %shift_left3A_34 : i32 to vector<16xi32>
    %shift_left3A_36 = arith.shli %shift_right_arithmetic3A_33, %shift_left3A_35 : vector<16xi32>
    %min3A_37 = arith.constant 999936 : i32
    %min3A_38 = vector.broadcast %min3A_37 : i32 to vector<16xi32>
    %min3A_39 = arith.minsi %shift_left3A_36, %min3A_38 : vector<16xi32>
    %swap3A_40 = arith.constant 16 : index
    %swap3A_41 = tpu.vector_load %arg7[%swap3A_40] {strides = array<i32>} : memref<512xi32, #tpu.memory_space<vmem>>, vector<16xi32>,
    tpu.vector_store %arg7[%swap3A_40], %min3A_39 {strides = array<i32>} : memref<512xi32, #tpu.memory_space<vmem>>, vector<16xi32>,
    %sub3A_42 = arith.subi %get3A_30, %min3A_39 : vector<16xi32>
    %swap3A_43 = arith.constant 16 : index
    %swap3A_44 = tpu.vector_load %arg9[%swap3A_43] {strides = array<i32>} : memref<512xi32, #tpu.memory_space<vmem>>, vector<16xi32>,
    tpu.vector_store %arg9[%swap3A_43], %sub3A_42 {strides = array<i32>} : memref<512xi32, #tpu.memory_space<vmem>>, vector<16xi32>,
    %get3A_45 = arith.constant 16 : index
    %get3A_46 = tpu.vector_load %arg10[%get3A_45] {strides = array<i32>} : memref<512xi32, #tpu.memory_space<vmem>>, vector<16xi32>,
    %shift_right_arithmetic3A_47 = arith.constant 7 : i32
    %shift_right_arithmetic3A_48 = vector.broadcast %shift_right_arithmetic3A_47 : i32 to vector<16xi32>
    %shift_right_arithmetic3A_49 = arith.shrsi %get3A_46, %shift_right_arithmetic3A_48 : vector<16xi32>
    %shift_left3A_50 = arith.constant 7 : i32
    %shift_left3A_51 = vector.broadcast %shift_left3A_50 : i32 to vector<16xi32>
    %shift_left3A_52 = arith.shli %shift_right_arithmetic3A_49, %shift_left3A_51 : vector<16xi32>
    %min3A_53 = arith.constant 999936 : i32
    %min3A_54 = vector.broadcast %min3A_53 : i32 to vector<16xi32>
    %min3A_55 = arith.minsi %shift_left3A_52, %min3A_54 : vector<16xi32>
    %swap3A_56 = arith.constant 16 : index
    %swap3A_57 = tpu.vector_load %arg8[%swap3A_56] {strides = array<i32>} : memref<512xi32, #tpu.memory_space<vmem>>, vector<16xi32>,
    tpu.vector_store %arg8[%swap3A_56], %min3A_55 {strides = array<i32>} : memref<512xi32, #tpu.memory_space<vmem>>, vector<16xi32>,
    %sub3A_58 = arith.subi %get3A_46, %min3A_55 : vector<16xi32>
    %swap3A_59 = arith.constant 16 : index
    %swap3A_60 = tpu.vector_load %arg10[%swap3A_59] {strides = array<i32>} : memref<512xi32, #tpu.memory_space<vmem>>, vector<16xi32>,
    tpu.vector_store %arg10[%swap3A_59], %sub3A_58 {strides = array<i32>} : memref<512xi32, #tpu.memory_space<vmem>>, vector<16xi32>,
    %get3A_61 = arith.constant 32 : index
    %get3A_62 = tpu.vector_load %arg9[%get3A_61] {strides = array<i32>} : memref<512xi32, #tpu.memory_space<vmem>>, vector<16xi32>,
    %shift_right_arithmetic3A_63 = arith.constant 7 : i32
    %shift_right_arithmetic3A_64 = vector.broadcast %shift_right_arithmetic3A_63 : i32 to vector<16xi32>
    %shift_right_arithmetic3A_65 = arith.shrsi %get3A_62, %shift_right_arithmetic3A_64 : vector<16xi32>
    %shift_left3A_66 = arith.constant 7 : i32
    %shift_left3A_67 = vector.broadcast %shift_left3A_66 : i32 to vector<16xi32>
    %shift_left3A_68 = arith.shli %shift_right_arithmetic3A_65, %shift_left3A_67 : vector<16xi32>
    %min3A_69 = arith.constant 999936 : i32
    %min3A_70 = vector.broadcast %min3A_69 : i32 to vector<16xi32>
    %min3A_71 = arith.minsi %shift_left3A_68, %min3A_70 : vector<16xi32>
    %swap3A_72 = arith.constant 32 : index
    %swap3A_73 = tpu.vector_load %arg7[%swap3A_72] {strides = array<i32>} : memref<512xi32, #tpu.memory_space<vmem>>, vector<16xi32>,
    tpu.vector_store %arg7[%swap3A_72], %min3A_71 {strides = array<i32>} : memref<512xi32, #tpu.memory_space<vmem>>, vector<16xi32>,
    %sub3A_74 = arith.subi %get3A_62, %min3A_71 : vector<16xi32>
    %swap3A_75 = arith.constant 32 : index
    %swap3A_76 = tpu.vector_load %arg9[%swap3A_75] {strides = array<i32>} : memref<512xi32, #tpu.memory_space<vmem>>, vector<16xi32>,
    tpu.vector_store %arg9[%swap3A_75], %sub3A_74 {strides = array<i32>} : memref<512xi32, #tpu.memory_space<vmem>>, vector<16xi32>,
    %get3A_77 = arith.constant 32 : index
    %get3A_78 = tpu.vector_load %arg10[%get3A_77] {strides = array<i32>} : memref<512xi32, #tpu.memory_space<vmem>>, vector<16xi32>,
    %shift_right_arithmetic3A_79 = arith.constant 7 : i32
    %shift_right_arithmetic3A_80 = vector.broadcast %shift_right_arithmetic3A_79 : i32 to vector<16xi32>
    %shift_right_arithmetic3A_81 = arith.shrsi %get3A_78, %shift_right_arithmetic3A_80 : vector<16xi32>
    %shift_left3A_82 = arith.constant 7 : i32
    %shift_left3A_83 = vector.broadcast %shift_left3A_82 : i32 to vector<16xi32>
    %shift_left3A_84 = arith.shli %shift_right_arithmetic3A_81, %shift_left3A_83 : vector<16xi32>
    %min3A_85 = arith.constant 999936 : i32
    %min3A_86 = vector.broadcast %min3A_85 : i32 to vector<16xi32>
    %min3A_87 = arith.minsi %shift_left3A_84, %min3A_86 : vector<16xi32>
    %swap3A_88 = arith.constant 32 : index
    %swap3A_89 = tpu.vector_load %arg8[%swap3A_88] {strides = array<i32>} : memref<512xi32, #tpu.memory_space<vmem>>, vector<16xi32>,
    tpu.vector_store %arg8[%swap3A_88], %min3A_87 {strides = array<i32>} : memref<512xi32, #tpu.memory_space<vmem>>, vector<16xi32>,
    %sub3A_90 = arith.subi %get3A_78, %min3A_87 : vector<16xi32>
    %swap3A_91 = arith.constant 32 : index
    %swap3A_92 = tpu.vector_load %arg10[%swap3A_91] {strides = array<i32>} : memref<512xi32, #tpu.memory_space<vmem>>, vector<16xi32>,
    tpu.vector_store %arg10[%swap3A_91], %sub3A_90 {strides = array<i32>} : memref<512xi32, #tpu.memory_space<vmem>>, vector<16xi32>,
    %get3A_93 = arith.constant 48 : index
    %get3A_94 = tpu.vector_load %arg9[%get3A_93] {strides = array<i32>} : memref<512xi32, #tpu.memory_space<vmem>>, vector<16xi32>,
    %shift_right_arithmetic3A_95 = arith.constant 7 : i32
    %shift_right_arithmetic3A_96 = vector.broadcast %shift_right_arithmetic3A_95 : i32 to vector<16xi32>
    %shift_right_arithmetic3A_97 = arith.shrsi %get3A_94, %shift_right_arithmetic3A_96 : vector<16xi32>
    %shift_left3A_98 = arith.constant 7 : i32
    %shift_left3A_99 = vector.broadcast %shift_left3A_98 : i32 to vector<16xi32>
    %shift_left3A_100 = arith.shli %shift_right_arithmetic3A_97, %shift_left3A_99 : vector<16xi32>
    %min3A_101 = arith.constant 999936 : i32
    %min3A_102 = vector.broadcast %min3A_101 : i32 to vector<16xi32>
    %min3A_103 = arith.minsi %shift_left3A_100, %min3A_102 : vector<16xi32>
    %swap3A_104 = arith.constant 48 : index
    %swap3A_105 = tpu.vector_load %arg7[%swap3A_104] {strides = array<i32>} : memref<512xi32, #tpu.memory_space<vmem>>, vector<16xi32>,
    tpu.vector_store %arg7[%swap3A_104], %min3A_103 {strides = array<i32>} : memref<512xi32, #tpu.memory_space<vmem>>, vector<16xi32>,
    %sub3A_106 = arith.subi %get3A_94, %min3A_103 : vector<16xi32>
    %swap3A_107 = arith.constant 48 : index
    %swap3A_108 = tpu.vector_load %arg9[%swap3A_107] {strides = array<i32>} : memref<512xi32, #tpu.memory_space<vmem>>, vector<16xi32>,
    tpu.vector_store %arg9[%swap3A_107], %sub3A_106 {strides = array<i32>} : memref<512xi32, #tpu.memory_space<vmem>>, vector<16xi32>,
    %get3A_109 = arith.constant 48 : index
    %get3A_110 = tpu.vector_load %arg10[%get3A_109] {strides = array<i32>} : memref<512xi32, #tpu.memory_space<vmem>>, vector<16xi32>,
    %shift_right_arithmetic3A_111 = arith.constant 7 : i32
    %shift_right_arithmetic3A_112 = vector.broadcast %shift_right_arithmetic3A_111 : i32 to vector<16xi32>
    %shift_right_arithmetic3A_113 = arith.shrsi %get3A_110, %shift_right_arithmetic3A_112 : vector<16xi32>
    %shift_left3A_114 = arith.constant 7 : i32
    %shift_left3A_115 = vector.broadcast %shift_left3A_114 : i32 to vector<16xi32>
    %shift_left3A_116 = arith.shli %shift_right_arithmetic3A_113, %shift_left3A_115 : vector<16xi32>
    %min3A_117 = arith.constant 999936 : i32
    %min3A_118 = vector.broadcast %min3A_117 : i32 to vector<16xi32>
    %min3A_119 = arith.minsi %shift_left3A_116, %min3A_118 : vector<16xi32>
    %swap3A_120 = arith.constant 48 : index
    %swap3A_121 = tpu.vector_load %arg8[%swap3A_120] {strides = array<i32>} : memref<512xi32, #tpu.memory_space<vmem>>, vector<16xi32>,
    tpu.vector_store %arg8[%swap3A_120], %min3A_119 {strides = array<i32>} : memref<512xi32, #tpu.memory_space<vmem>>, vector<16xi32>,
    %sub3A_122 = arith.subi %get3A_110, %min3A_119 : vector<16xi32>
    %swap3A_123 = arith.constant 48 : index
    %swap3A_124 = tpu.vector_load %arg10[%swap3A_123] {strides = array<i32>} : memref<512xi32, #tpu.memory_space<vmem>>, vector<16xi32>,
    tpu.vector_store %arg10[%swap3A_123], %sub3A_122 {strides = array<i32>} : memref<512xi32, #tpu.memory_space<vmem>>, vector<16xi32>,
    %get3A_125 = arith.constant 64 : index
    %get3A_126 = tpu.vector_load %arg9[%get3A_125] {strides = array<i32>} : memref<512xi32, #tpu.memory_space<vmem>>, vector<16xi32>,
    %shift_right_arithmetic3A_127 = arith.constant 7 : i32
    %shift_right_arithmetic3A_128 = vector.broadcast %shift_right_arithmetic3A_127 : i32 to vector<16xi32>
    %shift_right_arithmetic3A_129 = arith.shrsi %get3A_126, %shift_right_arithmetic3A_128 : vector<16xi32>
    %shift_left3A_130 = arith.constant 7 : i32
    %shift_left3A_131 = vector.broadcast %shift_left3A_130 : i32 to vector<16xi32>
    %shift_left3A_132 = arith.shli %shift_right_arithmetic3A_129, %shift_left3A_131 : vector<16xi32>
    %min3A_133 = arith.constant 999936 : i32
    %min3A_134 = vector.broadcast %min3A_133 : i32 to vector<16xi32>
    %min3A_135 = arith.minsi %shift_left3A_132, %min3A_134 : vector<16xi32>
    %swap3A_136 = arith.constant 64 : index
    %swap3A_137 = tpu.vector_load %arg7[%swap3A_136] {strides = array<i32>} : memref<512xi32, #tpu.memory_space<vmem>>, vector<16xi32>,
    tpu.vector_store %arg7[%swap3A_136], %min3A_135 {strides = array<i32>} : memref<512xi32, #tpu.memory_space<vmem>>, vector<16xi32>,
    %sub3A_138 = arith.subi %get3A_126, %min3A_135 : vector<16xi32>
    %swap3A_139 = arith.constant 64 : index
    %swap3A_140 = tpu.vector_load %arg9[%swap3A_139] {strides = array<i32>} : memref<512xi32, #tpu.memory_space<vmem>>, vector<16xi32>,
    tpu.vector_store %arg9[%swap3A_139], %sub3A_138 {strides = array<i32>} : memref<512xi32, #tpu.memory_space<vmem>>, vector<16xi32>,
    %get3A_141 = arith.constant 64 : index
    %get3A_142 = tpu.vector_load %arg10[%get3A_141] {strides = array<i32>} : memref<512xi32, #tpu.memory_space<vmem>>, vector<16xi32>,
    %shift_right_arithmetic3A_143 = arith.constant 7 : i32
    %shift_right_arithmetic3A_144 = vector.broadcast %shift_right_arithmetic3A_143 : i32 to vector<16xi32>
    %shift_right_arithmetic3A_145 = arith.shrsi %get3A_142, %shift_right_arithmetic3A_144 : vector<16xi32>
    %shift_left3A_146 = arith.constant 7 : i32
    %shift_left3A_147 = vector.broadcast %shift_left3A_146 : i32 to vector<16xi32>
    %shift_left3A_148 = arith.shli %shift_right_arithmetic3A_145, %shift_left3A_147 : vector<16xi32>
    %min3A_149 = arith.constant 999936 : i32
    %min3A_150 = vector.broadcast %min3A_149 : i32 to vector<16xi32>
    %min3A_151 = arith.minsi %shift_left3A_148, %min3A_150 : vector<16xi32>
    %swap3A_152 = arith.constant 64 : index
    %swap3A_153 = tpu.vector_load %arg8[%swap3A_152] {strides = array<i32>} : memref<512xi32, #tpu.memory_space<vmem>>, vector<16xi32>,
    tpu.vector_store %arg8[%swap3A_152], %min3A_151 {strides = array<i32>} : memref<512xi32, #tpu.memory_space<vmem>>, vector<16xi32>,
    %sub3A_154 = arith.subi %get3A_142, %min3A_151 : vector<16xi32>
    %swap3A_155 = arith.constant 64 : index
    %swap3A_156 = tpu.vector_load %arg10[%swap3A_155] {strides = array<i32>} : memref<512xi32, #tpu.memory_space<vmem>>, vector<16xi32>,
    tpu.vector_store %arg10[%swap3A_155], %sub3A_154 {strides = array<i32>} : memref<512xi32, #tpu.memory_space<vmem>>, vector<16xi32>,
    %get3A_157 = arith.constant 80 : index
    %get3A_158 = tpu.vector_load %arg9[%get3A_157] {strides = array<i32>} : memref<512xi32, #tpu.memory_space<vmem>>, vector<16xi32>,
    %shift_right_arithmetic3A_159 = arith.constant 7 : i32
    %shift_right_arithmetic3A_160 = vector.broadcast %shift_right_arithmetic3A_159 : i32 to vector<16xi32>
    %shift_right_arithmetic3A_161 = arith.shrsi %get3A_158, %shift_right_arithmetic3A_160 : vector<16xi32>
    %shift_left3A_162 = arith.constant 7 : i32
    %shift_left3A_163 = vector.broadcast %shift_left3A_162 : i32 to vector<16xi32>
    %shift_left3A_164 = arith.shli %shift_right_arithmetic3A_161, %shift_left3A_163 : vector<16xi32>
    %min3A_165 = arith.constant 999936 : i32
    %min3A_166 = vector.broadcast %min3A_165 : i32 to vector<16xi32>
    %min3A_167 = arith.minsi %shift_left3A_164, %min3A_166 : vector<16xi32>
    %swap3A_168 = arith.constant 80 : index
    %swap3A_169 = tpu.vector_load %arg7[%swap3A_168] {strides = array<i32>} : memref<512xi32, #tpu.memory_space<vmem>>, vector<16xi32>,
    tpu.vector_store %arg7[%swap3A_168], %min3A_167 {strides = array<i32>} : memref<512xi32, #tpu.memory_space<vmem>>, vector<16xi32>,
    %sub3A_170 = arith.subi %get3A_158, %min3A_167 : vector<16xi32>
    %swap3A_171 = arith.constant 80 : index
    %swap3A_172 = tpu.vector_load %arg9[%swap3A_171] {strides = array<i32>} : memref<512xi32, #tpu.memory_space<vmem>>, vector<16xi32>,
    tpu.vector_store %arg9[%swap3A_171], %sub3A_170 {strides = array<i32>} : memref<512xi32, #tpu.memory_space<vmem>>, vector<16xi32>,
    %get3A_173 = arith.constant 80 : index
    %get3A_174 = tpu.vector_load %arg10[%get3A_173] {strides = array<i32>} : memref<512xi32, #tpu.memory_space<vmem>>, vector<16xi32>,
    %shift_right_arithmetic3A_175 = arith.constant 7 : i32
    %shift_right_arithmetic3A_176 = vector.broadcast %shift_right_arithmetic3A_175 : i32 to vector<16xi32>
    %shift_right_arithmetic3A_177 = arith.shrsi %get3A_174, %shift_right_arithmetic3A_176 : vector<16xi32>
    %shift_left3A_178 = arith.constant 7 : i32
    %shift_left3A_179 = vector.broadcast %shift_left3A_178 : i32 to vector<16xi32>
    %shift_left3A_180 = arith.shli %shift_right_arithmetic3A_177, %shift_left3A_179 : vector<16xi32>
    %min3A_181 = arith.constant 999936 : i32
    %min3A_182 = vector.broadcast %min3A_181 : i32 to vector<16xi32>
    %min3A_183 = arith.minsi %shift_left3A_180, %min3A_182 : vector<16xi32>
    %swap3A_184 = arith.constant 80 : index
    %swap3A_185 = tpu.vector_load %arg8[%swap3A_184] {strides = array<i32>} : memref<512xi32, #tpu.memory_space<vmem>>, vector<16xi32>,
    tpu.vector_store %arg8[%swap3A_184], %min3A_183 {strides = array<i32>} : memref<512xi32, #tpu.memory_space<vmem>>, vector<16xi32>,
    %sub3A_186 = arith.subi %get3A_174, %min3A_183 : vector<16xi32>
    %swap3A_187 = arith.constant 80 : index
    %swap3A_188 = tpu.vector_load %arg10[%swap3A_187] {strides = array<i32>} : memref<512xi32, #tpu.memory_space<vmem>>, vector<16xi32>,
    tpu.vector_store %arg10[%swap3A_187], %sub3A_186 {strides = array<i32>} : memref<512xi32, #tpu.memory_space<vmem>>, vector<16xi32>,
    %get3A_189 = arith.constant 96 : index
    %get3A_190 = tpu.vector_load %arg9[%get3A_189] {strides = array<i32>} : memref<512xi32, #tpu.memory_space<vmem>>, vector<16xi32>,
    %shift_right_arithmetic3A_191 = arith.constant 7 : i32
    %shift_right_arithmetic3A_192 = vector.broadcast %shift_right_arithmetic3A_191 : i32 to vector<16xi32>
    %shift_right_arithmetic3A_193 = arith.shrsi %get3A_190, %shift_right_arithmetic3A_192 : vector<16xi32>
    %shift_left3A_194 = arith.constant 7 : i32
    %shift_left3A_195 = vector.broadcast %shift_left3A_194 : i32 to vector<16xi32>
    %shift_left3A_196 = arith.shli %shift_right_arithmetic3A_193, %shift_left3A_195 : vector<16xi32>
    %min3A_197 = arith.constant 999936 : i32
    %min3A_198 = vector.broadcast %min3A_197 : i32 to vector<16xi32>
    %min3A_199 = arith.minsi %shift_left3A_196, %min3A_198 : vector<16xi32>
    %swap3A_200 = arith.constant 96 : index
    %swap3A_201 = tpu.vector_load %arg7[%swap3A_200] {strides = array<i32>} : memref<512xi32, #tpu.memory_space<vmem>>, vector<16xi32>,
    tpu.vector_store %arg7[%swap3A_200], %min3A_199 {strides = array<i32>} : memref<512xi32, #tpu.memory_space<vmem>>, vector<16xi32>,
    %sub3A_202 = arith.subi %get3A_190, %min3A_199 : vector<16xi32>
    %swap3A_203 = arith.constant 96 : index
    %swap3A_204 = tpu.vector_load %arg9[%swap3A_203] {strides = array<i32>} : memref<512xi32, #tpu.memory_space<vmem>>, vector<16xi32>,
    tpu.vector_store %arg9[%swap3A_203], %sub3A_202 {strides = array<i32>} : memref<512xi32, #tpu.memory_space<vmem>>, vector<16xi32>,
    %get3A_205 = arith.constant 96 : index
    %get3A_206 = tpu.vector_load %arg10[%get3A_205] {strides = array<i32>} : memref<512xi32, #tpu.memory_space<vmem>>, vector<16xi32>,
    %shift_right_arithmetic3A_207 = arith.constant 7 : i32
    %shift_right_arithmetic3A_208 = vector.broadcast %shift_right_arithmetic3A_207 : i32 to vector<16xi32>
    %shift_right_arithmetic3A_209 = arith.shrsi %get3A_206, %shift_right_arithmetic3A_208 : vector<16xi32>
    %shift_left3A_210 = arith.constant 7 : i32
    %shift_left3A_211 = vector.broadcast %shift_left3A_210 : i32 to vector<16xi32>
    %shift_left3A_212 = arith.shli %shift_right_arithmetic3A_209, %shift_left3A_211 : vector<16xi32>
    %min3A_213 = arith.constant 999936 : i32
    %min3A_214 = vector.broadcast %min3A_213 : i32 to vector<16xi32>
    %min3A_215 = arith.minsi %shift_left3A_212, %min3A_214 : vector<16xi32>
    %swap3A_216 = arith.constant 96 : index
    %swap3A_217 = tpu.vector_load %arg8[%swap3A_216] {strides = array<i32>} : memref<512xi32, #tpu.memory_space<vmem>>, vector<16xi32>,
    tpu.vector_store %arg8[%swap3A_216], %min3A_215 {strides = array<i32>} : memref<512xi32, #tpu.memory_space<vmem>>, vector<16xi32>,
    %sub3A_218 = arith.subi %get3A_206, %min3A_215 : vector<16xi32>
    %swap3A_219 = arith.constant 96 : index
    %swap3A_220 = tpu.vector_load %arg10[%swap3A_219] {strides = array<i32>} : memref<512xi32, #tpu.memory_space<vmem>>, vector<16xi32>,
    tpu.vector_store %arg10[%swap3A_219], %sub3A_218 {strides = array<i32>} : memref<512xi32, #tpu.memory_space<vmem>>, vector<16xi32>,
    %get3A_221 = arith.constant 112 : index
    %get3A_222 = tpu.vector_load %arg9[%get3A_221] {strides = array<i32>} : memref<512xi32, #tpu.memory_space<vmem>>, vector<16xi32>,
    %shift_right_arithmetic3A_223 = arith.constant 7 : i32
    %shift_right_arithmetic3A_224 = vector.broadcast %shift_right_arithmetic3A_223 : i32 to vector<16xi32>
    %shift_right_arithmetic3A_225 = arith.shrsi %get3A_222, %shift_right_arithmetic3A_224 : vector<16xi32>
    %shift_left3A_226 = arith.constant 7 : i32
    %shift_left3A_227 = vector.broadcast %shift_left3A_226 : i32 to vector<16xi32>
    %shift_left3A_228 = arith.shli %shift_right_arithmetic3A_225, %shift_left3A_227 : vector<16xi32>
    %min3A_229 = arith.constant 999936 : i32
    %min3A_230 = vector.broadcast %min3A_229 : i32 to vector<16xi32>
    %min3A_231 = arith.minsi %shift_left3A_228, %min3A_230 : vector<16xi32>
    %swap3A_232 = arith.constant 112 : index
    %swap3A_233 = tpu.vector_load %arg7[%swap3A_232] {strides = array<i32>} : memref<512xi32, #tpu.memory_space<vmem>>, vector<16xi32>,
    tpu.vector_store %arg7[%swap3A_232], %min3A_231 {strides = array<i32>} : memref<512xi32, #tpu.memory_space<vmem>>, vector<16xi32>,
    %sub3A_234 = arith.subi %get3A_222, %min3A_231 : vector<16xi32>
    %swap3A_235 = arith.constant 112 : index
    %swap3A_236 = tpu.vector_load %arg9[%swap3A_235] {strides = array<i32>} : memref<512xi32, #tpu.memory_space<vmem>>, vector<16xi32>,
    tpu.vector_store %arg9[%swap3A_235], %sub3A_234 {strides = array<i32>} : memref<512xi32, #tpu.memory_space<vmem>>, vector<16xi32>,
    %get3A_237 = arith.constant 112 : index
    %get3A_238 = tpu.vector_load %arg10[%get3A_237] {strides = array<i32>} : memref<512xi32, #tpu.memory_space<vmem>>, vector<16xi32>,
    %shift_right_arithmetic3A_239 = arith.constant 7 : i32
    %shift_right_arithmetic3A_240 = vector.broadcast %shift_right_arithmetic3A_239 : i32 to vector<16xi32>
    %shift_right_arithmetic3A_241 = arith.shrsi %get3A_238, %shift_right_arithmetic3A_240 : vector<16xi32>
    %shift_left3A_242 = arith.constant 7 : i32
    %shift_left3A_243 = vector.broadcast %shift_left3A_242 : i32 to vector<16xi32>
    %shift_left3A_244 = arith.shli %shift_right_arithmetic3A_241, %shift_left3A_243 : vector<16xi32>
    %min3A_245 = arith.constant 999936 : i32
    %min3A_246 = vector.broadcast %min3A_245 : i32 to vector<16xi32>
    %min3A_247 = arith.minsi %shift_left3A_244, %min3A_246 : vector<16xi32>
    %swap3A_248 = arith.constant 112 : index
    %swap3A_249 = tpu.vector_load %arg8[%swap3A_248] {strides = array<i32>} : memref<512xi32, #tpu.memory_space<vmem>>, vector<16xi32>,
    tpu.vector_store %arg8[%swap3A_248], %min3A_247 {strides = array<i32>} : memref<512xi32, #tpu.memory_space<vmem>>, vector<16xi32>,
    %sub3A_250 = arith.subi %get3A_238, %min3A_247 : vector<16xi32>
    %swap3A_251 = arith.constant 112 : index
    %swap3A_252 = tpu.vector_load %arg10[%swap3A_251] {strides = array<i32>} : memref<512xi32, #tpu.memory_space<vmem>>, vector<16xi32>,
    tpu.vector_store %arg10[%swap3A_251], %sub3A_250 {strides = array<i32>} : memref<512xi32, #tpu.memory_space<vmem>>, vector<16xi32>,
    %get3A_253 = arith.constant 128 : index
    %get3A_254 = tpu.vector_load %arg9[%get3A_253] {strides = array<i32>} : memref<512xi32, #tpu.memory_space<vmem>>, vector<16xi32>,
    %shift_right_arithmetic3A_255 = arith.constant 7 : i32
    %shift_right_arithmetic3A_256 = vector.broadcast %shift_right_arithmetic3A_255 : i32 to vector<16xi32>
    %shift_right_arithmetic3A_257 = arith.shrsi %get3A_254, %shift_right_arithmetic3A_256 : vector<16xi32>
    %shift_left3A_258 = arith.constant 7 : i32
    %shift_left3A_259 = vector.broadcast %shift_left3A_258 : i32 to vector<16xi32>
    %shift_left3A_260 = arith.shli %shift_right_arithmetic3A_257, %shift_left3A_259 : vector<16xi32>
    %min3A_261 = arith.constant 999936 : i32
    %min3A_262 = vector.broadcast %min3A_261 : i32 to vector<16xi32>
    %min3A_263 = arith.minsi %shift_left3A_260, %min3A_262 : vector<16xi32>
    %swap3A_264 = arith.constant 128 : index
    %swap3A_265 = tpu.vector_load %arg7[%swap3A_264] {strides = array<i32>} : memref<512xi32, #tpu.memory_space<vmem>>, vector<16xi32>,
    tpu.vector_store %arg7[%swap3A_264], %min3A_263 {strides = array<i32>} : memref<512xi32, #tpu.memory_space<vmem>>, vector<16xi32>,
    %sub3A_266 = arith.subi %get3A_254, %min3A_263 : vector<16xi32>
    %swap3A_267 = arith.constant 128 : index
    %swap3A_268 = tpu.vector_load %arg9[%swap3A_267] {strides = array<i32>} : memref<512xi32, #tpu.memory_space<vmem>>, vector<16xi32>,
    tpu.vector_store %arg9[%swap3A_267], %sub3A_266 {strides = array<i32>} : memref<512xi32, #tpu.memory_space<vmem>>, vector<16xi32>,
    %get3A_269 = arith.constant 128 : index
    %get3A_270 = tpu.vector_load %arg10[%get3A_269] {strides = array<i32>} : memref<512xi32, #tpu.memory_space<vmem>>, vector<16xi32>,
    %shift_right_arithmetic3A_271 = arith.constant 7 : i32
    %shift_right_arithmetic3A_272 = vector.broadcast %shift_right_arithmetic3A_271 : i32 to vector<16xi32>
    %shift_right_arithmetic3A_273 = arith.shrsi %get3A_270, %shift_right_arithmetic3A_272 : vector<16xi32>
    %shift_left3A_274 = arith.constant 7 : i32
    %shift_left3A_275 = vector.broadcast %shift_left3A_274 : i32 to vector<16xi32>
    %shift_left3A_276 = arith.shli %shift_right_arithmetic3A_273, %shift_left3A_275 : vector<16xi32>
    %min3A_277 = arith.constant 999936 : i32
    %min3A_278 = vector.broadcast %min3A_277 : i32 to vector<16xi32>
    %min3A_279 = arith.minsi %shift_left3A_276, %min3A_278 : vector<16xi32>
    %swap3A_280 = arith.constant 128 : index
    %swap3A_281 = tpu.vector_load %arg8[%swap3A_280] {strides = array<i32>} : memref<512xi32, #tpu.memory_space<vmem>>, vector<16xi32>,
    tpu.vector_store %arg8[%swap3A_280], %min3A_279 {strides = array<i32>} : memref<512xi32, #tpu.memory_space<vmem>>, vector<16xi32>,
    %sub3A_282 = arith.subi %get3A_270, %min3A_279 : vector<16xi32>
    %swap3A_283 = arith.constant 128 : index
    %swap3A_284 = tpu.vector_load %arg10[%swap3A_283] {strides = array<i32>} : memref<512xi32, #tpu.memory_space<vmem>>, vector<16xi32>,
    tpu.vector_store %arg10[%swap3A_283], %sub3A_282 {strides = array<i32>} : memref<512xi32, #tpu.memory_space<vmem>>, vector<16xi32>,
    %get3A_285 = arith.constant 144 : index
    %get3A_286 = tpu.vector_load %arg9[%get3A_285] {strides = array<i32>} : memref<512xi32, #tpu.memory_space<vmem>>, vector<16xi32>,
    %shift_right_arithmetic3A_287 = arith.constant 7 : i32
    %shift_right_arithmetic3A_288 = vector.broadcast %shift_right_arithmetic3A_287 : i32 to vector<16xi32>
    %shift_right_arithmetic3A_289 = arith.shrsi %get3A_286, %shift_right_arithmetic3A_288 : vector<16xi32>
    %shift_left3A_290 = arith.constant 7 : i32
    %shift_left3A_291 = vector.broadcast %shift_left3A_290 : i32 to vector<16xi32>
    %shift_left3A_292 = arith.shli %shift_right_arithmetic3A_289, %shift_left3A_291 : vector<16xi32>
    %min3A_293 = arith.constant 999936 : i32
    %min3A_294 = vector.broadcast %min3A_293 : i32 to vector<16xi32>
    %min3A_295 = arith.minsi %shift_left3A_292, %min3A_294 : vector<16xi32>
    %swap3A_296 = arith.constant 144 : index
    %swap3A_297 = tpu.vector_load %arg7[%swap3A_296] {strides = array<i32>} : memref<512xi32, #tpu.memory_space<vmem>>, vector<16xi32>,
    tpu.vector_store %arg7[%swap3A_296], %min3A_295 {strides = array<i32>} : memref<512xi32, #tpu.memory_space<vmem>>, vector<16xi32>,
    %sub3A_298 = arith.subi %get3A_286, %min3A_295 : vector<16xi32>
    %swap3A_299 = arith.constant 144 : index
    %swap3A_300 = tpu.vector_load %arg9[%swap3A_299] {strides = array<i32>} : memref<512xi32, #tpu.memory_space<vmem>>, vector<16xi32>,
    tpu.vector_store %arg9[%swap3A_299], %sub3A_298 {strides = array<i32>} : memref<512xi32, #tpu.memory_space<vmem>>, vector<16xi32>,
    %get3A_301 = arith.constant 144 : index
    %get3A_302 = tpu.vector_load %arg10[%get3A_301] {strides = array<i32>} : memref<512xi32, #tpu.memory_space<vmem>>, vector<16xi32>,
    %shift_right_arithmetic3A_303 = arith.constant 7 : i32
    %shift_right_arithmetic3A_304 = vector.broadcast %shift_right_arithmetic3A_303 : i32 to vector<16xi32>
    %shift_right_arithmetic3A_305 = arith.shrsi %get3A_302, %shift_right_arithmetic3A_304 : vector<16xi32>
    %shift_left3A_306 = arith.constant 7 : i32
    %shift_left3A_307 = vector.broadcast %shift_left3A_306 : i32 to vector<16xi32>
    %shift_left3A_308 = arith.shli %shift_right_arithmetic3A_305, %shift_left3A_307 : vector<16xi32>
    %min3A_309 = arith.constant 999936 : i32
    %min3A_310 = vector.broadcast %min3A_309 : i32 to vector<16xi32>
    %min3A_311 = arith.minsi %shift_left3A_308, %min3A_310 : vector<16xi32>
    %swap3A_312 = arith.constant 144 : index
    %swap3A_313 = tpu.vector_load %arg8[%swap3A_312] {strides = array<i32>} : memref<512xi32, #tpu.memory_space<vmem>>, vector<16xi32>,
    tpu.vector_store %arg8[%swap3A_312], %min3A_311 {strides = array<i32>} : memref<512xi32, #tpu.memory_space<vmem>>, vector<16xi32>,
    %sub3A_314 = arith.subi %get3A_302, %min3A_311 : vector<16xi32>
    %swap3A_315 = arith.constant 144 : index
    %swap3A_316 = tpu.vector_load %arg10[%swap3A_315] {strides = array<i32>} : memref<512xi32, #tpu.memory_space<vmem>>, vector<16xi32>,
    tpu.vector_store %arg10[%swap3A_315], %sub3A_314 {strides = array<i32>} : memref<512xi32, #tpu.memory_space<vmem>>, vector<16xi32>,
    %get3A_317 = arith.constant 160 : index
    %get3A_318 = tpu.vector_load %arg9[%get3A_317] {strides = array<i32>} : memref<512xi32, #tpu.memory_space<vmem>>, vector<16xi32>,
    %shift_right_arithmetic3A_319 = arith.constant 7 : i32
    %shift_right_arithmetic3A_320 = vector.broadcast %shift_right_arithmetic3A_319 : i32 to vector<16xi32>
    %shift_right_arithmetic3A_321 = arith.shrsi %get3A_318, %shift_right_arithmetic3A_320 : vector<16xi32>
    %shift_left3A_322 = arith.constant 7 : i32
    %shift_left3A_323 = vector.broadcast %shift_left3A_322 : i32 to vector<16xi32>
    %shift_left3A_324 = arith.shli %shift_right_arithmetic3A_321, %shift_left3A_323 : vector<16xi32>
    %min3A_325 = arith.constant 999936 : i32
    %min3A_326 = vector.broadcast %min3A_325 : i32 to vector<16xi32>
    %min3A_327 = arith.minsi %shift_left3A_324, %min3A_326 : vector<16xi32>
    %swap3A_328 = arith.constant 160 : index
    %swap3A_329 = tpu.vector_load %arg7[%swap3A_328] {strides = array<i32>} : memref<512xi32, #tpu.memory_space<vmem>>, vector<16xi32>,
    tpu.vector_store %arg7[%swap3A_328], %min3A_327 {strides = array<i32>} : memref<512xi32, #tpu.memory_space<vmem>>, vector<16xi32>,
    %sub3A_330 = arith.subi %get3A_318, %min3A_327 : vector<16xi32>
    %swap3A_331 = arith.constant 160 : index
    %swap3A_332 = tpu.vector_load %arg9[%swap3A_331] {strides = array<i32>} : memref<512xi32, #tpu.memory_space<vmem>>, vector<16xi32>,
    tpu.vector_store %arg9[%swap3A_331], %sub3A_330 {strides = array<i32>} : memref<512xi32, #tpu.memory_space<vmem>>, vector<16xi32>,
    %get3A_333 = arith.constant 160 : index
    %get3A_334 = tpu.vector_load %arg10[%get3A_333] {strides = array<i32>} : memref<512xi32, #tpu.memory_space<vmem>>, vector<16xi32>,
    %shift_right_arithmetic3A_335 = arith.constant 7 : i32
    %shift_right_arithmetic3A_336 = vector.broadcast %shift_right_arithmetic3A_335 : i32 to vector<16xi32>
    %shift_right_arithmetic3A_337 = arith.shrsi %get3A_334, %shift_right_arithmetic3A_336 : vector<16xi32>
    %shift_left3A_338 = arith.constant 7 : i32
    %shift_left3A_339 = vector.broadcast %shift_left3A_338 : i32 to vector<16xi32>
    %shift_left3A_340 = arith.shli %shift_right_arithmetic3A_337, %shift_left3A_339 : vector<16xi32>
    %min3A_341 = arith.constant 999936 : i32
    %min3A_342 = vector.broadcast %min3A_341 : i32 to vector<16xi32>
    %min3A_343 = arith.minsi %shift_left3A_340, %min3A_342 : vector<16xi32>
    %swap3A_344 = arith.constant 160 : index
    %swap3A_345 = tpu.vector_load %arg8[%swap3A_344] {strides = array<i32>} : memref<512xi32, #tpu.memory_space<vmem>>, vector<16xi32>,
    tpu.vector_store %arg8[%swap3A_344], %min3A_343 {strides = array<i32>} : memref<512xi32, #tpu.memory_space<vmem>>, vector<16xi32>,
    %sub3A_346 = arith.subi %get3A_334, %min3A_343 : vector<16xi32>
    %swap3A_347 = arith.constant 160 : index
    %swap3A_348 = tpu.vector_load %arg10[%swap3A_347] {strides = array<i32>} : memref<512xi32, #tpu.memory_space<vmem>>, vector<16xi32>,
    tpu.vector_store %arg10[%swap3A_347], %sub3A_346 {strides = array<i32>} : memref<512xi32, #tpu.memory_space<vmem>>, vector<16xi32>,
    %get3A_349 = arith.constant 176 : index
    %get3A_350 = tpu.vector_load %arg9[%get3A_349] {strides = array<i32>} : memref<512xi32, #tpu.memory_space<vmem>>, vector<16xi32>,
    %shift_right_arithmetic3A_351 = arith.constant 7 : i32
    %shift_right_arithmetic3A_352 = vector.broadcast %shift_right_arithmetic3A_351 : i32 to vector<16xi32>
    %shift_right_arithmetic3A_353 = arith.shrsi %get3A_350, %shift_right_arithmetic3A_352 : vector<16xi32>
    %shift_left3A_354 = arith.constant 7 : i32
    %shift_left3A_355 = vector.broadcast %shift_left3A_354 : i32 to vector<16xi32>
    %shift_left3A_356 = arith.shli %shift_right_arithmetic3A_353, %shift_left3A_355 : vector<16xi32>
    %min3A_357 = arith.constant 999936 : i32
    %min3A_358 = vector.broadcast %min3A_357 : i32 to vector<16xi32>
    %min3A_359 = arith.minsi %shift_left3A_356, %min3A_358 : vector<16xi32>
    %swap3A_360 = arith.constant 176 : index
    %swap3A_361 = tpu.vector_load %arg7[%swap3A_360] {strides = array<i32>} : memref<512xi32, #tpu.memory_space<vmem>>, vector<16xi32>,
    tpu.vector_store %arg7[%swap3A_360], %min3A_359 {strides = array<i32>} : memref<512xi32, #tpu.memory_space<vmem>>, vector<16xi32>,
    %sub3A_362 = arith.subi %get3A_350, %min3A_359 : vector<16xi32>
    %swap3A_363 = arith.constant 176 : index
    %swap3A_364 = tpu.vector_load %arg9[%swap3A_363] {strides = array<i32>} : memref<512xi32, #tpu.memory_space<vmem>>, vector<16xi32>,
    tpu.vector_store %arg9[%swap3A_363], %sub3A_362 {strides = array<i32>} : memref<512xi32, #tpu.memory_space<vmem>>, vector<16xi32>,
    %get3A_365 = arith.constant 176 : index
    %get3A_366 = tpu.vector_load %arg10[%get3A_365] {strides = array<i32>} : memref<512xi32, #tpu.memory_space<vmem>>, vector<16xi32>,
    %shift_right_arithmetic3A_367 = arith.constant 7 : i32
    %shift_right_arithmetic3A_368 = vector.broadcast %shift_right_arithmetic3A_367 : i32 to vector<16xi32>
    %shift_right_arithmetic3A_369 = arith.shrsi %get3A_366, %shift_right_arithmetic3A_368 : vector<16xi32>
    %shift_left3A_370 = arith.constant 7 : i32
    %shift_left3A_371 = vector.broadcast %shift_left3A_370 : i32 to vector<16xi32>
    %shift_left3A_372 = arith.shli %shift_right_arithmetic3A_369, %shift_left3A_371 : vector<16xi32>
    %min3A_373 = arith.constant 999936 : i32
    %min3A_374 = vector.broadcast %min3A_373 : i32 to vector<16xi32>
    %min3A_375 = arith.minsi %shift_left3A_372, %min3A_374 : vector<16xi32>
    %swap3A_376 = arith.constant 176 : index
    %swap3A_377 = tpu.vector_load %arg8[%swap3A_376] {strides = array<i32>} : memref<512xi32, #tpu.memory_space<vmem>>, vector<16xi32>,
    tpu.vector_store %arg8[%swap3A_376], %min3A_375 {strides = array<i32>} : memref<512xi32, #tpu.memory_space<vmem>>, vector<16xi32>,
    %sub3A_378 = arith.subi %get3A_366, %min3A_375 : vector<16xi32>
    %swap3A_379 = arith.constant 176 : index
    %swap3A_380 = tpu.vector_load %arg10[%swap3A_379] {strides = array<i32>} : memref<512xi32, #tpu.memory_space<vmem>>, vector<16xi32>,
    tpu.vector_store %arg10[%swap3A_379], %sub3A_378 {strides = array<i32>} : memref<512xi32, #tpu.memory_space<vmem>>, vector<16xi32>,
    %get3A_381 = arith.constant 192 : index
    %get3A_382 = tpu.vector_load %arg9[%get3A_381] {strides = array<i32>} : memref<512xi32, #tpu.memory_space<vmem>>, vector<16xi32>,
    %shift_right_arithmetic3A_383 = arith.constant 7 : i32
    %shift_right_arithmetic3A_384 = vector.broadcast %shift_right_arithmetic3A_383 : i32 to vector<16xi32>
    %shift_right_arithmetic3A_385 = arith.shrsi %get3A_382, %shift_right_arithmetic3A_384 : vector<16xi32>
    %shift_left3A_386 = arith.constant 7 : i32
    %shift_left3A_387 = vector.broadcast %shift_left3A_386 : i32 to vector<16xi32>
    %shift_left3A_388 = arith.shli %shift_right_arithmetic3A_385, %shift_left3A_387 : vector<16xi32>
    %min3A_389 = arith.constant 999936 : i32
    %min3A_390 = vector.broadcast %min3A_389 : i32 to vector<16xi32>
    %min3A_391 = arith.minsi %shift_left3A_388, %min3A_390 : vector<16xi32>
    %swap3A_392 = arith.constant 192 : index
    %swap3A_393 = tpu.vector_load %arg7[%swap3A_392] {strides = array<i32>} : memref<512xi32, #tpu.memory_space<vmem>>, vector<16xi32>,
    tpu.vector_store %arg7[%swap3A_392], %min3A_391 {strides = array<i32>} : memref<512xi32, #tpu.memory_space<vmem>>, vector<16xi32>,
    %sub3A_394 = arith.subi %get3A_382, %min3A_391 : vector<16xi32>
    %swap3A_395 = arith.constant 192 : index
    %swap3A_396 = tpu.vector_load %arg9[%swap3A_395] {strides = array<i32>} : memref<512xi32, #tpu.memory_space<vmem>>, vector<16xi32>,
    tpu.vector_store %arg9[%swap3A_395], %sub3A_394 {strides = array<i32>} : memref<512xi32, #tpu.memory_space<vmem>>, vector<16xi32>,
    %get3A_397 = arith.constant 192 : index
    %get3A_398 = tpu.vector_load %arg10[%get3A_397] {strides = array<i32>} : memref<512xi32, #tpu.memory_space<vmem>>, vector<16xi32>,
    %shift_right_arithmetic3A_399 = arith.constant 7 : i32
    %shift_right_arithmetic3A_400 = vector.broadcast %shift_right_arithmetic3A_399 : i32 to vector<16xi32>
    %shift_right_arithmetic3A_401 = arith.shrsi %get3A_398, %shift_right_arithmetic3A_400 : vector<16xi32>
    %shift_left3A_402 = arith.constant 7 : i32
    %shift_left3A_403 = vector.broadcast %shift_left3A_402 : i32 to vector<16xi32>
    %shift_left3A_404 = arith.shli %shift_right_arithmetic3A_401, %shift_left3A_403 : vector<16xi32>
    %min3A_405 = arith.constant 999936 : i32
    %min3A_406 = vector.broadcast %min3A_405 : i32 to vector<16xi32>
    %min3A_407 = arith.minsi %shift_left3A_404, %min3A_406 : vector<16xi32>
    %swap3A_408 = arith.constant 192 : index
    %swap3A_409 = tpu.vector_load %arg8[%swap3A_408] {strides = array<i32>} : memref<512xi32, #tpu.memory_space<vmem>>, vector<16xi32>,
    tpu.vector_store %arg8[%swap3A_408], %min3A_407 {strides = array<i32>} : memref<512xi32, #tpu.memory_space<vmem>>, vector<16xi32>,
    %sub3A_410 = arith.subi %get3A_398, %min3A_407 : vector<16xi32>
    %swap3A_411 = arith.constant 192 : index
    %swap3A_412 = tpu.vector_load %arg10[%swap3A_411] {strides = array<i32>} : memref<512xi32, #tpu.memory_space<vmem>>, vector<16xi32>,
    tpu.vector_store %arg10[%swap3A_411], %sub3A_410 {strides = array<i32>} : memref<512xi32, #tpu.memory_space<vmem>>, vector<16xi32>,
    %get3A_413 = arith.constant 208 : index
    %get3A_414 = tpu.vector_load %arg9[%get3A_413] {strides = array<i32>} : memref<512xi32, #tpu.memory_space<vmem>>, vector<16xi32>,
    %shift_right_arithmetic3A_415 = arith.constant 7 : i32
    %shift_right_arithmetic3A_416 = vector.broadcast %shift_right_arithmetic3A_415 : i32 to vector<16xi32>
    %shift_right_arithmetic3A_417 = arith.shrsi %get3A_414, %shift_right_arithmetic3A_416 : vector<16xi32>
    %shift_left3A_418 = arith.constant 7 : i32
    %shift_left3A_419 = vector.broadcast %shift_left3A_418 : i32 to vector<16xi32>
    %shift_left3A_420 = arith.shli %shift_right_arithmetic3A_417, %shift_left3A_419 : vector<16xi32>
    %min3A_421 = arith.constant 999936 : i32
    %min3A_422 = vector.broadcast %min3A_421 : i32 to vector<16xi32>
    %min3A_423 = arith.minsi %shift_left3A_420, %min3A_422 : vector<16xi32>
    %swap3A_424 = arith.constant 208 : index
    %swap3A_425 = tpu.vector_load %arg7[%swap3A_424] {strides = array<i32>} : memref<512xi32, #tpu.memory_space<vmem>>, vector<16xi32>,
    tpu.vector_store %arg7[%swap3A_424], %min3A_423 {strides = array<i32>} : memref<512xi32, #tpu.memory_space<vmem>>, vector<16xi32>,
    %sub3A_426 = arith.subi %get3A_414, %min3A_423 : vector<16xi32>
    %swap3A_427 = arith.constant 208 : index
    %swap3A_428 = tpu.vector_load %arg9[%swap3A_427] {strides = array<i32>} : memref<512xi32, #tpu.memory_space<vmem>>, vector<16xi32>,
    tpu.vector_store %arg9[%swap3A_427], %sub3A_426 {strides = array<i32>} : memref<512xi32, #tpu.memory_space<vmem>>, vector<16xi32>,
    %get3A_429 = arith.constant 208 : index
    %get3A_430 = tpu.vector_load %arg10[%get3A_429] {strides = array<i32>} : memref<512xi32, #tpu.memory_space<vmem>>, vector<16xi32>,
    %shift_right_arithmetic3A_431 = arith.constant 7 : i32
    %shift_right_arithmetic3A_432 = vector.broadcast %shift_right_arithmetic3A_431 : i32 to vector<16xi32>
    %shift_right_arithmetic3A_433 = arith.shrsi %get3A_430, %shift_right_arithmetic3A_432 : vector<16xi32>
    %shift_left3A_434 = arith.constant 7 : i32
    %shift_left3A_435 = vector.broadcast %shift_left3A_434 : i32 to vector<16xi32>
    %shift_left3A_436 = arith.shli %shift_right_arithmetic3A_433, %shift_left3A_435 : vector<16xi32>
    %min3A_437 = arith.constant 999936 : i32
    %min3A_438 = vector.broadcast %min3A_437 : i32 to vector<16xi32>
    %min3A_439 = arith.minsi %shift_left3A_436, %min3A_438 : vector<16xi32>
    %swap3A_440 = arith.constant 208 : index
    %swap3A_441 = tpu.vector_load %arg8[%swap3A_440] {strides = array<i32>} : memref<512xi32, #tpu.memory_space<vmem>>, vector<16xi32>,
    tpu.vector_store %arg8[%swap3A_440], %min3A_439 {strides = array<i32>} : memref<512xi32, #tpu.memory_space<vmem>>, vector<16xi32>,
    %sub3A_442 = arith.subi %get3A_430, %min3A_439 : vector<16xi32>
    %swap3A_443 = arith.constant 208 : index
    %swap3A_444 = tpu.vector_load %arg10[%swap3A_443] {strides = array<i32>} : memref<512xi32, #tpu.memory_space<vmem>>, vector<16xi32>,
    tpu.vector_store %arg10[%swap3A_443], %sub3A_442 {strides = array<i32>} : memref<512xi32, #tpu.memory_space<vmem>>, vector<16xi32>,
    %get3A_445 = arith.constant 224 : index
    %get3A_446 = tpu.vector_load %arg9[%get3A_445] {strides = array<i32>} : memref<512xi32, #tpu.memory_space<vmem>>, vector<16xi32>,
    %shift_right_arithmetic3A_447 = arith.constant 7 : i32
    %shift_right_arithmetic3A_448 = vector.broadcast %shift_right_arithmetic3A_447 : i32 to vector<16xi32>
    %shift_right_arithmetic3A_449 = arith.shrsi %get3A_446, %shift_right_arithmetic3A_448 : vector<16xi32>
    %shift_left3A_450 = arith.constant 7 : i32
    %shift_left3A_451 = vector.broadcast %shift_left3A_450 : i32 to vector<16xi32>
    %shift_left3A_452 = arith.shli %shift_right_arithmetic3A_449, %shift_left3A_451 : vector<16xi32>
    %min3A_453 = arith.constant 999936 : i32
    %min3A_454 = vector.broadcast %min3A_453 : i32 to vector<16xi32>
    %min3A_455 = arith.minsi %shift_left3A_452, %min3A_454 : vector<16xi32>
    %swap3A_456 = arith.constant 224 : index
    %swap3A_457 = tpu.vector_load %arg7[%swap3A_456] {strides = array<i32>} : memref<512xi32, #tpu.memory_space<vmem>>, vector<16xi32>,
    tpu.vector_store %arg7[%swap3A_456], %min3A_455 {strides = array<i32>} : memref<512xi32, #tpu.memory_space<vmem>>, vector<16xi32>,
    %sub3A_458 = arith.subi %get3A_446, %min3A_455 : vector<16xi32>
    %swap3A_459 = arith.constant 224 : index
    %swap3A_460 = tpu.vector_load %arg9[%swap3A_459] {strides = array<i32>} : memref<512xi32, #tpu.memory_space<vmem>>, vector<16xi32>,
    tpu.vector_store %arg9[%swap3A_459], %sub3A_458 {strides = array<i32>} : memref<512xi32, #tpu.memory_space<vmem>>, vector<16xi32>,
    %get3A_461 = arith.constant 224 : index
    %get3A_462 = tpu.vector_load %arg10[%get3A_461] {strides = array<i32>} : memref<512xi32, #tpu.memory_space<vmem>>, vector<16xi32>,
    %shift_right_arithmetic3A_463 = arith.constant 7 : i32
    %shift_right_arithmetic3A_464 = vector.broadcast %shift_right_arithmetic3A_463 : i32 to vector<16xi32>
    %shift_right_arithmetic3A_465 = arith.shrsi %get3A_462, %shift_right_arithmetic3A_464 : vector<16xi32>
    %shift_left3A_466 = arith.constant 7 : i32
    %shift_left3A_467 = vector.broadcast %shift_left3A_466 : i32 to vector<16xi32>
    %shift_left3A_468 = arith.shli %shift_right_arithmetic3A_465, %shift_left3A_467 : vector<16xi32>
    %min3A_469 = arith.constant 999936 : i32
    %min3A_470 = vector.broadcast %min3A_469 : i32 to vector<16xi32>
    %min3A_471 = arith.minsi %shift_left3A_468, %min3A_470 : vector<16xi32>
    %swap3A_472 = arith.constant 224 : index
    %swap3A_473 = tpu.vector_load %arg8[%swap3A_472] {strides = array<i32>} : memref<512xi32, #tpu.memory_space<vmem>>, vector<16xi32>,
    tpu.vector_store %arg8[%swap3A_472], %min3A_471 {strides = array<i32>} : memref<512xi32, #tpu.memory_space<vmem>>, vector<16xi32>,
    %sub3A_474 = arith.subi %get3A_462, %min3A_471 : vector<16xi32>
    %swap3A_475 = arith.constant 224 : index
    %swap3A_476 = tpu.vector_load %arg10[%swap3A_475] {strides = array<i32>} : memref<512xi32, #tpu.memory_space<vmem>>, vector<16xi32>,
    tpu.vector_store %arg10[%swap3A_475], %sub3A_474 {strides = array<i32>} : memref<512xi32, #tpu.memory_space<vmem>>, vector<16xi32>,
    %get3A_477 = arith.constant 240 : index
    %get3A_478 = tpu.vector_load %arg9[%get3A_477] {strides = array<i32>} : memref<512xi32, #tpu.memory_space<vmem>>, vector<16xi32>,
    %shift_right_arithmetic3A_479 = arith.constant 7 : i32
    %shift_right_arithmetic3A_480 = vector.broadcast %shift_right_arithmetic3A_479 : i32 to vector<16xi32>
    %shift_right_arithmetic3A_481 = arith.shrsi %get3A_478, %shift_right_arithmetic3A_480 : vector<16xi32>
    %shift_left3A_482 = arith.constant 7 : i32
    %shift_left3A_483 = vector.broadcast %shift_left3A_482 : i32 to vector<16xi32>
    %shift_left3A_484 = arith.shli %shift_right_arithmetic3A_481, %shift_left3A_483 : vector<16xi32>
    %min3A_485 = arith.constant 999936 : i32
    %min3A_486 = vector.broadcast %min3A_485 : i32 to vector<16xi32>
    %min3A_487 = arith.minsi %shift_left3A_484, %min3A_486 : vector<16xi32>
    %swap3A_488 = arith.constant 240 : index
    %swap3A_489 = tpu.vector_load %arg7[%swap3A_488] {strides = array<i32>} : memref<512xi32, #tpu.memory_space<vmem>>, vector<16xi32>,
    tpu.vector_store %arg7[%swap3A_488], %min3A_487 {strides = array<i32>} : memref<512xi32, #tpu.memory_space<vmem>>, vector<16xi32>,
    %sub3A_490 = arith.subi %get3A_478, %min3A_487 : vector<16xi32>
    %swap3A_491 = arith.constant 240 : index
    %swap3A_492 = tpu.vector_load %arg9[%swap3A_491] {strides = array<i32>} : memref<512xi32, #tpu.memory_space<vmem>>, vector<16xi32>,
    tpu.vector_store %arg9[%swap3A_491], %sub3A_490 {strides = array<i32>} : memref<512xi32, #tpu.memory_space<vmem>>, vector<16xi32>,
    %get3A_493 = arith.constant 240 : index
    %get3A_494 = tpu.vector_load %arg10[%get3A_493] {strides = array<i32>} : memref<512xi32, #tpu.memory_space<vmem>>, vector<16xi32>,
    %shift_right_arithmetic3A_495 = arith.constant 7 : i32
    %shift_right_arithmetic3A_496 = vector.broadcast %shift_right_arithmetic3A_495 : i32 to vector<16xi32>
    %shift_right_arithmetic3A_497 = arith.shrsi %get3A_494, %shift_right_arithmetic3A_496 : vector<16xi32>
    %shift_left3A_498 = arith.constant 7 : i32
    %shift_left3A_499 = vector.broadcast %shift_left3A_498 : i32 to vector<16xi32>
    %shift_left3A_500 = arith.shli %shift_right_arithmetic3A_497, %shift_left3A_499 : vector<16xi32>
    %min3A_501 = arith.constant 999936 : i32
    %min3A_502 = vector.broadcast %min3A_501 : i32 to vector<16xi32>
    %min3A_503 = arith.minsi %shift_left3A_500, %min3A_502 : vector<16xi32>
    %swap3A_504 = arith.constant 240 : index
    %swap3A_505 = tpu.vector_load %arg8[%swap3A_504] {strides = array<i32>} : memref<512xi32, #tpu.memory_space<vmem>>, vector<16xi32>,
    tpu.vector_store %arg8[%swap3A_504], %min3A_503 {strides = array<i32>} : memref<512xi32, #tpu.memory_space<vmem>>, vector<16xi32>,
    %sub3A_506 = arith.subi %get3A_494, %min3A_503 : vector<16xi32>
    %swap3A_507 = arith.constant 240 : index
    %swap3A_508 = tpu.vector_load %arg10[%swap3A_507] {strides = array<i32>} : memref<512xi32, #tpu.memory_space<vmem>>, vector<16xi32>,
    tpu.vector_store %arg10[%swap3A_507], %sub3A_506 {strides = array<i32>} : memref<512xi32, #tpu.memory_space<vmem>>, vector<16xi32>,
    %get3A_509 = arith.constant 256 : index
    %get3A_510 = tpu.vector_load %arg9[%get3A_509] {strides = array<i32>} : memref<512xi32, #tpu.memory_space<vmem>>, vector<16xi32>,
    %shift_right_arithmetic3A_511 = arith.constant 7 : i32
    %shift_right_arithmetic3A_512 = vector.broadcast %shift_right_arithmetic3A_511 : i32 to vector<16xi32>
    %shift_right_arithmetic3A_513 = arith.shrsi %get3A_510, %shift_right_arithmetic3A_512 : vector<16xi32>
    %shift_left3A_514 = arith.constant 7 : i32
    %shift_left3A_515 = vector.broadcast %shift_left3A_514 : i32 to vector<16xi32>
    %shift_left3A_516 = arith.shli %shift_right_arithmetic3A_513, %shift_left3A_515 : vector<16xi32>
    %min3A_517 = arith.constant 999936 : i32
    %min3A_518 = vector.broadcast %min3A_517 : i32 to vector<16xi32>
    %min3A_519 = arith.minsi %shift_left3A_516, %min3A_518 : vector<16xi32>
    %swap3A_520 = arith.constant 256 : index
    %swap3A_521 = tpu.vector_load %arg7[%swap3A_520] {strides = array<i32>} : memref<512xi32, #tpu.memory_space<vmem>>, vector<16xi32>,
    tpu.vector_store %arg7[%swap3A_520], %min3A_519 {strides = array<i32>} : memref<512xi32, #tpu.memory_space<vmem>>, vector<16xi32>,
    %sub3A_522 = arith.subi %get3A_510, %min3A_519 : vector<16xi32>
    %swap3A_523 = arith.constant 256 : index
    %swap3A_524 = tpu.vector_load %arg9[%swap3A_523] {strides = array<i32>} : memref<512xi32, #tpu.memory_space<vmem>>, vector<16xi32>,
    tpu.vector_store %arg9[%swap3A_523], %sub3A_522 {strides = array<i32>} : memref<512xi32, #tpu.memory_space<vmem>>, vector<16xi32>,
    %get3A_525 = arith.constant 256 : index
    %get3A_526 = tpu.vector_load %arg10[%get3A_525] {strides = array<i32>} : memref<512xi32, #tpu.memory_space<vmem>>, vector<16xi32>,
    %shift_right_arithmetic3A_527 = arith.constant 7 : i32
    %shift_right_arithmetic3A_528 = vector.broadcast %shift_right_arithmetic3A_527 : i32 to vector<16xi32>
    %shift_right_arithmetic3A_529 = arith.shrsi %get3A_526, %shift_right_arithmetic3A_528 : vector<16xi32>
    %shift_left3A_530 = arith.constant 7 : i32
    %shift_left3A_531 = vector.broadcast %shift_left3A_530 : i32 to vector<16xi32>
    %shift_left3A_532 = arith.shli %shift_right_arithmetic3A_529, %shift_left3A_531 : vector<16xi32>
    %min3A_533 = arith.constant 999936 : i32
    %min3A_534 = vector.broadcast %min3A_533 : i32 to vector<16xi32>
    %min3A_535 = arith.minsi %shift_left3A_532, %min3A_534 : vector<16xi32>
    %swap3A_536 = arith.constant 256 : index
    %swap3A_537 = tpu.vector_load %arg8[%swap3A_536] {strides = array<i32>} : memref<512xi32, #tpu.memory_space<vmem>>, vector<16xi32>,
    tpu.vector_store %arg8[%swap3A_536], %min3A_535 {strides = array<i32>} : memref<512xi32, #tpu.memory_space<vmem>>, vector<16xi32>,
    %sub3A_538 = arith.subi %get3A_526, %min3A_535 : vector<16xi32>
    %swap3A_539 = arith.constant 256 : index
    %swap3A_540 = tpu.vector_load %arg10[%swap3A_539] {strides = array<i32>} : memref<512xi32, #tpu.memory_space<vmem>>, vector<16xi32>,
    tpu.vector_store %arg10[%swap3A_539], %sub3A_538 {strides = array<i32>} : memref<512xi32, #tpu.memory_space<vmem>>, vector<16xi32>,
    %get3A_541 = arith.constant 272 : index
    %get3A_542 = tpu.vector_load %arg9[%get3A_541] {strides = array<i32>} : memref<512xi32, #tpu.memory_space<vmem>>, vector<16xi32>,
    %shift_right_arithmetic3A_543 = arith.constant 7 : i32
    %shift_right_arithmetic3A_544 = vector.broadcast %shift_right_arithmetic3A_543 : i32 to vector<16xi32>
    %shift_right_arithmetic3A_545 = arith.shrsi %get3A_542, %shift_right_arithmetic3A_544 : vector<16xi32>
    %shift_left3A_546 = arith.constant 7 : i32
    %shift_left3A_547 = vector.broadcast %shift_left3A_546 : i32 to vector<16xi32>
    %shift_left3A_548 = arith.shli %shift_right_arithmetic3A_545, %shift_left3A_547 : vector<16xi32>
    %min3A_549 = arith.constant 999936 : i32
    %min3A_550 = vector.broadcast %min3A_549 : i32 to vector<16xi32>
    %min3A_551 = arith.minsi %shift_left3A_548, %min3A_550 : vector<16xi32>
    %swap3A_552 = arith.constant 272 : index
    %swap3A_553 = tpu.vector_load %arg7[%swap3A_552] {strides = array<i32>} : memref<512xi32, #tpu.memory_space<vmem>>, vector<16xi32>,
    tpu.vector_store %arg7[%swap3A_552], %min3A_551 {strides = array<i32>} : memref<512xi32, #tpu.memory_space<vmem>>, vector<16xi32>,
    %sub3A_554 = arith.subi %get3A_542, %min3A_551 : vector<16xi32>
    %swap3A_555 = arith.constant 272 : index
    %swap3A_556 = tpu.vector_load %arg9[%swap3A_555] {strides = array<i32>} : memref<512xi32, #tpu.memory_space<vmem>>, vector<16xi32>,
    tpu.vector_store %arg9[%swap3A_555], %sub3A_554 {strides = array<i32>} : memref<512xi32, #tpu.memory_space<vmem>>, vector<16xi32>,
    %get3A_557 = arith.constant 272 : index
    %get3A_558 = tpu.vector_load %arg10[%get3A_557] {strides = array<i32>} : memref<512xi32, #tpu.memory_space<vmem>>, vector<16xi32>,
    %shift_right_arithmetic3A_559 = arith.constant 7 : i32
    %shift_right_arithmetic3A_560 = vector.broadcast %shift_right_arithmetic3A_559 : i32 to vector<16xi32>
    %shift_right_arithmetic3A_561 = arith.shrsi %get3A_558, %shift_right_arithmetic3A_560 : vector<16xi32>
    %shift_left3A_562 = arith.constant 7 : i32
    %shift_left3A_563 = vector.broadcast %shift_left3A_562 : i32 to vector<16xi32>
    %shift_left3A_564 = arith.shli %shift_right_arithmetic3A_561, %shift_left3A_563 : vector<16xi32>
    %min3A_565 = arith.constant 999936 : i32
    %min3A_566 = vector.broadcast %min3A_565 : i32 to vector<16xi32>
    %min3A_567 = arith.minsi %shift_left3A_564, %min3A_566 : vector<16xi32>
    %swap3A_568 = arith.constant 272 : index
    %swap3A_569 = tpu.vector_load %arg8[%swap3A_568] {strides = array<i32>} : memref<512xi32, #tpu.memory_space<vmem>>, vector<16xi32>,
    tpu.vector_store %arg8[%swap3A_568], %min3A_567 {strides = array<i32>} : memref<512xi32, #tpu.memory_space<vmem>>, vector<16xi32>,
    %sub3A_570 = arith.subi %get3A_558, %min3A_567 : vector<16xi32>
    %swap3A_571 = arith.constant 272 : index
    %swap3A_572 = tpu.vector_load %arg10[%swap3A_571] {strides = array<i32>} : memref<512xi32, #tpu.memory_space<vmem>>, vector<16xi32>,
    tpu.vector_store %arg10[%swap3A_571], %sub3A_570 {strides = array<i32>} : memref<512xi32, #tpu.memory_space<vmem>>, vector<16xi32>,
    %get3A_573 = arith.constant 288 : index
    %get3A_574 = tpu.vector_load %arg9[%get3A_573] {strides = array<i32>} : memref<512xi32, #tpu.memory_space<vmem>>, vector<16xi32>,
    %shift_right_arithmetic3A_575 = arith.constant 7 : i32
    %shift_right_arithmetic3A_576 = vector.broadcast %shift_right_arithmetic3A_575 : i32 to vector<16xi32>
    %shift_right_arithmetic3A_577 = arith.shrsi %get3A_574, %shift_right_arithmetic3A_576 : vector<16xi32>
    %shift_left3A_578 = arith.constant 7 : i32
    %shift_left3A_579 = vector.broadcast %shift_left3A_578 : i32 to vector<16xi32>
    %shift_left3A_580 = arith.shli %shift_right_arithmetic3A_577, %shift_left3A_579 : vector<16xi32>
    %min3A_581 = arith.constant 999936 : i32
    %min3A_582 = vector.broadcast %min3A_581 : i32 to vector<16xi32>
    %min3A_583 = arith.minsi %shift_left3A_580, %min3A_582 : vector<16xi32>
    %swap3A_584 = arith.constant 288 : index
    %swap3A_585 = tpu.vector_load %arg7[%swap3A_584] {strides = array<i32>} : memref<512xi32, #tpu.memory_space<vmem>>, vector<16xi32>,
    tpu.vector_store %arg7[%swap3A_584], %min3A_583 {strides = array<i32>} : memref<512xi32, #tpu.memory_space<vmem>>, vector<16xi32>,
    %sub3A_586 = arith.subi %get3A_574, %min3A_583 : vector<16xi32>
    %swap3A_587 = arith.constant 288 : index
    %swap3A_588 = tpu.vector_load %arg9[%swap3A_587] {strides = array<i32>} : memref<512xi32, #tpu.memory_space<vmem>>, vector<16xi32>,
    tpu.vector_store %arg9[%swap3A_587], %sub3A_586 {strides = array<i32>} : memref<512xi32, #tpu.memory_space<vmem>>, vector<16xi32>,
    %get3A_589 = arith.constant 288 : index
    %get3A_590 = tpu.vector_load %arg10[%get3A_589] {strides = array<i32>} : memref<512xi32, #tpu.memory_space<vmem>>, vector<16xi32>,
    %shift_right_arithmetic3A_591 = arith.constant 7 : i32
    %shift_right_arithmetic3A_592 = vector.broadcast %shift_right_arithmetic3A_591 : i32 to vector<16xi32>
    %shift_right_arithmetic3A_593 = arith.shrsi %get3A_590, %shift_right_arithmetic3A_592 : vector<16xi32>
    %shift_left3A_594 = arith.constant 7 : i32
    %shift_left3A_595 = vector.broadcast %shift_left3A_594 : i32 to vector<16xi32>
    %shift_left3A_596 = arith.shli %shift_right_arithmetic3A_593, %shift_left3A_595 : vector<16xi32>
    %min3A_597 = arith.constant 999936 : i32
    %min3A_598 = vector.broadcast %min3A_597 : i32 to vector<16xi32>
    %min3A_599 = arith.minsi %shift_left3A_596, %min3A_598 : vector<16xi32>
    %swap3A_600 = arith.constant 288 : index
    %swap3A_601 = tpu.vector_load %arg8[%swap3A_600] {strides = array<i32>} : memref<512xi32, #tpu.memory_space<vmem>>, vector<16xi32>,
    tpu.vector_store %arg8[%swap3A_600], %min3A_599 {strides = array<i32>} : memref<512xi32, #tpu.memory_space<vmem>>, vector<16xi32>,
    %sub3A_602 = arith.subi %get3A_590, %min3A_599 : vector<16xi32>
    %swap3A_603 = arith.constant 288 : index
    %swap3A_604 = tpu.vector_load %arg10[%swap3A_603] {strides = array<i32>} : memref<512xi32, #tpu.memory_space<vmem>>, vector<16xi32>,
    tpu.vector_store %arg10[%swap3A_603], %sub3A_602 {strides = array<i32>} : memref<512xi32, #tpu.memory_space<vmem>>, vector<16xi32>,
    %get3A_605 = arith.constant 304 : index
    %get3A_606 = tpu.vector_load %arg9[%get3A_605] {strides = array<i32>} : memref<512xi32, #tpu.memory_space<vmem>>, vector<16xi32>,
    %shift_right_arithmetic3A_607 = arith.constant 7 : i32
    %shift_right_arithmetic3A_608 = vector.broadcast %shift_right_arithmetic3A_607 : i32 to vector<16xi32>
    %shift_right_arithmetic3A_609 = arith.shrsi %get3A_606, %shift_right_arithmetic3A_608 : vector<16xi32>
    %shift_left3A_610 = arith.constant 7 : i32
    %shift_left3A_611 = vector.broadcast %shift_left3A_610 : i32 to vector<16xi32>
    %shift_left3A_612 = arith.shli %shift_right_arithmetic3A_609, %shift_left3A_611 : vector<16xi32>
    %min3A_613 = arith.constant 999936 : i32
    %min3A_614 = vector.broadcast %min3A_613 : i32 to vector<16xi32>
    %min3A_615 = arith.minsi %shift_left3A_612, %min3A_614 : vector<16xi32>
    %swap3A_616 = arith.constant 304 : index
    %swap3A_617 = tpu.vector_load %arg7[%swap3A_616] {strides = array<i32>} : memref<512xi32, #tpu.memory_space<vmem>>, vector<16xi32>,
    tpu.vector_store %arg7[%swap3A_616], %min3A_615 {strides = array<i32>} : memref<512xi32, #tpu.memory_space<vmem>>, vector<16xi32>,
    %sub3A_618 = arith.subi %get3A_606, %min3A_615 : vector<16xi32>
    %swap3A_619 = arith.constant 304 : index
    %swap3A_620 = tpu.vector_load %arg9[%swap3A_619] {strides = array<i32>} : memref<512xi32, #tpu.memory_space<vmem>>, vector<16xi32>,
    tpu.vector_store %arg9[%swap3A_619], %sub3A_618 {strides = array<i32>} : memref<512xi32, #tpu.memory_space<vmem>>, vector<16xi32>,
    %get3A_621 = arith.constant 304 : index
    %get3A_622 = tpu.vector_load %arg10[%get3A_621] {strides = array<i32>} : memref<512xi32, #tpu.memory_space<vmem>>, vector<16xi32>,
    %shift_right_arithmetic3A_623 = arith.constant 7 : i32
    %shift_right_arithmetic3A_624 = vector.broadcast %shift_right_arithmetic3A_623 : i32 to vector<16xi32>
    %shift_right_arithmetic3A_625 = arith.shrsi %get3A_622, %shift_right_arithmetic3A_624 : vector<16xi32>
    %shift_left3A_626 = arith.constant 7 : i32
    %shift_left3A_627 = vector.broadcast %shift_left3A_626 : i32 to vector<16xi32>
    %shift_left3A_628 = arith.shli %shift_right_arithmetic3A_625, %shift_left3A_627 : vector<16xi32>
    %min3A_629 = arith.constant 999936 : i32
    %min3A_630 = vector.broadcast %min3A_629 : i32 to vector<16xi32>
    %min3A_631 = arith.minsi %shift_left3A_628, %min3A_630 : vector<16xi32>
    %swap3A_632 = arith.constant 304 : index
    %swap3A_633 = tpu.vector_load %arg8[%swap3A_632] {strides = array<i32>} : memref<512xi32, #tpu.memory_space<vmem>>, vector<16xi32>,
    tpu.vector_store %arg8[%swap3A_632], %min3A_631 {strides = array<i32>} : memref<512xi32, #tpu.memory_space<vmem>>, vector<16xi32>,
    %sub3A_634 = arith.subi %get3A_622, %min3A_631 : vector<16xi32>
    %swap3A_635 = arith.constant 304 : index
    %swap3A_636 = tpu.vector_load %arg10[%swap3A_635] {strides = array<i32>} : memref<512xi32, #tpu.memory_space<vmem>>, vector<16xi32>,
    tpu.vector_store %arg10[%swap3A_635], %sub3A_634 {strides = array<i32>} : memref<512xi32, #tpu.memory_space<vmem>>, vector<16xi32>,
    %get3A_637 = arith.constant 320 : index
    %get3A_638 = tpu.vector_load %arg9[%get3A_637] {strides = array<i32>} : memref<512xi32, #tpu.memory_space<vmem>>, vector<16xi32>,
    %shift_right_arithmetic3A_639 = arith.constant 7 : i32
    %shift_right_arithmetic3A_640 = vector.broadcast %shift_right_arithmetic3A_639 : i32 to vector<16xi32>
    %shift_right_arithmetic3A_641 = arith.shrsi %get3A_638, %shift_right_arithmetic3A_640 : vector<16xi32>
    %shift_left3A_642 = arith.constant 7 : i32
    %shift_left3A_643 = vector.broadcast %shift_left3A_642 : i32 to vector<16xi32>
    %shift_left3A_644 = arith.shli %shift_right_arithmetic3A_641, %shift_left3A_643 : vector<16xi32>
    %min3A_645 = arith.constant 999936 : i32
    %min3A_646 = vector.broadcast %min3A_645 : i32 to vector<16xi32>
    %min3A_647 = arith.minsi %shift_left3A_644, %min3A_646 : vector<16xi32>
    %swap3A_648 = arith.constant 320 : index
    %swap3A_649 = tpu.vector_load %arg7[%swap3A_648] {strides = array<i32>} : memref<512xi32, #tpu.memory_space<vmem>>, vector<16xi32>,
    tpu.vector_store %arg7[%swap3A_648], %min3A_647 {strides = array<i32>} : memref<512xi32, #tpu.memory_space<vmem>>, vector<16xi32>,
    %sub3A_650 = arith.subi %get3A_638, %min3A_647 : vector<16xi32>
    %swap3A_651 = arith.constant 320 : index
    %swap3A_652 = tpu.vector_load %arg9[%swap3A_651] {strides = array<i32>} : memref<512xi32, #tpu.memory_space<vmem>>, vector<16xi32>,
    tpu.vector_store %arg9[%swap3A_651], %sub3A_650 {strides = array<i32>} : memref<512xi32, #tpu.memory_space<vmem>>, vector<16xi32>,
    %get3A_653 = arith.constant 320 : index
    %get3A_654 = tpu.vector_load %arg10[%get3A_653] {strides = array<i32>} : memref<512xi32, #tpu.memory_space<vmem>>, vector<16xi32>,
    %shift_right_arithmetic3A_655 = arith.constant 7 : i32
    %shift_right_arithmetic3A_656 = vector.broadcast %shift_right_arithmetic3A_655 : i32 to vector<16xi32>
    %shift_right_arithmetic3A_657 = arith.shrsi %get3A_654, %shift_right_arithmetic3A_656 : vector<16xi32>
    %shift_left3A_658 = arith.constant 7 : i32
    %shift_left3A_659 = vector.broadcast %shift_left3A_658 : i32 to vector<16xi32>
    %shift_left3A_660 = arith.shli %shift_right_arithmetic3A_657, %shift_left3A_659 : vector<16xi32>
    %min3A_661 = arith.constant 999936 : i32
    %min3A_662 = vector.broadcast %min3A_661 : i32 to vector<16xi32>
    %min3A_663 = arith.minsi %shift_left3A_660, %min3A_662 : vector<16xi32>
    %swap3A_664 = arith.constant 320 : index
    %swap3A_665 = tpu.vector_load %arg8[%swap3A_664] {strides = array<i32>} : memref<512xi32, #tpu.memory_space<vmem>>, vector<16xi32>,
    tpu.vector_store %arg8[%swap3A_664], %min3A_663 {strides = array<i32>} : memref<512xi32, #tpu.memory_space<vmem>>, vector<16xi32>,
    %sub3A_666 = arith.subi %get3A_654, %min3A_663 : vector<16xi32>
    %swap3A_667 = arith.constant 320 : index
    %swap3A_668 = tpu.vector_load %arg10[%swap3A_667] {strides = array<i32>} : memref<512xi32, #tpu.memory_space<vmem>>, vector<16xi32>,
    tpu.vector_store %arg10[%swap3A_667], %sub3A_666 {strides = array<i32>} : memref<512xi32, #tpu.memory_space<vmem>>, vector<16xi32>,
    %get3A_669 = arith.constant 336 : index
    %get3A_670 = tpu.vector_load %arg9[%get3A_669] {strides = array<i32>} : memref<512xi32, #tpu.memory_space<vmem>>, vector<16xi32>,
    %shift_right_arithmetic3A_671 = arith.constant 7 : i32
    %shift_right_arithmetic3A_672 = vector.broadcast %shift_right_arithmetic3A_671 : i32 to vector<16xi32>
    %shift_right_arithmetic3A_673 = arith.shrsi %get3A_670, %shift_right_arithmetic3A_672 : vector<16xi32>
    %shift_left3A_674 = arith.constant 7 : i32
    %shift_left3A_675 = vector.broadcast %shift_left3A_674 : i32 to vector<16xi32>
    %shift_left3A_676 = arith.shli %shift_right_arithmetic3A_673, %shift_left3A_675 : vector<16xi32>
    %min3A_677 = arith.constant 999936 : i32
    %min3A_678 = vector.broadcast %min3A_677 : i32 to vector<16xi32>
    %min3A_679 = arith.minsi %shift_left3A_676, %min3A_678 : vector<16xi32>
    %swap3A_680 = arith.constant 336 : index
    %swap3A_681 = tpu.vector_load %arg7[%swap3A_680] {strides = array<i32>} : memref<512xi32, #tpu.memory_space<vmem>>, vector<16xi32>,
    tpu.vector_store %arg7[%swap3A_680], %min3A_679 {strides = array<i32>} : memref<512xi32, #tpu.memory_space<vmem>>, vector<16xi32>,
    %sub3A_682 = arith.subi %get3A_670, %min3A_679 : vector<16xi32>
    %swap3A_683 = arith.constant 336 : index
    %swap3A_684 = tpu.vector_load %arg9[%swap3A_683] {strides = array<i32>} : memref<512xi32, #tpu.memory_space<vmem>>, vector<16xi32>,
    tpu.vector_store %arg9[%swap3A_683], %sub3A_682 {strides = array<i32>} : memref<512xi32, #tpu.memory_space<vmem>>, vector<16xi32>,
    %get3A_685 = arith.constant 336 : index
    %get3A_686 = tpu.vector_load %arg10[%get3A_685] {strides = array<i32>} : memref<512xi32, #tpu.memory_space<vmem>>, vector<16xi32>,
    %shift_right_arithmetic3A_687 = arith.constant 7 : i32
    %shift_right_arithmetic3A_688 = vector.broadcast %shift_right_arithmetic3A_687 : i32 to vector<16xi32>
    %shift_right_arithmetic3A_689 = arith.shrsi %get3A_686, %shift_right_arithmetic3A_688 : vector<16xi32>
    %shift_left3A_690 = arith.constant 7 : i32
    %shift_left3A_691 = vector.broadcast %shift_left3A_690 : i32 to vector<16xi32>
    %shift_left3A_692 = arith.shli %shift_right_arithmetic3A_689, %shift_left3A_691 : vector<16xi32>
    %min3A_693 = arith.constant 999936 : i32
    %min3A_694 = vector.broadcast %min3A_693 : i32 to vector<16xi32>
    %min3A_695 = arith.minsi %shift_left3A_692, %min3A_694 : vector<16xi32>
    %swap3A_696 = arith.constant 336 : index
    %swap3A_697 = tpu.vector_load %arg8[%swap3A_696] {strides = array<i32>} : memref<512xi32, #tpu.memory_space<vmem>>, vector<16xi32>,
    tpu.vector_store %arg8[%swap3A_696], %min3A_695 {strides = array<i32>} : memref<512xi32, #tpu.memory_space<vmem>>, vector<16xi32>,
    %sub3A_698 = arith.subi %get3A_686, %min3A_695 : vector<16xi32>
    %swap3A_699 = arith.constant 336 : index
    %swap3A_700 = tpu.vector_load %arg10[%swap3A_699] {strides = array<i32>} : memref<512xi32, #tpu.memory_space<vmem>>, vector<16xi32>,
    tpu.vector_store %arg10[%swap3A_699], %sub3A_698 {strides = array<i32>} : memref<512xi32, #tpu.memory_space<vmem>>, vector<16xi32>,
    %get3A_701 = arith.constant 352 : index
    %get3A_702 = tpu.vector_load %arg9[%get3A_701] {strides = array<i32>} : memref<512xi32, #tpu.memory_space<vmem>>, vector<16xi32>,
    %shift_right_arithmetic3A_703 = arith.constant 7 : i32
    %shift_right_arithmetic3A_704 = vector.broadcast %shift_right_arithmetic3A_703 : i32 to vector<16xi32>
    %shift_right_arithmetic3A_705 = arith.shrsi %get3A_702, %shift_right_arithmetic3A_704 : vector<16xi32>
    %shift_left3A_706 = arith.constant 7 : i32
    %shift_left3A_707 = vector.broadcast %shift_left3A_706 : i32 to vector<16xi32>
    %shift_left3A_708 = arith.shli %shift_right_arithmetic3A_705, %shift_left3A_707 : vector<16xi32>
    %min3A_709 = arith.constant 999936 : i32
    %min3A_710 = vector.broadcast %min3A_709 : i32 to vector<16xi32>
    %min3A_711 = arith.minsi %shift_left3A_708, %min3A_710 : vector<16xi32>
    %swap3A_712 = arith.constant 352 : index
    %swap3A_713 = tpu.vector_load %arg7[%swap3A_712] {strides = array<i32>} : memref<512xi32, #tpu.memory_space<vmem>>, vector<16xi32>,
    tpu.vector_store %arg7[%swap3A_712], %min3A_711 {strides = array<i32>} : memref<512xi32, #tpu.memory_space<vmem>>, vector<16xi32>,
    %sub3A_714 = arith.subi %get3A_702, %min3A_711 : vector<16xi32>
    %swap3A_715 = arith.constant 352 : index
    %swap3A_716 = tpu.vector_load %arg9[%swap3A_715] {strides = array<i32>} : memref<512xi32, #tpu.memory_space<vmem>>, vector<16xi32>,
    tpu.vector_store %arg9[%swap3A_715], %sub3A_714 {strides = array<i32>} : memref<512xi32, #tpu.memory_space<vmem>>, vector<16xi32>,
    %get3A_717 = arith.constant 352 : index
    %get3A_718 = tpu.vector_load %arg10[%get3A_717] {strides = array<i32>} : memref<512xi32, #tpu.memory_space<vmem>>, vector<16xi32>,
    %shift_right_arithmetic3A_719 = arith.constant 7 : i32
    %shift_right_arithmetic3A_720 = vector.broadcast %shift_right_arithmetic3A_719 : i32 to vector<16xi32>
    %shift_right_arithmetic3A_721 = arith.shrsi %get3A_718, %shift_right_arithmetic3A_720 : vector<16xi32>
    %shift_left3A_722 = arith.constant 7 : i32
    %shift_left3A_723 = vector.broadcast %shift_left3A_722 : i32 to vector<16xi32>
    %shift_left3A_724 = arith.shli %shift_right_arithmetic3A_721, %shift_left3A_723 : vector<16xi32>
    %min3A_725 = arith.constant 999936 : i32
    %min3A_726 = vector.broadcast %min3A_725 : i32 to vector<16xi32>
    %min3A_727 = arith.minsi %shift_left3A_724, %min3A_726 : vector<16xi32>
    %swap3A_728 = arith.constant 352 : index
    %swap3A_729 = tpu.vector_load %arg8[%swap3A_728] {strides = array<i32>} : memref<512xi32, #tpu.memory_space<vmem>>, vector<16xi32>,
    tpu.vector_store %arg8[%swap3A_728], %min3A_727 {strides = array<i32>} : memref<512xi32, #tpu.memory_space<vmem>>, vector<16xi32>,
    %sub3A_730 = arith.subi %get3A_718, %min3A_727 : vector<16xi32>
    %swap3A_731 = arith.constant 352 : index
    %swap3A_732 = tpu.vector_load %arg10[%swap3A_731] {strides = array<i32>} : memref<512xi32, #tpu.memory_space<vmem>>, vector<16xi32>,
    tpu.vector_store %arg10[%swap3A_731], %sub3A_730 {strides = array<i32>} : memref<512xi32, #tpu.memory_space<vmem>>, vector<16xi32>,
    %get3A_733 = arith.constant 368 : index
    %get3A_734 = tpu.vector_load %arg9[%get3A_733] {strides = array<i32>} : memref<512xi32, #tpu.memory_space<vmem>>, vector<16xi32>,
    %shift_right_arithmetic3A_735 = arith.constant 7 : i32
    %shift_right_arithmetic3A_736 = vector.broadcast %shift_right_arithmetic3A_735 : i32 to vector<16xi32>
    %shift_right_arithmetic3A_737 = arith.shrsi %get3A_734, %shift_right_arithmetic3A_736 : vector<16xi32>
    %shift_left3A_738 = arith.constant 7 : i32
    %shift_left3A_739 = vector.broadcast %shift_left3A_738 : i32 to vector<16xi32>
    %shift_left3A_740 = arith.shli %shift_right_arithmetic3A_737, %shift_left3A_739 : vector<16xi32>
    %min3A_741 = arith.constant 999936 : i32
    %min3A_742 = vector.broadcast %min3A_741 : i32 to vector<16xi32>
    %min3A_743 = arith.minsi %shift_left3A_740, %min3A_742 : vector<16xi32>
    %swap3A_744 = arith.constant 368 : index
    %swap3A_745 = tpu.vector_load %arg7[%swap3A_744] {strides = array<i32>} : memref<512xi32, #tpu.memory_space<vmem>>, vector<16xi32>,
    tpu.vector_store %arg7[%swap3A_744], %min3A_743 {strides = array<i32>} : memref<512xi32, #tpu.memory_space<vmem>>, vector<16xi32>,
    %sub3A_746 = arith.subi %get3A_734, %min3A_743 : vector<16xi32>
    %swap3A_747 = arith.constant 368 : index
    %swap3A_748 = tpu.vector_load %arg9[%swap3A_747] {strides = array<i32>} : memref<512xi32, #tpu.memory_space<vmem>>, vector<16xi32>,
    tpu.vector_store %arg9[%swap3A_747], %sub3A_746 {strides = array<i32>} : memref<512xi32, #tpu.memory_space<vmem>>, vector<16xi32>,
    %get3A_749 = arith.constant 368 : index
    %get3A_750 = tpu.vector_load %arg10[%get3A_749] {strides = array<i32>} : memref<512xi32, #tpu.memory_space<vmem>>, vector<16xi32>,
    %shift_right_arithmetic3A_751 = arith.constant 7 : i32
    %shift_right_arithmetic3A_752 = vector.broadcast %shift_right_arithmetic3A_751 : i32 to vector<16xi32>
    %shift_right_arithmetic3A_753 = arith.shrsi %get3A_750, %shift_right_arithmetic3A_752 : vector<16xi32>
    %shift_left3A_754 = arith.constant 7 : i32
    %shift_left3A_755 = vector.broadcast %shift_left3A_754 : i32 to vector<16xi32>
    %shift_left3A_756 = arith.shli %shift_right_arithmetic3A_753, %shift_left3A_755 : vector<16xi32>
    %min3A_757 = arith.constant 999936 : i32
    %min3A_758 = vector.broadcast %min3A_757 : i32 to vector<16xi32>
    %min3A_759 = arith.minsi %shift_left3A_756, %min3A_758 : vector<16xi32>
    %swap3A_760 = arith.constant 368 : index
    %swap3A_761 = tpu.vector_load %arg8[%swap3A_760] {strides = array<i32>} : memref<512xi32, #tpu.memory_space<vmem>>, vector<16xi32>,
    tpu.vector_store %arg8[%swap3A_760], %min3A_759 {strides = array<i32>} : memref<512xi32, #tpu.memory_space<vmem>>, vector<16xi32>,
    %sub3A_762 = arith.subi %get3A_750, %min3A_759 : vector<16xi32>
    %swap3A_763 = arith.constant 368 : index
    %swap3A_764 = tpu.vector_load %arg10[%swap3A_763] {strides = array<i32>} : memref<512xi32, #tpu.memory_space<vmem>>, vector<16xi32>,
    tpu.vector_store %arg10[%swap3A_763], %sub3A_762 {strides = array<i32>} : memref<512xi32, #tpu.memory_space<vmem>>, vector<16xi32>,
    %get3A_765 = arith.constant 384 : index
    %get3A_766 = tpu.vector_load %arg9[%get3A_765] {strides = array<i32>} : memref<512xi32, #tpu.memory_space<vmem>>, vector<16xi32>,
    %shift_right_arithmetic3A_767 = arith.constant 7 : i32
    %shift_right_arithmetic3A_768 = vector.broadcast %shift_right_arithmetic3A_767 : i32 to vector<16xi32>
    %shift_right_arithmetic3A_769 = arith.shrsi %get3A_766, %shift_right_arithmetic3A_768 : vector<16xi32>
    %shift_left3A_770 = arith.constant 7 : i32
    %shift_left3A_771 = vector.broadcast %shift_left3A_770 : i32 to vector<16xi32>
    %shift_left3A_772 = arith.shli %shift_right_arithmetic3A_769, %shift_left3A_771 : vector<16xi32>
    %min3A_773 = arith.constant 999936 : i32
    %min3A_774 = vector.broadcast %min3A_773 : i32 to vector<16xi32>
    %min3A_775 = arith.minsi %shift_left3A_772, %min3A_774 : vector<16xi32>
    %swap3A_776 = arith.constant 384 : index
    %swap3A_777 = tpu.vector_load %arg7[%swap3A_776] {strides = array<i32>} : memref<512xi32, #tpu.memory_space<vmem>>, vector<16xi32>,
    tpu.vector_store %arg7[%swap3A_776], %min3A_775 {strides = array<i32>} : memref<512xi32, #tpu.memory_space<vmem>>, vector<16xi32>,
    %sub3A_778 = arith.subi %get3A_766, %min3A_775 : vector<16xi32>
    %swap3A_779 = arith.constant 384 : index
    %swap3A_780 = tpu.vector_load %arg9[%swap3A_779] {strides = array<i32>} : memref<512xi32, #tpu.memory_space<vmem>>, vector<16xi32>,
    tpu.vector_store %arg9[%swap3A_779], %sub3A_778 {strides = array<i32>} : memref<512xi32, #tpu.memory_space<vmem>>, vector<16xi32>,
    %get3A_781 = arith.constant 384 : index
    %get3A_782 = tpu.vector_load %arg10[%get3A_781] {strides = array<i32>} : memref<512xi32, #tpu.memory_space<vmem>>, vector<16xi32>,
    %shift_right_arithmetic3A_783 = arith.constant 7 : i32
    %shift_right_arithmetic3A_784 = vector.broadcast %shift_right_arithmetic3A_783 : i32 to vector<16xi32>
    %shift_right_arithmetic3A_785 = arith.shrsi %get3A_782, %shift_right_arithmetic3A_784 : vector<16xi32>
    %shift_left3A_786 = arith.constant 7 : i32
    %shift_left3A_787 = vector.broadcast %shift_left3A_786 : i32 to vector<16xi32>
    %shift_left3A_788 = arith.shli %shift_right_arithmetic3A_785, %shift_left3A_787 : vector<16xi32>
    %min3A_789 = arith.constant 999936 : i32
    %min3A_790 = vector.broadcast %min3A_789 : i32 to vector<16xi32>
    %min3A_791 = arith.minsi %shift_left3A_788, %min3A_790 : vector<16xi32>
    %swap3A_792 = arith.constant 384 : index
    %swap3A_793 = tpu.vector_load %arg8[%swap3A_792] {strides = array<i32>} : memref<512xi32, #tpu.memory_space<vmem>>, vector<16xi32>,
    tpu.vector_store %arg8[%swap3A_792], %min3A_791 {strides = array<i32>} : memref<512xi32, #tpu.memory_space<vmem>>, vector<16xi32>,
    %sub3A_794 = arith.subi %get3A_782, %min3A_791 : vector<16xi32>
    %swap3A_795 = arith.constant 384 : index
    %swap3A_796 = tpu.vector_load %arg10[%swap3A_795] {strides = array<i32>} : memref<512xi32, #tpu.memory_space<vmem>>, vector<16xi32>,
    tpu.vector_store %arg10[%swap3A_795], %sub3A_794 {strides = array<i32>} : memref<512xi32, #tpu.memory_space<vmem>>, vector<16xi32>,
    %get3A_797 = arith.constant 400 : index
    %get3A_798 = tpu.vector_load %arg9[%get3A_797] {strides = array<i32>} : memref<512xi32, #tpu.memory_space<vmem>>, vector<16xi32>,
    %shift_right_arithmetic3A_799 = arith.constant 7 : i32
    %shift_right_arithmetic3A_800 = vector.broadcast %shift_right_arithmetic3A_799 : i32 to vector<16xi32>
    %shift_right_arithmetic3A_801 = arith.shrsi %get3A_798, %shift_right_arithmetic3A_800 : vector<16xi32>
    %shift_left3A_802 = arith.constant 7 : i32
    %shift_left3A_803 = vector.broadcast %shift_left3A_802 : i32 to vector<16xi32>
    %shift_left3A_804 = arith.shli %shift_right_arithmetic3A_801, %shift_left3A_803 : vector<16xi32>
    %min3A_805 = arith.constant 999936 : i32
    %min3A_806 = vector.broadcast %min3A_805 : i32 to vector<16xi32>
    %min3A_807 = arith.minsi %shift_left3A_804, %min3A_806 : vector<16xi32>
    %swap3A_808 = arith.constant 400 : index
    %swap3A_809 = tpu.vector_load %arg7[%swap3A_808] {strides = array<i32>} : memref<512xi32, #tpu.memory_space<vmem>>, vector<16xi32>,
    tpu.vector_store %arg7[%swap3A_808], %min3A_807 {strides = array<i32>} : memref<512xi32, #tpu.memory_space<vmem>>, vector<16xi32>,
    %sub3A_810 = arith.subi %get3A_798, %min3A_807 : vector<16xi32>
    %swap3A_811 = arith.constant 400 : index
    %swap3A_812 = tpu.vector_load %arg9[%swap3A_811] {strides = array<i32>} : memref<512xi32, #tpu.memory_space<vmem>>, vector<16xi32>,
    tpu.vector_store %arg9[%swap3A_811], %sub3A_810 {strides = array<i32>} : memref<512xi32, #tpu.memory_space<vmem>>, vector<16xi32>,
    %get3A_813 = arith.constant 400 : index
    %get3A_814 = tpu.vector_load %arg10[%get3A_813] {strides = array<i32>} : memref<512xi32, #tpu.memory_space<vmem>>, vector<16xi32>,
    %shift_right_arithmetic3A_815 = arith.constant 7 : i32
    %shift_right_arithmetic3A_816 = vector.broadcast %shift_right_arithmetic3A_815 : i32 to vector<16xi32>
    %shift_right_arithmetic3A_817 = arith.shrsi %get3A_814, %shift_right_arithmetic3A_816 : vector<16xi32>
    %shift_left3A_818 = arith.constant 7 : i32
    %shift_left3A_819 = vector.broadcast %shift_left3A_818 : i32 to vector<16xi32>
    %shift_left3A_820 = arith.shli %shift_right_arithmetic3A_817, %shift_left3A_819 : vector<16xi32>
    %min3A_821 = arith.constant 999936 : i32
    %min3A_822 = vector.broadcast %min3A_821 : i32 to vector<16xi32>
    %min3A_823 = arith.minsi %shift_left3A_820, %min3A_822 : vector<16xi32>
    %swap3A_824 = arith.constant 400 : index
    %swap3A_825 = tpu.vector_load %arg8[%swap3A_824] {strides = array<i32>} : memref<512xi32, #tpu.memory_space<vmem>>, vector<16xi32>,
    tpu.vector_store %arg8[%swap3A_824], %min3A_823 {strides = array<i32>} : memref<512xi32, #tpu.memory_space<vmem>>, vector<16xi32>,
    %sub3A_826 = arith.subi %get3A_814, %min3A_823 : vector<16xi32>
    %swap3A_827 = arith.constant 400 : index
    %swap3A_828 = tpu.vector_load %arg10[%swap3A_827] {strides = array<i32>} : memref<512xi32, #tpu.memory_space<vmem>>, vector<16xi32>,
    tpu.vector_store %arg10[%swap3A_827], %sub3A_826 {strides = array<i32>} : memref<512xi32, #tpu.memory_space<vmem>>, vector<16xi32>,
    %get3A_829 = arith.constant 416 : index
    %get3A_830 = tpu.vector_load %arg9[%get3A_829] {strides = array<i32>} : memref<512xi32, #tpu.memory_space<vmem>>, vector<16xi32>,
    %shift_right_arithmetic3A_831 = arith.constant 7 : i32
    %shift_right_arithmetic3A_832 = vector.broadcast %shift_right_arithmetic3A_831 : i32 to vector<16xi32>
    %shift_right_arithmetic3A_833 = arith.shrsi %get3A_830, %shift_right_arithmetic3A_832 : vector<16xi32>
    %shift_left3A_834 = arith.constant 7 : i32
    %shift_left3A_835 = vector.broadcast %shift_left3A_834 : i32 to vector<16xi32>
    %shift_left3A_836 = arith.shli %shift_right_arithmetic3A_833, %shift_left3A_835 : vector<16xi32>
    %min3A_837 = arith.constant 999936 : i32
    %min3A_838 = vector.broadcast %min3A_837 : i32 to vector<16xi32>
    %min3A_839 = arith.minsi %shift_left3A_836, %min3A_838 : vector<16xi32>
    %swap3A_840 = arith.constant 416 : index
    %swap3A_841 = tpu.vector_load %arg7[%swap3A_840] {strides = array<i32>} : memref<512xi32, #tpu.memory_space<vmem>>, vector<16xi32>,
    tpu.vector_store %arg7[%swap3A_840], %min3A_839 {strides = array<i32>} : memref<512xi32, #tpu.memory_space<vmem>>, vector<16xi32>,
    %sub3A_842 = arith.subi %get3A_830, %min3A_839 : vector<16xi32>
    %swap3A_843 = arith.constant 416 : index
    %swap3A_844 = tpu.vector_load %arg9[%swap3A_843] {strides = array<i32>} : memref<512xi32, #tpu.memory_space<vmem>>, vector<16xi32>,
    tpu.vector_store %arg9[%swap3A_843], %sub3A_842 {strides = array<i32>} : memref<512xi32, #tpu.memory_space<vmem>>, vector<16xi32>,
    %get3A_845 = arith.constant 416 : index
    %get3A_846 = tpu.vector_load %arg10[%get3A_845] {strides = array<i32>} : memref<512xi32, #tpu.memory_space<vmem>>, vector<16xi32>,
    %shift_right_arithmetic3A_847 = arith.constant 7 : i32
    %shift_right_arithmetic3A_848 = vector.broadcast %shift_right_arithmetic3A_847 : i32 to vector<16xi32>
    %shift_right_arithmetic3A_849 = arith.shrsi %get3A_846, %shift_right_arithmetic3A_848 : vector<16xi32>
    %shift_left3A_850 = arith.constant 7 : i32
    %shift_left3A_851 = vector.broadcast %shift_left3A_850 : i32 to vector<16xi32>
    %shift_left3A_852 = arith.shli %shift_right_arithmetic3A_849, %shift_left3A_851 : vector<16xi32>
    %min3A_853 = arith.constant 999936 : i32
    %min3A_854 = vector.broadcast %min3A_853 : i32 to vector<16xi32>
    %min3A_855 = arith.minsi %shift_left3A_852, %min3A_854 : vector<16xi32>
    %swap3A_856 = arith.constant 416 : index
    %swap3A_857 = tpu.vector_load %arg8[%swap3A_856] {strides = array<i32>} : memref<512xi32, #tpu.memory_space<vmem>>, vector<16xi32>,
    tpu.vector_store %arg8[%swap3A_856], %min3A_855 {strides = array<i32>} : memref<512xi32, #tpu.memory_space<vmem>>, vector<16xi32>,
    %sub3A_858 = arith.subi %get3A_846, %min3A_855 : vector<16xi32>
    %swap3A_859 = arith.constant 416 : index
    %swap3A_860 = tpu.vector_load %arg10[%swap3A_859] {strides = array<i32>} : memref<512xi32, #tpu.memory_space<vmem>>, vector<16xi32>,
    tpu.vector_store %arg10[%swap3A_859], %sub3A_858 {strides = array<i32>} : memref<512xi32, #tpu.memory_space<vmem>>, vector<16xi32>,
    %get3A_861 = arith.constant 432 : index
    %get3A_862 = tpu.vector_load %arg9[%get3A_861] {strides = array<i32>} : memref<512xi32, #tpu.memory_space<vmem>>, vector<16xi32>,
    %shift_right_arithmetic3A_863 = arith.constant 7 : i32
    %shift_right_arithmetic3A_864 = vector.broadcast %shift_right_arithmetic3A_863 : i32 to vector<16xi32>
    %shift_right_arithmetic3A_865 = arith.shrsi %get3A_862, %shift_right_arithmetic3A_864 : vector<16xi32>
    %shift_left3A_866 = arith.constant 7 : i32
    %shift_left3A_867 = vector.broadcast %shift_left3A_866 : i32 to vector<16xi32>
    %shift_left3A_868 = arith.shli %shift_right_arithmetic3A_865, %shift_left3A_867 : vector<16xi32>
    %min3A_869 = arith.constant 999936 : i32
    %min3A_870 = vector.broadcast %min3A_869 : i32 to vector<16xi32>
    %min3A_871 = arith.minsi %shift_left3A_868, %min3A_870 : vector<16xi32>
    %swap3A_872 = arith.constant 432 : index
    %swap3A_873 = tpu.vector_load %arg7[%swap3A_872] {strides = array<i32>} : memref<512xi32, #tpu.memory_space<vmem>>, vector<16xi32>,
    tpu.vector_store %arg7[%swap3A_872], %min3A_871 {strides = array<i32>} : memref<512xi32, #tpu.memory_space<vmem>>, vector<16xi32>,
    %sub3A_874 = arith.subi %get3A_862, %min3A_871 : vector<16xi32>
    %swap3A_875 = arith.constant 432 : index
    %swap3A_876 = tpu.vector_load %arg9[%swap3A_875] {strides = array<i32>} : memref<512xi32, #tpu.memory_space<vmem>>, vector<16xi32>,
    tpu.vector_store %arg9[%swap3A_875], %sub3A_874 {strides = array<i32>} : memref<512xi32, #tpu.memory_space<vmem>>, vector<16xi32>,
    %get3A_877 = arith.constant 432 : index
    %get3A_878 = tpu.vector_load %arg10[%get3A_877] {strides = array<i32>} : memref<512xi32, #tpu.memory_space<vmem>>, vector<16xi32>,
    %shift_right_arithmetic3A_879 = arith.constant 7 : i32
    %shift_right_arithmetic3A_880 = vector.broadcast %shift_right_arithmetic3A_879 : i32 to vector<16xi32>
    %shift_right_arithmetic3A_881 = arith.shrsi %get3A_878, %shift_right_arithmetic3A_880 : vector<16xi32>
    %shift_left3A_882 = arith.constant 7 : i32
    %shift_left3A_883 = vector.broadcast %shift_left3A_882 : i32 to vector<16xi32>
    %shift_left3A_884 = arith.shli %shift_right_arithmetic3A_881, %shift_left3A_883 : vector<16xi32>
    %min3A_885 = arith.constant 999936 : i32
    %min3A_886 = vector.broadcast %min3A_885 : i32 to vector<16xi32>
    %min3A_887 = arith.minsi %shift_left3A_884, %min3A_886 : vector<16xi32>
    %swap3A_888 = arith.constant 432 : index
    %swap3A_889 = tpu.vector_load %arg8[%swap3A_888] {strides = array<i32>} : memref<512xi32, #tpu.memory_space<vmem>>, vector<16xi32>,
    tpu.vector_store %arg8[%swap3A_888], %min3A_887 {strides = array<i32>} : memref<512xi32, #tpu.memory_space<vmem>>, vector<16xi32>,
    %sub3A_890 = arith.subi %get3A_878, %min3A_887 : vector<16xi32>
    %swap3A_891 = arith.constant 432 : index
    %swap3A_892 = tpu.vector_load %arg10[%swap3A_891] {strides = array<i32>} : memref<512xi32, #tpu.memory_space<vmem>>, vector<16xi32>,
    tpu.vector_store %arg10[%swap3A_891], %sub3A_890 {strides = array<i32>} : memref<512xi32, #tpu.memory_space<vmem>>, vector<16xi32>,
    %get3A_893 = arith.constant 448 : index
    %get3A_894 = tpu.vector_load %arg9[%get3A_893] {strides = array<i32>} : memref<512xi32, #tpu.memory_space<vmem>>, vector<16xi32>,
    %shift_right_arithmetic3A_895 = arith.constant 7 : i32
    %shift_right_arithmetic3A_896 = vector.broadcast %shift_right_arithmetic3A_895 : i32 to vector<16xi32>
    %shift_right_arithmetic3A_897 = arith.shrsi %get3A_894, %shift_right_arithmetic3A_896 : vector<16xi32>
    %shift_left3A_898 = arith.constant 7 : i32
    %shift_left3A_899 = vector.broadcast %shift_left3A_898 : i32 to vector<16xi32>
    %shift_left3A_900 = arith.shli %shift_right_arithmetic3A_897, %shift_left3A_899 : vector<16xi32>
    %min3A_901 = arith.constant 999936 : i32
    %min3A_902 = vector.broadcast %min3A_901 : i32 to vector<16xi32>
    %min3A_903 = arith.minsi %shift_left3A_900, %min3A_902 : vector<16xi32>
    %swap3A_904 = arith.constant 448 : index
    %swap3A_905 = tpu.vector_load %arg7[%swap3A_904] {strides = array<i32>} : memref<512xi32, #tpu.memory_space<vmem>>, vector<16xi32>,
    tpu.vector_store %arg7[%swap3A_904], %min3A_903 {strides = array<i32>} : memref<512xi32, #tpu.memory_space<vmem>>, vector<16xi32>,
    %sub3A_906 = arith.subi %get3A_894, %min3A_903 : vector<16xi32>
    %swap3A_907 = arith.constant 448 : index
    %swap3A_908 = tpu.vector_load %arg9[%swap3A_907] {strides = array<i32>} : memref<512xi32, #tpu.memory_space<vmem>>, vector<16xi32>,
    tpu.vector_store %arg9[%swap3A_907], %sub3A_906 {strides = array<i32>} : memref<512xi32, #tpu.memory_space<vmem>>, vector<16xi32>,
    %get3A_909 = arith.constant 448 : index
    %get3A_910 = tpu.vector_load %arg10[%get3A_909] {strides = array<i32>} : memref<512xi32, #tpu.memory_space<vmem>>, vector<16xi32>,
    %shift_right_arithmetic3A_911 = arith.constant 7 : i32
    %shift_right_arithmetic3A_912 = vector.broadcast %shift_right_arithmetic3A_911 : i32 to vector<16xi32>
    %shift_right_arithmetic3A_913 = arith.shrsi %get3A_910, %shift_right_arithmetic3A_912 : vector<16xi32>
    %shift_left3A_914 = arith.constant 7 : i32
    %shift_left3A_915 = vector.broadcast %shift_left3A_914 : i32 to vector<16xi32>
    %shift_left3A_916 = arith.shli %shift_right_arithmetic3A_913, %shift_left3A_915 : vector<16xi32>
    %min3A_917 = arith.constant 999936 : i32
    %min3A_918 = vector.broadcast %min3A_917 : i32 to vector<16xi32>
    %min3A_919 = arith.minsi %shift_left3A_916, %min3A_918 : vector<16xi32>
    %swap3A_920 = arith.constant 448 : index
    %swap3A_921 = tpu.vector_load %arg8[%swap3A_920] {strides = array<i32>} : memref<512xi32, #tpu.memory_space<vmem>>, vector<16xi32>,
    tpu.vector_store %arg8[%swap3A_920], %min3A_919 {strides = array<i32>} : memref<512xi32, #tpu.memory_space<vmem>>, vector<16xi32>,
    %sub3A_922 = arith.subi %get3A_910, %min3A_919 : vector<16xi32>
    %swap3A_923 = arith.constant 448 : index
    %swap3A_924 = tpu.vector_load %arg10[%swap3A_923] {strides = array<i32>} : memref<512xi32, #tpu.memory_space<vmem>>, vector<16xi32>,
    tpu.vector_store %arg10[%swap3A_923], %sub3A_922 {strides = array<i32>} : memref<512xi32, #tpu.memory_space<vmem>>, vector<16xi32>,
    %get3A_925 = arith.constant 464 : index
    %get3A_926 = tpu.vector_load %arg9[%get3A_925] {strides = array<i32>} : memref<512xi32, #tpu.memory_space<vmem>>, vector<16xi32>,
    %shift_right_arithmetic3A_927 = arith.constant 7 : i32
    %shift_right_arithmetic3A_928 = vector.broadcast %shift_right_arithmetic3A_927 : i32 to vector<16xi32>
    %shift_right_arithmetic3A_929 = arith.shrsi %get3A_926, %shift_right_arithmetic3A_928 : vector<16xi32>
    %shift_left3A_930 = arith.constant 7 : i32
    %shift_left3A_931 = vector.broadcast %shift_left3A_930 : i32 to vector<16xi32>
    %shift_left3A_932 = arith.shli %shift_right_arithmetic3A_929, %shift_left3A_931 : vector<16xi32>
    %min3A_933 = arith.constant 999936 : i32
    %min3A_934 = vector.broadcast %min3A_933 : i32 to vector<16xi32>
    %min3A_935 = arith.minsi %shift_left3A_932, %min3A_934 : vector<16xi32>
    %swap3A_936 = arith.constant 464 : index
    %swap3A_937 = tpu.vector_load %arg7[%swap3A_936] {strides = array<i32>} : memref<512xi32, #tpu.memory_space<vmem>>, vector<16xi32>,
    tpu.vector_store %arg7[%swap3A_936], %min3A_935 {strides = array<i32>} : memref<512xi32, #tpu.memory_space<vmem>>, vector<16xi32>,
    %sub3A_938 = arith.subi %get3A_926, %min3A_935 : vector<16xi32>
    %swap3A_939 = arith.constant 464 : index
    %swap3A_940 = tpu.vector_load %arg9[%swap3A_939] {strides = array<i32>} : memref<512xi32, #tpu.memory_space<vmem>>, vector<16xi32>,
    tpu.vector_store %arg9[%swap3A_939], %sub3A_938 {strides = array<i32>} : memref<512xi32, #tpu.memory_space<vmem>>, vector<16xi32>,
    %get3A_941 = arith.constant 464 : index
    %get3A_942 = tpu.vector_load %arg10[%get3A_941] {strides = array<i32>} : memref<512xi32, #tpu.memory_space<vmem>>, vector<16xi32>,
    %shift_right_arithmetic3A_943 = arith.constant 7 : i32
    %shift_right_arithmetic3A_944 = vector.broadcast %shift_right_arithmetic3A_943 : i32 to vector<16xi32>
    %shift_right_arithmetic3A_945 = arith.shrsi %get3A_942, %shift_right_arithmetic3A_944 : vector<16xi32>
    %shift_left3A_946 = arith.constant 7 : i32
    %shift_left3A_947 = vector.broadcast %shift_left3A_946 : i32 to vector<16xi32>
    %shift_left3A_948 = arith.shli %shift_right_arithmetic3A_945, %shift_left3A_947 : vector<16xi32>
    %min3A_949 = arith.constant 999936 : i32
    %min3A_950 = vector.broadcast %min3A_949 : i32 to vector<16xi32>
    %min3A_951 = arith.minsi %shift_left3A_948, %min3A_950 : vector<16xi32>
    %swap3A_952 = arith.constant 464 : index
    %swap3A_953 = tpu.vector_load %arg8[%swap3A_952] {strides = array<i32>} : memref<512xi32, #tpu.memory_space<vmem>>, vector<16xi32>,
    tpu.vector_store %arg8[%swap3A_952], %min3A_951 {strides = array<i32>} : memref<512xi32, #tpu.memory_space<vmem>>, vector<16xi32>,
    %sub3A_954 = arith.subi %get3A_942, %min3A_951 : vector<16xi32>
    %swap3A_955 = arith.constant 464 : index
    %swap3A_956 = tpu.vector_load %arg10[%swap3A_955] {strides = array<i32>} : memref<512xi32, #tpu.memory_space<vmem>>, vector<16xi32>,
    tpu.vector_store %arg10[%swap3A_955], %sub3A_954 {strides = array<i32>} : memref<512xi32, #tpu.memory_space<vmem>>, vector<16xi32>,
    %get3A_957 = arith.constant 480 : index
    %get3A_958 = tpu.vector_load %arg9[%get3A_957] {strides = array<i32>} : memref<512xi32, #tpu.memory_space<vmem>>, vector<16xi32>,
    %shift_right_arithmetic3A_959 = arith.constant 7 : i32
    %shift_right_arithmetic3A_960 = vector.broadcast %shift_right_arithmetic3A_959 : i32 to vector<16xi32>
    %shift_right_arithmetic3A_961 = arith.shrsi %get3A_958, %shift_right_arithmetic3A_960 : vector<16xi32>
    %shift_left3A_962 = arith.constant 7 : i32
    %shift_left3A_963 = vector.broadcast %shift_left3A_962 : i32 to vector<16xi32>
    %shift_left3A_964 = arith.shli %shift_right_arithmetic3A_961, %shift_left3A_963 : vector<16xi32>
    %min3A_965 = arith.constant 999936 : i32
    %min3A_966 = vector.broadcast %min3A_965 : i32 to vector<16xi32>
    %min3A_967 = arith.minsi %shift_left3A_964, %min3A_966 : vector<16xi32>
    %swap3A_968 = arith.constant 480 : index
    %swap3A_969 = tpu.vector_load %arg7[%swap3A_968] {strides = array<i32>} : memref<512xi32, #tpu.memory_space<vmem>>, vector<16xi32>,
    tpu.vector_store %arg7[%swap3A_968], %min3A_967 {strides = array<i32>} : memref<512xi32, #tpu.memory_space<vmem>>, vector<16xi32>,
    %sub3A_970 = arith.subi %get3A_958, %min3A_967 : vector<16xi32>
    %swap3A_971 = arith.constant 480 : index
    %swap3A_972 = tpu.vector_load %arg9[%swap3A_971] {strides = array<i32>} : memref<512xi32, #tpu.memory_space<vmem>>, vector<16xi32>,
    tpu.vector_store %arg9[%swap3A_971], %sub3A_970 {strides = array<i32>} : memref<512xi32, #tpu.memory_space<vmem>>, vector<16xi32>,
    %get3A_973 = arith.constant 480 : index
    %get3A_974 = tpu.vector_load %arg10[%get3A_973] {strides = array<i32>} : memref<512xi32, #tpu.memory_space<vmem>>, vector<16xi32>,
    %shift_right_arithmetic3A_975 = arith.constant 7 : i32
    %shift_right_arithmetic3A_976 = vector.broadcast %shift_right_arithmetic3A_975 : i32 to vector<16xi32>
    %shift_right_arithmetic3A_977 = arith.shrsi %get3A_974, %shift_right_arithmetic3A_976 : vector<16xi32>
    %shift_left3A_978 = arith.constant 7 : i32
    %shift_left3A_979 = vector.broadcast %shift_left3A_978 : i32 to vector<16xi32>
    %shift_left3A_980 = arith.shli %shift_right_arithmetic3A_977, %shift_left3A_979 : vector<16xi32>
    %min3A_981 = arith.constant 999936 : i32
    %min3A_982 = vector.broadcast %min3A_981 : i32 to vector<16xi32>
    %min3A_983 = arith.minsi %shift_left3A_980, %min3A_982 : vector<16xi32>
    %swap3A_984 = arith.constant 480 : index
    %swap3A_985 = tpu.vector_load %arg8[%swap3A_984] {strides = array<i32>} : memref<512xi32, #tpu.memory_space<vmem>>, vector<16xi32>,
    tpu.vector_store %arg8[%swap3A_984], %min3A_983 {strides = array<i32>} : memref<512xi32, #tpu.memory_space<vmem>>, vector<16xi32>,
    %sub3A_986 = arith.subi %get3A_974, %min3A_983 : vector<16xi32>
    %swap3A_987 = arith.constant 480 : index
    %swap3A_988 = tpu.vector_load %arg10[%swap3A_987] {strides = array<i32>} : memref<512xi32, #tpu.memory_space<vmem>>, vector<16xi32>,
    tpu.vector_store %arg10[%swap3A_987], %sub3A_986 {strides = array<i32>} : memref<512xi32, #tpu.memory_space<vmem>>, vector<16xi32>,
    %get3A_989 = arith.constant 496 : index
    %get3A_990 = tpu.vector_load %arg9[%get3A_989] {strides = array<i32>} : memref<512xi32, #tpu.memory_space<vmem>>, vector<16xi32>,
    %shift_right_arithmetic3A_991 = arith.constant 7 : i32
    %shift_right_arithmetic3A_992 = vector.broadcast %shift_right_arithmetic3A_991 : i32 to vector<16xi32>
    %shift_right_arithmetic3A_993 = arith.shrsi %get3A_990, %shift_right_arithmetic3A_992 : vector<16xi32>
    %shift_left3A_994 = arith.constant 7 : i32
    %shift_left3A_995 = vector.broadcast %shift_left3A_994 : i32 to vector<16xi32>
    %shift_left3A_996 = arith.shli %shift_right_arithmetic3A_993, %shift_left3A_995 : vector<16xi32>
    %min3A_997 = arith.constant 999936 : i32
    %min3A_998 = vector.broadcast %min3A_997 : i32 to vector<16xi32>
    %min3A_999 = arith.minsi %shift_left3A_996, %min3A_998 : vector<16xi32>
    %swap3A_1000 = arith.constant 496 : index
    %swap3A_1001 = tpu.vector_load %arg7[%swap3A_1000] {strides = array<i32>} : memref<512xi32, #tpu.memory_space<vmem>>, vector<16xi32>,
    tpu.vector_store %arg7[%swap3A_1000], %min3A_999 {strides = array<i32>} : memref<512xi32, #tpu.memory_space<vmem>>, vector<16xi32>,
    %sub3A_1002 = arith.subi %get3A_990, %min3A_999 : vector<16xi32>
    %swap3A_1003 = arith.constant 496 : index
    %swap3A_1004 = tpu.vector_load %arg9[%swap3A_1003] {strides = array<i32>} : memref<512xi32, #tpu.memory_space<vmem>>, vector<16xi32>,
    tpu.vector_store %arg9[%swap3A_1003], %sub3A_1002 {strides = array<i32>} : memref<512xi32, #tpu.memory_space<vmem>>, vector<16xi32>,
    %get3A_1005 = arith.constant 496 : index
    %get3A_1006 = tpu.vector_load %arg10[%get3A_1005] {strides = array<i32>} : memref<512xi32, #tpu.memory_space<vmem>>, vector<16xi32>,
    %shift_right_arithmetic3A_1007 = arith.constant 7 : i32
    %shift_right_arithmetic3A_1008 = vector.broadcast %shift_right_arithmetic3A_1007 : i32 to vector<16xi32>
    %shift_right_arithmetic3A_1009 = arith.shrsi %get3A_1006, %shift_right_arithmetic3A_1008 : vector<16xi32>
    %shift_left3A_1010 = arith.constant 7 : i32
    %shift_left3A_1011 = vector.broadcast %shift_left3A_1010 : i32 to vector<16xi32>
    %shift_left3A_1012 = arith.shli %shift_right_arithmetic3A_1009, %shift_left3A_1011 : vector<16xi32>
    %min3A_1013 = arith.constant 999936 : i32
    %min3A_1014 = vector.broadcast %min3A_1013 : i32 to vector<16xi32>
    %min3A_1015 = arith.minsi %shift_left3A_1012, %min3A_1014 : vector<16xi32>
    %swap3A_1016 = arith.constant 496 : index
    %swap3A_1017 = tpu.vector_load %arg8[%swap3A_1016] {strides = array<i32>} : memref<512xi32, #tpu.memory_space<vmem>>, vector<16xi32>,
    tpu.vector_store %arg8[%swap3A_1016], %min3A_1015 {strides = array<i32>} : memref<512xi32, #tpu.memory_space<vmem>>, vector<16xi32>,
    %sub3A_1018 = arith.subi %get3A_1006, %min3A_1015 : vector<16xi32>
    %swap3A_1019 = arith.constant 496 : index
    %swap3A_1020 = tpu.vector_load %arg10[%swap3A_1019] {strides = array<i32>} : memref<512xi32, #tpu.memory_space<vmem>>, vector<16xi32>,
    tpu.vector_store %arg10[%swap3A_1019], %sub3A_1018 {strides = array<i32>} : memref<512xi32, #tpu.memory_space<vmem>>, vector<16xi32>,
    %get3A_1021 = arith.constant 0 : index
    %get3A_1022 = tpu.vector_load %arg7[%get3A_1021] {strides = array<i32>} : memref<512xi32, #tpu.memory_space<vmem>>, vector<16xi32>,
    %eq3A = arith.constant 0 : i32
    %eq3A_1023 = vector.broadcast %eq3A : i32 to vector<16xi32>
    %eq3A_1024 = arith.cmpi eq, %iota3A, %eq3A_1023 : vector<16xi32>
    %jit3A = arith.constant 0 : i32
    %broadcast_in_dim3A = vector.broadcast %jit3A : i32 to vector<16xi32>
    %select_n3A = arith.select %eq3A_1024, %get3A_1022, %broadcast_in_dim3A : vector<16xi1>, vector<16xi32>
    %reduce_sum3A = arith.constant true
    %reduce_sum3A_1025 = vector.broadcast %reduce_sum3A : i1 to vector<16xi1>
    %reduce_sum3A_1026 = tpu.scan <sum>, %select_n3A masked %reduce_sum3A_1025 : vector<16xi32>, vector<16xi1> -> vector<16xi32>
    %reduce_sum3A_1027 = vector.extract %reduce_sum3A_1026[15] : i32 from vector<16xi32>
    %multiple_of3A = tpu.assume_multiple %reduce_sum3A_1027, 128 : i32
    %get3A_1028 = arith.constant 0 : index
    %get3A_1029 = tpu.vector_load %arg8[%get3A_1028] {strides = array<i32>} : memref<512xi32, #tpu.memory_space<vmem>>, vector<16xi32>,
    %eq3A_1030 = arith.constant 0 : i32
    %eq3A_1031 = vector.broadcast %eq3A_1030 : i32 to vector<16xi32>
    %eq3A_1032 = arith.cmpi eq, %iota3A, %eq3A_1031 : vector<16xi32>
    %jit3A_1033 = arith.constant 0 : i32
    %broadcast_in_dim3A_1034 = vector.broadcast %jit3A_1033 : i32 to vector<16xi32>
    %select_n3A_1035 = arith.select %eq3A_1032, %get3A_1029, %broadcast_in_dim3A_1034 : vector<16xi1>, vector<16xi32>
    %reduce_sum3A_1036 = arith.constant true
    %reduce_sum3A_1037 = vector.broadcast %reduce_sum3A_1036 : i1 to vector<16xi1>
    %reduce_sum3A_1038 = tpu.scan <sum>, %select_n3A_1035 masked %reduce_sum3A_1037 : vector<16xi32>, vector<16xi1> -> vector<16xi32>
    %reduce_sum3A_1039 = vector.extract %reduce_sum3A_1038[15] : i32 from vector<16xi32>
    %multiple_of3A_1040 = tpu.assume_multiple %reduce_sum3A_1039, 128 : i32
    %dma_start3A = arith.constant 0 : i32
    %dma_start3A_1041 = arith.constant 0 : i32
    %dma_start3A_1042 = arith.constant 0 : i32
    %dma_start3A_1043 = arith.constant 0 : i32
    %dma_start3A_1044 = tpu.memref_slice %arg11[%dma_start3A, %dma_start3A_1042, %dma_start3A_1043] : memref<14x32x128xf32, #tpu.memory_space<vmem>> -> memref<1x32x128xf32, #tpu.memory_space<vmem>>
    %dma_start3A_1045 = tpu.memref_squeeze %dma_start3A_1044 : memref<1x32x128xf32, #tpu.memory_space<vmem>> -> memref<32x128xf32, #tpu.memory_space<vmem>>
    %dma_start3A_1046 = arith.constant 0 : i32
    %dma_start3A_1047 = tpu.memref_slice %arg4[%dma_start3A_1046, %multiple_of3A] : memref<32x1000000xf32, #tpu.memory_space<hbm>> -> memref<32x128xf32, #tpu.memory_space<hbm>>
    %dma_start3A_1048 = tpu.memref_slice %arg14[%dma_start3A_1041] : memref<14x!tpu.dma_semaphore, #tpu.memory_space<semaphore_mem>> -> memref<1x!tpu.dma_semaphore, #tpu.memory_space<semaphore_mem>>
    %dma_start3A_1049 = tpu.memref_squeeze %dma_start3A_1048 : memref<1x!tpu.dma_semaphore, #tpu.memory_space<semaphore_mem>> -> memref<!tpu.dma_semaphore, #tpu.memory_space<semaphore_mem>>
    %dma_start3A_1050 = arith.constant 0 : i32
    %dma_start3A_1051 = arith.constant 0 : i32
    %dma_start3A_1052 = tpu.memref_slice %arg11[%dma_start3A, %dma_start3A_1050, %dma_start3A_1051] : memref<14x32x128xf32, #tpu.memory_space<vmem>> -> memref<1x32x128xf32, #tpu.memory_space<vmem>>
    %dma_start3A_1053 = tpu.memref_squeeze %dma_start3A_1052 : memref<1x32x128xf32, #tpu.memory_space<vmem>> -> memref<32x128xf32, #tpu.memory_space<vmem>>
    %dma_start3A_1054 = arith.constant 0 : i32
    %dma_start3A_1055 = tpu.memref_slice %arg4[%dma_start3A_1054, %multiple_of3A] : memref<32x1000000xf32, #tpu.memory_space<hbm>> -> memref<32x128xf32, #tpu.memory_space<hbm>>
    tpu.enqueue_dma source(%dma_start3A_1055 : memref<32x128xf32, #tpu.memory_space<hbm>>) target(%dma_start3A_1053 : memref<32x128xf32, #tpu.memory_space<vmem>>) target_semaphore(%dma_start3A_1049 : memref<!tpu.dma_semaphore, #tpu.memory_space<semaphore_mem>>)
    %dma_start3A_1056 = arith.constant 0 : i32
    %dma_start3A_1057 = arith.constant 0 : i32
    %dma_start3A_1058 = arith.constant 0 : i32
    %dma_start3A_1059 = arith.constant 0 : i32
    %dma_start3A_1060 = tpu.memref_slice %arg12[%dma_start3A_1056, %dma_start3A_1058, %dma_start3A_1059] : memref<14x32x128xf32, #tpu.memory_space<vmem>> -> memref<1x32x128xf32, #tpu.memory_space<vmem>>
    %dma_start3A_1061 = tpu.memref_squeeze %dma_start3A_1060 : memref<1x32x128xf32, #tpu.memory_space<vmem>> -> memref<32x128xf32, #tpu.memory_space<vmem>>
    %dma_start3A_1062 = arith.constant 0 : i32
    %dma_start3A_1063 = tpu.memref_slice %arg5[%dma_start3A_1062, %multiple_of3A_1040] : memref<32x1000000xf32, #tpu.memory_space<hbm>> -> memref<32x128xf32, #tpu.memory_space<hbm>>
    %dma_start3A_1064 = tpu.memref_slice %arg14[%dma_start3A_1057] : memref<14x!tpu.dma_semaphore, #tpu.memory_space<semaphore_mem>> -> memref<1x!tpu.dma_semaphore, #tpu.memory_space<semaphore_mem>>
    %dma_start3A_1065 = tpu.memref_squeeze %dma_start3A_1064 : memref<1x!tpu.dma_semaphore, #tpu.memory_space<semaphore_mem>> -> memref<!tpu.dma_semaphore, #tpu.memory_space<semaphore_mem>>
    %dma_start3A_1066 = arith.constant 0 : i32
    %dma_start3A_1067 = arith.constant 0 : i32
    %dma_start3A_1068 = tpu.memref_slice %arg12[%dma_start3A_1056, %dma_start3A_1066, %dma_start3A_1067] : memref<14x32x128xf32, #tpu.memory_space<vmem>> -> memref<1x32x128xf32, #tpu.memory_space<vmem>>
    %dma_start3A_1069 = tpu.memref_squeeze %dma_start3A_1068 : memref<1x32x128xf32, #tpu.memory_space<vmem>> -> memref<32x128xf32, #tpu.memory_space<vmem>>
    %dma_start3A_1070 = arith.constant 0 : i32
    %dma_start3A_1071 = tpu.memref_slice %arg5[%dma_start3A_1070, %multiple_of3A_1040] : memref<32x1000000xf32, #tpu.memory_space<hbm>> -> memref<32x128xf32, #tpu.memory_space<hbm>>
    tpu.enqueue_dma source(%dma_start3A_1071 : memref<32x128xf32, #tpu.memory_space<hbm>>) target(%dma_start3A_1069 : memref<32x128xf32, #tpu.memory_space<vmem>>) target_semaphore(%dma_start3A_1065 : memref<!tpu.dma_semaphore, #tpu.memory_space<semaphore_mem>>)
    %get3A_1072 = arith.constant 0 : index
    %get3A_1073 = tpu.vector_load %arg7[%get3A_1072] {strides = array<i32>} : memref<512xi32, #tpu.memory_space<vmem>>, vector<16xi32>,
    %eq3A_1074 = arith.constant 1 : i32
    %eq3A_1075 = vector.broadcast %eq3A_1074 : i32 to vector<16xi32>
    %eq3A_1076 = arith.cmpi eq, %iota3A, %eq3A_1075 : vector<16xi32>
    %jit3A_1077 = arith.constant 0 : i32
    %broadcast_in_dim3A_1078 = vector.broadcast %jit3A_1077 : i32 to vector<16xi32>
    %select_n3A_1079 = arith.select %eq3A_1076, %get3A_1073, %broadcast_in_dim3A_1078 : vector<16xi1>, vector<16xi32>
    %reduce_sum3A_1080 = arith.constant true
    %reduce_sum3A_1081 = vector.broadcast %reduce_sum3A_1080 : i1 to vector<16xi1>
    %reduce_sum3A_1082 = tpu.scan <sum>, %select_n3A_1079 masked %reduce_sum3A_1081 : vector<16xi32>, vector<16xi1> -> vector<16xi32>
    %reduce_sum3A_1083 = vector.extract %reduce_sum3A_1082[15] : i32 from vector<16xi32>
    %multiple_of3A_1084 = tpu.assume_multiple %reduce_sum3A_1083, 128 : i32
    %get3A_1085 = arith.constant 0 : index
    %get3A_1086 = tpu.vector_load %arg8[%get3A_1085] {strides = array<i32>} : memref<512xi32, #tpu.memory_space<vmem>>, vector<16xi32>,
    %eq3A_1087 = arith.constant 1 : i32
    %eq3A_1088 = vector.broadcast %eq3A_1087 : i32 to vector<16xi32>
    %eq3A_1089 = arith.cmpi eq, %iota3A, %eq3A_1088 : vector<16xi32>
    %jit3A_1090 = arith.constant 0 : i32
    %broadcast_in_dim3A_1091 = vector.broadcast %jit3A_1090 : i32 to vector<16xi32>
    %select_n3A_1092 = arith.select %eq3A_1089, %get3A_1086, %broadcast_in_dim3A_1091 : vector<16xi1>, vector<16xi32>
    %reduce_sum3A_1093 = arith.constant true
    %reduce_sum3A_1094 = vector.broadcast %reduce_sum3A_1093 : i1 to vector<16xi1>
    %reduce_sum3A_1095 = tpu.scan <sum>, %select_n3A_1092 masked %reduce_sum3A_1094 : vector<16xi32>, vector<16xi1> -> vector<16xi32>
    %reduce_sum3A_1096 = vector.extract %reduce_sum3A_1095[15] : i32 from vector<16xi32>
    %multiple_of3A_1097 = tpu.assume_multiple %reduce_sum3A_1096, 128 : i32
    %dma_start3A_1098 = arith.constant 1 : i32
    %dma_start3A_1099 = arith.constant 1 : i32
    %dma_start3A_1100 = arith.constant 0 : i32
    %dma_start3A_1101 = arith.constant 0 : i32
    %dma_start3A_1102 = tpu.memref_slice %arg11[%dma_start3A_1098, %dma_start3A_1100, %dma_start3A_1101] : memref<14x32x128xf32, #tpu.memory_space<vmem>> -> memref<1x32x128xf32, #tpu.memory_space<vmem>>
    %dma_start3A_1103 = tpu.memref_squeeze %dma_start3A_1102 : memref<1x32x128xf32, #tpu.memory_space<vmem>> -> memref<32x128xf32, #tpu.memory_space<vmem>>
    %dma_start3A_1104 = arith.constant 0 : i32
    %dma_start3A_1105 = tpu.memref_slice %arg4[%dma_start3A_1104, %multiple_of3A_1084] : memref<32x1000000xf32, #tpu.memory_space<hbm>> -> memref<32x128xf32, #tpu.memory_space<hbm>>
    %dma_start3A_1106 = tpu.memref_slice %arg14[%dma_start3A_1099] : memref<14x!tpu.dma_semaphore, #tpu.memory_space<semaphore_mem>> -> memref<1x!tpu.dma_semaphore, #tpu.memory_space<semaphore_mem>>
    %dma_start3A_1107 = tpu.memref_squeeze %dma_start3A_1106 : memref<1x!tpu.dma_semaphore, #tpu.memory_space<semaphore_mem>> -> memref<!tpu.dma_semaphore, #tpu.memory_space<semaphore_mem>>
    %dma_start3A_1108 = arith.constant 0 : i32
    %dma_start3A_1109 = arith.constant 0 : i32
    %dma_start3A_1110 = tpu.memref_slice %arg11[%dma_start3A_1098, %dma_start3A_1108, %dma_start3A_1109] : memref<14x32x128xf32, #tpu.memory_space<vmem>> -> memref<1x32x128xf32, #tpu.memory_space<vmem>>
    %dma_start3A_1111 = tpu.memref_squeeze %dma_start3A_1110 : memref<1x32x128xf32, #tpu.memory_space<vmem>> -> memref<32x128xf32, #tpu.memory_space<vmem>>
    %dma_start3A_1112 = arith.constant 0 : i32
    %dma_start3A_1113 = tpu.memref_slice %arg4[%dma_start3A_1112, %multiple_of3A_1084] : memref<32x1000000xf32, #tpu.memory_space<hbm>> -> memref<32x128xf32, #tpu.memory_space<hbm>>
    tpu.enqueue_dma source(%dma_start3A_1113 : memref<32x128xf32, #tpu.memory_space<hbm>>) target(%dma_start3A_1111 : memref<32x128xf32, #tpu.memory_space<vmem>>) target_semaphore(%dma_start3A_1107 : memref<!tpu.dma_semaphore, #tpu.memory_space<semaphore_mem>>)
    %dma_start3A_1114 = arith.constant 1 : i32
    %dma_start3A_1115 = arith.constant 1 : i32
    %dma_start3A_1116 = arith.constant 0 : i32
    %dma_start3A_1117 = arith.constant 0 : i32
    %dma_start3A_1118 = tpu.memref_slice %arg12[%dma_start3A_1114, %dma_start3A_1116, %dma_start3A_1117] : memref<14x32x128xf32, #tpu.memory_space<vmem>> -> memref<1x32x128xf32, #tpu.memory_space<vmem>>
    %dma_start3A_1119 = tpu.memref_squeeze %dma_start3A_1118 : memref<1x32x128xf32, #tpu.memory_space<vmem>> -> memref<32x128xf32, #tpu.memory_space<vmem>>
    %dma_start3A_1120 = arith.constant 0 : i32
    %dma_start3A_1121 = tpu.memref_slice %arg5[%dma_start3A_1120, %multiple_of3A_1097] : memref<32x1000000xf32, #tpu.memory_space<hbm>> -> memref<32x128xf32, #tpu.memory_space<hbm>>
    %dma_start3A_1122 = tpu.memref_slice %arg14[%dma_start3A_1115] : memref<14x!tpu.dma_semaphore, #tpu.memory_space<semaphore_mem>> -> memref<1x!tpu.dma_semaphore, #tpu.memory_space<semaphore_mem>>
    %dma_start3A_1123 = tpu.memref_squeeze %dma_start3A_1122 : memref<1x!tpu.dma_semaphore, #tpu.memory_space<semaphore_mem>> -> memref<!tpu.dma_semaphore, #tpu.memory_space<semaphore_mem>>
    %dma_start3A_1124 = arith.constant 0 : i32
    %dma_start3A_1125 = arith.constant 0 : i32
    %dma_start3A_1126 = tpu.memref_slice %arg12[%dma_start3A_1114, %dma_start3A_1124, %dma_start3A_1125] : memref<14x32x128xf32, #tpu.memory_space<vmem>> -> memref<1x32x128xf32, #tpu.memory_space<vmem>>
    %dma_start3A_1127 = tpu.memref_squeeze %dma_start3A_1126 : memref<1x32x128xf32, #tpu.memory_space<vmem>> -> memref<32x128xf32, #tpu.memory_space<vmem>>
    %dma_start3A_1128 = arith.constant 0 : i32
    %dma_start3A_1129 = tpu.memref_slice %arg5[%dma_start3A_1128, %multiple_of3A_1097] : memref<32x1000000xf32, #tpu.memory_space<hbm>> -> memref<32x128xf32, #tpu.memory_space<hbm>>
    tpu.enqueue_dma source(%dma_start3A_1129 : memref<32x128xf32, #tpu.memory_space<hbm>>) target(%dma_start3A_1127 : memref<32x128xf32, #tpu.memory_space<vmem>>) target_semaphore(%dma_start3A_1123 : memref<!tpu.dma_semaphore, #tpu.memory_space<semaphore_mem>>)
    %get3A_1130 = arith.constant 0 : index
    %get3A_1131 = tpu.vector_load %arg7[%get3A_1130] {strides = array<i32>} : memref<512xi32, #tpu.memory_space<vmem>>, vector<16xi32>,
    %eq3A_1132 = arith.constant 2 : i32
    %eq3A_1133 = vector.broadcast %eq3A_1132 : i32 to vector<16xi32>
    %eq3A_1134 = arith.cmpi eq, %iota3A, %eq3A_1133 : vector<16xi32>
    %jit3A_1135 = arith.constant 0 : i32
    %broadcast_in_dim3A_1136 = vector.broadcast %jit3A_1135 : i32 to vector<16xi32>
    %select_n3A_1137 = arith.select %eq3A_1134, %get3A_1131, %broadcast_in_dim3A_1136 : vector<16xi1>, vector<16xi32>
    %reduce_sum3A_1138 = arith.constant true
    %reduce_sum3A_1139 = vector.broadcast %reduce_sum3A_1138 : i1 to vector<16xi1>
    %reduce_sum3A_1140 = tpu.scan <sum>, %select_n3A_1137 masked %reduce_sum3A_1139 : vector<16xi32>, vector<16xi1> -> vector<16xi32>
    %reduce_sum3A_1141 = vector.extract %reduce_sum3A_1140[15] : i32 from vector<16xi32>
    %multiple_of3A_1142 = tpu.assume_multiple %reduce_sum3A_1141, 128 : i32
    %get3A_1143 = arith.constant 0 : index
    %get3A_1144 = tpu.vector_load %arg8[%get3A_1143] {strides = array<i32>} : memref<512xi32, #tpu.memory_space<vmem>>, vector<16xi32>,
    %eq3A_1145 = arith.constant 2 : i32
    %eq3A_1146 = vector.broadcast %eq3A_1145 : i32 to vector<16xi32>
    %eq3A_1147 = arith.cmpi eq, %iota3A, %eq3A_1146 : vector<16xi32>
    %jit3A_1148 = arith.constant 0 : i32
    %broadcast_in_dim3A_1149 = vector.broadcast %jit3A_1148 : i32 to vector<16xi32>
    %select_n3A_1150 = arith.select %eq3A_1147, %get3A_1144, %broadcast_in_dim3A_1149 : vector<16xi1>, vector<16xi32>
    %reduce_sum3A_1151 = arith.constant true
    %reduce_sum3A_1152 = vector.broadcast %reduce_sum3A_1151 : i1 to vector<16xi1>
    %reduce_sum3A_1153 = tpu.scan <sum>, %select_n3A_1150 masked %reduce_sum3A_1152 : vector<16xi32>, vector<16xi1> -> vector<16xi32>
    %reduce_sum3A_1154 = vector.extract %reduce_sum3A_1153[15] : i32 from vector<16xi32>
    %multiple_of3A_1155 = tpu.assume_multiple %reduce_sum3A_1154, 128 : i32
    %dma_start3A_1156 = arith.constant 2 : i32
    %dma_start3A_1157 = arith.constant 2 : i32
    %dma_start3A_1158 = arith.constant 0 : i32
    %dma_start3A_1159 = arith.constant 0 : i32
    %dma_start3A_1160 = tpu.memref_slice %arg11[%dma_start3A_1156, %dma_start3A_1158, %dma_start3A_1159] : memref<14x32x128xf32, #tpu.memory_space<vmem>> -> memref<1x32x128xf32, #tpu.memory_space<vmem>>
    %dma_start3A_1161 = tpu.memref_squeeze %dma_start3A_1160 : memref<1x32x128xf32, #tpu.memory_space<vmem>> -> memref<32x128xf32, #tpu.memory_space<vmem>>
    %dma_start3A_1162 = arith.constant 0 : i32
    %dma_start3A_1163 = tpu.memref_slice %arg4[%dma_start3A_1162, %multiple_of3A_1142] : memref<32x1000000xf32, #tpu.memory_space<hbm>> -> memref<32x128xf32, #tpu.memory_space<hbm>>
    %dma_start3A_1164 = tpu.memref_slice %arg14[%dma_start3A_1157] : memref<14x!tpu.dma_semaphore, #tpu.memory_space<semaphore_mem>> -> memref<1x!tpu.dma_semaphore, #tpu.memory_space<semaphore_mem>>
    %dma_start3A_1165 = tpu.memref_squeeze %dma_start3A_1164 : memref<1x!tpu.dma_semaphore, #tpu.memory_space<semaphore_mem>> -> memref<!tpu.dma_semaphore, #tpu.memory_space<semaphore_mem>>
    %dma_start3A_1166 = arith.constant 0 : i32
    %dma_start3A_1167 = arith.constant 0 : i32
    %dma_start3A_1168 = tpu.memref_slice %arg11[%dma_start3A_1156, %dma_start3A_1166, %dma_start3A_1167] : memref<14x32x128xf32, #tpu.memory_space<vmem>> -> memref<1x32x128xf32, #tpu.memory_space<vmem>>
    %dma_start3A_1169 = tpu.memref_squeeze %dma_start3A_1168 : memref<1x32x128xf32, #tpu.memory_space<vmem>> -> memref<32x128xf32, #tpu.memory_space<vmem>>
    %dma_start3A_1170 = arith.constant 0 : i32
    %dma_start3A_1171 = tpu.memref_slice %arg4[%dma_start3A_1170, %multiple_of3A_1142] : memref<32x1000000xf32, #tpu.memory_space<hbm>> -> memref<32x128xf32, #tpu.memory_space<hbm>>
    tpu.enqueue_dma source(%dma_start3A_1171 : memref<32x128xf32, #tpu.memory_space<hbm>>) target(%dma_start3A_1169 : memref<32x128xf32, #tpu.memory_space<vmem>>) target_semaphore(%dma_start3A_1165 : memref<!tpu.dma_semaphore, #tpu.memory_space<semaphore_mem>>)
    %dma_start3A_1172 = arith.constant 2 : i32
    %dma_start3A_1173 = arith.constant 2 : i32
    %dma_start3A_1174 = arith.constant 0 : i32
    %dma_start3A_1175 = arith.constant 0 : i32
    %dma_start3A_1176 = tpu.memref_slice %arg12[%dma_start3A_1172, %dma_start3A_1174, %dma_start3A_1175] : memref<14x32x128xf32, #tpu.memory_space<vmem>> -> memref<1x32x128xf32, #tpu.memory_space<vmem>>
    %dma_start3A_1177 = tpu.memref_squeeze %dma_start3A_1176 : memref<1x32x128xf32, #tpu.memory_space<vmem>> -> memref<32x128xf32, #tpu.memory_space<vmem>>
    %dma_start3A_1178 = arith.constant 0 : i32
    %dma_start3A_1179 = tpu.memref_slice %arg5[%dma_start3A_1178, %multiple_of3A_1155] : memref<32x1000000xf32, #tpu.memory_space<hbm>> -> memref<32x128xf32, #tpu.memory_space<hbm>>
    %dma_start3A_1180 = tpu.memref_slice %arg14[%dma_start3A_1173] : memref<14x!tpu.dma_semaphore, #tpu.memory_space<semaphore_mem>> -> memref<1x!tpu.dma_semaphore, #tpu.memory_space<semaphore_mem>>
    %dma_start3A_1181 = tpu.memref_squeeze %dma_start3A_1180 : memref<1x!tpu.dma_semaphore, #tpu.memory_space<semaphore_mem>> -> memref<!tpu.dma_semaphore, #tpu.memory_space<semaphore_mem>>
    %dma_start3A_1182 = arith.constant 0 : i32
    %dma_start3A_1183 = arith.constant 0 : i32
    %dma_start3A_1184 = tpu.memref_slice %arg12[%dma_start3A_1172, %dma_start3A_1182, %dma_start3A_1183] : memref<14x32x128xf32, #tpu.memory_space<vmem>> -> memref<1x32x128xf32, #tpu.memory_space<vmem>>
    %dma_start3A_1185 = tpu.memref_squeeze %dma_start3A_1184 : memref<1x32x128xf32, #tpu.memory_space<vmem>> -> memref<32x128xf32, #tpu.memory_space<vmem>>
    %dma_start3A_1186 = arith.constant 0 : i32
    %dma_start3A_1187 = tpu.memref_slice %arg5[%dma_start3A_1186, %multiple_of3A_1155] : memref<32x1000000xf32, #tpu.memory_space<hbm>> -> memref<32x128xf32, #tpu.memory_space<hbm>>
    tpu.enqueue_dma source(%dma_start3A_1187 : memref<32x128xf32, #tpu.memory_space<hbm>>) target(%dma_start3A_1185 : memref<32x128xf32, #tpu.memory_space<vmem>>) target_semaphore(%dma_start3A_1181 : memref<!tpu.dma_semaphore, #tpu.memory_space<semaphore_mem>>)
    %get3A_1188 = arith.constant 0 : index
    %get3A_1189 = tpu.vector_load %arg7[%get3A_1188] {strides = array<i32>} : memref<512xi32, #tpu.memory_space<vmem>>, vector<16xi32>,
    %eq3A_1190 = arith.constant 3 : i32
    %eq3A_1191 = vector.broadcast %eq3A_1190 : i32 to vector<16xi32>
    %eq3A_1192 = arith.cmpi eq, %iota3A, %eq3A_1191 : vector<16xi32>
    %jit3A_1193 = arith.constant 0 : i32
    %broadcast_in_dim3A_1194 = vector.broadcast %jit3A_1193 : i32 to vector<16xi32>
    %select_n3A_1195 = arith.select %eq3A_1192, %get3A_1189, %broadcast_in_dim3A_1194 : vector<16xi1>, vector<16xi32>
    %reduce_sum3A_1196 = arith.constant true
    %reduce_sum3A_1197 = vector.broadcast %reduce_sum3A_1196 : i1 to vector<16xi1>
    %reduce_sum3A_1198 = tpu.scan <sum>, %select_n3A_1195 masked %reduce_sum3A_1197 : vector<16xi32>, vector<16xi1> -> vector<16xi32>
    %reduce_sum3A_1199 = vector.extract %reduce_sum3A_1198[15] : i32 from vector<16xi32>
    %multiple_of3A_1200 = tpu.assume_multiple %reduce_sum3A_1199, 128 : i32
    %get3A_1201 = arith.constant 0 : index
    %get3A_1202 = tpu.vector_load %arg8[%get3A_1201] {strides = array<i32>} : memref<512xi32, #tpu.memory_space<vmem>>, vector<16xi32>,
    %eq3A_1203 = arith.constant 3 : i32
    %eq3A_1204 = vector.broadcast %eq3A_1203 : i32 to vector<16xi32>
    %eq3A_1205 = arith.cmpi eq, %iota3A, %eq3A_1204 : vector<16xi32>
    %jit3A_1206 = arith.constant 0 : i32
    %broadcast_in_dim3A_1207 = vector.broadcast %jit3A_1206 : i32 to vector<16xi32>
    %select_n3A_1208 = arith.select %eq3A_1205, %get3A_1202, %broadcast_in_dim3A_1207 : vector<16xi1>, vector<16xi32>
    %reduce_sum3A_1209 = arith.constant true
    %reduce_sum3A_1210 = vector.broadcast %reduce_sum3A_1209 : i1 to vector<16xi1>
    %reduce_sum3A_1211 = tpu.scan <sum>, %select_n3A_1208 masked %reduce_sum3A_1210 : vector<16xi32>, vector<16xi1> -> vector<16xi32>
    %reduce_sum3A_1212 = vector.extract %reduce_sum3A_1211[15] : i32 from vector<16xi32>
    %multiple_of3A_1213 = tpu.assume_multiple %reduce_sum3A_1212, 128 : i32
    %dma_start3A_1214 = arith.constant 3 : i32
    %dma_start3A_1215 = arith.constant 3 : i32
    %dma_start3A_1216 = arith.constant 0 : i32
    %dma_start3A_1217 = arith.constant 0 : i32
    %dma_start3A_1218 = tpu.memref_slice %arg11[%dma_start3A_1214, %dma_start3A_1216, %dma_start3A_1217] : memref<14x32x128xf32, #tpu.memory_space<vmem>> -> memref<1x32x128xf32, #tpu.memory_space<vmem>>
    %dma_start3A_1219 = tpu.memref_squeeze %dma_start3A_1218 : memref<1x32x128xf32, #tpu.memory_space<vmem>> -> memref<32x128xf32, #tpu.memory_space<vmem>>
    %dma_start3A_1220 = arith.constant 0 : i32
    %dma_start3A_1221 = tpu.memref_slice %arg4[%dma_start3A_1220, %multiple_of3A_1200] : memref<32x1000000xf32, #tpu.memory_space<hbm>> -> memref<32x128xf32, #tpu.memory_space<hbm>>
    %dma_start3A_1222 = tpu.memref_slice %arg14[%dma_start3A_1215] : memref<14x!tpu.dma_semaphore, #tpu.memory_space<semaphore_mem>> -> memref<1x!tpu.dma_semaphore, #tpu.memory_space<semaphore_mem>>
    %dma_start3A_1223 = tpu.memref_squeeze %dma_start3A_1222 : memref<1x!tpu.dma_semaphore, #tpu.memory_space<semaphore_mem>> -> memref<!tpu.dma_semaphore, #tpu.memory_space<semaphore_mem>>
    %dma_start3A_1224 = arith.constant 0 : i32
    %dma_start3A_1225 = arith.constant 0 : i32
    %dma_start3A_1226 = tpu.memref_slice %arg11[%dma_start3A_1214, %dma_start3A_1224, %dma_start3A_1225] : memref<14x32x128xf32, #tpu.memory_space<vmem>> -> memref<1x32x128xf32, #tpu.memory_space<vmem>>
    %dma_start3A_1227 = tpu.memref_squeeze %dma_start3A_1226 : memref<1x32x128xf32, #tpu.memory_space<vmem>> -> memref<32x128xf32, #tpu.memory_space<vmem>>
    %dma_start3A_1228 = arith.constant 0 : i32
    %dma_start3A_1229 = tpu.memref_slice %arg4[%dma_start3A_1228, %multiple_of3A_1200] : memref<32x1000000xf32, #tpu.memory_space<hbm>> -> memref<32x128xf32, #tpu.memory_space<hbm>>
    tpu.enqueue_dma source(%dma_start3A_1229 : memref<32x128xf32, #tpu.memory_space<hbm>>) target(%dma_start3A_1227 : memref<32x128xf32, #tpu.memory_space<vmem>>) target_semaphore(%dma_start3A_1223 : memref<!tpu.dma_semaphore, #tpu.memory_space<semaphore_mem>>)
    %dma_start3A_1230 = arith.constant 3 : i32
    %dma_start3A_1231 = arith.constant 3 : i32
    %dma_start3A_1232 = arith.constant 0 : i32
    %dma_start3A_1233 = arith.constant 0 : i32
    %dma_start3A_1234 = tpu.memref_slice %arg12[%dma_start3A_1230, %dma_start3A_1232, %dma_start3A_1233] : memref<14x32x128xf32, #tpu.memory_space<vmem>> -> memref<1x32x128xf32, #tpu.memory_space<vmem>>
    %dma_start3A_1235 = tpu.memref_squeeze %dma_start3A_1234 : memref<1x32x128xf32, #tpu.memory_space<vmem>> -> memref<32x128xf32, #tpu.memory_space<vmem>>
    %dma_start3A_1236 = arith.constant 0 : i32
    %dma_start3A_1237 = tpu.memref_slice %arg5[%dma_start3A_1236, %multiple_of3A_1213] : memref<32x1000000xf32, #tpu.memory_space<hbm>> -> memref<32x128xf32, #tpu.memory_space<hbm>>
    %dma_start3A_1238 = tpu.memref_slice %arg14[%dma_start3A_1231] : memref<14x!tpu.dma_semaphore, #tpu.memory_space<semaphore_mem>> -> memref<1x!tpu.dma_semaphore, #tpu.memory_space<semaphore_mem>>
    %dma_start3A_1239 = tpu.memref_squeeze %dma_start3A_1238 : memref<1x!tpu.dma_semaphore, #tpu.memory_space<semaphore_mem>> -> memref<!tpu.dma_semaphore, #tpu.memory_space<semaphore_mem>>
    %dma_start3A_1240 = arith.constant 0 : i32
    %dma_start3A_1241 = arith.constant 0 : i32
    %dma_start3A_1242 = tpu.memref_slice %arg12[%dma_start3A_1230, %dma_start3A_1240, %dma_start3A_1241] : memref<14x32x128xf32, #tpu.memory_space<vmem>> -> memref<1x32x128xf32, #tpu.memory_space<vmem>>
    %dma_start3A_1243 = tpu.memref_squeeze %dma_start3A_1242 : memref<1x32x128xf32, #tpu.memory_space<vmem>> -> memref<32x128xf32, #tpu.memory_space<vmem>>
    %dma_start3A_1244 = arith.constant 0 : i32
    %dma_start3A_1245 = tpu.memref_slice %arg5[%dma_start3A_1244, %multiple_of3A_1213] : memref<32x1000000xf32, #tpu.memory_space<hbm>> -> memref<32x128xf32, #tpu.memory_space<hbm>>
    tpu.enqueue_dma source(%dma_start3A_1245 : memref<32x128xf32, #tpu.memory_space<hbm>>) target(%dma_start3A_1243 : memref<32x128xf32, #tpu.memory_space<vmem>>) target_semaphore(%dma_start3A_1239 : memref<!tpu.dma_semaphore, #tpu.memory_space<semaphore_mem>>)
    %get3A_1246 = arith.constant 0 : index
    %get3A_1247 = tpu.vector_load %arg7[%get3A_1246] {strides = array<i32>} : memref<512xi32, #tpu.memory_space<vmem>>, vector<16xi32>,
    %eq3A_1248 = arith.constant 4 : i32
    %eq3A_1249 = vector.broadcast %eq3A_1248 : i32 to vector<16xi32>
    %eq3A_1250 = arith.cmpi eq, %iota3A, %eq3A_1249 : vector<16xi32>
    %jit3A_1251 = arith.constant 0 : i32
    %broadcast_in_dim3A_1252 = vector.broadcast %jit3A_1251 : i32 to vector<16xi32>
    %select_n3A_1253 = arith.select %eq3A_1250, %get3A_1247, %broadcast_in_dim3A_1252 : vector<16xi1>, vector<16xi32>
    %reduce_sum3A_1254 = arith.constant true
    %reduce_sum3A_1255 = vector.broadcast %reduce_sum3A_1254 : i1 to vector<16xi1>
    %reduce_sum3A_1256 = tpu.scan <sum>, %select_n3A_1253 masked %reduce_sum3A_1255 : vector<16xi32>, vector<16xi1> -> vector<16xi32>
    %reduce_sum3A_1257 = vector.extract %reduce_sum3A_1256[15] : i32 from vector<16xi32>
    %multiple_of3A_1258 = tpu.assume_multiple %reduce_sum3A_1257, 128 : i32
    %get3A_1259 = arith.constant 0 : index
    %get3A_1260 = tpu.vector_load %arg8[%get3A_1259] {strides = array<i32>} : memref<512xi32, #tpu.memory_space<vmem>>, vector<16xi32>,
    %eq3A_1261 = arith.constant 4 : i32
    %eq3A_1262 = vector.broadcast %eq3A_1261 : i32 to vector<16xi32>
    %eq3A_1263 = arith.cmpi eq, %iota3A, %eq3A_1262 : vector<16xi32>
    %jit3A_1264 = arith.constant 0 : i32
    %broadcast_in_dim3A_1265 = vector.broadcast %jit3A_1264 : i32 to vector<16xi32>
    %select_n3A_1266 = arith.select %eq3A_1263, %get3A_1260, %broadcast_in_dim3A_1265 : vector<16xi1>, vector<16xi32>
    %reduce_sum3A_1267 = arith.constant true
    %reduce_sum3A_1268 = vector.broadcast %reduce_sum3A_1267 : i1 to vector<16xi1>
    %reduce_sum3A_1269 = tpu.scan <sum>, %select_n3A_1266 masked %reduce_sum3A_1268 : vector<16xi32>, vector<16xi1> -> vector<16xi32>
    %reduce_sum3A_1270 = vector.extract %reduce_sum3A_1269[15] : i32 from vector<16xi32>
    %multiple_of3A_1271 = tpu.assume_multiple %reduce_sum3A_1270, 128 : i32
    %dma_start3A_1272 = arith.constant 4 : i32
    %dma_start3A_1273 = arith.constant 4 : i32
    %dma_start3A_1274 = arith.constant 0 : i32
    %dma_start3A_1275 = arith.constant 0 : i32
    %dma_start3A_1276 = tpu.memref_slice %arg11[%dma_start3A_1272, %dma_start3A_1274, %dma_start3A_1275] : memref<14x32x128xf32, #tpu.memory_space<vmem>> -> memref<1x32x128xf32, #tpu.memory_space<vmem>>
    %dma_start3A_1277 = tpu.memref_squeeze %dma_start3A_1276 : memref<1x32x128xf32, #tpu.memory_space<vmem>> -> memref<32x128xf32, #tpu.memory_space<vmem>>
    %dma_start3A_1278 = arith.constant 0 : i32
    %dma_start3A_1279 = tpu.memref_slice %arg4[%dma_start3A_1278, %multiple_of3A_1258] : memref<32x1000000xf32, #tpu.memory_space<hbm>> -> memref<32x128xf32, #tpu.memory_space<hbm>>
    %dma_start3A_1280 = tpu.memref_slice %arg14[%dma_start3A_1273] : memref<14x!tpu.dma_semaphore, #tpu.memory_space<semaphore_mem>> -> memref<1x!tpu.dma_semaphore, #tpu.memory_space<semaphore_mem>>
    %dma_start3A_1281 = tpu.memref_squeeze %dma_start3A_1280 : memref<1x!tpu.dma_semaphore, #tpu.memory_space<semaphore_mem>> -> memref<!tpu.dma_semaphore, #tpu.memory_space<semaphore_mem>>
    %dma_start3A_1282 = arith.constant 0 : i32
    %dma_start3A_1283 = arith.constant 0 : i32
    %dma_start3A_1284 = tpu.memref_slice %arg11[%dma_start3A_1272, %dma_start3A_1282, %dma_start3A_1283] : memref<14x32x128xf32, #tpu.memory_space<vmem>> -> memref<1x32x128xf32, #tpu.memory_space<vmem>>
    %dma_start3A_1285 = tpu.memref_squeeze %dma_start3A_1284 : memref<1x32x128xf32, #tpu.memory_space<vmem>> -> memref<32x128xf32, #tpu.memory_space<vmem>>
    %dma_start3A_1286 = arith.constant 0 : i32
    %dma_start3A_1287 = tpu.memref_slice %arg4[%dma_start3A_1286, %multiple_of3A_1258] : memref<32x1000000xf32, #tpu.memory_space<hbm>> -> memref<32x128xf32, #tpu.memory_space<hbm>>
    tpu.enqueue_dma source(%dma_start3A_1287 : memref<32x128xf32, #tpu.memory_space<hbm>>) target(%dma_start3A_1285 : memref<32x128xf32, #tpu.memory_space<vmem>>) target_semaphore(%dma_start3A_1281 : memref<!tpu.dma_semaphore, #tpu.memory_space<semaphore_mem>>)
    %dma_start3A_1288 = arith.constant 4 : i32
    %dma_start3A_1289 = arith.constant 4 : i32
    %dma_start3A_1290 = arith.constant 0 : i32
    %dma_start3A_1291 = arith.constant 0 : i32
    %dma_start3A_1292 = tpu.memref_slice %arg12[%dma_start3A_1288, %dma_start3A_1290, %dma_start3A_1291] : memref<14x32x128xf32, #tpu.memory_space<vmem>> -> memref<1x32x128xf32, #tpu.memory_space<vmem>>
    %dma_start3A_1293 = tpu.memref_squeeze %dma_start3A_1292 : memref<1x32x128xf32, #tpu.memory_space<vmem>> -> memref<32x128xf32, #tpu.memory_space<vmem>>
    %dma_start3A_1294 = arith.constant 0 : i32
    %dma_start3A_1295 = tpu.memref_slice %arg5[%dma_start3A_1294, %multiple_of3A_1271] : memref<32x1000000xf32, #tpu.memory_space<hbm>> -> memref<32x128xf32, #tpu.memory_space<hbm>>
    %dma_start3A_1296 = tpu.memref_slice %arg14[%dma_start3A_1289] : memref<14x!tpu.dma_semaphore, #tpu.memory_space<semaphore_mem>> -> memref<1x!tpu.dma_semaphore, #tpu.memory_space<semaphore_mem>>
    %dma_start3A_1297 = tpu.memref_squeeze %dma_start3A_1296 : memref<1x!tpu.dma_semaphore, #tpu.memory_space<semaphore_mem>> -> memref<!tpu.dma_semaphore, #tpu.memory_space<semaphore_mem>>
    %dma_start3A_1298 = arith.constant 0 : i32
    %dma_start3A_1299 = arith.constant 0 : i32
    %dma_start3A_1300 = tpu.memref_slice %arg12[%dma_start3A_1288, %dma_start3A_1298, %dma_start3A_1299] : memref<14x32x128xf32, #tpu.memory_space<vmem>> -> memref<1x32x128xf32, #tpu.memory_space<vmem>>
    %dma_start3A_1301 = tpu.memref_squeeze %dma_start3A_1300 : memref<1x32x128xf32, #tpu.memory_space<vmem>> -> memref<32x128xf32, #tpu.memory_space<vmem>>
    %dma_start3A_1302 = arith.constant 0 : i32
    %dma_start3A_1303 = tpu.memref_slice %arg5[%dma_start3A_1302, %multiple_of3A_1271] : memref<32x1000000xf32, #tpu.memory_space<hbm>> -> memref<32x128xf32, #tpu.memory_space<hbm>>
    tpu.enqueue_dma source(%dma_start3A_1303 : memref<32x128xf32, #tpu.memory_space<hbm>>) target(%dma_start3A_1301 : memref<32x128xf32, #tpu.memory_space<vmem>>) target_semaphore(%dma_start3A_1297 : memref<!tpu.dma_semaphore, #tpu.memory_space<semaphore_mem>>)
    %get3A_1304 = arith.constant 0 : index
    %get3A_1305 = tpu.vector_load %arg7[%get3A_1304] {strides = array<i32>} : memref<512xi32, #tpu.memory_space<vmem>>, vector<16xi32>,
    %eq3A_1306 = arith.constant 5 : i32
    %eq3A_1307 = vector.broadcast %eq3A_1306 : i32 to vector<16xi32>
    %eq3A_1308 = arith.cmpi eq, %iota3A, %eq3A_1307 : vector<16xi32>
    %jit3A_1309 = arith.constant 0 : i32
    %broadcast_in_dim3A_1310 = vector.broadcast %jit3A_1309 : i32 to vector<16xi32>
    %select_n3A_1311 = arith.select %eq3A_1308, %get3A_1305, %broadcast_in_dim3A_1310 : vector<16xi1>, vector<16xi32>
    %reduce_sum3A_1312 = arith.constant true
    %reduce_sum3A_1313 = vector.broadcast %reduce_sum3A_1312 : i1 to vector<16xi1>
    %reduce_sum3A_1314 = tpu.scan <sum>, %select_n3A_1311 masked %reduce_sum3A_1313 : vector<16xi32>, vector<16xi1> -> vector<16xi32>
    %reduce_sum3A_1315 = vector.extract %reduce_sum3A_1314[15] : i32 from vector<16xi32>
    %multiple_of3A_1316 = tpu.assume_multiple %reduce_sum3A_1315, 128 : i32
    %get3A_1317 = arith.constant 0 : index
    %get3A_1318 = tpu.vector_load %arg8[%get3A_1317] {strides = array<i32>} : memref<512xi32, #tpu.memory_space<vmem>>, vector<16xi32>,
    %eq3A_1319 = arith.constant 5 : i32
    %eq3A_1320 = vector.broadcast %eq3A_1319 : i32 to vector<16xi32>
    %eq3A_1321 = arith.cmpi eq, %iota3A, %eq3A_1320 : vector<16xi32>
    %jit3A_1322 = arith.constant 0 : i32
    %broadcast_in_dim3A_1323 = vector.broadcast %jit3A_1322 : i32 to vector<16xi32>
    %select_n3A_1324 = arith.select %eq3A_1321, %get3A_1318, %broadcast_in_dim3A_1323 : vector<16xi1>, vector<16xi32>
    %reduce_sum3A_1325 = arith.constant true
    %reduce_sum3A_1326 = vector.broadcast %reduce_sum3A_1325 : i1 to vector<16xi1>
    %reduce_sum3A_1327 = tpu.scan <sum>, %select_n3A_1324 masked %reduce_sum3A_1326 : vector<16xi32>, vector<16xi1> -> vector<16xi32>
    %reduce_sum3A_1328 = vector.extract %reduce_sum3A_1327[15] : i32 from vector<16xi32>
    %multiple_of3A_1329 = tpu.assume_multiple %reduce_sum3A_1328, 128 : i32
    %dma_start3A_1330 = arith.constant 5 : i32
    %dma_start3A_1331 = arith.constant 5 : i32
    %dma_start3A_1332 = arith.constant 0 : i32
    %dma_start3A_1333 = arith.constant 0 : i32
    %dma_start3A_1334 = tpu.memref_slice %arg11[%dma_start3A_1330, %dma_start3A_1332, %dma_start3A_1333] : memref<14x32x128xf32, #tpu.memory_space<vmem>> -> memref<1x32x128xf32, #tpu.memory_space<vmem>>
    %dma_start3A_1335 = tpu.memref_squeeze %dma_start3A_1334 : memref<1x32x128xf32, #tpu.memory_space<vmem>> -> memref<32x128xf32, #tpu.memory_space<vmem>>
    %dma_start3A_1336 = arith.constant 0 : i32
    %dma_start3A_1337 = tpu.memref_slice %arg4[%dma_start3A_1336, %multiple_of3A_1316] : memref<32x1000000xf32, #tpu.memory_space<hbm>> -> memref<32x128xf32, #tpu.memory_space<hbm>>
    %dma_start3A_1338 = tpu.memref_slice %arg14[%dma_start3A_1331] : memref<14x!tpu.dma_semaphore, #tpu.memory_space<semaphore_mem>> -> memref<1x!tpu.dma_semaphore, #tpu.memory_space<semaphore_mem>>
    %dma_start3A_1339 = tpu.memref_squeeze %dma_start3A_1338 : memref<1x!tpu.dma_semaphore, #tpu.memory_space<semaphore_mem>> -> memref<!tpu.dma_semaphore, #tpu.memory_space<semaphore_mem>>
    %dma_start3A_1340 = arith.constant 0 : i32
    %dma_start3A_1341 = arith.constant 0 : i32
    %dma_start3A_1342 = tpu.memref_slice %arg11[%dma_start3A_1330, %dma_start3A_1340, %dma_start3A_1341] : memref<14x32x128xf32, #tpu.memory_space<vmem>> -> memref<1x32x128xf32, #tpu.memory_space<vmem>>
    %dma_start3A_1343 = tpu.memref_squeeze %dma_start3A_1342 : memref<1x32x128xf32, #tpu.memory_space<vmem>> -> memref<32x128xf32, #tpu.memory_space<vmem>>
    %dma_start3A_1344 = arith.constant 0 : i32
    %dma_start3A_1345 = tpu.memref_slice %arg4[%dma_start3A_1344, %multiple_of3A_1316] : memref<32x1000000xf32, #tpu.memory_space<hbm>> -> memref<32x128xf32, #tpu.memory_space<hbm>>
    tpu.enqueue_dma source(%dma_start3A_1345 : memref<32x128xf32, #tpu.memory_space<hbm>>) target(%dma_start3A_1343 : memref<32x128xf32, #tpu.memory_space<vmem>>) target_semaphore(%dma_start3A_1339 : memref<!tpu.dma_semaphore, #tpu.memory_space<semaphore_mem>>)
    %dma_start3A_1346 = arith.constant 5 : i32
    %dma_start3A_1347 = arith.constant 5 : i32
    %dma_start3A_1348 = arith.constant 0 : i32
    %dma_start3A_1349 = arith.constant 0 : i32
    %dma_start3A_1350 = tpu.memref_slice %arg12[%dma_start3A_1346, %dma_start3A_1348, %dma_start3A_1349] : memref<14x32x128xf32, #tpu.memory_space<vmem>> -> memref<1x32x128xf32, #tpu.memory_space<vmem>>
    %dma_start3A_1351 = tpu.memref_squeeze %dma_start3A_1350 : memref<1x32x128xf32, #tpu.memory_space<vmem>> -> memref<32x128xf32, #tpu.memory_space<vmem>>
    %dma_start3A_1352 = arith.constant 0 : i32
    %dma_start3A_1353 = tpu.memref_slice %arg5[%dma_start3A_1352, %multiple_of3A_1329] : memref<32x1000000xf32, #tpu.memory_space<hbm>> -> memref<32x128xf32, #tpu.memory_space<hbm>>
    %dma_start3A_1354 = tpu.memref_slice %arg14[%dma_start3A_1347] : memref<14x!tpu.dma_semaphore, #tpu.memory_space<semaphore_mem>> -> memref<1x!tpu.dma_semaphore, #tpu.memory_space<semaphore_mem>>
    %dma_start3A_1355 = tpu.memref_squeeze %dma_start3A_1354 : memref<1x!tpu.dma_semaphore, #tpu.memory_space<semaphore_mem>> -> memref<!tpu.dma_semaphore, #tpu.memory_space<semaphore_mem>>
    %dma_start3A_1356 = arith.constant 0 : i32
    %dma_start3A_1357 = arith.constant 0 : i32
    %dma_start3A_1358 = tpu.memref_slice %arg12[%dma_start3A_1346, %dma_start3A_1356, %dma_start3A_1357] : memref<14x32x128xf32, #tpu.memory_space<vmem>> -> memref<1x32x128xf32, #tpu.memory_space<vmem>>
    %dma_start3A_1359 = tpu.memref_squeeze %dma_start3A_1358 : memref<1x32x128xf32, #tpu.memory_space<vmem>> -> memref<32x128xf32, #tpu.memory_space<vmem>>
    %dma_start3A_1360 = arith.constant 0 : i32
    %dma_start3A_1361 = tpu.memref_slice %arg5[%dma_start3A_1360, %multiple_of3A_1329] : memref<32x1000000xf32, #tpu.memory_space<hbm>> -> memref<32x128xf32, #tpu.memory_space<hbm>>
    tpu.enqueue_dma source(%dma_start3A_1361 : memref<32x128xf32, #tpu.memory_space<hbm>>) target(%dma_start3A_1359 : memref<32x128xf32, #tpu.memory_space<vmem>>) target_semaphore(%dma_start3A_1355 : memref<!tpu.dma_semaphore, #tpu.memory_space<semaphore_mem>>)
    %get3A_1362 = arith.constant 0 : index
    %get3A_1363 = tpu.vector_load %arg7[%get3A_1362] {strides = array<i32>} : memref<512xi32, #tpu.memory_space<vmem>>, vector<16xi32>,
    %eq3A_1364 = arith.constant 6 : i32
    %eq3A_1365 = vector.broadcast %eq3A_1364 : i32 to vector<16xi32>
    %eq3A_1366 = arith.cmpi eq, %iota3A, %eq3A_1365 : vector<16xi32>
    %jit3A_1367 = arith.constant 0 : i32
    %broadcast_in_dim3A_1368 = vector.broadcast %jit3A_1367 : i32 to vector<16xi32>
    %select_n3A_1369 = arith.select %eq3A_1366, %get3A_1363, %broadcast_in_dim3A_1368 : vector<16xi1>, vector<16xi32>
    %reduce_sum3A_1370 = arith.constant true
    %reduce_sum3A_1371 = vector.broadcast %reduce_sum3A_1370 : i1 to vector<16xi1>
    %reduce_sum3A_1372 = tpu.scan <sum>, %select_n3A_1369 masked %reduce_sum3A_1371 : vector<16xi32>, vector<16xi1> -> vector<16xi32>
    %reduce_sum3A_1373 = vector.extract %reduce_sum3A_1372[15] : i32 from vector<16xi32>
    %multiple_of3A_1374 = tpu.assume_multiple %reduce_sum3A_1373, 128 : i32
    %get3A_1375 = arith.constant 0 : index
    %get3A_1376 = tpu.vector_load %arg8[%get3A_1375] {strides = array<i32>} : memref<512xi32, #tpu.memory_space<vmem>>, vector<16xi32>,
    %eq3A_1377 = arith.constant 6 : i32
    %eq3A_1378 = vector.broadcast %eq3A_1377 : i32 to vector<16xi32>
    %eq3A_1379 = arith.cmpi eq, %iota3A, %eq3A_1378 : vector<16xi32>
    %jit3A_1380 = arith.constant 0 : i32
    %broadcast_in_dim3A_1381 = vector.broadcast %jit3A_1380 : i32 to vector<16xi32>
    %select_n3A_1382 = arith.select %eq3A_1379, %get3A_1376, %broadcast_in_dim3A_1381 : vector<16xi1>, vector<16xi32>
    %reduce_sum3A_1383 = arith.constant true
    %reduce_sum3A_1384 = vector.broadcast %reduce_sum3A_1383 : i1 to vector<16xi1>
    %reduce_sum3A_1385 = tpu.scan <sum>, %select_n3A_1382 masked %reduce_sum3A_1384 : vector<16xi32>, vector<16xi1> -> vector<16xi32>
    %reduce_sum3A_1386 = vector.extract %reduce_sum3A_1385[15] : i32 from vector<16xi32>
    %multiple_of3A_1387 = tpu.assume_multiple %reduce_sum3A_1386, 128 : i32
    %dma_start3A_1388 = arith.constant 6 : i32
    %dma_start3A_1389 = arith.constant 6 : i32
    %dma_start3A_1390 = arith.constant 0 : i32
    %dma_start3A_1391 = arith.constant 0 : i32
    %dma_start3A_1392 = tpu.memref_slice %arg11[%dma_start3A_1388, %dma_start3A_1390, %dma_start3A_1391] : memref<14x32x128xf32, #tpu.memory_space<vmem>> -> memref<1x32x128xf32, #tpu.memory_space<vmem>>
    %dma_start3A_1393 = tpu.memref_squeeze %dma_start3A_1392 : memref<1x32x128xf32, #tpu.memory_space<vmem>> -> memref<32x128xf32, #tpu.memory_space<vmem>>
    %dma_start3A_1394 = arith.constant 0 : i32
    %dma_start3A_1395 = tpu.memref_slice %arg4[%dma_start3A_1394, %multiple_of3A_1374] : memref<32x1000000xf32, #tpu.memory_space<hbm>> -> memref<32x128xf32, #tpu.memory_space<hbm>>
    %dma_start3A_1396 = tpu.memref_slice %arg14[%dma_start3A_1389] : memref<14x!tpu.dma_semaphore, #tpu.memory_space<semaphore_mem>> -> memref<1x!tpu.dma_semaphore, #tpu.memory_space<semaphore_mem>>
    %dma_start3A_1397 = tpu.memref_squeeze %dma_start3A_1396 : memref<1x!tpu.dma_semaphore, #tpu.memory_space<semaphore_mem>> -> memref<!tpu.dma_semaphore, #tpu.memory_space<semaphore_mem>>
    %dma_start3A_1398 = arith.constant 0 : i32
    %dma_start3A_1399 = arith.constant 0 : i32
    %dma_start3A_1400 = tpu.memref_slice %arg11[%dma_start3A_1388, %dma_start3A_1398, %dma_start3A_1399] : memref<14x32x128xf32, #tpu.memory_space<vmem>> -> memref<1x32x128xf32, #tpu.memory_space<vmem>>
    %dma_start3A_1401 = tpu.memref_squeeze %dma_start3A_1400 : memref<1x32x128xf32, #tpu.memory_space<vmem>> -> memref<32x128xf32, #tpu.memory_space<vmem>>
    %dma_start3A_1402 = arith.constant 0 : i32
    %dma_start3A_1403 = tpu.memref_slice %arg4[%dma_start3A_1402, %multiple_of3A_1374] : memref<32x1000000xf32, #tpu.memory_space<hbm>> -> memref<32x128xf32, #tpu.memory_space<hbm>>
    tpu.enqueue_dma source(%dma_start3A_1403 : memref<32x128xf32, #tpu.memory_space<hbm>>) target(%dma_start3A_1401 : memref<32x128xf32, #tpu.memory_space<vmem>>) target_semaphore(%dma_start3A_1397 : memref<!tpu.dma_semaphore, #tpu.memory_space<semaphore_mem>>)
    %dma_start3A_1404 = arith.constant 6 : i32
    %dma_start3A_1405 = arith.constant 6 : i32
    %dma_start3A_1406 = arith.constant 0 : i32
    %dma_start3A_1407 = arith.constant 0 : i32
    %dma_start3A_1408 = tpu.memref_slice %arg12[%dma_start3A_1404, %dma_start3A_1406, %dma_start3A_1407] : memref<14x32x128xf32, #tpu.memory_space<vmem>> -> memref<1x32x128xf32, #tpu.memory_space<vmem>>
    %dma_start3A_1409 = tpu.memref_squeeze %dma_start3A_1408 : memref<1x32x128xf32, #tpu.memory_space<vmem>> -> memref<32x128xf32, #tpu.memory_space<vmem>>
    %dma_start3A_1410 = arith.constant 0 : i32
    %dma_start3A_1411 = tpu.memref_slice %arg5[%dma_start3A_1410, %multiple_of3A_1387] : memref<32x1000000xf32, #tpu.memory_space<hbm>> -> memref<32x128xf32, #tpu.memory_space<hbm>>
    %dma_start3A_1412 = tpu.memref_slice %arg14[%dma_start3A_1405] : memref<14x!tpu.dma_semaphore, #tpu.memory_space<semaphore_mem>> -> memref<1x!tpu.dma_semaphore, #tpu.memory_space<semaphore_mem>>
    %dma_start3A_1413 = tpu.memref_squeeze %dma_start3A_1412 : memref<1x!tpu.dma_semaphore, #tpu.memory_space<semaphore_mem>> -> memref<!tpu.dma_semaphore, #tpu.memory_space<semaphore_mem>>
    %dma_start3A_1414 = arith.constant 0 : i32
    %dma_start3A_1415 = arith.constant 0 : i32
    %dma_start3A_1416 = tpu.memref_slice %arg12[%dma_start3A_1404, %dma_start3A_1414, %dma_start3A_1415] : memref<14x32x128xf32, #tpu.memory_space<vmem>> -> memref<1x32x128xf32, #tpu.memory_space<vmem>>
    %dma_start3A_1417 = tpu.memref_squeeze %dma_start3A_1416 : memref<1x32x128xf32, #tpu.memory_space<vmem>> -> memref<32x128xf32, #tpu.memory_space<vmem>>
    %dma_start3A_1418 = arith.constant 0 : i32
    %dma_start3A_1419 = tpu.memref_slice %arg5[%dma_start3A_1418, %multiple_of3A_1387] : memref<32x1000000xf32, #tpu.memory_space<hbm>> -> memref<32x128xf32, #tpu.memory_space<hbm>>
    tpu.enqueue_dma source(%dma_start3A_1419 : memref<32x128xf32, #tpu.memory_space<hbm>>) target(%dma_start3A_1417 : memref<32x128xf32, #tpu.memory_space<vmem>>) target_semaphore(%dma_start3A_1413 : memref<!tpu.dma_semaphore, #tpu.memory_space<semaphore_mem>>)
    %get3A_1420 = arith.constant 0 : index
    %get3A_1421 = tpu.vector_load %arg7[%get3A_1420] {strides = array<i32>} : memref<512xi32, #tpu.memory_space<vmem>>, vector<16xi32>,
    %eq3A_1422 = arith.constant 7 : i32
    %eq3A_1423 = vector.broadcast %eq3A_1422 : i32 to vector<16xi32>
    %eq3A_1424 = arith.cmpi eq, %iota3A, %eq3A_1423 : vector<16xi32>
    %jit3A_1425 = arith.constant 0 : i32
    %broadcast_in_dim3A_1426 = vector.broadcast %jit3A_1425 : i32 to vector<16xi32>
    %select_n3A_1427 = arith.select %eq3A_1424, %get3A_1421, %broadcast_in_dim3A_1426 : vector<16xi1>, vector<16xi32>
    %reduce_sum3A_1428 = arith.constant true
    %reduce_sum3A_1429 = vector.broadcast %reduce_sum3A_1428 : i1 to vector<16xi1>
    %reduce_sum3A_1430 = tpu.scan <sum>, %select_n3A_1427 masked %reduce_sum3A_1429 : vector<16xi32>, vector<16xi1> -> vector<16xi32>
    %reduce_sum3A_1431 = vector.extract %reduce_sum3A_1430[15] : i32 from vector<16xi32>
    %multiple_of3A_1432 = tpu.assume_multiple %reduce_sum3A_1431, 128 : i32
    %get3A_1433 = arith.constant 0 : index
    %get3A_1434 = tpu.vector_load %arg8[%get3A_1433] {strides = array<i32>} : memref<512xi32, #tpu.memory_space<vmem>>, vector<16xi32>,
    %eq3A_1435 = arith.constant 7 : i32
    %eq3A_1436 = vector.broadcast %eq3A_1435 : i32 to vector<16xi32>
    %eq3A_1437 = arith.cmpi eq, %iota3A, %eq3A_1436 : vector<16xi32>
    %jit3A_1438 = arith.constant 0 : i32
    %broadcast_in_dim3A_1439 = vector.broadcast %jit3A_1438 : i32 to vector<16xi32>
    %select_n3A_1440 = arith.select %eq3A_1437, %get3A_1434, %broadcast_in_dim3A_1439 : vector<16xi1>, vector<16xi32>
    %reduce_sum3A_1441 = arith.constant true
    %reduce_sum3A_1442 = vector.broadcast %reduce_sum3A_1441 : i1 to vector<16xi1>
    %reduce_sum3A_1443 = tpu.scan <sum>, %select_n3A_1440 masked %reduce_sum3A_1442 : vector<16xi32>, vector<16xi1> -> vector<16xi32>
    %reduce_sum3A_1444 = vector.extract %reduce_sum3A_1443[15] : i32 from vector<16xi32>
    %multiple_of3A_1445 = tpu.assume_multiple %reduce_sum3A_1444, 128 : i32
    %dma_start3A_1446 = arith.constant 7 : i32
    %dma_start3A_1447 = arith.constant 7 : i32
    %dma_start3A_1448 = arith.constant 0 : i32
    %dma_start3A_1449 = arith.constant 0 : i32
    %dma_start3A_1450 = tpu.memref_slice %arg11[%dma_start3A_1446, %dma_start3A_1448, %dma_start3A_1449] : memref<14x32x128xf32, #tpu.memory_space<vmem>> -> memref<1x32x128xf32, #tpu.memory_space<vmem>>
    %dma_start3A_1451 = tpu.memref_squeeze %dma_start3A_1450 : memref<1x32x128xf32, #tpu.memory_space<vmem>> -> memref<32x128xf32, #tpu.memory_space<vmem>>
    %dma_start3A_1452 = arith.constant 0 : i32
    %dma_start3A_1453 = tpu.memref_slice %arg4[%dma_start3A_1452, %multiple_of3A_1432] : memref<32x1000000xf32, #tpu.memory_space<hbm>> -> memref<32x128xf32, #tpu.memory_space<hbm>>
    %dma_start3A_1454 = tpu.memref_slice %arg14[%dma_start3A_1447] : memref<14x!tpu.dma_semaphore, #tpu.memory_space<semaphore_mem>> -> memref<1x!tpu.dma_semaphore, #tpu.memory_space<semaphore_mem>>
    %dma_start3A_1455 = tpu.memref_squeeze %dma_start3A_1454 : memref<1x!tpu.dma_semaphore, #tpu.memory_space<semaphore_mem>> -> memref<!tpu.dma_semaphore, #tpu.memory_space<semaphore_mem>>
    %dma_start3A_1456 = arith.constant 0 : i32
    %dma_start3A_1457 = arith.constant 0 : i32
    %dma_start3A_1458 = tpu.memref_slice %arg11[%dma_start3A_1446, %dma_start3A_1456, %dma_start3A_1457] : memref<14x32x128xf32, #tpu.memory_space<vmem>> -> memref<1x32x128xf32, #tpu.memory_space<vmem>>
    %dma_start3A_1459 = tpu.memref_squeeze %dma_start3A_1458 : memref<1x32x128xf32, #tpu.memory_space<vmem>> -> memref<32x128xf32, #tpu.memory_space<vmem>>
    %dma_start3A_1460 = arith.constant 0 : i32
    %dma_start3A_1461 = tpu.memref_slice %arg4[%dma_start3A_1460, %multiple_of3A_1432] : memref<32x1000000xf32, #tpu.memory_space<hbm>> -> memref<32x128xf32, #tpu.memory_space<hbm>>
    tpu.enqueue_dma source(%dma_start3A_1461 : memref<32x128xf32, #tpu.memory_space<hbm>>) target(%dma_start3A_1459 : memref<32x128xf32, #tpu.memory_space<vmem>>) target_semaphore(%dma_start3A_1455 : memref<!tpu.dma_semaphore, #tpu.memory_space<semaphore_mem>>)
    %dma_start3A_1462 = arith.constant 7 : i32
    %dma_start3A_1463 = arith.constant 7 : i32
    %dma_start3A_1464 = arith.constant 0 : i32
    %dma_start3A_1465 = arith.constant 0 : i32
    %dma_start3A_1466 = tpu.memref_slice %arg12[%dma_start3A_1462, %dma_start3A_1464, %dma_start3A_1465] : memref<14x32x128xf32, #tpu.memory_space<vmem>> -> memref<1x32x128xf32, #tpu.memory_space<vmem>>
    %dma_start3A_1467 = tpu.memref_squeeze %dma_start3A_1466 : memref<1x32x128xf32, #tpu.memory_space<vmem>> -> memref<32x128xf32, #tpu.memory_space<vmem>>
    %dma_start3A_1468 = arith.constant 0 : i32
    %dma_start3A_1469 = tpu.memref_slice %arg5[%dma_start3A_1468, %multiple_of3A_1445] : memref<32x1000000xf32, #tpu.memory_space<hbm>> -> memref<32x128xf32, #tpu.memory_space<hbm>>
    %dma_start3A_1470 = tpu.memref_slice %arg14[%dma_start3A_1463] : memref<14x!tpu.dma_semaphore, #tpu.memory_space<semaphore_mem>> -> memref<1x!tpu.dma_semaphore, #tpu.memory_space<semaphore_mem>>
    %dma_start3A_1471 = tpu.memref_squeeze %dma_start3A_1470 : memref<1x!tpu.dma_semaphore, #tpu.memory_space<semaphore_mem>> -> memref<!tpu.dma_semaphore, #tpu.memory_space<semaphore_mem>>
    %dma_start3A_1472 = arith.constant 0 : i32
    %dma_start3A_1473 = arith.constant 0 : i32
    %dma_start3A_1474 = tpu.memref_slice %arg12[%dma_start3A_1462, %dma_start3A_1472, %dma_start3A_1473] : memref<14x32x128xf32, #tpu.memory_space<vmem>> -> memref<1x32x128xf32, #tpu.memory_space<vmem>>
    %dma_start3A_1475 = tpu.memref_squeeze %dma_start3A_1474 : memref<1x32x128xf32, #tpu.memory_space<vmem>> -> memref<32x128xf32, #tpu.memory_space<vmem>>
    %dma_start3A_1476 = arith.constant 0 : i32
    %dma_start3A_1477 = tpu.memref_slice %arg5[%dma_start3A_1476, %multiple_of3A_1445] : memref<32x1000000xf32, #tpu.memory_space<hbm>> -> memref<32x128xf32, #tpu.memory_space<hbm>>
    tpu.enqueue_dma source(%dma_start3A_1477 : memref<32x128xf32, #tpu.memory_space<hbm>>) target(%dma_start3A_1475 : memref<32x128xf32, #tpu.memory_space<vmem>>) target_semaphore(%dma_start3A_1471 : memref<!tpu.dma_semaphore, #tpu.memory_space<semaphore_mem>>)
    %get3A_1478 = arith.constant 0 : index
    %get3A_1479 = tpu.vector_load %arg7[%get3A_1478] {strides = array<i32>} : memref<512xi32, #tpu.memory_space<vmem>>, vector<16xi32>,
    %eq3A_1480 = arith.constant 8 : i32
    %eq3A_1481 = vector.broadcast %eq3A_1480 : i32 to vector<16xi32>
    %eq3A_1482 = arith.cmpi eq, %iota3A, %eq3A_1481 : vector<16xi32>
    %jit3A_1483 = arith.constant 0 : i32
    %broadcast_in_dim3A_1484 = vector.broadcast %jit3A_1483 : i32 to vector<16xi32>
    %select_n3A_1485 = arith.select %eq3A_1482, %get3A_1479, %broadcast_in_dim3A_1484 : vector<16xi1>, vector<16xi32>
    %reduce_sum3A_1486 = arith.constant true
    %reduce_sum3A_1487 = vector.broadcast %reduce_sum3A_1486 : i1 to vector<16xi1>
    %reduce_sum3A_1488 = tpu.scan <sum>, %select_n3A_1485 masked %reduce_sum3A_1487 : vector<16xi32>, vector<16xi1> -> vector<16xi32>
    %reduce_sum3A_1489 = vector.extract %reduce_sum3A_1488[15] : i32 from vector<16xi32>
    %multiple_of3A_1490 = tpu.assume_multiple %reduce_sum3A_1489, 128 : i32
    %get3A_1491 = arith.constant 0 : index
    %get3A_1492 = tpu.vector_load %arg8[%get3A_1491] {strides = array<i32>} : memref<512xi32, #tpu.memory_space<vmem>>, vector<16xi32>,
    %eq3A_1493 = arith.constant 8 : i32
    %eq3A_1494 = vector.broadcast %eq3A_1493 : i32 to vector<16xi32>
    %eq3A_1495 = arith.cmpi eq, %iota3A, %eq3A_1494 : vector<16xi32>
    %jit3A_1496 = arith.constant 0 : i32
    %broadcast_in_dim3A_1497 = vector.broadcast %jit3A_1496 : i32 to vector<16xi32>
    %select_n3A_1498 = arith.select %eq3A_1495, %get3A_1492, %broadcast_in_dim3A_1497 : vector<16xi1>, vector<16xi32>
    %reduce_sum3A_1499 = arith.constant true
    %reduce_sum3A_1500 = vector.broadcast %reduce_sum3A_1499 : i1 to vector<16xi1>
    %reduce_sum3A_1501 = tpu.scan <sum>, %select_n3A_1498 masked %reduce_sum3A_1500 : vector<16xi32>, vector<16xi1> -> vector<16xi32>
    %reduce_sum3A_1502 = vector.extract %reduce_sum3A_1501[15] : i32 from vector<16xi32>
    %multiple_of3A_1503 = tpu.assume_multiple %reduce_sum3A_1502, 128 : i32
    %dma_start3A_1504 = arith.constant 8 : i32
    %dma_start3A_1505 = arith.constant 8 : i32
    %dma_start3A_1506 = arith.constant 0 : i32
    %dma_start3A_1507 = arith.constant 0 : i32
    %dma_start3A_1508 = tpu.memref_slice %arg11[%dma_start3A_1504, %dma_start3A_1506, %dma_start3A_1507] : memref<14x32x128xf32, #tpu.memory_space<vmem>> -> memref<1x32x128xf32, #tpu.memory_space<vmem>>
    %dma_start3A_1509 = tpu.memref_squeeze %dma_start3A_1508 : memref<1x32x128xf32, #tpu.memory_space<vmem>> -> memref<32x128xf32, #tpu.memory_space<vmem>>
    %dma_start3A_1510 = arith.constant 0 : i32
    %dma_start3A_1511 = tpu.memref_slice %arg4[%dma_start3A_1510, %multiple_of3A_1490] : memref<32x1000000xf32, #tpu.memory_space<hbm>> -> memref<32x128xf32, #tpu.memory_space<hbm>>
    %dma_start3A_1512 = tpu.memref_slice %arg14[%dma_start3A_1505] : memref<14x!tpu.dma_semaphore, #tpu.memory_space<semaphore_mem>> -> memref<1x!tpu.dma_semaphore, #tpu.memory_space<semaphore_mem>>
    %dma_start3A_1513 = tpu.memref_squeeze %dma_start3A_1512 : memref<1x!tpu.dma_semaphore, #tpu.memory_space<semaphore_mem>> -> memref<!tpu.dma_semaphore, #tpu.memory_space<semaphore_mem>>
    %dma_start3A_1514 = arith.constant 0 : i32
    %dma_start3A_1515 = arith.constant 0 : i32
    %dma_start3A_1516 = tpu.memref_slice %arg11[%dma_start3A_1504, %dma_start3A_1514, %dma_start3A_1515] : memref<14x32x128xf32, #tpu.memory_space<vmem>> -> memref<1x32x128xf32, #tpu.memory_space<vmem>>
    %dma_start3A_1517 = tpu.memref_squeeze %dma_start3A_1516 : memref<1x32x128xf32, #tpu.memory_space<vmem>> -> memref<32x128xf32, #tpu.memory_space<vmem>>
    %dma_start3A_1518 = arith.constant 0 : i32
    %dma_start3A_1519 = tpu.memref_slice %arg4[%dma_start3A_1518, %multiple_of3A_1490] : memref<32x1000000xf32, #tpu.memory_space<hbm>> -> memref<32x128xf32, #tpu.memory_space<hbm>>
    tpu.enqueue_dma source(%dma_start3A_1519 : memref<32x128xf32, #tpu.memory_space<hbm>>) target(%dma_start3A_1517 : memref<32x128xf32, #tpu.memory_space<vmem>>) target_semaphore(%dma_start3A_1513 : memref<!tpu.dma_semaphore, #tpu.memory_space<semaphore_mem>>)
    %dma_start3A_1520 = arith.constant 8 : i32
    %dma_start3A_1521 = arith.constant 8 : i32
    %dma_start3A_1522 = arith.constant 0 : i32
    %dma_start3A_1523 = arith.constant 0 : i32
    %dma_start3A_1524 = tpu.memref_slice %arg12[%dma_start3A_1520, %dma_start3A_1522, %dma_start3A_1523] : memref<14x32x128xf32, #tpu.memory_space<vmem>> -> memref<1x32x128xf32, #tpu.memory_space<vmem>>
    %dma_start3A_1525 = tpu.memref_squeeze %dma_start3A_1524 : memref<1x32x128xf32, #tpu.memory_space<vmem>> -> memref<32x128xf32, #tpu.memory_space<vmem>>
    %dma_start3A_1526 = arith.constant 0 : i32
    %dma_start3A_1527 = tpu.memref_slice %arg5[%dma_start3A_1526, %multiple_of3A_1503] : memref<32x1000000xf32, #tpu.memory_space<hbm>> -> memref<32x128xf32, #tpu.memory_space<hbm>>
    %dma_start3A_1528 = tpu.memref_slice %arg14[%dma_start3A_1521] : memref<14x!tpu.dma_semaphore, #tpu.memory_space<semaphore_mem>> -> memref<1x!tpu.dma_semaphore, #tpu.memory_space<semaphore_mem>>
    %dma_start3A_1529 = tpu.memref_squeeze %dma_start3A_1528 : memref<1x!tpu.dma_semaphore, #tpu.memory_space<semaphore_mem>> -> memref<!tpu.dma_semaphore, #tpu.memory_space<semaphore_mem>>
    %dma_start3A_1530 = arith.constant 0 : i32
    %dma_start3A_1531 = arith.constant 0 : i32
    %dma_start3A_1532 = tpu.memref_slice %arg12[%dma_start3A_1520, %dma_start3A_1530, %dma_start3A_1531] : memref<14x32x128xf32, #tpu.memory_space<vmem>> -> memref<1x32x128xf32, #tpu.memory_space<vmem>>
    %dma_start3A_1533 = tpu.memref_squeeze %dma_start3A_1532 : memref<1x32x128xf32, #tpu.memory_space<vmem>> -> memref<32x128xf32, #tpu.memory_space<vmem>>
    %dma_start3A_1534 = arith.constant 0 : i32
    %dma_start3A_1535 = tpu.memref_slice %arg5[%dma_start3A_1534, %multiple_of3A_1503] : memref<32x1000000xf32, #tpu.memory_space<hbm>> -> memref<32x128xf32, #tpu.memory_space<hbm>>
    tpu.enqueue_dma source(%dma_start3A_1535 : memref<32x128xf32, #tpu.memory_space<hbm>>) target(%dma_start3A_1533 : memref<32x128xf32, #tpu.memory_space<vmem>>) target_semaphore(%dma_start3A_1529 : memref<!tpu.dma_semaphore, #tpu.memory_space<semaphore_mem>>)
    %get3A_1536 = arith.constant 0 : index
    %get3A_1537 = tpu.vector_load %arg7[%get3A_1536] {strides = array<i32>} : memref<512xi32, #tpu.memory_space<vmem>>, vector<16xi32>,
    %eq3A_1538 = arith.constant 9 : i32
    %eq3A_1539 = vector.broadcast %eq3A_1538 : i32 to vector<16xi32>
    %eq3A_1540 = arith.cmpi eq, %iota3A, %eq3A_1539 : vector<16xi32>
    %jit3A_1541 = arith.constant 0 : i32
    %broadcast_in_dim3A_1542 = vector.broadcast %jit3A_1541 : i32 to vector<16xi32>
    %select_n3A_1543 = arith.select %eq3A_1540, %get3A_1537, %broadcast_in_dim3A_1542 : vector<16xi1>, vector<16xi32>
    %reduce_sum3A_1544 = arith.constant true
    %reduce_sum3A_1545 = vector.broadcast %reduce_sum3A_1544 : i1 to vector<16xi1>
    %reduce_sum3A_1546 = tpu.scan <sum>, %select_n3A_1543 masked %reduce_sum3A_1545 : vector<16xi32>, vector<16xi1> -> vector<16xi32>
    %reduce_sum3A_1547 = vector.extract %reduce_sum3A_1546[15] : i32 from vector<16xi32>
    %multiple_of3A_1548 = tpu.assume_multiple %reduce_sum3A_1547, 128 : i32
    %get3A_1549 = arith.constant 0 : index
    %get3A_1550 = tpu.vector_load %arg8[%get3A_1549] {strides = array<i32>} : memref<512xi32, #tpu.memory_space<vmem>>, vector<16xi32>,
    %eq3A_1551 = arith.constant 9 : i32
    %eq3A_1552 = vector.broadcast %eq3A_1551 : i32 to vector<16xi32>
    %eq3A_1553 = arith.cmpi eq, %iota3A, %eq3A_1552 : vector<16xi32>
    %jit3A_1554 = arith.constant 0 : i32
    %broadcast_in_dim3A_1555 = vector.broadcast %jit3A_1554 : i32 to vector<16xi32>
    %select_n3A_1556 = arith.select %eq3A_1553, %get3A_1550, %broadcast_in_dim3A_1555 : vector<16xi1>, vector<16xi32>
    %reduce_sum3A_1557 = arith.constant true
    %reduce_sum3A_1558 = vector.broadcast %reduce_sum3A_1557 : i1 to vector<16xi1>
    %reduce_sum3A_1559 = tpu.scan <sum>, %select_n3A_1556 masked %reduce_sum3A_1558 : vector<16xi32>, vector<16xi1> -> vector<16xi32>
    %reduce_sum3A_1560 = vector.extract %reduce_sum3A_1559[15] : i32 from vector<16xi32>
    %multiple_of3A_1561 = tpu.assume_multiple %reduce_sum3A_1560, 128 : i32
    %dma_start3A_1562 = arith.constant 9 : i32
    %dma_start3A_1563 = arith.constant 9 : i32
    %dma_start3A_1564 = arith.constant 0 : i32
    %dma_start3A_1565 = arith.constant 0 : i32
    %dma_start3A_1566 = tpu.memref_slice %arg11[%dma_start3A_1562, %dma_start3A_1564, %dma_start3A_1565] : memref<14x32x128xf32, #tpu.memory_space<vmem>> -> memref<1x32x128xf32, #tpu.memory_space<vmem>>
    %dma_start3A_1567 = tpu.memref_squeeze %dma_start3A_1566 : memref<1x32x128xf32, #tpu.memory_space<vmem>> -> memref<32x128xf32, #tpu.memory_space<vmem>>
    %dma_start3A_1568 = arith.constant 0 : i32
    %dma_start3A_1569 = tpu.memref_slice %arg4[%dma_start3A_1568, %multiple_of3A_1548] : memref<32x1000000xf32, #tpu.memory_space<hbm>> -> memref<32x128xf32, #tpu.memory_space<hbm>>
    %dma_start3A_1570 = tpu.memref_slice %arg14[%dma_start3A_1563] : memref<14x!tpu.dma_semaphore, #tpu.memory_space<semaphore_mem>> -> memref<1x!tpu.dma_semaphore, #tpu.memory_space<semaphore_mem>>
    %dma_start3A_1571 = tpu.memref_squeeze %dma_start3A_1570 : memref<1x!tpu.dma_semaphore, #tpu.memory_space<semaphore_mem>> -> memref<!tpu.dma_semaphore, #tpu.memory_space<semaphore_mem>>
    %dma_start3A_1572 = arith.constant 0 : i32
    %dma_start3A_1573 = arith.constant 0 : i32
    %dma_start3A_1574 = tpu.memref_slice %arg11[%dma_start3A_1562, %dma_start3A_1572, %dma_start3A_1573] : memref<14x32x128xf32, #tpu.memory_space<vmem>> -> memref<1x32x128xf32, #tpu.memory_space<vmem>>
    %dma_start3A_1575 = tpu.memref_squeeze %dma_start3A_1574 : memref<1x32x128xf32, #tpu.memory_space<vmem>> -> memref<32x128xf32, #tpu.memory_space<vmem>>
    %dma_start3A_1576 = arith.constant 0 : i32
    %dma_start3A_1577 = tpu.memref_slice %arg4[%dma_start3A_1576, %multiple_of3A_1548] : memref<32x1000000xf32, #tpu.memory_space<hbm>> -> memref<32x128xf32, #tpu.memory_space<hbm>>
    tpu.enqueue_dma source(%dma_start3A_1577 : memref<32x128xf32, #tpu.memory_space<hbm>>) target(%dma_start3A_1575 : memref<32x128xf32, #tpu.memory_space<vmem>>) target_semaphore(%dma_start3A_1571 : memref<!tpu.dma_semaphore, #tpu.memory_space<semaphore_mem>>)
    %dma_start3A_1578 = arith.constant 9 : i32
    %dma_start3A_1579 = arith.constant 9 : i32
    %dma_start3A_1580 = arith.constant 0 : i32
    %dma_start3A_1581 = arith.constant 0 : i32
    %dma_start3A_1582 = tpu.memref_slice %arg12[%dma_start3A_1578, %dma_start3A_1580, %dma_start3A_1581] : memref<14x32x128xf32, #tpu.memory_space<vmem>> -> memref<1x32x128xf32, #tpu.memory_space<vmem>>
    %dma_start3A_1583 = tpu.memref_squeeze %dma_start3A_1582 : memref<1x32x128xf32, #tpu.memory_space<vmem>> -> memref<32x128xf32, #tpu.memory_space<vmem>>
    %dma_start3A_1584 = arith.constant 0 : i32
    %dma_start3A_1585 = tpu.memref_slice %arg5[%dma_start3A_1584, %multiple_of3A_1561] : memref<32x1000000xf32, #tpu.memory_space<hbm>> -> memref<32x128xf32, #tpu.memory_space<hbm>>
    %dma_start3A_1586 = tpu.memref_slice %arg14[%dma_start3A_1579] : memref<14x!tpu.dma_semaphore, #tpu.memory_space<semaphore_mem>> -> memref<1x!tpu.dma_semaphore, #tpu.memory_space<semaphore_mem>>
    %dma_start3A_1587 = tpu.memref_squeeze %dma_start3A_1586 : memref<1x!tpu.dma_semaphore, #tpu.memory_space<semaphore_mem>> -> memref<!tpu.dma_semaphore, #tpu.memory_space<semaphore_mem>>
    %dma_start3A_1588 = arith.constant 0 : i32
    %dma_start3A_1589 = arith.constant 0 : i32
    %dma_start3A_1590 = tpu.memref_slice %arg12[%dma_start3A_1578, %dma_start3A_1588, %dma_start3A_1589] : memref<14x32x128xf32, #tpu.memory_space<vmem>> -> memref<1x32x128xf32, #tpu.memory_space<vmem>>
    %dma_start3A_1591 = tpu.memref_squeeze %dma_start3A_1590 : memref<1x32x128xf32, #tpu.memory_space<vmem>> -> memref<32x128xf32, #tpu.memory_space<vmem>>
    %dma_start3A_1592 = arith.constant 0 : i32
    %dma_start3A_1593 = tpu.memref_slice %arg5[%dma_start3A_1592, %multiple_of3A_1561] : memref<32x1000000xf32, #tpu.memory_space<hbm>> -> memref<32x128xf32, #tpu.memory_space<hbm>>
    tpu.enqueue_dma source(%dma_start3A_1593 : memref<32x128xf32, #tpu.memory_space<hbm>>) target(%dma_start3A_1591 : memref<32x128xf32, #tpu.memory_space<vmem>>) target_semaphore(%dma_start3A_1587 : memref<!tpu.dma_semaphore, #tpu.memory_space<semaphore_mem>>)
    %get3A_1594 = arith.constant 0 : index
    %get3A_1595 = tpu.vector_load %arg7[%get3A_1594] {strides = array<i32>} : memref<512xi32, #tpu.memory_space<vmem>>, vector<16xi32>,
    %eq3A_1596 = arith.constant 10 : i32
    %eq3A_1597 = vector.broadcast %eq3A_1596 : i32 to vector<16xi32>
    %eq3A_1598 = arith.cmpi eq, %iota3A, %eq3A_1597 : vector<16xi32>
    %jit3A_1599 = arith.constant 0 : i32
    %broadcast_in_dim3A_1600 = vector.broadcast %jit3A_1599 : i32 to vector<16xi32>
    %select_n3A_1601 = arith.select %eq3A_1598, %get3A_1595, %broadcast_in_dim3A_1600 : vector<16xi1>, vector<16xi32>
    %reduce_sum3A_1602 = arith.constant true
    %reduce_sum3A_1603 = vector.broadcast %reduce_sum3A_1602 : i1 to vector<16xi1>
    %reduce_sum3A_1604 = tpu.scan <sum>, %select_n3A_1601 masked %reduce_sum3A_1603 : vector<16xi32>, vector<16xi1> -> vector<16xi32>
    %reduce_sum3A_1605 = vector.extract %reduce_sum3A_1604[15] : i32 from vector<16xi32>
    %multiple_of3A_1606 = tpu.assume_multiple %reduce_sum3A_1605, 128 : i32
    %get3A_1607 = arith.constant 0 : index
    %get3A_1608 = tpu.vector_load %arg8[%get3A_1607] {strides = array<i32>} : memref<512xi32, #tpu.memory_space<vmem>>, vector<16xi32>,
    %eq3A_1609 = arith.constant 10 : i32
    %eq3A_1610 = vector.broadcast %eq3A_1609 : i32 to vector<16xi32>
    %eq3A_1611 = arith.cmpi eq, %iota3A, %eq3A_1610 : vector<16xi32>
    %jit3A_1612 = arith.constant 0 : i32
    %broadcast_in_dim3A_1613 = vector.broadcast %jit3A_1612 : i32 to vector<16xi32>
    %select_n3A_1614 = arith.select %eq3A_1611, %get3A_1608, %broadcast_in_dim3A_1613 : vector<16xi1>, vector<16xi32>
    %reduce_sum3A_1615 = arith.constant true
    %reduce_sum3A_1616 = vector.broadcast %reduce_sum3A_1615 : i1 to vector<16xi1>
    %reduce_sum3A_1617 = tpu.scan <sum>, %select_n3A_1614 masked %reduce_sum3A_1616 : vector<16xi32>, vector<16xi1> -> vector<16xi32>
    %reduce_sum3A_1618 = vector.extract %reduce_sum3A_1617[15] : i32 from vector<16xi32>
    %multiple_of3A_1619 = tpu.assume_multiple %reduce_sum3A_1618, 128 : i32
    %dma_start3A_1620 = arith.constant 10 : i32
    %dma_start3A_1621 = arith.constant 10 : i32
    %dma_start3A_1622 = arith.constant 0 : i32
    %dma_start3A_1623 = arith.constant 0 : i32
    %dma_start3A_1624 = tpu.memref_slice %arg11[%dma_start3A_1620, %dma_start3A_1622, %dma_start3A_1623] : memref<14x32x128xf32, #tpu.memory_space<vmem>> -> memref<1x32x128xf32, #tpu.memory_space<vmem>>
    %dma_start3A_1625 = tpu.memref_squeeze %dma_start3A_1624 : memref<1x32x128xf32, #tpu.memory_space<vmem>> -> memref<32x128xf32, #tpu.memory_space<vmem>>
    %dma_start3A_1626 = arith.constant 0 : i32
    %dma_start3A_1627 = tpu.memref_slice %arg4[%dma_start3A_1626, %multiple_of3A_1606] : memref<32x1000000xf32, #tpu.memory_space<hbm>> -> memref<32x128xf32, #tpu.memory_space<hbm>>
    %dma_start3A_1628 = tpu.memref_slice %arg14[%dma_start3A_1621] : memref<14x!tpu.dma_semaphore, #tpu.memory_space<semaphore_mem>> -> memref<1x!tpu.dma_semaphore, #tpu.memory_space<semaphore_mem>>
    %dma_start3A_1629 = tpu.memref_squeeze %dma_start3A_1628 : memref<1x!tpu.dma_semaphore, #tpu.memory_space<semaphore_mem>> -> memref<!tpu.dma_semaphore, #tpu.memory_space<semaphore_mem>>
    %dma_start3A_1630 = arith.constant 0 : i32
    %dma_start3A_1631 = arith.constant 0 : i32
    %dma_start3A_1632 = tpu.memref_slice %arg11[%dma_start3A_1620, %dma_start3A_1630, %dma_start3A_1631] : memref<14x32x128xf32, #tpu.memory_space<vmem>> -> memref<1x32x128xf32, #tpu.memory_space<vmem>>
    %dma_start3A_1633 = tpu.memref_squeeze %dma_start3A_1632 : memref<1x32x128xf32, #tpu.memory_space<vmem>> -> memref<32x128xf32, #tpu.memory_space<vmem>>
    %dma_start3A_1634 = arith.constant 0 : i32
    %dma_start3A_1635 = tpu.memref_slice %arg4[%dma_start3A_1634, %multiple_of3A_1606] : memref<32x1000000xf32, #tpu.memory_space<hbm>> -> memref<32x128xf32, #tpu.memory_space<hbm>>
    tpu.enqueue_dma source(%dma_start3A_1635 : memref<32x128xf32, #tpu.memory_space<hbm>>) target(%dma_start3A_1633 : memref<32x128xf32, #tpu.memory_space<vmem>>) target_semaphore(%dma_start3A_1629 : memref<!tpu.dma_semaphore, #tpu.memory_space<semaphore_mem>>)
    %dma_start3A_1636 = arith.constant 10 : i32
    %dma_start3A_1637 = arith.constant 10 : i32
    %dma_start3A_1638 = arith.constant 0 : i32
    %dma_start3A_1639 = arith.constant 0 : i32
    %dma_start3A_1640 = tpu.memref_slice %arg12[%dma_start3A_1636, %dma_start3A_1638, %dma_start3A_1639] : memref<14x32x128xf32, #tpu.memory_space<vmem>> -> memref<1x32x128xf32, #tpu.memory_space<vmem>>
    %dma_start3A_1641 = tpu.memref_squeeze %dma_start3A_1640 : memref<1x32x128xf32, #tpu.memory_space<vmem>> -> memref<32x128xf32, #tpu.memory_space<vmem>>
    %dma_start3A_1642 = arith.constant 0 : i32
    %dma_start3A_1643 = tpu.memref_slice %arg5[%dma_start3A_1642, %multiple_of3A_1619] : memref<32x1000000xf32, #tpu.memory_space<hbm>> -> memref<32x128xf32, #tpu.memory_space<hbm>>
    %dma_start3A_1644 = tpu.memref_slice %arg14[%dma_start3A_1637] : memref<14x!tpu.dma_semaphore, #tpu.memory_space<semaphore_mem>> -> memref<1x!tpu.dma_semaphore, #tpu.memory_space<semaphore_mem>>
    %dma_start3A_1645 = tpu.memref_squeeze %dma_start3A_1644 : memref<1x!tpu.dma_semaphore, #tpu.memory_space<semaphore_mem>> -> memref<!tpu.dma_semaphore, #tpu.memory_space<semaphore_mem>>
    %dma_start3A_1646 = arith.constant 0 : i32
    %dma_start3A_1647 = arith.constant 0 : i32
    %dma_start3A_1648 = tpu.memref_slice %arg12[%dma_start3A_1636, %dma_start3A_1646, %dma_start3A_1647] : memref<14x32x128xf32, #tpu.memory_space<vmem>> -> memref<1x32x128xf32, #tpu.memory_space<vmem>>
    %dma_start3A_1649 = tpu.memref_squeeze %dma_start3A_1648 : memref<1x32x128xf32, #tpu.memory_space<vmem>> -> memref<32x128xf32, #tpu.memory_space<vmem>>
    %dma_start3A_1650 = arith.constant 0 : i32
    %dma_start3A_1651 = tpu.memref_slice %arg5[%dma_start3A_1650, %multiple_of3A_1619] : memref<32x1000000xf32, #tpu.memory_space<hbm>> -> memref<32x128xf32, #tpu.memory_space<hbm>>
    tpu.enqueue_dma source(%dma_start3A_1651 : memref<32x128xf32, #tpu.memory_space<hbm>>) target(%dma_start3A_1649 : memref<32x128xf32, #tpu.memory_space<vmem>>) target_semaphore(%dma_start3A_1645 : memref<!tpu.dma_semaphore, #tpu.memory_space<semaphore_mem>>)
    %get3A_1652 = arith.constant 0 : index
    %get3A_1653 = tpu.vector_load %arg7[%get3A_1652] {strides = array<i32>} : memref<512xi32, #tpu.memory_space<vmem>>, vector<16xi32>,
    %eq3A_1654 = arith.constant 11 : i32
    %eq3A_1655 = vector.broadcast %eq3A_1654 : i32 to vector<16xi32>
    %eq3A_1656 = arith.cmpi eq, %iota3A, %eq3A_1655 : vector<16xi32>
    %jit3A_1657 = arith.constant 0 : i32
    %broadcast_in_dim3A_1658 = vector.broadcast %jit3A_1657 : i32 to vector<16xi32>
    %select_n3A_1659 = arith.select %eq3A_1656, %get3A_1653, %broadcast_in_dim3A_1658 : vector<16xi1>, vector<16xi32>
    %reduce_sum3A_1660 = arith.constant true
    %reduce_sum3A_1661 = vector.broadcast %reduce_sum3A_1660 : i1 to vector<16xi1>
    %reduce_sum3A_1662 = tpu.scan <sum>, %select_n3A_1659 masked %reduce_sum3A_1661 : vector<16xi32>, vector<16xi1> -> vector<16xi32>
    %reduce_sum3A_1663 = vector.extract %reduce_sum3A_1662[15] : i32 from vector<16xi32>
    %multiple_of3A_1664 = tpu.assume_multiple %reduce_sum3A_1663, 128 : i32
    %get3A_1665 = arith.constant 0 : index
    %get3A_1666 = tpu.vector_load %arg8[%get3A_1665] {strides = array<i32>} : memref<512xi32, #tpu.memory_space<vmem>>, vector<16xi32>,
    %eq3A_1667 = arith.constant 11 : i32
    %eq3A_1668 = vector.broadcast %eq3A_1667 : i32 to vector<16xi32>
    %eq3A_1669 = arith.cmpi eq, %iota3A, %eq3A_1668 : vector<16xi32>
    %jit3A_1670 = arith.constant 0 : i32
    %broadcast_in_dim3A_1671 = vector.broadcast %jit3A_1670 : i32 to vector<16xi32>
    %select_n3A_1672 = arith.select %eq3A_1669, %get3A_1666, %broadcast_in_dim3A_1671 : vector<16xi1>, vector<16xi32>
    %reduce_sum3A_1673 = arith.constant true
    %reduce_sum3A_1674 = vector.broadcast %reduce_sum3A_1673 : i1 to vector<16xi1>
    %reduce_sum3A_1675 = tpu.scan <sum>, %select_n3A_1672 masked %reduce_sum3A_1674 : vector<16xi32>, vector<16xi1> -> vector<16xi32>
    %reduce_sum3A_1676 = vector.extract %reduce_sum3A_1675[15] : i32 from vector<16xi32>
    %multiple_of3A_1677 = tpu.assume_multiple %reduce_sum3A_1676, 128 : i32
    %dma_start3A_1678 = arith.constant 11 : i32
    %dma_start3A_1679 = arith.constant 11 : i32
    %dma_start3A_1680 = arith.constant 0 : i32
    %dma_start3A_1681 = arith.constant 0 : i32
    %dma_start3A_1682 = tpu.memref_slice %arg11[%dma_start3A_1678, %dma_start3A_1680, %dma_start3A_1681] : memref<14x32x128xf32, #tpu.memory_space<vmem>> -> memref<1x32x128xf32, #tpu.memory_space<vmem>>
    %dma_start3A_1683 = tpu.memref_squeeze %dma_start3A_1682 : memref<1x32x128xf32, #tpu.memory_space<vmem>> -> memref<32x128xf32, #tpu.memory_space<vmem>>
    %dma_start3A_1684 = arith.constant 0 : i32
    %dma_start3A_1685 = tpu.memref_slice %arg4[%dma_start3A_1684, %multiple_of3A_1664] : memref<32x1000000xf32, #tpu.memory_space<hbm>> -> memref<32x128xf32, #tpu.memory_space<hbm>>
    %dma_start3A_1686 = tpu.memref_slice %arg14[%dma_start3A_1679] : memref<14x!tpu.dma_semaphore, #tpu.memory_space<semaphore_mem>> -> memref<1x!tpu.dma_semaphore, #tpu.memory_space<semaphore_mem>>
    %dma_start3A_1687 = tpu.memref_squeeze %dma_start3A_1686 : memref<1x!tpu.dma_semaphore, #tpu.memory_space<semaphore_mem>> -> memref<!tpu.dma_semaphore, #tpu.memory_space<semaphore_mem>>
    %dma_start3A_1688 = arith.constant 0 : i32
    %dma_start3A_1689 = arith.constant 0 : i32
    %dma_start3A_1690 = tpu.memref_slice %arg11[%dma_start3A_1678, %dma_start3A_1688, %dma_start3A_1689] : memref<14x32x128xf32, #tpu.memory_space<vmem>> -> memref<1x32x128xf32, #tpu.memory_space<vmem>>
    %dma_start3A_1691 = tpu.memref_squeeze %dma_start3A_1690 : memref<1x32x128xf32, #tpu.memory_space<vmem>> -> memref<32x128xf32, #tpu.memory_space<vmem>>
    %dma_start3A_1692 = arith.constant 0 : i32
    %dma_start3A_1693 = tpu.memref_slice %arg4[%dma_start3A_1692, %multiple_of3A_1664] : memref<32x1000000xf32, #tpu.memory_space<hbm>> -> memref<32x128xf32, #tpu.memory_space<hbm>>
    tpu.enqueue_dma source(%dma_start3A_1693 : memref<32x128xf32, #tpu.memory_space<hbm>>) target(%dma_start3A_1691 : memref<32x128xf32, #tpu.memory_space<vmem>>) target_semaphore(%dma_start3A_1687 : memref<!tpu.dma_semaphore, #tpu.memory_space<semaphore_mem>>)
    %dma_start3A_1694 = arith.constant 11 : i32
    %dma_start3A_1695 = arith.constant 11 : i32
    %dma_start3A_1696 = arith.constant 0 : i32
    %dma_start3A_1697 = arith.constant 0 : i32
    %dma_start3A_1698 = tpu.memref_slice %arg12[%dma_start3A_1694, %dma_start3A_1696, %dma_start3A_1697] : memref<14x32x128xf32, #tpu.memory_space<vmem>> -> memref<1x32x128xf32, #tpu.memory_space<vmem>>
    %dma_start3A_1699 = tpu.memref_squeeze %dma_start3A_1698 : memref<1x32x128xf32, #tpu.memory_space<vmem>> -> memref<32x128xf32, #tpu.memory_space<vmem>>
    %dma_start3A_1700 = arith.constant 0 : i32
    %dma_start3A_1701 = tpu.memref_slice %arg5[%dma_start3A_1700, %multiple_of3A_1677] : memref<32x1000000xf32, #tpu.memory_space<hbm>> -> memref<32x128xf32, #tpu.memory_space<hbm>>
    %dma_start3A_1702 = tpu.memref_slice %arg14[%dma_start3A_1695] : memref<14x!tpu.dma_semaphore, #tpu.memory_space<semaphore_mem>> -> memref<1x!tpu.dma_semaphore, #tpu.memory_space<semaphore_mem>>
    %dma_start3A_1703 = tpu.memref_squeeze %dma_start3A_1702 : memref<1x!tpu.dma_semaphore, #tpu.memory_space<semaphore_mem>> -> memref<!tpu.dma_semaphore, #tpu.memory_space<semaphore_mem>>
    %dma_start3A_1704 = arith.constant 0 : i32
    %dma_start3A_1705 = arith.constant 0 : i32
    %dma_start3A_1706 = tpu.memref_slice %arg12[%dma_start3A_1694, %dma_start3A_1704, %dma_start3A_1705] : memref<14x32x128xf32, #tpu.memory_space<vmem>> -> memref<1x32x128xf32, #tpu.memory_space<vmem>>
    %dma_start3A_1707 = tpu.memref_squeeze %dma_start3A_1706 : memref<1x32x128xf32, #tpu.memory_space<vmem>> -> memref<32x128xf32, #tpu.memory_space<vmem>>
    %dma_start3A_1708 = arith.constant 0 : i32
    %dma_start3A_1709 = tpu.memref_slice %arg5[%dma_start3A_1708, %multiple_of3A_1677] : memref<32x1000000xf32, #tpu.memory_space<hbm>> -> memref<32x128xf32, #tpu.memory_space<hbm>>
    tpu.enqueue_dma source(%dma_start3A_1709 : memref<32x128xf32, #tpu.memory_space<hbm>>) target(%dma_start3A_1707 : memref<32x128xf32, #tpu.memory_space<vmem>>) target_semaphore(%dma_start3A_1703 : memref<!tpu.dma_semaphore, #tpu.memory_space<semaphore_mem>>)
    %get3A_1710 = arith.constant 0 : index
    %get3A_1711 = tpu.vector_load %arg7[%get3A_1710] {strides = array<i32>} : memref<512xi32, #tpu.memory_space<vmem>>, vector<16xi32>,
    %eq3A_1712 = arith.constant 12 : i32
    %eq3A_1713 = vector.broadcast %eq3A_1712 : i32 to vector<16xi32>
    %eq3A_1714 = arith.cmpi eq, %iota3A, %eq3A_1713 : vector<16xi32>
    %jit3A_1715 = arith.constant 0 : i32
    %broadcast_in_dim3A_1716 = vector.broadcast %jit3A_1715 : i32 to vector<16xi32>
    %select_n3A_1717 = arith.select %eq3A_1714, %get3A_1711, %broadcast_in_dim3A_1716 : vector<16xi1>, vector<16xi32>
    %reduce_sum3A_1718 = arith.constant true
    %reduce_sum3A_1719 = vector.broadcast %reduce_sum3A_1718 : i1 to vector<16xi1>
    %reduce_sum3A_1720 = tpu.scan <sum>, %select_n3A_1717 masked %reduce_sum3A_1719 : vector<16xi32>, vector<16xi1> -> vector<16xi32>
    %reduce_sum3A_1721 = vector.extract %reduce_sum3A_1720[15] : i32 from vector<16xi32>
    %multiple_of3A_1722 = tpu.assume_multiple %reduce_sum3A_1721, 128 : i32
    %get3A_1723 = arith.constant 0 : index
    %get3A_1724 = tpu.vector_load %arg8[%get3A_1723] {strides = array<i32>} : memref<512xi32, #tpu.memory_space<vmem>>, vector<16xi32>,
    %eq3A_1725 = arith.constant 12 : i32
    %eq3A_1726 = vector.broadcast %eq3A_1725 : i32 to vector<16xi32>
    %eq3A_1727 = arith.cmpi eq, %iota3A, %eq3A_1726 : vector<16xi32>
    %jit3A_1728 = arith.constant 0 : i32
    %broadcast_in_dim3A_1729 = vector.broadcast %jit3A_1728 : i32 to vector<16xi32>
    %select_n3A_1730 = arith.select %eq3A_1727, %get3A_1724, %broadcast_in_dim3A_1729 : vector<16xi1>, vector<16xi32>
    %reduce_sum3A_1731 = arith.constant true
    %reduce_sum3A_1732 = vector.broadcast %reduce_sum3A_1731 : i1 to vector<16xi1>
    %reduce_sum3A_1733 = tpu.scan <sum>, %select_n3A_1730 masked %reduce_sum3A_1732 : vector<16xi32>, vector<16xi1> -> vector<16xi32>
    %reduce_sum3A_1734 = vector.extract %reduce_sum3A_1733[15] : i32 from vector<16xi32>
    %multiple_of3A_1735 = tpu.assume_multiple %reduce_sum3A_1734, 128 : i32
    %dma_start3A_1736 = arith.constant 12 : i32
    %dma_start3A_1737 = arith.constant 12 : i32
    %dma_start3A_1738 = arith.constant 0 : i32
    %dma_start3A_1739 = arith.constant 0 : i32
    %dma_start3A_1740 = tpu.memref_slice %arg11[%dma_start3A_1736, %dma_start3A_1738, %dma_start3A_1739] : memref<14x32x128xf32, #tpu.memory_space<vmem>> -> memref<1x32x128xf32, #tpu.memory_space<vmem>>
    %dma_start3A_1741 = tpu.memref_squeeze %dma_start3A_1740 : memref<1x32x128xf32, #tpu.memory_space<vmem>> -> memref<32x128xf32, #tpu.memory_space<vmem>>
    %dma_start3A_1742 = arith.constant 0 : i32
    %dma_start3A_1743 = tpu.memref_slice %arg4[%dma_start3A_1742, %multiple_of3A_1722] : memref<32x1000000xf32, #tpu.memory_space<hbm>> -> memref<32x128xf32, #tpu.memory_space<hbm>>
    %dma_start3A_1744 = tpu.memref_slice %arg14[%dma_start3A_1737] : memref<14x!tpu.dma_semaphore, #tpu.memory_space<semaphore_mem>> -> memref<1x!tpu.dma_semaphore, #tpu.memory_space<semaphore_mem>>
    %dma_start3A_1745 = tpu.memref_squeeze %dma_start3A_1744 : memref<1x!tpu.dma_semaphore, #tpu.memory_space<semaphore_mem>> -> memref<!tpu.dma_semaphore, #tpu.memory_space<semaphore_mem>>
    %dma_start3A_1746 = arith.constant 0 : i32
    %dma_start3A_1747 = arith.constant 0 : i32
    %dma_start3A_1748 = tpu.memref_slice %arg11[%dma_start3A_1736, %dma_start3A_1746, %dma_start3A_1747] : memref<14x32x128xf32, #tpu.memory_space<vmem>> -> memref<1x32x128xf32, #tpu.memory_space<vmem>>
    %dma_start3A_1749 = tpu.memref_squeeze %dma_start3A_1748 : memref<1x32x128xf32, #tpu.memory_space<vmem>> -> memref<32x128xf32, #tpu.memory_space<vmem>>
    %dma_start3A_1750 = arith.constant 0 : i32
    %dma_start3A_1751 = tpu.memref_slice %arg4[%dma_start3A_1750, %multiple_of3A_1722] : memref<32x1000000xf32, #tpu.memory_space<hbm>> -> memref<32x128xf32, #tpu.memory_space<hbm>>
    tpu.enqueue_dma source(%dma_start3A_1751 : memref<32x128xf32, #tpu.memory_space<hbm>>) target(%dma_start3A_1749 : memref<32x128xf32, #tpu.memory_space<vmem>>) target_semaphore(%dma_start3A_1745 : memref<!tpu.dma_semaphore, #tpu.memory_space<semaphore_mem>>)
    %dma_start3A_1752 = arith.constant 12 : i32
    %dma_start3A_1753 = arith.constant 12 : i32
    %dma_start3A_1754 = arith.constant 0 : i32
    %dma_start3A_1755 = arith.constant 0 : i32
    %dma_start3A_1756 = tpu.memref_slice %arg12[%dma_start3A_1752, %dma_start3A_1754, %dma_start3A_1755] : memref<14x32x128xf32, #tpu.memory_space<vmem>> -> memref<1x32x128xf32, #tpu.memory_space<vmem>>
    %dma_start3A_1757 = tpu.memref_squeeze %dma_start3A_1756 : memref<1x32x128xf32, #tpu.memory_space<vmem>> -> memref<32x128xf32, #tpu.memory_space<vmem>>
    %dma_start3A_1758 = arith.constant 0 : i32
    %dma_start3A_1759 = tpu.memref_slice %arg5[%dma_start3A_1758, %multiple_of3A_1735] : memref<32x1000000xf32, #tpu.memory_space<hbm>> -> memref<32x128xf32, #tpu.memory_space<hbm>>
    %dma_start3A_1760 = tpu.memref_slice %arg14[%dma_start3A_1753] : memref<14x!tpu.dma_semaphore, #tpu.memory_space<semaphore_mem>> -> memref<1x!tpu.dma_semaphore, #tpu.memory_space<semaphore_mem>>
    %dma_start3A_1761 = tpu.memref_squeeze %dma_start3A_1760 : memref<1x!tpu.dma_semaphore, #tpu.memory_space<semaphore_mem>> -> memref<!tpu.dma_semaphore, #tpu.memory_space<semaphore_mem>>
    %dma_start3A_1762 = arith.constant 0 : i32
    %dma_start3A_1763 = arith.constant 0 : i32
    %dma_start3A_1764 = tpu.memref_slice %arg12[%dma_start3A_1752, %dma_start3A_1762, %dma_start3A_1763] : memref<14x32x128xf32, #tpu.memory_space<vmem>> -> memref<1x32x128xf32, #tpu.memory_space<vmem>>
    %dma_start3A_1765 = tpu.memref_squeeze %dma_start3A_1764 : memref<1x32x128xf32, #tpu.memory_space<vmem>> -> memref<32x128xf32, #tpu.memory_space<vmem>>
    %dma_start3A_1766 = arith.constant 0 : i32
    %dma_start3A_1767 = tpu.memref_slice %arg5[%dma_start3A_1766, %multiple_of3A_1735] : memref<32x1000000xf32, #tpu.memory_space<hbm>> -> memref<32x128xf32, #tpu.memory_space<hbm>>
    tpu.enqueue_dma source(%dma_start3A_1767 : memref<32x128xf32, #tpu.memory_space<hbm>>) target(%dma_start3A_1765 : memref<32x128xf32, #tpu.memory_space<vmem>>) target_semaphore(%dma_start3A_1761 : memref<!tpu.dma_semaphore, #tpu.memory_space<semaphore_mem>>)
    %scan3A = arith.constant 0 : i32
    %scan3A_1768 = arith.constant 0 : i32
    %scan3A_1769 = arith.constant 32 : i32
    %scan3A_1770 = arith.addi %scan3A_1768, %scan3A_1769 : i32
    %scan3A_1771 = arith.constant 1 : i32
    scf.for %scan3A_1773 = %scan3A_1768 to %scan3A_1770 step %scan3A_1771  : i32 {
      %mul3A_1774 = arith.constant 16 : i32
      %mul3A_1775 = arith.muli %scan3A_1773, %mul3A_1774 : i32
      %get3A_1776 = arith.index_cast %mul3A_1775 : i32 to index
      %get3A_1777 = tpu.vector_load %arg7[%get3A_1776] {strides = array<i32>} : memref<512xi32, #tpu.memory_space<vmem>>, vector<16xi32>,
      %get3A_1778 = arith.index_cast %mul3A_1775 : i32 to index
      %get3A_1779 = tpu.vector_load %arg8[%get3A_1778] {strides = array<i32>} : memref<512xi32, #tpu.memory_space<vmem>>, vector<16xi32>,
      %get3A_1780 = arith.index_cast %mul3A_1775 : i32 to index
      %get3A_1781 = tpu.vector_load %arg9[%get3A_1780] {strides = array<i32>} : memref<512xi32, #tpu.memory_space<vmem>>, vector<16xi32>,
      %get3A_1782 = arith.index_cast %mul3A_1775 : i32 to index
      %get3A_1783 = tpu.vector_load %arg10[%get3A_1782] {strides = array<i32>} : memref<512xi32, #tpu.memory_space<vmem>>, vector<16xi32>,
      %add3A_1784 = arith.constant 1 : i32
      %add3A_1785 = arith.addi %scan3A_1773, %add3A_1784 : i32
      %min3A_1786 = arith.constant 31 : i32
      %min3A_1787 = arith.minsi %add3A_1785, %min3A_1786 : i32
      %mul3A_1788 = arith.constant 16 : i32
      %mul3A_1789 = arith.muli %min3A_1787, %mul3A_1788 : i32
      %get3A_1790 = arith.index_cast %mul3A_1789 : i32 to index
      %get3A_1791 = tpu.vector_load %arg7[%get3A_1790] {strides = array<i32>} : memref<512xi32, #tpu.memory_space<vmem>>, vector<16xi32>,
      %get3A_1792 = arith.index_cast %mul3A_1789 : i32 to index
      %get3A_1793 = tpu.vector_load %arg8[%get3A_1792] {strides = array<i32>} : memref<512xi32, #tpu.memory_space<vmem>>, vector<16xi32>,
      %add3A_1794 = arith.constant 0 : i32
      %add3A_1795 = arith.addi %mul3A_1775, %add3A_1794 : i32
      %add3A_1796 = arith.constant 13 : i32
      %add3A_1797 = arith.addi %add3A_1795, %add3A_1796 : i32
      %lt3A = arith.constant 512 : i32
      %lt3A_1798 = arith.cmpi slt, %add3A_1797, %lt3A : i32
      %convert_element_type3A = arith.extui %lt3A_1798 : i1 to i32
      %cond3A = arith.constant 0 : i32
      %cond3A_1799 = arith.cmpi ne, %convert_element_type3A, %cond3A : i32
      scf.if %cond3A_1799 {
        %slice3A_2938 = vector.extract_strided_slice %get3A_1777 {offsets = [13], sizes = [1], strides = [1]} : vector<16xi32> to vector<1xi32>
        %squeeze3A_2939 = vector.extract %slice3A_2938[0] : i32 from vector<1xi32>
        %multiple_of3A_2940 = tpu.assume_multiple %squeeze3A_2939, 128 : i32
        %slice3A_2941 = vector.extract_strided_slice %get3A_1779 {offsets = [13], sizes = [1], strides = [1]} : vector<16xi32> to vector<1xi32>
        %squeeze3A_2942 = vector.extract %slice3A_2941[0] : i32 from vector<1xi32>
        %multiple_of3A_2943 = tpu.assume_multiple %squeeze3A_2942, 128 : i32
        %add3A_2944 = arith.constant 13 : i32
        %add3A_2945 = arith.addi %add3A_1795, %add3A_2944 : i32
        %rem3A_2946 = arith.constant 14 : i32
        %rem3A_2947 = arith.remsi %add3A_2945, %rem3A_2946 : i32
        %dma_start3A_2948 = arith.constant 0 : i32
        %dma_start3A_2949 = arith.constant 0 : i32
        %dma_start3A_2950 = tpu.memref_slice %arg11[%rem3A_2947, %dma_start3A_2948, %dma_start3A_2949] : memref<14x32x128xf32, #tpu.memory_space<vmem>> -> memref<1x32x128xf32, #tpu.memory_space<vmem>>
        %dma_start3A_2951 = tpu.memref_squeeze %dma_start3A_2950 : memref<1x32x128xf32, #tpu.memory_space<vmem>> -> memref<32x128xf32, #tpu.memory_space<vmem>>
        %dma_start3A_2952 = arith.constant 0 : i32
        %dma_start3A_2953 = tpu.memref_slice %arg4[%dma_start3A_2952, %multiple_of3A_2940] : memref<32x1000000xf32, #tpu.memory_space<hbm>> -> memref<32x128xf32, #tpu.memory_space<hbm>>
        %dma_start3A_2954 = tpu.memref_slice %arg14[%rem3A_2947] : memref<14x!tpu.dma_semaphore, #tpu.memory_space<semaphore_mem>> -> memref<1x!tpu.dma_semaphore, #tpu.memory_space<semaphore_mem>>
        %dma_start3A_2955 = tpu.memref_squeeze %dma_start3A_2954 : memref<1x!tpu.dma_semaphore, #tpu.memory_space<semaphore_mem>> -> memref<!tpu.dma_semaphore, #tpu.memory_space<semaphore_mem>>
        %dma_start3A_2956 = arith.constant 0 : i32
        %dma_start3A_2957 = arith.constant 0 : i32
        %dma_start3A_2958 = tpu.memref_slice %arg11[%rem3A_2947, %dma_start3A_2956, %dma_start3A_2957] : memref<14x32x128xf32, #tpu.memory_space<vmem>> -> memref<1x32x128xf32, #tpu.memory_space<vmem>>
        %dma_start3A_2959 = tpu.memref_squeeze %dma_start3A_2958 : memref<1x32x128xf32, #tpu.memory_space<vmem>> -> memref<32x128xf32, #tpu.memory_space<vmem>>
        %dma_start3A_2960 = arith.constant 0 : i32
        %dma_start3A_2961 = tpu.memref_slice %arg4[%dma_start3A_2960, %multiple_of3A_2940] : memref<32x1000000xf32, #tpu.memory_space<hbm>> -> memref<32x128xf32, #tpu.memory_space<hbm>>
        tpu.enqueue_dma source(%dma_start3A_2961 : memref<32x128xf32, #tpu.memory_space<hbm>>) target(%dma_start3A_2959 : memref<32x128xf32, #tpu.memory_space<vmem>>) target_semaphore(%dma_start3A_2955 : memref<!tpu.dma_semaphore, #tpu.memory_space<semaphore_mem>>)
        %dma_start3A_2962 = arith.constant 0 : i32
        %dma_start3A_2963 = arith.constant 0 : i32
        %dma_start3A_2964 = tpu.memref_slice %arg12[%rem3A_2947, %dma_start3A_2962, %dma_start3A_2963] : memref<14x32x128xf32, #tpu.memory_space<vmem>> -> memref<1x32x128xf32, #tpu.memory_space<vmem>>
        %dma_start3A_2965 = tpu.memref_squeeze %dma_start3A_2964 : memref<1x32x128xf32, #tpu.memory_space<vmem>> -> memref<32x128xf32, #tpu.memory_space<vmem>>
        %dma_start3A_2966 = arith.constant 0 : i32
        %dma_start3A_2967 = tpu.memref_slice %arg5[%dma_start3A_2966, %multiple_of3A_2943] : memref<32x1000000xf32, #tpu.memory_space<hbm>> -> memref<32x128xf32, #tpu.memory_space<hbm>>
        %dma_start3A_2968 = tpu.memref_slice %arg14[%rem3A_2947] : memref<14x!tpu.dma_semaphore, #tpu.memory_space<semaphore_mem>> -> memref<1x!tpu.dma_semaphore, #tpu.memory_space<semaphore_mem>>
        %dma_start3A_2969 = tpu.memref_squeeze %dma_start3A_2968 : memref<1x!tpu.dma_semaphore, #tpu.memory_space<semaphore_mem>> -> memref<!tpu.dma_semaphore, #tpu.memory_space<semaphore_mem>>
        %dma_start3A_2970 = arith.constant 0 : i32
        %dma_start3A_2971 = arith.constant 0 : i32
        %dma_start3A_2972 = tpu.memref_slice %arg12[%rem3A_2947, %dma_start3A_2970, %dma_start3A_2971] : memref<14x32x128xf32, #tpu.memory_space<vmem>> -> memref<1x32x128xf32, #tpu.memory_space<vmem>>
        %dma_start3A_2973 = tpu.memref_squeeze %dma_start3A_2972 : memref<1x32x128xf32, #tpu.memory_space<vmem>> -> memref<32x128xf32, #tpu.memory_space<vmem>>
        %dma_start3A_2974 = arith.constant 0 : i32
        %dma_start3A_2975 = tpu.memref_slice %arg5[%dma_start3A_2974, %multiple_of3A_2943] : memref<32x1000000xf32, #tpu.memory_space<hbm>> -> memref<32x128xf32, #tpu.memory_space<hbm>>
        tpu.enqueue_dma source(%dma_start3A_2975 : memref<32x128xf32, #tpu.memory_space<hbm>>) target(%dma_start3A_2973 : memref<32x128xf32, #tpu.memory_space<vmem>>) target_semaphore(%dma_start3A_2969 : memref<!tpu.dma_semaphore, #tpu.memory_space<semaphore_mem>>)
      } else {
      }
      %rem3A = arith.constant 14 : i32
      %rem3A_1800 = arith.remsi %add3A_1795, %rem3A : i32
      %dma_wait3A = arith.constant 0 : i32
      %dma_wait3A_1801 = arith.constant 0 : i32
      %dma_wait3A_1802 = tpu.memref_slice %arg11[%rem3A_1800, %dma_wait3A, %dma_wait3A_1801] : memref<14x32x128xf32, #tpu.memory_space<vmem>> -> memref<1x32x128xf32, #tpu.memory_space<vmem>>
      %dma_wait3A_1803 = tpu.memref_squeeze %dma_wait3A_1802 : memref<1x32x128xf32, #tpu.memory_space<vmem>> -> memref<32x128xf32, #tpu.memory_space<vmem>>
      %dma_wait3A_1804 = arith.constant 0 : i32
      %dma_wait3A_1805 = arith.constant 0 : i32
      %dma_wait3A_1806 = tpu.memref_slice %arg4[%dma_wait3A_1804, %dma_wait3A_1805] : memref<32x1000000xf32, #tpu.memory_space<hbm>> -> memref<32x128xf32, #tpu.memory_space<hbm>>
      %dma_wait3A_1807 = tpu.memref_slice %arg14[%rem3A_1800] : memref<14x!tpu.dma_semaphore, #tpu.memory_space<semaphore_mem>> -> memref<1x!tpu.dma_semaphore, #tpu.memory_space<semaphore_mem>>
      %dma_wait3A_1808 = tpu.memref_squeeze %dma_wait3A_1807 : memref<1x!tpu.dma_semaphore, #tpu.memory_space<semaphore_mem>> -> memref<!tpu.dma_semaphore, #tpu.memory_space<semaphore_mem>>
      %dma_wait3A_1809 = arith.constant 0 : i32
      %dma_wait3A_1810 = arith.constant 0 : i32
      %dma_wait3A_1811 = tpu.memref_slice %arg11[%rem3A_1800, %dma_wait3A_1809, %dma_wait3A_1810] : memref<14x32x128xf32, #tpu.memory_space<vmem>> -> memref<1x32x128xf32, #tpu.memory_space<vmem>>
      %dma_wait3A_1812 = tpu.memref_squeeze %dma_wait3A_1811 : memref<1x32x128xf32, #tpu.memory_space<vmem>> -> memref<32x128xf32, #tpu.memory_space<vmem>>
      %dma_wait3A_1813 = arith.constant 0 : i32
      %dma_wait3A_1814 = arith.constant 0 : i32
      %dma_wait3A_1815 = tpu.memref_slice %arg4[%dma_wait3A_1813, %dma_wait3A_1814] : memref<32x1000000xf32, #tpu.memory_space<hbm>> -> memref<32x128xf32, #tpu.memory_space<hbm>>
      tpu.wait_dma2 semaphore(%dma_wait3A_1808 : memref<!tpu.dma_semaphore, #tpu.memory_space<semaphore_mem>>) src(%dma_wait3A_1815 : memref<32x128xf32, #tpu.memory_space<hbm>>) dst(%dma_wait3A_1812 : memref<32x128xf32, #tpu.memory_space<vmem>>)
      %dma_wait3A_1816 = arith.constant 0 : i32
      %dma_wait3A_1817 = arith.constant 0 : i32
      %dma_wait3A_1818 = tpu.memref_slice %arg12[%rem3A_1800, %dma_wait3A_1816, %dma_wait3A_1817] : memref<14x32x128xf32, #tpu.memory_space<vmem>> -> memref<1x32x128xf32, #tpu.memory_space<vmem>>
      %dma_wait3A_1819 = tpu.memref_squeeze %dma_wait3A_1818 : memref<1x32x128xf32, #tpu.memory_space<vmem>> -> memref<32x128xf32, #tpu.memory_space<vmem>>
      %dma_wait3A_1820 = arith.constant 0 : i32
      %dma_wait3A_1821 = arith.constant 0 : i32
      %dma_wait3A_1822 = tpu.memref_slice %arg5[%dma_wait3A_1820, %dma_wait3A_1821] : memref<32x1000000xf32, #tpu.memory_space<hbm>> -> memref<32x128xf32, #tpu.memory_space<hbm>>
      %dma_wait3A_1823 = tpu.memref_slice %arg14[%rem3A_1800] : memref<14x!tpu.dma_semaphore, #tpu.memory_space<semaphore_mem>> -> memref<1x!tpu.dma_semaphore, #tpu.memory_space<semaphore_mem>>
      %dma_wait3A_1824 = tpu.memref_squeeze %dma_wait3A_1823 : memref<1x!tpu.dma_semaphore, #tpu.memory_space<semaphore_mem>> -> memref<!tpu.dma_semaphore, #tpu.memory_space<semaphore_mem>>
      %dma_wait3A_1825 = arith.constant 0 : i32
      %dma_wait3A_1826 = arith.constant 0 : i32
      %dma_wait3A_1827 = tpu.memref_slice %arg12[%rem3A_1800, %dma_wait3A_1825, %dma_wait3A_1826] : memref<14x32x128xf32, #tpu.memory_space<vmem>> -> memref<1x32x128xf32, #tpu.memory_space<vmem>>
      %dma_wait3A_1828 = tpu.memref_squeeze %dma_wait3A_1827 : memref<1x32x128xf32, #tpu.memory_space<vmem>> -> memref<32x128xf32, #tpu.memory_space<vmem>>
      %dma_wait3A_1829 = arith.constant 0 : i32
      %dma_wait3A_1830 = arith.constant 0 : i32
      %dma_wait3A_1831 = tpu.memref_slice %arg5[%dma_wait3A_1829, %dma_wait3A_1830] : memref<32x1000000xf32, #tpu.memory_space<hbm>> -> memref<32x128xf32, #tpu.memory_space<hbm>>
      tpu.wait_dma2 semaphore(%dma_wait3A_1824 : memref<!tpu.dma_semaphore, #tpu.memory_space<semaphore_mem>>) src(%dma_wait3A_1831 : memref<32x128xf32, #tpu.memory_space<hbm>>) dst(%dma_wait3A_1828 : memref<32x128xf32, #tpu.memory_space<vmem>>)
      %slice3A = vector.extract_strided_slice %get3A_1781 {offsets = [0], sizes = [1], strides = [1]} : vector<16xi32> to vector<1xi32>
      %squeeze3A = vector.extract %slice3A[0] : i32 from vector<1xi32>
      %broadcast_in_dim3A_1832 = vector.broadcast %squeeze3A : i32 to vector<16xi32>
      %slice3A_1833 = vector.extract_strided_slice %get3A_1783 {offsets = [0], sizes = [1], strides = [1]} : vector<16xi32> to vector<1xi32>
      %squeeze3A_1834 = vector.extract %slice3A_1833[0] : i32 from vector<1xi32>
      %broadcast_in_dim3A_1835 = vector.broadcast %squeeze3A_1834 : i32 to vector<16xi32>
      %broadcast_in_dim3A_1836 = vector.broadcast %rem3A_1800 : i32 to vector<16xi32>
      %gather3A = tpu.vector_load_idx %arg11[%broadcast_in_dim3A_1836, %iota3A, %broadcast_in_dim3A_1832] : memref<14x32x128xf32, #tpu.memory_space<vmem>>[vector<16xi32>, vector<16xi32>, vector<16xi32>], vector<16xf32>,
      %add3A_1837 = arith.constant 16 : i32
      %add3A_1838 = vector.broadcast %add3A_1837 : i32 to vector<16xi32>
      %add3A_1839 = arith.addi %iota3A, %add3A_1838 : vector<16xi32>
      %gather3A_1840 = tpu.vector_load_idx %arg11[%broadcast_in_dim3A_1836, %add3A_1839, %broadcast_in_dim3A_1832] : memref<14x32x128xf32, #tpu.memory_space<vmem>>[vector<16xi32>, vector<16xi32>, vector<16xi32>], vector<16xf32>,
      %gather3A_1841 = tpu.vector_load_idx %arg12[%broadcast_in_dim3A_1836, %iota3A, %broadcast_in_dim3A_1835] : memref<14x32x128xf32, #tpu.memory_space<vmem>>[vector<16xi32>, vector<16xi32>, vector<16xi32>], vector<16xf32>,
      %add3A_1842 = arith.constant 16 : i32
      %add3A_1843 = vector.broadcast %add3A_1842 : i32 to vector<16xi32>
      %add3A_1844 = arith.addi %iota3A, %add3A_1843 : vector<16xi32>
      %gather3A_1845 = tpu.vector_load_idx %arg12[%broadcast_in_dim3A_1836, %add3A_1844, %broadcast_in_dim3A_1835] : memref<14x32x128xf32, #tpu.memory_space<vmem>>[vector<16xi32>, vector<16xi32>, vector<16xi32>], vector<16xf32>,
      %mul3A_1846 = arith.mulf %gather3A, %gather3A_1841 : vector<16xf32>
      %mul3A_1847 = arith.mulf %gather3A_1840, %gather3A_1845 : vector<16xf32>
      %add3A_1848 = arith.addf %mul3A_1846, %mul3A_1847 : vector<16xf32>
      %reduce_sum3A_1849 = arith.constant true
      %reduce_sum3A_1850 = vector.broadcast %reduce_sum3A_1849 : i1 to vector<16xi1>
      %reduce_sum3A_1851 = tpu.scan <sum>, %add3A_1848 masked %reduce_sum3A_1850 : vector<16xf32>, vector<16xi1> -> vector<16xf32>
      %reduce_sum3A_1852 = vector.extract %reduce_sum3A_1851[15] : f32 from vector<16xf32>
      %broadcast_in_dim3A_1853 = vector.broadcast %add3A_1795 : i32 to vector<16xi32>
      %broadcast_in_dim3A_1854 = vector.broadcast %reduce_sum3A_1852 : f32 to vector<16xf32>
      %eq3A_1855 = arith.constant 0 : i32
      %eq3A_1856 = vector.broadcast %eq3A_1855 : i32 to vector<16xi32>
      %eq3A_1857 = arith.cmpi eq, %iota3A, %eq3A_1856 : vector<16xi32>
      tpu.vector_store_idx %arg13[%broadcast_in_dim3A_1853], %broadcast_in_dim3A_1854 masked %eq3A_1857 : memref<512xf32, #tpu.memory_space<vmem>>[vector<16xi32>], vector<16xf32>, vector<16xi1>
      %add3A_1858 = arith.constant 1 : i32
      %add3A_1859 = arith.addi %mul3A_1775, %add3A_1858 : i32
      %add3A_1860 = arith.constant 13 : i32
      %add3A_1861 = arith.addi %add3A_1859, %add3A_1860 : i32
      %lt3A_1862 = arith.constant 512 : i32
      %lt3A_1863 = arith.cmpi slt, %add3A_1861, %lt3A_1862 : i32
      %convert_element_type3A_1864 = arith.extui %lt3A_1863 : i1 to i32
      %cond3A_1865 = arith.constant 0 : i32
      %cond3A_1866 = arith.cmpi ne, %convert_element_type3A_1864, %cond3A_1865 : i32
      scf.if %cond3A_1866 {
        %slice3A_2938 = vector.extract_strided_slice %get3A_1777 {offsets = [14], sizes = [1], strides = [1]} : vector<16xi32> to vector<1xi32>
        %squeeze3A_2939 = vector.extract %slice3A_2938[0] : i32 from vector<1xi32>
        %multiple_of3A_2940 = tpu.assume_multiple %squeeze3A_2939, 128 : i32
        %slice3A_2941 = vector.extract_strided_slice %get3A_1779 {offsets = [14], sizes = [1], strides = [1]} : vector<16xi32> to vector<1xi32>
        %squeeze3A_2942 = vector.extract %slice3A_2941[0] : i32 from vector<1xi32>
        %multiple_of3A_2943 = tpu.assume_multiple %squeeze3A_2942, 128 : i32
        %add3A_2944 = arith.constant 13 : i32
        %add3A_2945 = arith.addi %add3A_1859, %add3A_2944 : i32
        %rem3A_2946 = arith.constant 14 : i32
        %rem3A_2947 = arith.remsi %add3A_2945, %rem3A_2946 : i32
        %dma_start3A_2948 = arith.constant 0 : i32
        %dma_start3A_2949 = arith.constant 0 : i32
        %dma_start3A_2950 = tpu.memref_slice %arg11[%rem3A_2947, %dma_start3A_2948, %dma_start3A_2949] : memref<14x32x128xf32, #tpu.memory_space<vmem>> -> memref<1x32x128xf32, #tpu.memory_space<vmem>>
        %dma_start3A_2951 = tpu.memref_squeeze %dma_start3A_2950 : memref<1x32x128xf32, #tpu.memory_space<vmem>> -> memref<32x128xf32, #tpu.memory_space<vmem>>
        %dma_start3A_2952 = arith.constant 0 : i32
        %dma_start3A_2953 = tpu.memref_slice %arg4[%dma_start3A_2952, %multiple_of3A_2940] : memref<32x1000000xf32, #tpu.memory_space<hbm>> -> memref<32x128xf32, #tpu.memory_space<hbm>>
        %dma_start3A_2954 = tpu.memref_slice %arg14[%rem3A_2947] : memref<14x!tpu.dma_semaphore, #tpu.memory_space<semaphore_mem>> -> memref<1x!tpu.dma_semaphore, #tpu.memory_space<semaphore_mem>>
        %dma_start3A_2955 = tpu.memref_squeeze %dma_start3A_2954 : memref<1x!tpu.dma_semaphore, #tpu.memory_space<semaphore_mem>> -> memref<!tpu.dma_semaphore, #tpu.memory_space<semaphore_mem>>
        %dma_start3A_2956 = arith.constant 0 : i32
        %dma_start3A_2957 = arith.constant 0 : i32
        %dma_start3A_2958 = tpu.memref_slice %arg11[%rem3A_2947, %dma_start3A_2956, %dma_start3A_2957] : memref<14x32x128xf32, #tpu.memory_space<vmem>> -> memref<1x32x128xf32, #tpu.memory_space<vmem>>
        %dma_start3A_2959 = tpu.memref_squeeze %dma_start3A_2958 : memref<1x32x128xf32, #tpu.memory_space<vmem>> -> memref<32x128xf32, #tpu.memory_space<vmem>>
        %dma_start3A_2960 = arith.constant 0 : i32
        %dma_start3A_2961 = tpu.memref_slice %arg4[%dma_start3A_2960, %multiple_of3A_2940] : memref<32x1000000xf32, #tpu.memory_space<hbm>> -> memref<32x128xf32, #tpu.memory_space<hbm>>
        tpu.enqueue_dma source(%dma_start3A_2961 : memref<32x128xf32, #tpu.memory_space<hbm>>) target(%dma_start3A_2959 : memref<32x128xf32, #tpu.memory_space<vmem>>) target_semaphore(%dma_start3A_2955 : memref<!tpu.dma_semaphore, #tpu.memory_space<semaphore_mem>>)
        %dma_start3A_2962 = arith.constant 0 : i32
        %dma_start3A_2963 = arith.constant 0 : i32
        %dma_start3A_2964 = tpu.memref_slice %arg12[%rem3A_2947, %dma_start3A_2962, %dma_start3A_2963] : memref<14x32x128xf32, #tpu.memory_space<vmem>> -> memref<1x32x128xf32, #tpu.memory_space<vmem>>
        %dma_start3A_2965 = tpu.memref_squeeze %dma_start3A_2964 : memref<1x32x128xf32, #tpu.memory_space<vmem>> -> memref<32x128xf32, #tpu.memory_space<vmem>>
        %dma_start3A_2966 = arith.constant 0 : i32
        %dma_start3A_2967 = tpu.memref_slice %arg5[%dma_start3A_2966, %multiple_of3A_2943] : memref<32x1000000xf32, #tpu.memory_space<hbm>> -> memref<32x128xf32, #tpu.memory_space<hbm>>
        %dma_start3A_2968 = tpu.memref_slice %arg14[%rem3A_2947] : memref<14x!tpu.dma_semaphore, #tpu.memory_space<semaphore_mem>> -> memref<1x!tpu.dma_semaphore, #tpu.memory_space<semaphore_mem>>
        %dma_start3A_2969 = tpu.memref_squeeze %dma_start3A_2968 : memref<1x!tpu.dma_semaphore, #tpu.memory_space<semaphore_mem>> -> memref<!tpu.dma_semaphore, #tpu.memory_space<semaphore_mem>>
        %dma_start3A_2970 = arith.constant 0 : i32
        %dma_start3A_2971 = arith.constant 0 : i32
        %dma_start3A_2972 = tpu.memref_slice %arg12[%rem3A_2947, %dma_start3A_2970, %dma_start3A_2971] : memref<14x32x128xf32, #tpu.memory_space<vmem>> -> memref<1x32x128xf32, #tpu.memory_space<vmem>>
        %dma_start3A_2973 = tpu.memref_squeeze %dma_start3A_2972 : memref<1x32x128xf32, #tpu.memory_space<vmem>> -> memref<32x128xf32, #tpu.memory_space<vmem>>
        %dma_start3A_2974 = arith.constant 0 : i32
        %dma_start3A_2975 = tpu.memref_slice %arg5[%dma_start3A_2974, %multiple_of3A_2943] : memref<32x1000000xf32, #tpu.memory_space<hbm>> -> memref<32x128xf32, #tpu.memory_space<hbm>>
        tpu.enqueue_dma source(%dma_start3A_2975 : memref<32x128xf32, #tpu.memory_space<hbm>>) target(%dma_start3A_2973 : memref<32x128xf32, #tpu.memory_space<vmem>>) target_semaphore(%dma_start3A_2969 : memref<!tpu.dma_semaphore, #tpu.memory_space<semaphore_mem>>)
      } else {
      }
      %rem3A_1867 = arith.constant 14 : i32
      %rem3A_1868 = arith.remsi %add3A_1859, %rem3A_1867 : i32
      %dma_wait3A_1869 = arith.constant 0 : i32
      %dma_wait3A_1870 = arith.constant 0 : i32
      %dma_wait3A_1871 = tpu.memref_slice %arg11[%rem3A_1868, %dma_wait3A_1869, %dma_wait3A_1870] : memref<14x32x128xf32, #tpu.memory_space<vmem>> -> memref<1x32x128xf32, #tpu.memory_space<vmem>>
      %dma_wait3A_1872 = tpu.memref_squeeze %dma_wait3A_1871 : memref<1x32x128xf32, #tpu.memory_space<vmem>> -> memref<32x128xf32, #tpu.memory_space<vmem>>
      %dma_wait3A_1873 = arith.constant 0 : i32
      %dma_wait3A_1874 = arith.constant 0 : i32
      %dma_wait3A_1875 = tpu.memref_slice %arg4[%dma_wait3A_1873, %dma_wait3A_1874] : memref<32x1000000xf32, #tpu.memory_space<hbm>> -> memref<32x128xf32, #tpu.memory_space<hbm>>
      %dma_wait3A_1876 = tpu.memref_slice %arg14[%rem3A_1868] : memref<14x!tpu.dma_semaphore, #tpu.memory_space<semaphore_mem>> -> memref<1x!tpu.dma_semaphore, #tpu.memory_space<semaphore_mem>>
      %dma_wait3A_1877 = tpu.memref_squeeze %dma_wait3A_1876 : memref<1x!tpu.dma_semaphore, #tpu.memory_space<semaphore_mem>> -> memref<!tpu.dma_semaphore, #tpu.memory_space<semaphore_mem>>
      %dma_wait3A_1878 = arith.constant 0 : i32
      %dma_wait3A_1879 = arith.constant 0 : i32
      %dma_wait3A_1880 = tpu.memref_slice %arg11[%rem3A_1868, %dma_wait3A_1878, %dma_wait3A_1879] : memref<14x32x128xf32, #tpu.memory_space<vmem>> -> memref<1x32x128xf32, #tpu.memory_space<vmem>>
      %dma_wait3A_1881 = tpu.memref_squeeze %dma_wait3A_1880 : memref<1x32x128xf32, #tpu.memory_space<vmem>> -> memref<32x128xf32, #tpu.memory_space<vmem>>
      %dma_wait3A_1882 = arith.constant 0 : i32
      %dma_wait3A_1883 = arith.constant 0 : i32
      %dma_wait3A_1884 = tpu.memref_slice %arg4[%dma_wait3A_1882, %dma_wait3A_1883] : memref<32x1000000xf32, #tpu.memory_space<hbm>> -> memref<32x128xf32, #tpu.memory_space<hbm>>
      tpu.wait_dma2 semaphore(%dma_wait3A_1877 : memref<!tpu.dma_semaphore, #tpu.memory_space<semaphore_mem>>) src(%dma_wait3A_1884 : memref<32x128xf32, #tpu.memory_space<hbm>>) dst(%dma_wait3A_1881 : memref<32x128xf32, #tpu.memory_space<vmem>>)
      %dma_wait3A_1885 = arith.constant 0 : i32
      %dma_wait3A_1886 = arith.constant 0 : i32
      %dma_wait3A_1887 = tpu.memref_slice %arg12[%rem3A_1868, %dma_wait3A_1885, %dma_wait3A_1886] : memref<14x32x128xf32, #tpu.memory_space<vmem>> -> memref<1x32x128xf32, #tpu.memory_space<vmem>>
      %dma_wait3A_1888 = tpu.memref_squeeze %dma_wait3A_1887 : memref<1x32x128xf32, #tpu.memory_space<vmem>> -> memref<32x128xf32, #tpu.memory_space<vmem>>
      %dma_wait3A_1889 = arith.constant 0 : i32
      %dma_wait3A_1890 = arith.constant 0 : i32
      %dma_wait3A_1891 = tpu.memref_slice %arg5[%dma_wait3A_1889, %dma_wait3A_1890] : memref<32x1000000xf32, #tpu.memory_space<hbm>> -> memref<32x128xf32, #tpu.memory_space<hbm>>
      %dma_wait3A_1892 = tpu.memref_slice %arg14[%rem3A_1868] : memref<14x!tpu.dma_semaphore, #tpu.memory_space<semaphore_mem>> -> memref<1x!tpu.dma_semaphore, #tpu.memory_space<semaphore_mem>>
      %dma_wait3A_1893 = tpu.memref_squeeze %dma_wait3A_1892 : memref<1x!tpu.dma_semaphore, #tpu.memory_space<semaphore_mem>> -> memref<!tpu.dma_semaphore, #tpu.memory_space<semaphore_mem>>
      %dma_wait3A_1894 = arith.constant 0 : i32
      %dma_wait3A_1895 = arith.constant 0 : i32
      %dma_wait3A_1896 = tpu.memref_slice %arg12[%rem3A_1868, %dma_wait3A_1894, %dma_wait3A_1895] : memref<14x32x128xf32, #tpu.memory_space<vmem>> -> memref<1x32x128xf32, #tpu.memory_space<vmem>>
      %dma_wait3A_1897 = tpu.memref_squeeze %dma_wait3A_1896 : memref<1x32x128xf32, #tpu.memory_space<vmem>> -> memref<32x128xf32, #tpu.memory_space<vmem>>
      %dma_wait3A_1898 = arith.constant 0 : i32
      %dma_wait3A_1899 = arith.constant 0 : i32
      %dma_wait3A_1900 = tpu.memref_slice %arg5[%dma_wait3A_1898, %dma_wait3A_1899] : memref<32x1000000xf32, #tpu.memory_space<hbm>> -> memref<32x128xf32, #tpu.memory_space<hbm>>
      tpu.wait_dma2 semaphore(%dma_wait3A_1893 : memref<!tpu.dma_semaphore, #tpu.memory_space<semaphore_mem>>) src(%dma_wait3A_1900 : memref<32x128xf32, #tpu.memory_space<hbm>>) dst(%dma_wait3A_1897 : memref<32x128xf32, #tpu.memory_space<vmem>>)
      %slice3A_1901 = vector.extract_strided_slice %get3A_1781 {offsets = [1], sizes = [1], strides = [1]} : vector<16xi32> to vector<1xi32>
      %squeeze3A_1902 = vector.extract %slice3A_1901[0] : i32 from vector<1xi32>
      %broadcast_in_dim3A_1903 = vector.broadcast %squeeze3A_1902 : i32 to vector<16xi32>
      %slice3A_1904 = vector.extract_strided_slice %get3A_1783 {offsets = [1], sizes = [1], strides = [1]} : vector<16xi32> to vector<1xi32>
      %squeeze3A_1905 = vector.extract %slice3A_1904[0] : i32 from vector<1xi32>
      %broadcast_in_dim3A_1906 = vector.broadcast %squeeze3A_1905 : i32 to vector<16xi32>
      %broadcast_in_dim3A_1907 = vector.broadcast %rem3A_1868 : i32 to vector<16xi32>
      %gather3A_1908 = tpu.vector_load_idx %arg11[%broadcast_in_dim3A_1907, %iota3A, %broadcast_in_dim3A_1903] : memref<14x32x128xf32, #tpu.memory_space<vmem>>[vector<16xi32>, vector<16xi32>, vector<16xi32>], vector<16xf32>,
      %add3A_1909 = arith.constant 16 : i32
      %add3A_1910 = vector.broadcast %add3A_1909 : i32 to vector<16xi32>
      %add3A_1911 = arith.addi %iota3A, %add3A_1910 : vector<16xi32>
      %gather3A_1912 = tpu.vector_load_idx %arg11[%broadcast_in_dim3A_1907, %add3A_1911, %broadcast_in_dim3A_1903] : memref<14x32x128xf32, #tpu.memory_space<vmem>>[vector<16xi32>, vector<16xi32>, vector<16xi32>], vector<16xf32>,
      %gather3A_1913 = tpu.vector_load_idx %arg12[%broadcast_in_dim3A_1907, %iota3A, %broadcast_in_dim3A_1906] : memref<14x32x128xf32, #tpu.memory_space<vmem>>[vector<16xi32>, vector<16xi32>, vector<16xi32>], vector<16xf32>,
      %add3A_1914 = arith.constant 16 : i32
      %add3A_1915 = vector.broadcast %add3A_1914 : i32 to vector<16xi32>
      %add3A_1916 = arith.addi %iota3A, %add3A_1915 : vector<16xi32>
      %gather3A_1917 = tpu.vector_load_idx %arg12[%broadcast_in_dim3A_1907, %add3A_1916, %broadcast_in_dim3A_1906] : memref<14x32x128xf32, #tpu.memory_space<vmem>>[vector<16xi32>, vector<16xi32>, vector<16xi32>], vector<16xf32>,
      %mul3A_1918 = arith.mulf %gather3A_1908, %gather3A_1913 : vector<16xf32>
      %mul3A_1919 = arith.mulf %gather3A_1912, %gather3A_1917 : vector<16xf32>
      %add3A_1920 = arith.addf %mul3A_1918, %mul3A_1919 : vector<16xf32>
      %reduce_sum3A_1921 = arith.constant true
      %reduce_sum3A_1922 = vector.broadcast %reduce_sum3A_1921 : i1 to vector<16xi1>
      %reduce_sum3A_1923 = tpu.scan <sum>, %add3A_1920 masked %reduce_sum3A_1922 : vector<16xf32>, vector<16xi1> -> vector<16xf32>
      %reduce_sum3A_1924 = vector.extract %reduce_sum3A_1923[15] : f32 from vector<16xf32>
      %broadcast_in_dim3A_1925 = vector.broadcast %add3A_1859 : i32 to vector<16xi32>
      %broadcast_in_dim3A_1926 = vector.broadcast %reduce_sum3A_1924 : f32 to vector<16xf32>
      %eq3A_1927 = arith.constant 0 : i32
      %eq3A_1928 = vector.broadcast %eq3A_1927 : i32 to vector<16xi32>
      %eq3A_1929 = arith.cmpi eq, %iota3A, %eq3A_1928 : vector<16xi32>
      tpu.vector_store_idx %arg13[%broadcast_in_dim3A_1925], %broadcast_in_dim3A_1926 masked %eq3A_1929 : memref<512xf32, #tpu.memory_space<vmem>>[vector<16xi32>], vector<16xf32>, vector<16xi1>
      %add3A_1930 = arith.constant 2 : i32
      %add3A_1931 = arith.addi %mul3A_1775, %add3A_1930 : i32
      %add3A_1932 = arith.constant 13 : i32
      %add3A_1933 = arith.addi %add3A_1931, %add3A_1932 : i32
      %lt3A_1934 = arith.constant 512 : i32
      %lt3A_1935 = arith.cmpi slt, %add3A_1933, %lt3A_1934 : i32
      %convert_element_type3A_1936 = arith.extui %lt3A_1935 : i1 to i32
      %cond3A_1937 = arith.constant 0 : i32
      %cond3A_1938 = arith.cmpi ne, %convert_element_type3A_1936, %cond3A_1937 : i32
      scf.if %cond3A_1938 {
        %slice3A_2938 = vector.extract_strided_slice %get3A_1777 {offsets = [15], sizes = [1], strides = [1]} : vector<16xi32> to vector<1xi32>
        %squeeze3A_2939 = vector.extract %slice3A_2938[0] : i32 from vector<1xi32>
        %multiple_of3A_2940 = tpu.assume_multiple %squeeze3A_2939, 128 : i32
        %slice3A_2941 = vector.extract_strided_slice %get3A_1779 {offsets = [15], sizes = [1], strides = [1]} : vector<16xi32> to vector<1xi32>
        %squeeze3A_2942 = vector.extract %slice3A_2941[0] : i32 from vector<1xi32>
        %multiple_of3A_2943 = tpu.assume_multiple %squeeze3A_2942, 128 : i32
        %add3A_2944 = arith.constant 13 : i32
        %add3A_2945 = arith.addi %add3A_1931, %add3A_2944 : i32
        %rem3A_2946 = arith.constant 14 : i32
        %rem3A_2947 = arith.remsi %add3A_2945, %rem3A_2946 : i32
        %dma_start3A_2948 = arith.constant 0 : i32
        %dma_start3A_2949 = arith.constant 0 : i32
        %dma_start3A_2950 = tpu.memref_slice %arg11[%rem3A_2947, %dma_start3A_2948, %dma_start3A_2949] : memref<14x32x128xf32, #tpu.memory_space<vmem>> -> memref<1x32x128xf32, #tpu.memory_space<vmem>>
        %dma_start3A_2951 = tpu.memref_squeeze %dma_start3A_2950 : memref<1x32x128xf32, #tpu.memory_space<vmem>> -> memref<32x128xf32, #tpu.memory_space<vmem>>
        %dma_start3A_2952 = arith.constant 0 : i32
        %dma_start3A_2953 = tpu.memref_slice %arg4[%dma_start3A_2952, %multiple_of3A_2940] : memref<32x1000000xf32, #tpu.memory_space<hbm>> -> memref<32x128xf32, #tpu.memory_space<hbm>>
        %dma_start3A_2954 = tpu.memref_slice %arg14[%rem3A_2947] : memref<14x!tpu.dma_semaphore, #tpu.memory_space<semaphore_mem>> -> memref<1x!tpu.dma_semaphore, #tpu.memory_space<semaphore_mem>>
        %dma_start3A_2955 = tpu.memref_squeeze %dma_start3A_2954 : memref<1x!tpu.dma_semaphore, #tpu.memory_space<semaphore_mem>> -> memref<!tpu.dma_semaphore, #tpu.memory_space<semaphore_mem>>
        %dma_start3A_2956 = arith.constant 0 : i32
        %dma_start3A_2957 = arith.constant 0 : i32
        %dma_start3A_2958 = tpu.memref_slice %arg11[%rem3A_2947, %dma_start3A_2956, %dma_start3A_2957] : memref<14x32x128xf32, #tpu.memory_space<vmem>> -> memref<1x32x128xf32, #tpu.memory_space<vmem>>
        %dma_start3A_2959 = tpu.memref_squeeze %dma_start3A_2958 : memref<1x32x128xf32, #tpu.memory_space<vmem>> -> memref<32x128xf32, #tpu.memory_space<vmem>>
        %dma_start3A_2960 = arith.constant 0 : i32
        %dma_start3A_2961 = tpu.memref_slice %arg4[%dma_start3A_2960, %multiple_of3A_2940] : memref<32x1000000xf32, #tpu.memory_space<hbm>> -> memref<32x128xf32, #tpu.memory_space<hbm>>
        tpu.enqueue_dma source(%dma_start3A_2961 : memref<32x128xf32, #tpu.memory_space<hbm>>) target(%dma_start3A_2959 : memref<32x128xf32, #tpu.memory_space<vmem>>) target_semaphore(%dma_start3A_2955 : memref<!tpu.dma_semaphore, #tpu.memory_space<semaphore_mem>>)
        %dma_start3A_2962 = arith.constant 0 : i32
        %dma_start3A_2963 = arith.constant 0 : i32
        %dma_start3A_2964 = tpu.memref_slice %arg12[%rem3A_2947, %dma_start3A_2962, %dma_start3A_2963] : memref<14x32x128xf32, #tpu.memory_space<vmem>> -> memref<1x32x128xf32, #tpu.memory_space<vmem>>
        %dma_start3A_2965 = tpu.memref_squeeze %dma_start3A_2964 : memref<1x32x128xf32, #tpu.memory_space<vmem>> -> memref<32x128xf32, #tpu.memory_space<vmem>>
        %dma_start3A_2966 = arith.constant 0 : i32
        %dma_start3A_2967 = tpu.memref_slice %arg5[%dma_start3A_2966, %multiple_of3A_2943] : memref<32x1000000xf32, #tpu.memory_space<hbm>> -> memref<32x128xf32, #tpu.memory_space<hbm>>
        %dma_start3A_2968 = tpu.memref_slice %arg14[%rem3A_2947] : memref<14x!tpu.dma_semaphore, #tpu.memory_space<semaphore_mem>> -> memref<1x!tpu.dma_semaphore, #tpu.memory_space<semaphore_mem>>
        %dma_start3A_2969 = tpu.memref_squeeze %dma_start3A_2968 : memref<1x!tpu.dma_semaphore, #tpu.memory_space<semaphore_mem>> -> memref<!tpu.dma_semaphore, #tpu.memory_space<semaphore_mem>>
        %dma_start3A_2970 = arith.constant 0 : i32
        %dma_start3A_2971 = arith.constant 0 : i32
        %dma_start3A_2972 = tpu.memref_slice %arg12[%rem3A_2947, %dma_start3A_2970, %dma_start3A_2971] : memref<14x32x128xf32, #tpu.memory_space<vmem>> -> memref<1x32x128xf32, #tpu.memory_space<vmem>>
        %dma_start3A_2973 = tpu.memref_squeeze %dma_start3A_2972 : memref<1x32x128xf32, #tpu.memory_space<vmem>> -> memref<32x128xf32, #tpu.memory_space<vmem>>
        %dma_start3A_2974 = arith.constant 0 : i32
        %dma_start3A_2975 = tpu.memref_slice %arg5[%dma_start3A_2974, %multiple_of3A_2943] : memref<32x1000000xf32, #tpu.memory_space<hbm>> -> memref<32x128xf32, #tpu.memory_space<hbm>>
        tpu.enqueue_dma source(%dma_start3A_2975 : memref<32x128xf32, #tpu.memory_space<hbm>>) target(%dma_start3A_2973 : memref<32x128xf32, #tpu.memory_space<vmem>>) target_semaphore(%dma_start3A_2969 : memref<!tpu.dma_semaphore, #tpu.memory_space<semaphore_mem>>)
      } else {
      }
      %rem3A_1939 = arith.constant 14 : i32
      %rem3A_1940 = arith.remsi %add3A_1931, %rem3A_1939 : i32
      %dma_wait3A_1941 = arith.constant 0 : i32
      %dma_wait3A_1942 = arith.constant 0 : i32
      %dma_wait3A_1943 = tpu.memref_slice %arg11[%rem3A_1940, %dma_wait3A_1941, %dma_wait3A_1942] : memref<14x32x128xf32, #tpu.memory_space<vmem>> -> memref<1x32x128xf32, #tpu.memory_space<vmem>>
      %dma_wait3A_1944 = tpu.memref_squeeze %dma_wait3A_1943 : memref<1x32x128xf32, #tpu.memory_space<vmem>> -> memref<32x128xf32, #tpu.memory_space<vmem>>
      %dma_wait3A_1945 = arith.constant 0 : i32
      %dma_wait3A_1946 = arith.constant 0 : i32
      %dma_wait3A_1947 = tpu.memref_slice %arg4[%dma_wait3A_1945, %dma_wait3A_1946] : memref<32x1000000xf32, #tpu.memory_space<hbm>> -> memref<32x128xf32, #tpu.memory_space<hbm>>
      %dma_wait3A_1948 = tpu.memref_slice %arg14[%rem3A_1940] : memref<14x!tpu.dma_semaphore, #tpu.memory_space<semaphore_mem>> -> memref<1x!tpu.dma_semaphore, #tpu.memory_space<semaphore_mem>>
      %dma_wait3A_1949 = tpu.memref_squeeze %dma_wait3A_1948 : memref<1x!tpu.dma_semaphore, #tpu.memory_space<semaphore_mem>> -> memref<!tpu.dma_semaphore, #tpu.memory_space<semaphore_mem>>
      %dma_wait3A_1950 = arith.constant 0 : i32
      %dma_wait3A_1951 = arith.constant 0 : i32
      %dma_wait3A_1952 = tpu.memref_slice %arg11[%rem3A_1940, %dma_wait3A_1950, %dma_wait3A_1951] : memref<14x32x128xf32, #tpu.memory_space<vmem>> -> memref<1x32x128xf32, #tpu.memory_space<vmem>>
      %dma_wait3A_1953 = tpu.memref_squeeze %dma_wait3A_1952 : memref<1x32x128xf32, #tpu.memory_space<vmem>> -> memref<32x128xf32, #tpu.memory_space<vmem>>
      %dma_wait3A_1954 = arith.constant 0 : i32
      %dma_wait3A_1955 = arith.constant 0 : i32
      %dma_wait3A_1956 = tpu.memref_slice %arg4[%dma_wait3A_1954, %dma_wait3A_1955] : memref<32x1000000xf32, #tpu.memory_space<hbm>> -> memref<32x128xf32, #tpu.memory_space<hbm>>
      tpu.wait_dma2 semaphore(%dma_wait3A_1949 : memref<!tpu.dma_semaphore, #tpu.memory_space<semaphore_mem>>) src(%dma_wait3A_1956 : memref<32x128xf32, #tpu.memory_space<hbm>>) dst(%dma_wait3A_1953 : memref<32x128xf32, #tpu.memory_space<vmem>>)
      %dma_wait3A_1957 = arith.constant 0 : i32
      %dma_wait3A_1958 = arith.constant 0 : i32
      %dma_wait3A_1959 = tpu.memref_slice %arg12[%rem3A_1940, %dma_wait3A_1957, %dma_wait3A_1958] : memref<14x32x128xf32, #tpu.memory_space<vmem>> -> memref<1x32x128xf32, #tpu.memory_space<vmem>>
      %dma_wait3A_1960 = tpu.memref_squeeze %dma_wait3A_1959 : memref<1x32x128xf32, #tpu.memory_space<vmem>> -> memref<32x128xf32, #tpu.memory_space<vmem>>
      %dma_wait3A_1961 = arith.constant 0 : i32
      %dma_wait3A_1962 = arith.constant 0 : i32
      %dma_wait3A_1963 = tpu.memref_slice %arg5[%dma_wait3A_1961, %dma_wait3A_1962] : memref<32x1000000xf32, #tpu.memory_space<hbm>> -> memref<32x128xf32, #tpu.memory_space<hbm>>
      %dma_wait3A_1964 = tpu.memref_slice %arg14[%rem3A_1940] : memref<14x!tpu.dma_semaphore, #tpu.memory_space<semaphore_mem>> -> memref<1x!tpu.dma_semaphore, #tpu.memory_space<semaphore_mem>>
      %dma_wait3A_1965 = tpu.memref_squeeze %dma_wait3A_1964 : memref<1x!tpu.dma_semaphore, #tpu.memory_space<semaphore_mem>> -> memref<!tpu.dma_semaphore, #tpu.memory_space<semaphore_mem>>
      %dma_wait3A_1966 = arith.constant 0 : i32
      %dma_wait3A_1967 = arith.constant 0 : i32
      %dma_wait3A_1968 = tpu.memref_slice %arg12[%rem3A_1940, %dma_wait3A_1966, %dma_wait3A_1967] : memref<14x32x128xf32, #tpu.memory_space<vmem>> -> memref<1x32x128xf32, #tpu.memory_space<vmem>>
      %dma_wait3A_1969 = tpu.memref_squeeze %dma_wait3A_1968 : memref<1x32x128xf32, #tpu.memory_space<vmem>> -> memref<32x128xf32, #tpu.memory_space<vmem>>
      %dma_wait3A_1970 = arith.constant 0 : i32
      %dma_wait3A_1971 = arith.constant 0 : i32
      %dma_wait3A_1972 = tpu.memref_slice %arg5[%dma_wait3A_1970, %dma_wait3A_1971] : memref<32x1000000xf32, #tpu.memory_space<hbm>> -> memref<32x128xf32, #tpu.memory_space<hbm>>
      tpu.wait_dma2 semaphore(%dma_wait3A_1965 : memref<!tpu.dma_semaphore, #tpu.memory_space<semaphore_mem>>) src(%dma_wait3A_1972 : memref<32x128xf32, #tpu.memory_space<hbm>>) dst(%dma_wait3A_1969 : memref<32x128xf32, #tpu.memory_space<vmem>>)
      %slice3A_1973 = vector.extract_strided_slice %get3A_1781 {offsets = [2], sizes = [1], strides = [1]} : vector<16xi32> to vector<1xi32>
      %squeeze3A_1974 = vector.extract %slice3A_1973[0] : i32 from vector<1xi32>
      %broadcast_in_dim3A_1975 = vector.broadcast %squeeze3A_1974 : i32 to vector<16xi32>
      %slice3A_1976 = vector.extract_strided_slice %get3A_1783 {offsets = [2], sizes = [1], strides = [1]} : vector<16xi32> to vector<1xi32>
      %squeeze3A_1977 = vector.extract %slice3A_1976[0] : i32 from vector<1xi32>
      %broadcast_in_dim3A_1978 = vector.broadcast %squeeze3A_1977 : i32 to vector<16xi32>
      %broadcast_in_dim3A_1979 = vector.broadcast %rem3A_1940 : i32 to vector<16xi32>
      %gather3A_1980 = tpu.vector_load_idx %arg11[%broadcast_in_dim3A_1979, %iota3A, %broadcast_in_dim3A_1975] : memref<14x32x128xf32, #tpu.memory_space<vmem>>[vector<16xi32>, vector<16xi32>, vector<16xi32>], vector<16xf32>,
      %add3A_1981 = arith.constant 16 : i32
      %add3A_1982 = vector.broadcast %add3A_1981 : i32 to vector<16xi32>
      %add3A_1983 = arith.addi %iota3A, %add3A_1982 : vector<16xi32>
      %gather3A_1984 = tpu.vector_load_idx %arg11[%broadcast_in_dim3A_1979, %add3A_1983, %broadcast_in_dim3A_1975] : memref<14x32x128xf32, #tpu.memory_space<vmem>>[vector<16xi32>, vector<16xi32>, vector<16xi32>], vector<16xf32>,
      %gather3A_1985 = tpu.vector_load_idx %arg12[%broadcast_in_dim3A_1979, %iota3A, %broadcast_in_dim3A_1978] : memref<14x32x128xf32, #tpu.memory_space<vmem>>[vector<16xi32>, vector<16xi32>, vector<16xi32>], vector<16xf32>,
      %add3A_1986 = arith.constant 16 : i32
      %add3A_1987 = vector.broadcast %add3A_1986 : i32 to vector<16xi32>
      %add3A_1988 = arith.addi %iota3A, %add3A_1987 : vector<16xi32>
      %gather3A_1989 = tpu.vector_load_idx %arg12[%broadcast_in_dim3A_1979, %add3A_1988, %broadcast_in_dim3A_1978] : memref<14x32x128xf32, #tpu.memory_space<vmem>>[vector<16xi32>, vector<16xi32>, vector<16xi32>], vector<16xf32>,
      %mul3A_1990 = arith.mulf %gather3A_1980, %gather3A_1985 : vector<16xf32>
      %mul3A_1991 = arith.mulf %gather3A_1984, %gather3A_1989 : vector<16xf32>
      %add3A_1992 = arith.addf %mul3A_1990, %mul3A_1991 : vector<16xf32>
      %reduce_sum3A_1993 = arith.constant true
      %reduce_sum3A_1994 = vector.broadcast %reduce_sum3A_1993 : i1 to vector<16xi1>
      %reduce_sum3A_1995 = tpu.scan <sum>, %add3A_1992 masked %reduce_sum3A_1994 : vector<16xf32>, vector<16xi1> -> vector<16xf32>
      %reduce_sum3A_1996 = vector.extract %reduce_sum3A_1995[15] : f32 from vector<16xf32>
      %broadcast_in_dim3A_1997 = vector.broadcast %add3A_1931 : i32 to vector<16xi32>
      %broadcast_in_dim3A_1998 = vector.broadcast %reduce_sum3A_1996 : f32 to vector<16xf32>
      %eq3A_1999 = arith.constant 0 : i32
      %eq3A_2000 = vector.broadcast %eq3A_1999 : i32 to vector<16xi32>
      %eq3A_2001 = arith.cmpi eq, %iota3A, %eq3A_2000 : vector<16xi32>
      tpu.vector_store_idx %arg13[%broadcast_in_dim3A_1997], %broadcast_in_dim3A_1998 masked %eq3A_2001 : memref<512xf32, #tpu.memory_space<vmem>>[vector<16xi32>], vector<16xf32>, vector<16xi1>
      %add3A_2002 = arith.constant 3 : i32
      %add3A_2003 = arith.addi %mul3A_1775, %add3A_2002 : i32
      %add3A_2004 = arith.constant 13 : i32
      %add3A_2005 = arith.addi %add3A_2003, %add3A_2004 : i32
      %lt3A_2006 = arith.constant 512 : i32
      %lt3A_2007 = arith.cmpi slt, %add3A_2005, %lt3A_2006 : i32
      %convert_element_type3A_2008 = arith.extui %lt3A_2007 : i1 to i32
      %cond3A_2009 = arith.constant 0 : i32
      %cond3A_2010 = arith.cmpi ne, %convert_element_type3A_2008, %cond3A_2009 : i32
      scf.if %cond3A_2010 {
        %slice3A_2938 = vector.extract_strided_slice %get3A_1791 {offsets = [0], sizes = [1], strides = [1]} : vector<16xi32> to vector<1xi32>
        %squeeze3A_2939 = vector.extract %slice3A_2938[0] : i32 from vector<1xi32>
        %multiple_of3A_2940 = tpu.assume_multiple %squeeze3A_2939, 128 : i32
        %slice3A_2941 = vector.extract_strided_slice %get3A_1793 {offsets = [0], sizes = [1], strides = [1]} : vector<16xi32> to vector<1xi32>
        %squeeze3A_2942 = vector.extract %slice3A_2941[0] : i32 from vector<1xi32>
        %multiple_of3A_2943 = tpu.assume_multiple %squeeze3A_2942, 128 : i32
        %add3A_2944 = arith.constant 13 : i32
        %add3A_2945 = arith.addi %add3A_2003, %add3A_2944 : i32
        %rem3A_2946 = arith.constant 14 : i32
        %rem3A_2947 = arith.remsi %add3A_2945, %rem3A_2946 : i32
        %dma_start3A_2948 = arith.constant 0 : i32
        %dma_start3A_2949 = arith.constant 0 : i32
        %dma_start3A_2950 = tpu.memref_slice %arg11[%rem3A_2947, %dma_start3A_2948, %dma_start3A_2949] : memref<14x32x128xf32, #tpu.memory_space<vmem>> -> memref<1x32x128xf32, #tpu.memory_space<vmem>>
        %dma_start3A_2951 = tpu.memref_squeeze %dma_start3A_2950 : memref<1x32x128xf32, #tpu.memory_space<vmem>> -> memref<32x128xf32, #tpu.memory_space<vmem>>
        %dma_start3A_2952 = arith.constant 0 : i32
        %dma_start3A_2953 = tpu.memref_slice %arg4[%dma_start3A_2952, %multiple_of3A_2940] : memref<32x1000000xf32, #tpu.memory_space<hbm>> -> memref<32x128xf32, #tpu.memory_space<hbm>>
        %dma_start3A_2954 = tpu.memref_slice %arg14[%rem3A_2947] : memref<14x!tpu.dma_semaphore, #tpu.memory_space<semaphore_mem>> -> memref<1x!tpu.dma_semaphore, #tpu.memory_space<semaphore_mem>>
        %dma_start3A_2955 = tpu.memref_squeeze %dma_start3A_2954 : memref<1x!tpu.dma_semaphore, #tpu.memory_space<semaphore_mem>> -> memref<!tpu.dma_semaphore, #tpu.memory_space<semaphore_mem>>
        %dma_start3A_2956 = arith.constant 0 : i32
        %dma_start3A_2957 = arith.constant 0 : i32
        %dma_start3A_2958 = tpu.memref_slice %arg11[%rem3A_2947, %dma_start3A_2956, %dma_start3A_2957] : memref<14x32x128xf32, #tpu.memory_space<vmem>> -> memref<1x32x128xf32, #tpu.memory_space<vmem>>
        %dma_start3A_2959 = tpu.memref_squeeze %dma_start3A_2958 : memref<1x32x128xf32, #tpu.memory_space<vmem>> -> memref<32x128xf32, #tpu.memory_space<vmem>>
        %dma_start3A_2960 = arith.constant 0 : i32
        %dma_start3A_2961 = tpu.memref_slice %arg4[%dma_start3A_2960, %multiple_of3A_2940] : memref<32x1000000xf32, #tpu.memory_space<hbm>> -> memref<32x128xf32, #tpu.memory_space<hbm>>
        tpu.enqueue_dma source(%dma_start3A_2961 : memref<32x128xf32, #tpu.memory_space<hbm>>) target(%dma_start3A_2959 : memref<32x128xf32, #tpu.memory_space<vmem>>) target_semaphore(%dma_start3A_2955 : memref<!tpu.dma_semaphore, #tpu.memory_space<semaphore_mem>>)
        %dma_start3A_2962 = arith.constant 0 : i32
        %dma_start3A_2963 = arith.constant 0 : i32
        %dma_start3A_2964 = tpu.memref_slice %arg12[%rem3A_2947, %dma_start3A_2962, %dma_start3A_2963] : memref<14x32x128xf32, #tpu.memory_space<vmem>> -> memref<1x32x128xf32, #tpu.memory_space<vmem>>
        %dma_start3A_2965 = tpu.memref_squeeze %dma_start3A_2964 : memref<1x32x128xf32, #tpu.memory_space<vmem>> -> memref<32x128xf32, #tpu.memory_space<vmem>>
        %dma_start3A_2966 = arith.constant 0 : i32
        %dma_start3A_2967 = tpu.memref_slice %arg5[%dma_start3A_2966, %multiple_of3A_2943] : memref<32x1000000xf32, #tpu.memory_space<hbm>> -> memref<32x128xf32, #tpu.memory_space<hbm>>
        %dma_start3A_2968 = tpu.memref_slice %arg14[%rem3A_2947] : memref<14x!tpu.dma_semaphore, #tpu.memory_space<semaphore_mem>> -> memref<1x!tpu.dma_semaphore, #tpu.memory_space<semaphore_mem>>
        %dma_start3A_2969 = tpu.memref_squeeze %dma_start3A_2968 : memref<1x!tpu.dma_semaphore, #tpu.memory_space<semaphore_mem>> -> memref<!tpu.dma_semaphore, #tpu.memory_space<semaphore_mem>>
        %dma_start3A_2970 = arith.constant 0 : i32
        %dma_start3A_2971 = arith.constant 0 : i32
        %dma_start3A_2972 = tpu.memref_slice %arg12[%rem3A_2947, %dma_start3A_2970, %dma_start3A_2971] : memref<14x32x128xf32, #tpu.memory_space<vmem>> -> memref<1x32x128xf32, #tpu.memory_space<vmem>>
        %dma_start3A_2973 = tpu.memref_squeeze %dma_start3A_2972 : memref<1x32x128xf32, #tpu.memory_space<vmem>> -> memref<32x128xf32, #tpu.memory_space<vmem>>
        %dma_start3A_2974 = arith.constant 0 : i32
        %dma_start3A_2975 = tpu.memref_slice %arg5[%dma_start3A_2974, %multiple_of3A_2943] : memref<32x1000000xf32, #tpu.memory_space<hbm>> -> memref<32x128xf32, #tpu.memory_space<hbm>>
        tpu.enqueue_dma source(%dma_start3A_2975 : memref<32x128xf32, #tpu.memory_space<hbm>>) target(%dma_start3A_2973 : memref<32x128xf32, #tpu.memory_space<vmem>>) target_semaphore(%dma_start3A_2969 : memref<!tpu.dma_semaphore, #tpu.memory_space<semaphore_mem>>)
      } else {
      }
      %rem3A_2011 = arith.constant 14 : i32
      %rem3A_2012 = arith.remsi %add3A_2003, %rem3A_2011 : i32
      %dma_wait3A_2013 = arith.constant 0 : i32
      %dma_wait3A_2014 = arith.constant 0 : i32
      %dma_wait3A_2015 = tpu.memref_slice %arg11[%rem3A_2012, %dma_wait3A_2013, %dma_wait3A_2014] : memref<14x32x128xf32, #tpu.memory_space<vmem>> -> memref<1x32x128xf32, #tpu.memory_space<vmem>>
      %dma_wait3A_2016 = tpu.memref_squeeze %dma_wait3A_2015 : memref<1x32x128xf32, #tpu.memory_space<vmem>> -> memref<32x128xf32, #tpu.memory_space<vmem>>
      %dma_wait3A_2017 = arith.constant 0 : i32
      %dma_wait3A_2018 = arith.constant 0 : i32
      %dma_wait3A_2019 = tpu.memref_slice %arg4[%dma_wait3A_2017, %dma_wait3A_2018] : memref<32x1000000xf32, #tpu.memory_space<hbm>> -> memref<32x128xf32, #tpu.memory_space<hbm>>
      %dma_wait3A_2020 = tpu.memref_slice %arg14[%rem3A_2012] : memref<14x!tpu.dma_semaphore, #tpu.memory_space<semaphore_mem>> -> memref<1x!tpu.dma_semaphore, #tpu.memory_space<semaphore_mem>>
      %dma_wait3A_2021 = tpu.memref_squeeze %dma_wait3A_2020 : memref<1x!tpu.dma_semaphore, #tpu.memory_space<semaphore_mem>> -> memref<!tpu.dma_semaphore, #tpu.memory_space<semaphore_mem>>
      %dma_wait3A_2022 = arith.constant 0 : i32
      %dma_wait3A_2023 = arith.constant 0 : i32
      %dma_wait3A_2024 = tpu.memref_slice %arg11[%rem3A_2012, %dma_wait3A_2022, %dma_wait3A_2023] : memref<14x32x128xf32, #tpu.memory_space<vmem>> -> memref<1x32x128xf32, #tpu.memory_space<vmem>>
      %dma_wait3A_2025 = tpu.memref_squeeze %dma_wait3A_2024 : memref<1x32x128xf32, #tpu.memory_space<vmem>> -> memref<32x128xf32, #tpu.memory_space<vmem>>
      %dma_wait3A_2026 = arith.constant 0 : i32
      %dma_wait3A_2027 = arith.constant 0 : i32
      %dma_wait3A_2028 = tpu.memref_slice %arg4[%dma_wait3A_2026, %dma_wait3A_2027] : memref<32x1000000xf32, #tpu.memory_space<hbm>> -> memref<32x128xf32, #tpu.memory_space<hbm>>
      tpu.wait_dma2 semaphore(%dma_wait3A_2021 : memref<!tpu.dma_semaphore, #tpu.memory_space<semaphore_mem>>) src(%dma_wait3A_2028 : memref<32x128xf32, #tpu.memory_space<hbm>>) dst(%dma_wait3A_2025 : memref<32x128xf32, #tpu.memory_space<vmem>>)
      %dma_wait3A_2029 = arith.constant 0 : i32
      %dma_wait3A_2030 = arith.constant 0 : i32
      %dma_wait3A_2031 = tpu.memref_slice %arg12[%rem3A_2012, %dma_wait3A_2029, %dma_wait3A_2030] : memref<14x32x128xf32, #tpu.memory_space<vmem>> -> memref<1x32x128xf32, #tpu.memory_space<vmem>>
      %dma_wait3A_2032 = tpu.memref_squeeze %dma_wait3A_2031 : memref<1x32x128xf32, #tpu.memory_space<vmem>> -> memref<32x128xf32, #tpu.memory_space<vmem>>
      %dma_wait3A_2033 = arith.constant 0 : i32
      %dma_wait3A_2034 = arith.constant 0 : i32
      %dma_wait3A_2035 = tpu.memref_slice %arg5[%dma_wait3A_2033, %dma_wait3A_2034] : memref<32x1000000xf32, #tpu.memory_space<hbm>> -> memref<32x128xf32, #tpu.memory_space<hbm>>
      %dma_wait3A_2036 = tpu.memref_slice %arg14[%rem3A_2012] : memref<14x!tpu.dma_semaphore, #tpu.memory_space<semaphore_mem>> -> memref<1x!tpu.dma_semaphore, #tpu.memory_space<semaphore_mem>>
      %dma_wait3A_2037 = tpu.memref_squeeze %dma_wait3A_2036 : memref<1x!tpu.dma_semaphore, #tpu.memory_space<semaphore_mem>> -> memref<!tpu.dma_semaphore, #tpu.memory_space<semaphore_mem>>
      %dma_wait3A_2038 = arith.constant 0 : i32
      %dma_wait3A_2039 = arith.constant 0 : i32
      %dma_wait3A_2040 = tpu.memref_slice %arg12[%rem3A_2012, %dma_wait3A_2038, %dma_wait3A_2039] : memref<14x32x128xf32, #tpu.memory_space<vmem>> -> memref<1x32x128xf32, #tpu.memory_space<vmem>>
      %dma_wait3A_2041 = tpu.memref_squeeze %dma_wait3A_2040 : memref<1x32x128xf32, #tpu.memory_space<vmem>> -> memref<32x128xf32, #tpu.memory_space<vmem>>
      %dma_wait3A_2042 = arith.constant 0 : i32
      %dma_wait3A_2043 = arith.constant 0 : i32
      %dma_wait3A_2044 = tpu.memref_slice %arg5[%dma_wait3A_2042, %dma_wait3A_2043] : memref<32x1000000xf32, #tpu.memory_space<hbm>> -> memref<32x128xf32, #tpu.memory_space<hbm>>
      tpu.wait_dma2 semaphore(%dma_wait3A_2037 : memref<!tpu.dma_semaphore, #tpu.memory_space<semaphore_mem>>) src(%dma_wait3A_2044 : memref<32x128xf32, #tpu.memory_space<hbm>>) dst(%dma_wait3A_2041 : memref<32x128xf32, #tpu.memory_space<vmem>>)
      %slice3A_2045 = vector.extract_strided_slice %get3A_1781 {offsets = [3], sizes = [1], strides = [1]} : vector<16xi32> to vector<1xi32>
      %squeeze3A_2046 = vector.extract %slice3A_2045[0] : i32 from vector<1xi32>
      %broadcast_in_dim3A_2047 = vector.broadcast %squeeze3A_2046 : i32 to vector<16xi32>
      %slice3A_2048 = vector.extract_strided_slice %get3A_1783 {offsets = [3], sizes = [1], strides = [1]} : vector<16xi32> to vector<1xi32>
      %squeeze3A_2049 = vector.extract %slice3A_2048[0] : i32 from vector<1xi32>
      %broadcast_in_dim3A_2050 = vector.broadcast %squeeze3A_2049 : i32 to vector<16xi32>
      %broadcast_in_dim3A_2051 = vector.broadcast %rem3A_2012 : i32 to vector<16xi32>
      %gather3A_2052 = tpu.vector_load_idx %arg11[%broadcast_in_dim3A_2051, %iota3A, %broadcast_in_dim3A_2047] : memref<14x32x128xf32, #tpu.memory_space<vmem>>[vector<16xi32>, vector<16xi32>, vector<16xi32>], vector<16xf32>,
      %add3A_2053 = arith.constant 16 : i32
      %add3A_2054 = vector.broadcast %add3A_2053 : i32 to vector<16xi32>
      %add3A_2055 = arith.addi %iota3A, %add3A_2054 : vector<16xi32>
      %gather3A_2056 = tpu.vector_load_idx %arg11[%broadcast_in_dim3A_2051, %add3A_2055, %broadcast_in_dim3A_2047] : memref<14x32x128xf32, #tpu.memory_space<vmem>>[vector<16xi32>, vector<16xi32>, vector<16xi32>], vector<16xf32>,
      %gather3A_2057 = tpu.vector_load_idx %arg12[%broadcast_in_dim3A_2051, %iota3A, %broadcast_in_dim3A_2050] : memref<14x32x128xf32, #tpu.memory_space<vmem>>[vector<16xi32>, vector<16xi32>, vector<16xi32>], vector<16xf32>,
      %add3A_2058 = arith.constant 16 : i32
      %add3A_2059 = vector.broadcast %add3A_2058 : i32 to vector<16xi32>
      %add3A_2060 = arith.addi %iota3A, %add3A_2059 : vector<16xi32>
      %gather3A_2061 = tpu.vector_load_idx %arg12[%broadcast_in_dim3A_2051, %add3A_2060, %broadcast_in_dim3A_2050] : memref<14x32x128xf32, #tpu.memory_space<vmem>>[vector<16xi32>, vector<16xi32>, vector<16xi32>], vector<16xf32>,
      %mul3A_2062 = arith.mulf %gather3A_2052, %gather3A_2057 : vector<16xf32>
      %mul3A_2063 = arith.mulf %gather3A_2056, %gather3A_2061 : vector<16xf32>
      %add3A_2064 = arith.addf %mul3A_2062, %mul3A_2063 : vector<16xf32>
      %reduce_sum3A_2065 = arith.constant true
      %reduce_sum3A_2066 = vector.broadcast %reduce_sum3A_2065 : i1 to vector<16xi1>
      %reduce_sum3A_2067 = tpu.scan <sum>, %add3A_2064 masked %reduce_sum3A_2066 : vector<16xf32>, vector<16xi1> -> vector<16xf32>
      %reduce_sum3A_2068 = vector.extract %reduce_sum3A_2067[15] : f32 from vector<16xf32>
      %broadcast_in_dim3A_2069 = vector.broadcast %add3A_2003 : i32 to vector<16xi32>
      %broadcast_in_dim3A_2070 = vector.broadcast %reduce_sum3A_2068 : f32 to vector<16xf32>
      %eq3A_2071 = arith.constant 0 : i32
      %eq3A_2072 = vector.broadcast %eq3A_2071 : i32 to vector<16xi32>
      %eq3A_2073 = arith.cmpi eq, %iota3A, %eq3A_2072 : vector<16xi32>
      tpu.vector_store_idx %arg13[%broadcast_in_dim3A_2069], %broadcast_in_dim3A_2070 masked %eq3A_2073 : memref<512xf32, #tpu.memory_space<vmem>>[vector<16xi32>], vector<16xf32>, vector<16xi1>
      %add3A_2074 = arith.constant 4 : i32
      %add3A_2075 = arith.addi %mul3A_1775, %add3A_2074 : i32
      %add3A_2076 = arith.constant 13 : i32
      %add3A_2077 = arith.addi %add3A_2075, %add3A_2076 : i32
      %lt3A_2078 = arith.constant 512 : i32
      %lt3A_2079 = arith.cmpi slt, %add3A_2077, %lt3A_2078 : i32
      %convert_element_type3A_2080 = arith.extui %lt3A_2079 : i1 to i32
      %cond3A_2081 = arith.constant 0 : i32
      %cond3A_2082 = arith.cmpi ne, %convert_element_type3A_2080, %cond3A_2081 : i32
      scf.if %cond3A_2082 {
        %slice3A_2938 = vector.extract_strided_slice %get3A_1791 {offsets = [1], sizes = [1], strides = [1]} : vector<16xi32> to vector<1xi32>
        %squeeze3A_2939 = vector.extract %slice3A_2938[0] : i32 from vector<1xi32>
        %multiple_of3A_2940 = tpu.assume_multiple %squeeze3A_2939, 128 : i32
        %slice3A_2941 = vector.extract_strided_slice %get3A_1793 {offsets = [1], sizes = [1], strides = [1]} : vector<16xi32> to vector<1xi32>
        %squeeze3A_2942 = vector.extract %slice3A_2941[0] : i32 from vector<1xi32>
        %multiple_of3A_2943 = tpu.assume_multiple %squeeze3A_2942, 128 : i32
        %add3A_2944 = arith.constant 13 : i32
        %add3A_2945 = arith.addi %add3A_2075, %add3A_2944 : i32
        %rem3A_2946 = arith.constant 14 : i32
        %rem3A_2947 = arith.remsi %add3A_2945, %rem3A_2946 : i32
        %dma_start3A_2948 = arith.constant 0 : i32
        %dma_start3A_2949 = arith.constant 0 : i32
        %dma_start3A_2950 = tpu.memref_slice %arg11[%rem3A_2947, %dma_start3A_2948, %dma_start3A_2949] : memref<14x32x128xf32, #tpu.memory_space<vmem>> -> memref<1x32x128xf32, #tpu.memory_space<vmem>>
        %dma_start3A_2951 = tpu.memref_squeeze %dma_start3A_2950 : memref<1x32x128xf32, #tpu.memory_space<vmem>> -> memref<32x128xf32, #tpu.memory_space<vmem>>
        %dma_start3A_2952 = arith.constant 0 : i32
        %dma_start3A_2953 = tpu.memref_slice %arg4[%dma_start3A_2952, %multiple_of3A_2940] : memref<32x1000000xf32, #tpu.memory_space<hbm>> -> memref<32x128xf32, #tpu.memory_space<hbm>>
        %dma_start3A_2954 = tpu.memref_slice %arg14[%rem3A_2947] : memref<14x!tpu.dma_semaphore, #tpu.memory_space<semaphore_mem>> -> memref<1x!tpu.dma_semaphore, #tpu.memory_space<semaphore_mem>>
        %dma_start3A_2955 = tpu.memref_squeeze %dma_start3A_2954 : memref<1x!tpu.dma_semaphore, #tpu.memory_space<semaphore_mem>> -> memref<!tpu.dma_semaphore, #tpu.memory_space<semaphore_mem>>
        %dma_start3A_2956 = arith.constant 0 : i32
        %dma_start3A_2957 = arith.constant 0 : i32
        %dma_start3A_2958 = tpu.memref_slice %arg11[%rem3A_2947, %dma_start3A_2956, %dma_start3A_2957] : memref<14x32x128xf32, #tpu.memory_space<vmem>> -> memref<1x32x128xf32, #tpu.memory_space<vmem>>
        %dma_start3A_2959 = tpu.memref_squeeze %dma_start3A_2958 : memref<1x32x128xf32, #tpu.memory_space<vmem>> -> memref<32x128xf32, #tpu.memory_space<vmem>>
        %dma_start3A_2960 = arith.constant 0 : i32
        %dma_start3A_2961 = tpu.memref_slice %arg4[%dma_start3A_2960, %multiple_of3A_2940] : memref<32x1000000xf32, #tpu.memory_space<hbm>> -> memref<32x128xf32, #tpu.memory_space<hbm>>
        tpu.enqueue_dma source(%dma_start3A_2961 : memref<32x128xf32, #tpu.memory_space<hbm>>) target(%dma_start3A_2959 : memref<32x128xf32, #tpu.memory_space<vmem>>) target_semaphore(%dma_start3A_2955 : memref<!tpu.dma_semaphore, #tpu.memory_space<semaphore_mem>>)
        %dma_start3A_2962 = arith.constant 0 : i32
        %dma_start3A_2963 = arith.constant 0 : i32
        %dma_start3A_2964 = tpu.memref_slice %arg12[%rem3A_2947, %dma_start3A_2962, %dma_start3A_2963] : memref<14x32x128xf32, #tpu.memory_space<vmem>> -> memref<1x32x128xf32, #tpu.memory_space<vmem>>
        %dma_start3A_2965 = tpu.memref_squeeze %dma_start3A_2964 : memref<1x32x128xf32, #tpu.memory_space<vmem>> -> memref<32x128xf32, #tpu.memory_space<vmem>>
        %dma_start3A_2966 = arith.constant 0 : i32
        %dma_start3A_2967 = tpu.memref_slice %arg5[%dma_start3A_2966, %multiple_of3A_2943] : memref<32x1000000xf32, #tpu.memory_space<hbm>> -> memref<32x128xf32, #tpu.memory_space<hbm>>
        %dma_start3A_2968 = tpu.memref_slice %arg14[%rem3A_2947] : memref<14x!tpu.dma_semaphore, #tpu.memory_space<semaphore_mem>> -> memref<1x!tpu.dma_semaphore, #tpu.memory_space<semaphore_mem>>
        %dma_start3A_2969 = tpu.memref_squeeze %dma_start3A_2968 : memref<1x!tpu.dma_semaphore, #tpu.memory_space<semaphore_mem>> -> memref<!tpu.dma_semaphore, #tpu.memory_space<semaphore_mem>>
        %dma_start3A_2970 = arith.constant 0 : i32
        %dma_start3A_2971 = arith.constant 0 : i32
        %dma_start3A_2972 = tpu.memref_slice %arg12[%rem3A_2947, %dma_start3A_2970, %dma_start3A_2971] : memref<14x32x128xf32, #tpu.memory_space<vmem>> -> memref<1x32x128xf32, #tpu.memory_space<vmem>>
        %dma_start3A_2973 = tpu.memref_squeeze %dma_start3A_2972 : memref<1x32x128xf32, #tpu.memory_space<vmem>> -> memref<32x128xf32, #tpu.memory_space<vmem>>
        %dma_start3A_2974 = arith.constant 0 : i32
        %dma_start3A_2975 = tpu.memref_slice %arg5[%dma_start3A_2974, %multiple_of3A_2943] : memref<32x1000000xf32, #tpu.memory_space<hbm>> -> memref<32x128xf32, #tpu.memory_space<hbm>>
        tpu.enqueue_dma source(%dma_start3A_2975 : memref<32x128xf32, #tpu.memory_space<hbm>>) target(%dma_start3A_2973 : memref<32x128xf32, #tpu.memory_space<vmem>>) target_semaphore(%dma_start3A_2969 : memref<!tpu.dma_semaphore, #tpu.memory_space<semaphore_mem>>)
      } else {
      }
      %rem3A_2083 = arith.constant 14 : i32
      %rem3A_2084 = arith.remsi %add3A_2075, %rem3A_2083 : i32
      %dma_wait3A_2085 = arith.constant 0 : i32
      %dma_wait3A_2086 = arith.constant 0 : i32
      %dma_wait3A_2087 = tpu.memref_slice %arg11[%rem3A_2084, %dma_wait3A_2085, %dma_wait3A_2086] : memref<14x32x128xf32, #tpu.memory_space<vmem>> -> memref<1x32x128xf32, #tpu.memory_space<vmem>>
      %dma_wait3A_2088 = tpu.memref_squeeze %dma_wait3A_2087 : memref<1x32x128xf32, #tpu.memory_space<vmem>> -> memref<32x128xf32, #tpu.memory_space<vmem>>
      %dma_wait3A_2089 = arith.constant 0 : i32
      %dma_wait3A_2090 = arith.constant 0 : i32
      %dma_wait3A_2091 = tpu.memref_slice %arg4[%dma_wait3A_2089, %dma_wait3A_2090] : memref<32x1000000xf32, #tpu.memory_space<hbm>> -> memref<32x128xf32, #tpu.memory_space<hbm>>
      %dma_wait3A_2092 = tpu.memref_slice %arg14[%rem3A_2084] : memref<14x!tpu.dma_semaphore, #tpu.memory_space<semaphore_mem>> -> memref<1x!tpu.dma_semaphore, #tpu.memory_space<semaphore_mem>>
      %dma_wait3A_2093 = tpu.memref_squeeze %dma_wait3A_2092 : memref<1x!tpu.dma_semaphore, #tpu.memory_space<semaphore_mem>> -> memref<!tpu.dma_semaphore, #tpu.memory_space<semaphore_mem>>
      %dma_wait3A_2094 = arith.constant 0 : i32
      %dma_wait3A_2095 = arith.constant 0 : i32
      %dma_wait3A_2096 = tpu.memref_slice %arg11[%rem3A_2084, %dma_wait3A_2094, %dma_wait3A_2095] : memref<14x32x128xf32, #tpu.memory_space<vmem>> -> memref<1x32x128xf32, #tpu.memory_space<vmem>>
      %dma_wait3A_2097 = tpu.memref_squeeze %dma_wait3A_2096 : memref<1x32x128xf32, #tpu.memory_space<vmem>> -> memref<32x128xf32, #tpu.memory_space<vmem>>
      %dma_wait3A_2098 = arith.constant 0 : i32
      %dma_wait3A_2099 = arith.constant 0 : i32
      %dma_wait3A_2100 = tpu.memref_slice %arg4[%dma_wait3A_2098, %dma_wait3A_2099] : memref<32x1000000xf32, #tpu.memory_space<hbm>> -> memref<32x128xf32, #tpu.memory_space<hbm>>
      tpu.wait_dma2 semaphore(%dma_wait3A_2093 : memref<!tpu.dma_semaphore, #tpu.memory_space<semaphore_mem>>) src(%dma_wait3A_2100 : memref<32x128xf32, #tpu.memory_space<hbm>>) dst(%dma_wait3A_2097 : memref<32x128xf32, #tpu.memory_space<vmem>>)
      %dma_wait3A_2101 = arith.constant 0 : i32
      %dma_wait3A_2102 = arith.constant 0 : i32
      %dma_wait3A_2103 = tpu.memref_slice %arg12[%rem3A_2084, %dma_wait3A_2101, %dma_wait3A_2102] : memref<14x32x128xf32, #tpu.memory_space<vmem>> -> memref<1x32x128xf32, #tpu.memory_space<vmem>>
      %dma_wait3A_2104 = tpu.memref_squeeze %dma_wait3A_2103 : memref<1x32x128xf32, #tpu.memory_space<vmem>> -> memref<32x128xf32, #tpu.memory_space<vmem>>
      %dma_wait3A_2105 = arith.constant 0 : i32
      %dma_wait3A_2106 = arith.constant 0 : i32
      %dma_wait3A_2107 = tpu.memref_slice %arg5[%dma_wait3A_2105, %dma_wait3A_2106] : memref<32x1000000xf32, #tpu.memory_space<hbm>> -> memref<32x128xf32, #tpu.memory_space<hbm>>
      %dma_wait3A_2108 = tpu.memref_slice %arg14[%rem3A_2084] : memref<14x!tpu.dma_semaphore, #tpu.memory_space<semaphore_mem>> -> memref<1x!tpu.dma_semaphore, #tpu.memory_space<semaphore_mem>>
      %dma_wait3A_2109 = tpu.memref_squeeze %dma_wait3A_2108 : memref<1x!tpu.dma_semaphore, #tpu.memory_space<semaphore_mem>> -> memref<!tpu.dma_semaphore, #tpu.memory_space<semaphore_mem>>
      %dma_wait3A_2110 = arith.constant 0 : i32
      %dma_wait3A_2111 = arith.constant 0 : i32
      %dma_wait3A_2112 = tpu.memref_slice %arg12[%rem3A_2084, %dma_wait3A_2110, %dma_wait3A_2111] : memref<14x32x128xf32, #tpu.memory_space<vmem>> -> memref<1x32x128xf32, #tpu.memory_space<vmem>>
      %dma_wait3A_2113 = tpu.memref_squeeze %dma_wait3A_2112 : memref<1x32x128xf32, #tpu.memory_space<vmem>> -> memref<32x128xf32, #tpu.memory_space<vmem>>
      %dma_wait3A_2114 = arith.constant 0 : i32
      %dma_wait3A_2115 = arith.constant 0 : i32
      %dma_wait3A_2116 = tpu.memref_slice %arg5[%dma_wait3A_2114, %dma_wait3A_2115] : memref<32x1000000xf32, #tpu.memory_space<hbm>> -> memref<32x128xf32, #tpu.memory_space<hbm>>
      tpu.wait_dma2 semaphore(%dma_wait3A_2109 : memref<!tpu.dma_semaphore, #tpu.memory_space<semaphore_mem>>) src(%dma_wait3A_2116 : memref<32x128xf32, #tpu.memory_space<hbm>>) dst(%dma_wait3A_2113 : memref<32x128xf32, #tpu.memory_space<vmem>>)
      %slice3A_2117 = vector.extract_strided_slice %get3A_1781 {offsets = [4], sizes = [1], strides = [1]} : vector<16xi32> to vector<1xi32>
      %squeeze3A_2118 = vector.extract %slice3A_2117[0] : i32 from vector<1xi32>
      %broadcast_in_dim3A_2119 = vector.broadcast %squeeze3A_2118 : i32 to vector<16xi32>
      %slice3A_2120 = vector.extract_strided_slice %get3A_1783 {offsets = [4], sizes = [1], strides = [1]} : vector<16xi32> to vector<1xi32>
      %squeeze3A_2121 = vector.extract %slice3A_2120[0] : i32 from vector<1xi32>
      %broadcast_in_dim3A_2122 = vector.broadcast %squeeze3A_2121 : i32 to vector<16xi32>
      %broadcast_in_dim3A_2123 = vector.broadcast %rem3A_2084 : i32 to vector<16xi32>
      %gather3A_2124 = tpu.vector_load_idx %arg11[%broadcast_in_dim3A_2123, %iota3A, %broadcast_in_dim3A_2119] : memref<14x32x128xf32, #tpu.memory_space<vmem>>[vector<16xi32>, vector<16xi32>, vector<16xi32>], vector<16xf32>,
      %add3A_2125 = arith.constant 16 : i32
      %add3A_2126 = vector.broadcast %add3A_2125 : i32 to vector<16xi32>
      %add3A_2127 = arith.addi %iota3A, %add3A_2126 : vector<16xi32>
      %gather3A_2128 = tpu.vector_load_idx %arg11[%broadcast_in_dim3A_2123, %add3A_2127, %broadcast_in_dim3A_2119] : memref<14x32x128xf32, #tpu.memory_space<vmem>>[vector<16xi32>, vector<16xi32>, vector<16xi32>], vector<16xf32>,
      %gather3A_2129 = tpu.vector_load_idx %arg12[%broadcast_in_dim3A_2123, %iota3A, %broadcast_in_dim3A_2122] : memref<14x32x128xf32, #tpu.memory_space<vmem>>[vector<16xi32>, vector<16xi32>, vector<16xi32>], vector<16xf32>,
      %add3A_2130 = arith.constant 16 : i32
      %add3A_2131 = vector.broadcast %add3A_2130 : i32 to vector<16xi32>
      %add3A_2132 = arith.addi %iota3A, %add3A_2131 : vector<16xi32>
      %gather3A_2133 = tpu.vector_load_idx %arg12[%broadcast_in_dim3A_2123, %add3A_2132, %broadcast_in_dim3A_2122] : memref<14x32x128xf32, #tpu.memory_space<vmem>>[vector<16xi32>, vector<16xi32>, vector<16xi32>], vector<16xf32>,
      %mul3A_2134 = arith.mulf %gather3A_2124, %gather3A_2129 : vector<16xf32>
      %mul3A_2135 = arith.mulf %gather3A_2128, %gather3A_2133 : vector<16xf32>
      %add3A_2136 = arith.addf %mul3A_2134, %mul3A_2135 : vector<16xf32>
      %reduce_sum3A_2137 = arith.constant true
      %reduce_sum3A_2138 = vector.broadcast %reduce_sum3A_2137 : i1 to vector<16xi1>
      %reduce_sum3A_2139 = tpu.scan <sum>, %add3A_2136 masked %reduce_sum3A_2138 : vector<16xf32>, vector<16xi1> -> vector<16xf32>
      %reduce_sum3A_2140 = vector.extract %reduce_sum3A_2139[15] : f32 from vector<16xf32>
      %broadcast_in_dim3A_2141 = vector.broadcast %add3A_2075 : i32 to vector<16xi32>
      %broadcast_in_dim3A_2142 = vector.broadcast %reduce_sum3A_2140 : f32 to vector<16xf32>
      %eq3A_2143 = arith.constant 0 : i32
      %eq3A_2144 = vector.broadcast %eq3A_2143 : i32 to vector<16xi32>
      %eq3A_2145 = arith.cmpi eq, %iota3A, %eq3A_2144 : vector<16xi32>
      tpu.vector_store_idx %arg13[%broadcast_in_dim3A_2141], %broadcast_in_dim3A_2142 masked %eq3A_2145 : memref<512xf32, #tpu.memory_space<vmem>>[vector<16xi32>], vector<16xf32>, vector<16xi1>
      %add3A_2146 = arith.constant 5 : i32
      %add3A_2147 = arith.addi %mul3A_1775, %add3A_2146 : i32
      %add3A_2148 = arith.constant 13 : i32
      %add3A_2149 = arith.addi %add3A_2147, %add3A_2148 : i32
      %lt3A_2150 = arith.constant 512 : i32
      %lt3A_2151 = arith.cmpi slt, %add3A_2149, %lt3A_2150 : i32
      %convert_element_type3A_2152 = arith.extui %lt3A_2151 : i1 to i32
      %cond3A_2153 = arith.constant 0 : i32
      %cond3A_2154 = arith.cmpi ne, %convert_element_type3A_2152, %cond3A_2153 : i32
      scf.if %cond3A_2154 {
        %slice3A_2938 = vector.extract_strided_slice %get3A_1791 {offsets = [2], sizes = [1], strides = [1]} : vector<16xi32> to vector<1xi32>
        %squeeze3A_2939 = vector.extract %slice3A_2938[0] : i32 from vector<1xi32>
        %multiple_of3A_2940 = tpu.assume_multiple %squeeze3A_2939, 128 : i32
        %slice3A_2941 = vector.extract_strided_slice %get3A_1793 {offsets = [2], sizes = [1], strides = [1]} : vector<16xi32> to vector<1xi32>
        %squeeze3A_2942 = vector.extract %slice3A_2941[0] : i32 from vector<1xi32>
        %multiple_of3A_2943 = tpu.assume_multiple %squeeze3A_2942, 128 : i32
        %add3A_2944 = arith.constant 13 : i32
        %add3A_2945 = arith.addi %add3A_2147, %add3A_2944 : i32
        %rem3A_2946 = arith.constant 14 : i32
        %rem3A_2947 = arith.remsi %add3A_2945, %rem3A_2946 : i32
        %dma_start3A_2948 = arith.constant 0 : i32
        %dma_start3A_2949 = arith.constant 0 : i32
        %dma_start3A_2950 = tpu.memref_slice %arg11[%rem3A_2947, %dma_start3A_2948, %dma_start3A_2949] : memref<14x32x128xf32, #tpu.memory_space<vmem>> -> memref<1x32x128xf32, #tpu.memory_space<vmem>>
        %dma_start3A_2951 = tpu.memref_squeeze %dma_start3A_2950 : memref<1x32x128xf32, #tpu.memory_space<vmem>> -> memref<32x128xf32, #tpu.memory_space<vmem>>
        %dma_start3A_2952 = arith.constant 0 : i32
        %dma_start3A_2953 = tpu.memref_slice %arg4[%dma_start3A_2952, %multiple_of3A_2940] : memref<32x1000000xf32, #tpu.memory_space<hbm>> -> memref<32x128xf32, #tpu.memory_space<hbm>>
        %dma_start3A_2954 = tpu.memref_slice %arg14[%rem3A_2947] : memref<14x!tpu.dma_semaphore, #tpu.memory_space<semaphore_mem>> -> memref<1x!tpu.dma_semaphore, #tpu.memory_space<semaphore_mem>>
        %dma_start3A_2955 = tpu.memref_squeeze %dma_start3A_2954 : memref<1x!tpu.dma_semaphore, #tpu.memory_space<semaphore_mem>> -> memref<!tpu.dma_semaphore, #tpu.memory_space<semaphore_mem>>
        %dma_start3A_2956 = arith.constant 0 : i32
        %dma_start3A_2957 = arith.constant 0 : i32
        %dma_start3A_2958 = tpu.memref_slice %arg11[%rem3A_2947, %dma_start3A_2956, %dma_start3A_2957] : memref<14x32x128xf32, #tpu.memory_space<vmem>> -> memref<1x32x128xf32, #tpu.memory_space<vmem>>
        %dma_start3A_2959 = tpu.memref_squeeze %dma_start3A_2958 : memref<1x32x128xf32, #tpu.memory_space<vmem>> -> memref<32x128xf32, #tpu.memory_space<vmem>>
        %dma_start3A_2960 = arith.constant 0 : i32
        %dma_start3A_2961 = tpu.memref_slice %arg4[%dma_start3A_2960, %multiple_of3A_2940] : memref<32x1000000xf32, #tpu.memory_space<hbm>> -> memref<32x128xf32, #tpu.memory_space<hbm>>
        tpu.enqueue_dma source(%dma_start3A_2961 : memref<32x128xf32, #tpu.memory_space<hbm>>) target(%dma_start3A_2959 : memref<32x128xf32, #tpu.memory_space<vmem>>) target_semaphore(%dma_start3A_2955 : memref<!tpu.dma_semaphore, #tpu.memory_space<semaphore_mem>>)
        %dma_start3A_2962 = arith.constant 0 : i32
        %dma_start3A_2963 = arith.constant 0 : i32
        %dma_start3A_2964 = tpu.memref_slice %arg12[%rem3A_2947, %dma_start3A_2962, %dma_start3A_2963] : memref<14x32x128xf32, #tpu.memory_space<vmem>> -> memref<1x32x128xf32, #tpu.memory_space<vmem>>
        %dma_start3A_2965 = tpu.memref_squeeze %dma_start3A_2964 : memref<1x32x128xf32, #tpu.memory_space<vmem>> -> memref<32x128xf32, #tpu.memory_space<vmem>>
        %dma_start3A_2966 = arith.constant 0 : i32
        %dma_start3A_2967 = tpu.memref_slice %arg5[%dma_start3A_2966, %multiple_of3A_2943] : memref<32x1000000xf32, #tpu.memory_space<hbm>> -> memref<32x128xf32, #tpu.memory_space<hbm>>
        %dma_start3A_2968 = tpu.memref_slice %arg14[%rem3A_2947] : memref<14x!tpu.dma_semaphore, #tpu.memory_space<semaphore_mem>> -> memref<1x!tpu.dma_semaphore, #tpu.memory_space<semaphore_mem>>
        %dma_start3A_2969 = tpu.memref_squeeze %dma_start3A_2968 : memref<1x!tpu.dma_semaphore, #tpu.memory_space<semaphore_mem>> -> memref<!tpu.dma_semaphore, #tpu.memory_space<semaphore_mem>>
        %dma_start3A_2970 = arith.constant 0 : i32
        %dma_start3A_2971 = arith.constant 0 : i32
        %dma_start3A_2972 = tpu.memref_slice %arg12[%rem3A_2947, %dma_start3A_2970, %dma_start3A_2971] : memref<14x32x128xf32, #tpu.memory_space<vmem>> -> memref<1x32x128xf32, #tpu.memory_space<vmem>>
        %dma_start3A_2973 = tpu.memref_squeeze %dma_start3A_2972 : memref<1x32x128xf32, #tpu.memory_space<vmem>> -> memref<32x128xf32, #tpu.memory_space<vmem>>
        %dma_start3A_2974 = arith.constant 0 : i32
        %dma_start3A_2975 = tpu.memref_slice %arg5[%dma_start3A_2974, %multiple_of3A_2943] : memref<32x1000000xf32, #tpu.memory_space<hbm>> -> memref<32x128xf32, #tpu.memory_space<hbm>>
        tpu.enqueue_dma source(%dma_start3A_2975 : memref<32x128xf32, #tpu.memory_space<hbm>>) target(%dma_start3A_2973 : memref<32x128xf32, #tpu.memory_space<vmem>>) target_semaphore(%dma_start3A_2969 : memref<!tpu.dma_semaphore, #tpu.memory_space<semaphore_mem>>)
      } else {
      }
      %rem3A_2155 = arith.constant 14 : i32
      %rem3A_2156 = arith.remsi %add3A_2147, %rem3A_2155 : i32
      %dma_wait3A_2157 = arith.constant 0 : i32
      %dma_wait3A_2158 = arith.constant 0 : i32
      %dma_wait3A_2159 = tpu.memref_slice %arg11[%rem3A_2156, %dma_wait3A_2157, %dma_wait3A_2158] : memref<14x32x128xf32, #tpu.memory_space<vmem>> -> memref<1x32x128xf32, #tpu.memory_space<vmem>>
      %dma_wait3A_2160 = tpu.memref_squeeze %dma_wait3A_2159 : memref<1x32x128xf32, #tpu.memory_space<vmem>> -> memref<32x128xf32, #tpu.memory_space<vmem>>
      %dma_wait3A_2161 = arith.constant 0 : i32
      %dma_wait3A_2162 = arith.constant 0 : i32
      %dma_wait3A_2163 = tpu.memref_slice %arg4[%dma_wait3A_2161, %dma_wait3A_2162] : memref<32x1000000xf32, #tpu.memory_space<hbm>> -> memref<32x128xf32, #tpu.memory_space<hbm>>
      %dma_wait3A_2164 = tpu.memref_slice %arg14[%rem3A_2156] : memref<14x!tpu.dma_semaphore, #tpu.memory_space<semaphore_mem>> -> memref<1x!tpu.dma_semaphore, #tpu.memory_space<semaphore_mem>>
      %dma_wait3A_2165 = tpu.memref_squeeze %dma_wait3A_2164 : memref<1x!tpu.dma_semaphore, #tpu.memory_space<semaphore_mem>> -> memref<!tpu.dma_semaphore, #tpu.memory_space<semaphore_mem>>
      %dma_wait3A_2166 = arith.constant 0 : i32
      %dma_wait3A_2167 = arith.constant 0 : i32
      %dma_wait3A_2168 = tpu.memref_slice %arg11[%rem3A_2156, %dma_wait3A_2166, %dma_wait3A_2167] : memref<14x32x128xf32, #tpu.memory_space<vmem>> -> memref<1x32x128xf32, #tpu.memory_space<vmem>>
      %dma_wait3A_2169 = tpu.memref_squeeze %dma_wait3A_2168 : memref<1x32x128xf32, #tpu.memory_space<vmem>> -> memref<32x128xf32, #tpu.memory_space<vmem>>
      %dma_wait3A_2170 = arith.constant 0 : i32
      %dma_wait3A_2171 = arith.constant 0 : i32
      %dma_wait3A_2172 = tpu.memref_slice %arg4[%dma_wait3A_2170, %dma_wait3A_2171] : memref<32x1000000xf32, #tpu.memory_space<hbm>> -> memref<32x128xf32, #tpu.memory_space<hbm>>
      tpu.wait_dma2 semaphore(%dma_wait3A_2165 : memref<!tpu.dma_semaphore, #tpu.memory_space<semaphore_mem>>) src(%dma_wait3A_2172 : memref<32x128xf32, #tpu.memory_space<hbm>>) dst(%dma_wait3A_2169 : memref<32x128xf32, #tpu.memory_space<vmem>>)
      %dma_wait3A_2173 = arith.constant 0 : i32
      %dma_wait3A_2174 = arith.constant 0 : i32
      %dma_wait3A_2175 = tpu.memref_slice %arg12[%rem3A_2156, %dma_wait3A_2173, %dma_wait3A_2174] : memref<14x32x128xf32, #tpu.memory_space<vmem>> -> memref<1x32x128xf32, #tpu.memory_space<vmem>>
      %dma_wait3A_2176 = tpu.memref_squeeze %dma_wait3A_2175 : memref<1x32x128xf32, #tpu.memory_space<vmem>> -> memref<32x128xf32, #tpu.memory_space<vmem>>
      %dma_wait3A_2177 = arith.constant 0 : i32
      %dma_wait3A_2178 = arith.constant 0 : i32
      %dma_wait3A_2179 = tpu.memref_slice %arg5[%dma_wait3A_2177, %dma_wait3A_2178] : memref<32x1000000xf32, #tpu.memory_space<hbm>> -> memref<32x128xf32, #tpu.memory_space<hbm>>
      %dma_wait3A_2180 = tpu.memref_slice %arg14[%rem3A_2156] : memref<14x!tpu.dma_semaphore, #tpu.memory_space<semaphore_mem>> -> memref<1x!tpu.dma_semaphore, #tpu.memory_space<semaphore_mem>>
      %dma_wait3A_2181 = tpu.memref_squeeze %dma_wait3A_2180 : memref<1x!tpu.dma_semaphore, #tpu.memory_space<semaphore_mem>> -> memref<!tpu.dma_semaphore, #tpu.memory_space<semaphore_mem>>
      %dma_wait3A_2182 = arith.constant 0 : i32
      %dma_wait3A_2183 = arith.constant 0 : i32
      %dma_wait3A_2184 = tpu.memref_slice %arg12[%rem3A_2156, %dma_wait3A_2182, %dma_wait3A_2183] : memref<14x32x128xf32, #tpu.memory_space<vmem>> -> memref<1x32x128xf32, #tpu.memory_space<vmem>>
      %dma_wait3A_2185 = tpu.memref_squeeze %dma_wait3A_2184 : memref<1x32x128xf32, #tpu.memory_space<vmem>> -> memref<32x128xf32, #tpu.memory_space<vmem>>
      %dma_wait3A_2186 = arith.constant 0 : i32
      %dma_wait3A_2187 = arith.constant 0 : i32
      %dma_wait3A_2188 = tpu.memref_slice %arg5[%dma_wait3A_2186, %dma_wait3A_2187] : memref<32x1000000xf32, #tpu.memory_space<hbm>> -> memref<32x128xf32, #tpu.memory_space<hbm>>
      tpu.wait_dma2 semaphore(%dma_wait3A_2181 : memref<!tpu.dma_semaphore, #tpu.memory_space<semaphore_mem>>) src(%dma_wait3A_2188 : memref<32x128xf32, #tpu.memory_space<hbm>>) dst(%dma_wait3A_2185 : memref<32x128xf32, #tpu.memory_space<vmem>>)
      %slice3A_2189 = vector.extract_strided_slice %get3A_1781 {offsets = [5], sizes = [1], strides = [1]} : vector<16xi32> to vector<1xi32>
      %squeeze3A_2190 = vector.extract %slice3A_2189[0] : i32 from vector<1xi32>
      %broadcast_in_dim3A_2191 = vector.broadcast %squeeze3A_2190 : i32 to vector<16xi32>
      %slice3A_2192 = vector.extract_strided_slice %get3A_1783 {offsets = [5], sizes = [1], strides = [1]} : vector<16xi32> to vector<1xi32>
      %squeeze3A_2193 = vector.extract %slice3A_2192[0] : i32 from vector<1xi32>
      %broadcast_in_dim3A_2194 = vector.broadcast %squeeze3A_2193 : i32 to vector<16xi32>
      %broadcast_in_dim3A_2195 = vector.broadcast %rem3A_2156 : i32 to vector<16xi32>
      %gather3A_2196 = tpu.vector_load_idx %arg11[%broadcast_in_dim3A_2195, %iota3A, %broadcast_in_dim3A_2191] : memref<14x32x128xf32, #tpu.memory_space<vmem>>[vector<16xi32>, vector<16xi32>, vector<16xi32>], vector<16xf32>,
      %add3A_2197 = arith.constant 16 : i32
      %add3A_2198 = vector.broadcast %add3A_2197 : i32 to vector<16xi32>
      %add3A_2199 = arith.addi %iota3A, %add3A_2198 : vector<16xi32>
      %gather3A_2200 = tpu.vector_load_idx %arg11[%broadcast_in_dim3A_2195, %add3A_2199, %broadcast_in_dim3A_2191] : memref<14x32x128xf32, #tpu.memory_space<vmem>>[vector<16xi32>, vector<16xi32>, vector<16xi32>], vector<16xf32>,
      %gather3A_2201 = tpu.vector_load_idx %arg12[%broadcast_in_dim3A_2195, %iota3A, %broadcast_in_dim3A_2194] : memref<14x32x128xf32, #tpu.memory_space<vmem>>[vector<16xi32>, vector<16xi32>, vector<16xi32>], vector<16xf32>,
      %add3A_2202 = arith.constant 16 : i32
      %add3A_2203 = vector.broadcast %add3A_2202 : i32 to vector<16xi32>
      %add3A_2204 = arith.addi %iota3A, %add3A_2203 : vector<16xi32>
      %gather3A_2205 = tpu.vector_load_idx %arg12[%broadcast_in_dim3A_2195, %add3A_2204, %broadcast_in_dim3A_2194] : memref<14x32x128xf32, #tpu.memory_space<vmem>>[vector<16xi32>, vector<16xi32>, vector<16xi32>], vector<16xf32>,
      %mul3A_2206 = arith.mulf %gather3A_2196, %gather3A_2201 : vector<16xf32>
      %mul3A_2207 = arith.mulf %gather3A_2200, %gather3A_2205 : vector<16xf32>
      %add3A_2208 = arith.addf %mul3A_2206, %mul3A_2207 : vector<16xf32>
      %reduce_sum3A_2209 = arith.constant true
      %reduce_sum3A_2210 = vector.broadcast %reduce_sum3A_2209 : i1 to vector<16xi1>
      %reduce_sum3A_2211 = tpu.scan <sum>, %add3A_2208 masked %reduce_sum3A_2210 : vector<16xf32>, vector<16xi1> -> vector<16xf32>
      %reduce_sum3A_2212 = vector.extract %reduce_sum3A_2211[15] : f32 from vector<16xf32>
      %broadcast_in_dim3A_2213 = vector.broadcast %add3A_2147 : i32 to vector<16xi32>
      %broadcast_in_dim3A_2214 = vector.broadcast %reduce_sum3A_2212 : f32 to vector<16xf32>
      %eq3A_2215 = arith.constant 0 : i32
      %eq3A_2216 = vector.broadcast %eq3A_2215 : i32 to vector<16xi32>
      %eq3A_2217 = arith.cmpi eq, %iota3A, %eq3A_2216 : vector<16xi32>
      tpu.vector_store_idx %arg13[%broadcast_in_dim3A_2213], %broadcast_in_dim3A_2214 masked %eq3A_2217 : memref<512xf32, #tpu.memory_space<vmem>>[vector<16xi32>], vector<16xf32>, vector<16xi1>
      %add3A_2218 = arith.constant 6 : i32
      %add3A_2219 = arith.addi %mul3A_1775, %add3A_2218 : i32
      %add3A_2220 = arith.constant 13 : i32
      %add3A_2221 = arith.addi %add3A_2219, %add3A_2220 : i32
      %lt3A_2222 = arith.constant 512 : i32
      %lt3A_2223 = arith.cmpi slt, %add3A_2221, %lt3A_2222 : i32
      %convert_element_type3A_2224 = arith.extui %lt3A_2223 : i1 to i32
      %cond3A_2225 = arith.constant 0 : i32
      %cond3A_2226 = arith.cmpi ne, %convert_element_type3A_2224, %cond3A_2225 : i32
      scf.if %cond3A_2226 {
        %slice3A_2938 = vector.extract_strided_slice %get3A_1791 {offsets = [3], sizes = [1], strides = [1]} : vector<16xi32> to vector<1xi32>
        %squeeze3A_2939 = vector.extract %slice3A_2938[0] : i32 from vector<1xi32>
        %multiple_of3A_2940 = tpu.assume_multiple %squeeze3A_2939, 128 : i32
        %slice3A_2941 = vector.extract_strided_slice %get3A_1793 {offsets = [3], sizes = [1], strides = [1]} : vector<16xi32> to vector<1xi32>
        %squeeze3A_2942 = vector.extract %slice3A_2941[0] : i32 from vector<1xi32>
        %multiple_of3A_2943 = tpu.assume_multiple %squeeze3A_2942, 128 : i32
        %add3A_2944 = arith.constant 13 : i32
        %add3A_2945 = arith.addi %add3A_2219, %add3A_2944 : i32
        %rem3A_2946 = arith.constant 14 : i32
        %rem3A_2947 = arith.remsi %add3A_2945, %rem3A_2946 : i32
        %dma_start3A_2948 = arith.constant 0 : i32
        %dma_start3A_2949 = arith.constant 0 : i32
        %dma_start3A_2950 = tpu.memref_slice %arg11[%rem3A_2947, %dma_start3A_2948, %dma_start3A_2949] : memref<14x32x128xf32, #tpu.memory_space<vmem>> -> memref<1x32x128xf32, #tpu.memory_space<vmem>>
        %dma_start3A_2951 = tpu.memref_squeeze %dma_start3A_2950 : memref<1x32x128xf32, #tpu.memory_space<vmem>> -> memref<32x128xf32, #tpu.memory_space<vmem>>
        %dma_start3A_2952 = arith.constant 0 : i32
        %dma_start3A_2953 = tpu.memref_slice %arg4[%dma_start3A_2952, %multiple_of3A_2940] : memref<32x1000000xf32, #tpu.memory_space<hbm>> -> memref<32x128xf32, #tpu.memory_space<hbm>>
        %dma_start3A_2954 = tpu.memref_slice %arg14[%rem3A_2947] : memref<14x!tpu.dma_semaphore, #tpu.memory_space<semaphore_mem>> -> memref<1x!tpu.dma_semaphore, #tpu.memory_space<semaphore_mem>>
        %dma_start3A_2955 = tpu.memref_squeeze %dma_start3A_2954 : memref<1x!tpu.dma_semaphore, #tpu.memory_space<semaphore_mem>> -> memref<!tpu.dma_semaphore, #tpu.memory_space<semaphore_mem>>
        %dma_start3A_2956 = arith.constant 0 : i32
        %dma_start3A_2957 = arith.constant 0 : i32
        %dma_start3A_2958 = tpu.memref_slice %arg11[%rem3A_2947, %dma_start3A_2956, %dma_start3A_2957] : memref<14x32x128xf32, #tpu.memory_space<vmem>> -> memref<1x32x128xf32, #tpu.memory_space<vmem>>
        %dma_start3A_2959 = tpu.memref_squeeze %dma_start3A_2958 : memref<1x32x128xf32, #tpu.memory_space<vmem>> -> memref<32x128xf32, #tpu.memory_space<vmem>>
        %dma_start3A_2960 = arith.constant 0 : i32
        %dma_start3A_2961 = tpu.memref_slice %arg4[%dma_start3A_2960, %multiple_of3A_2940] : memref<32x1000000xf32, #tpu.memory_space<hbm>> -> memref<32x128xf32, #tpu.memory_space<hbm>>
        tpu.enqueue_dma source(%dma_start3A_2961 : memref<32x128xf32, #tpu.memory_space<hbm>>) target(%dma_start3A_2959 : memref<32x128xf32, #tpu.memory_space<vmem>>) target_semaphore(%dma_start3A_2955 : memref<!tpu.dma_semaphore, #tpu.memory_space<semaphore_mem>>)
        %dma_start3A_2962 = arith.constant 0 : i32
        %dma_start3A_2963 = arith.constant 0 : i32
        %dma_start3A_2964 = tpu.memref_slice %arg12[%rem3A_2947, %dma_start3A_2962, %dma_start3A_2963] : memref<14x32x128xf32, #tpu.memory_space<vmem>> -> memref<1x32x128xf32, #tpu.memory_space<vmem>>
        %dma_start3A_2965 = tpu.memref_squeeze %dma_start3A_2964 : memref<1x32x128xf32, #tpu.memory_space<vmem>> -> memref<32x128xf32, #tpu.memory_space<vmem>>
        %dma_start3A_2966 = arith.constant 0 : i32
        %dma_start3A_2967 = tpu.memref_slice %arg5[%dma_start3A_2966, %multiple_of3A_2943] : memref<32x1000000xf32, #tpu.memory_space<hbm>> -> memref<32x128xf32, #tpu.memory_space<hbm>>
        %dma_start3A_2968 = tpu.memref_slice %arg14[%rem3A_2947] : memref<14x!tpu.dma_semaphore, #tpu.memory_space<semaphore_mem>> -> memref<1x!tpu.dma_semaphore, #tpu.memory_space<semaphore_mem>>
        %dma_start3A_2969 = tpu.memref_squeeze %dma_start3A_2968 : memref<1x!tpu.dma_semaphore, #tpu.memory_space<semaphore_mem>> -> memref<!tpu.dma_semaphore, #tpu.memory_space<semaphore_mem>>
        %dma_start3A_2970 = arith.constant 0 : i32
        %dma_start3A_2971 = arith.constant 0 : i32
        %dma_start3A_2972 = tpu.memref_slice %arg12[%rem3A_2947, %dma_start3A_2970, %dma_start3A_2971] : memref<14x32x128xf32, #tpu.memory_space<vmem>> -> memref<1x32x128xf32, #tpu.memory_space<vmem>>
        %dma_start3A_2973 = tpu.memref_squeeze %dma_start3A_2972 : memref<1x32x128xf32, #tpu.memory_space<vmem>> -> memref<32x128xf32, #tpu.memory_space<vmem>>
        %dma_start3A_2974 = arith.constant 0 : i32
        %dma_start3A_2975 = tpu.memref_slice %arg5[%dma_start3A_2974, %multiple_of3A_2943] : memref<32x1000000xf32, #tpu.memory_space<hbm>> -> memref<32x128xf32, #tpu.memory_space<hbm>>
        tpu.enqueue_dma source(%dma_start3A_2975 : memref<32x128xf32, #tpu.memory_space<hbm>>) target(%dma_start3A_2973 : memref<32x128xf32, #tpu.memory_space<vmem>>) target_semaphore(%dma_start3A_2969 : memref<!tpu.dma_semaphore, #tpu.memory_space<semaphore_mem>>)
      } else {
      }
      %rem3A_2227 = arith.constant 14 : i32
      %rem3A_2228 = arith.remsi %add3A_2219, %rem3A_2227 : i32
      %dma_wait3A_2229 = arith.constant 0 : i32
      %dma_wait3A_2230 = arith.constant 0 : i32
      %dma_wait3A_2231 = tpu.memref_slice %arg11[%rem3A_2228, %dma_wait3A_2229, %dma_wait3A_2230] : memref<14x32x128xf32, #tpu.memory_space<vmem>> -> memref<1x32x128xf32, #tpu.memory_space<vmem>>
      %dma_wait3A_2232 = tpu.memref_squeeze %dma_wait3A_2231 : memref<1x32x128xf32, #tpu.memory_space<vmem>> -> memref<32x128xf32, #tpu.memory_space<vmem>>
      %dma_wait3A_2233 = arith.constant 0 : i32
      %dma_wait3A_2234 = arith.constant 0 : i32
      %dma_wait3A_2235 = tpu.memref_slice %arg4[%dma_wait3A_2233, %dma_wait3A_2234] : memref<32x1000000xf32, #tpu.memory_space<hbm>> -> memref<32x128xf32, #tpu.memory_space<hbm>>
      %dma_wait3A_2236 = tpu.memref_slice %arg14[%rem3A_2228] : memref<14x!tpu.dma_semaphore, #tpu.memory_space<semaphore_mem>> -> memref<1x!tpu.dma_semaphore, #tpu.memory_space<semaphore_mem>>
      %dma_wait3A_2237 = tpu.memref_squeeze %dma_wait3A_2236 : memref<1x!tpu.dma_semaphore, #tpu.memory_space<semaphore_mem>> -> memref<!tpu.dma_semaphore, #tpu.memory_space<semaphore_mem>>
      %dma_wait3A_2238 = arith.constant 0 : i32
      %dma_wait3A_2239 = arith.constant 0 : i32
      %dma_wait3A_2240 = tpu.memref_slice %arg11[%rem3A_2228, %dma_wait3A_2238, %dma_wait3A_2239] : memref<14x32x128xf32, #tpu.memory_space<vmem>> -> memref<1x32x128xf32, #tpu.memory_space<vmem>>
      %dma_wait3A_2241 = tpu.memref_squeeze %dma_wait3A_2240 : memref<1x32x128xf32, #tpu.memory_space<vmem>> -> memref<32x128xf32, #tpu.memory_space<vmem>>
      %dma_wait3A_2242 = arith.constant 0 : i32
      %dma_wait3A_2243 = arith.constant 0 : i32
      %dma_wait3A_2244 = tpu.memref_slice %arg4[%dma_wait3A_2242, %dma_wait3A_2243] : memref<32x1000000xf32, #tpu.memory_space<hbm>> -> memref<32x128xf32, #tpu.memory_space<hbm>>
      tpu.wait_dma2 semaphore(%dma_wait3A_2237 : memref<!tpu.dma_semaphore, #tpu.memory_space<semaphore_mem>>) src(%dma_wait3A_2244 : memref<32x128xf32, #tpu.memory_space<hbm>>) dst(%dma_wait3A_2241 : memref<32x128xf32, #tpu.memory_space<vmem>>)
      %dma_wait3A_2245 = arith.constant 0 : i32
      %dma_wait3A_2246 = arith.constant 0 : i32
      %dma_wait3A_2247 = tpu.memref_slice %arg12[%rem3A_2228, %dma_wait3A_2245, %dma_wait3A_2246] : memref<14x32x128xf32, #tpu.memory_space<vmem>> -> memref<1x32x128xf32, #tpu.memory_space<vmem>>
      %dma_wait3A_2248 = tpu.memref_squeeze %dma_wait3A_2247 : memref<1x32x128xf32, #tpu.memory_space<vmem>> -> memref<32x128xf32, #tpu.memory_space<vmem>>
      %dma_wait3A_2249 = arith.constant 0 : i32
      %dma_wait3A_2250 = arith.constant 0 : i32
      %dma_wait3A_2251 = tpu.memref_slice %arg5[%dma_wait3A_2249, %dma_wait3A_2250] : memref<32x1000000xf32, #tpu.memory_space<hbm>> -> memref<32x128xf32, #tpu.memory_space<hbm>>
      %dma_wait3A_2252 = tpu.memref_slice %arg14[%rem3A_2228] : memref<14x!tpu.dma_semaphore, #tpu.memory_space<semaphore_mem>> -> memref<1x!tpu.dma_semaphore, #tpu.memory_space<semaphore_mem>>
      %dma_wait3A_2253 = tpu.memref_squeeze %dma_wait3A_2252 : memref<1x!tpu.dma_semaphore, #tpu.memory_space<semaphore_mem>> -> memref<!tpu.dma_semaphore, #tpu.memory_space<semaphore_mem>>
      %dma_wait3A_2254 = arith.constant 0 : i32
      %dma_wait3A_2255 = arith.constant 0 : i32
      %dma_wait3A_2256 = tpu.memref_slice %arg12[%rem3A_2228, %dma_wait3A_2254, %dma_wait3A_2255] : memref<14x32x128xf32, #tpu.memory_space<vmem>> -> memref<1x32x128xf32, #tpu.memory_space<vmem>>
      %dma_wait3A_2257 = tpu.memref_squeeze %dma_wait3A_2256 : memref<1x32x128xf32, #tpu.memory_space<vmem>> -> memref<32x128xf32, #tpu.memory_space<vmem>>
      %dma_wait3A_2258 = arith.constant 0 : i32
      %dma_wait3A_2259 = arith.constant 0 : i32
      %dma_wait3A_2260 = tpu.memref_slice %arg5[%dma_wait3A_2258, %dma_wait3A_2259] : memref<32x1000000xf32, #tpu.memory_space<hbm>> -> memref<32x128xf32, #tpu.memory_space<hbm>>
      tpu.wait_dma2 semaphore(%dma_wait3A_2253 : memref<!tpu.dma_semaphore, #tpu.memory_space<semaphore_mem>>) src(%dma_wait3A_2260 : memref<32x128xf32, #tpu.memory_space<hbm>>) dst(%dma_wait3A_2257 : memref<32x128xf32, #tpu.memory_space<vmem>>)
      %slice3A_2261 = vector.extract_strided_slice %get3A_1781 {offsets = [6], sizes = [1], strides = [1]} : vector<16xi32> to vector<1xi32>
      %squeeze3A_2262 = vector.extract %slice3A_2261[0] : i32 from vector<1xi32>
      %broadcast_in_dim3A_2263 = vector.broadcast %squeeze3A_2262 : i32 to vector<16xi32>
      %slice3A_2264 = vector.extract_strided_slice %get3A_1783 {offsets = [6], sizes = [1], strides = [1]} : vector<16xi32> to vector<1xi32>
      %squeeze3A_2265 = vector.extract %slice3A_2264[0] : i32 from vector<1xi32>
      %broadcast_in_dim3A_2266 = vector.broadcast %squeeze3A_2265 : i32 to vector<16xi32>
      %broadcast_in_dim3A_2267 = vector.broadcast %rem3A_2228 : i32 to vector<16xi32>
      %gather3A_2268 = tpu.vector_load_idx %arg11[%broadcast_in_dim3A_2267, %iota3A, %broadcast_in_dim3A_2263] : memref<14x32x128xf32, #tpu.memory_space<vmem>>[vector<16xi32>, vector<16xi32>, vector<16xi32>], vector<16xf32>,
      %add3A_2269 = arith.constant 16 : i32
      %add3A_2270 = vector.broadcast %add3A_2269 : i32 to vector<16xi32>
      %add3A_2271 = arith.addi %iota3A, %add3A_2270 : vector<16xi32>
      %gather3A_2272 = tpu.vector_load_idx %arg11[%broadcast_in_dim3A_2267, %add3A_2271, %broadcast_in_dim3A_2263] : memref<14x32x128xf32, #tpu.memory_space<vmem>>[vector<16xi32>, vector<16xi32>, vector<16xi32>], vector<16xf32>,
      %gather3A_2273 = tpu.vector_load_idx %arg12[%broadcast_in_dim3A_2267, %iota3A, %broadcast_in_dim3A_2266] : memref<14x32x128xf32, #tpu.memory_space<vmem>>[vector<16xi32>, vector<16xi32>, vector<16xi32>], vector<16xf32>,
      %add3A_2274 = arith.constant 16 : i32
      %add3A_2275 = vector.broadcast %add3A_2274 : i32 to vector<16xi32>
      %add3A_2276 = arith.addi %iota3A, %add3A_2275 : vector<16xi32>
      %gather3A_2277 = tpu.vector_load_idx %arg12[%broadcast_in_dim3A_2267, %add3A_2276, %broadcast_in_dim3A_2266] : memref<14x32x128xf32, #tpu.memory_space<vmem>>[vector<16xi32>, vector<16xi32>, vector<16xi32>], vector<16xf32>,
      %mul3A_2278 = arith.mulf %gather3A_2268, %gather3A_2273 : vector<16xf32>
      %mul3A_2279 = arith.mulf %gather3A_2272, %gather3A_2277 : vector<16xf32>
      %add3A_2280 = arith.addf %mul3A_2278, %mul3A_2279 : vector<16xf32>
      %reduce_sum3A_2281 = arith.constant true
      %reduce_sum3A_2282 = vector.broadcast %reduce_sum3A_2281 : i1 to vector<16xi1>
      %reduce_sum3A_2283 = tpu.scan <sum>, %add3A_2280 masked %reduce_sum3A_2282 : vector<16xf32>, vector<16xi1> -> vector<16xf32>
      %reduce_sum3A_2284 = vector.extract %reduce_sum3A_2283[15] : f32 from vector<16xf32>
      %broadcast_in_dim3A_2285 = vector.broadcast %add3A_2219 : i32 to vector<16xi32>
      %broadcast_in_dim3A_2286 = vector.broadcast %reduce_sum3A_2284 : f32 to vector<16xf32>
      %eq3A_2287 = arith.constant 0 : i32
      %eq3A_2288 = vector.broadcast %eq3A_2287 : i32 to vector<16xi32>
      %eq3A_2289 = arith.cmpi eq, %iota3A, %eq3A_2288 : vector<16xi32>
      tpu.vector_store_idx %arg13[%broadcast_in_dim3A_2285], %broadcast_in_dim3A_2286 masked %eq3A_2289 : memref<512xf32, #tpu.memory_space<vmem>>[vector<16xi32>], vector<16xf32>, vector<16xi1>
      %add3A_2290 = arith.constant 7 : i32
      %add3A_2291 = arith.addi %mul3A_1775, %add3A_2290 : i32
      %add3A_2292 = arith.constant 13 : i32
      %add3A_2293 = arith.addi %add3A_2291, %add3A_2292 : i32
      %lt3A_2294 = arith.constant 512 : i32
      %lt3A_2295 = arith.cmpi slt, %add3A_2293, %lt3A_2294 : i32
      %convert_element_type3A_2296 = arith.extui %lt3A_2295 : i1 to i32
      %cond3A_2297 = arith.constant 0 : i32
      %cond3A_2298 = arith.cmpi ne, %convert_element_type3A_2296, %cond3A_2297 : i32
      scf.if %cond3A_2298 {
        %slice3A_2938 = vector.extract_strided_slice %get3A_1791 {offsets = [4], sizes = [1], strides = [1]} : vector<16xi32> to vector<1xi32>
        %squeeze3A_2939 = vector.extract %slice3A_2938[0] : i32 from vector<1xi32>
        %multiple_of3A_2940 = tpu.assume_multiple %squeeze3A_2939, 128 : i32
        %slice3A_2941 = vector.extract_strided_slice %get3A_1793 {offsets = [4], sizes = [1], strides = [1]} : vector<16xi32> to vector<1xi32>
        %squeeze3A_2942 = vector.extract %slice3A_2941[0] : i32 from vector<1xi32>
        %multiple_of3A_2943 = tpu.assume_multiple %squeeze3A_2942, 128 : i32
        %add3A_2944 = arith.constant 13 : i32
        %add3A_2945 = arith.addi %add3A_2291, %add3A_2944 : i32
        %rem3A_2946 = arith.constant 14 : i32
        %rem3A_2947 = arith.remsi %add3A_2945, %rem3A_2946 : i32
        %dma_start3A_2948 = arith.constant 0 : i32
        %dma_start3A_2949 = arith.constant 0 : i32
        %dma_start3A_2950 = tpu.memref_slice %arg11[%rem3A_2947, %dma_start3A_2948, %dma_start3A_2949] : memref<14x32x128xf32, #tpu.memory_space<vmem>> -> memref<1x32x128xf32, #tpu.memory_space<vmem>>
        %dma_start3A_2951 = tpu.memref_squeeze %dma_start3A_2950 : memref<1x32x128xf32, #tpu.memory_space<vmem>> -> memref<32x128xf32, #tpu.memory_space<vmem>>
        %dma_start3A_2952 = arith.constant 0 : i32
        %dma_start3A_2953 = tpu.memref_slice %arg4[%dma_start3A_2952, %multiple_of3A_2940] : memref<32x1000000xf32, #tpu.memory_space<hbm>> -> memref<32x128xf32, #tpu.memory_space<hbm>>
        %dma_start3A_2954 = tpu.memref_slice %arg14[%rem3A_2947] : memref<14x!tpu.dma_semaphore, #tpu.memory_space<semaphore_mem>> -> memref<1x!tpu.dma_semaphore, #tpu.memory_space<semaphore_mem>>
        %dma_start3A_2955 = tpu.memref_squeeze %dma_start3A_2954 : memref<1x!tpu.dma_semaphore, #tpu.memory_space<semaphore_mem>> -> memref<!tpu.dma_semaphore, #tpu.memory_space<semaphore_mem>>
        %dma_start3A_2956 = arith.constant 0 : i32
        %dma_start3A_2957 = arith.constant 0 : i32
        %dma_start3A_2958 = tpu.memref_slice %arg11[%rem3A_2947, %dma_start3A_2956, %dma_start3A_2957] : memref<14x32x128xf32, #tpu.memory_space<vmem>> -> memref<1x32x128xf32, #tpu.memory_space<vmem>>
        %dma_start3A_2959 = tpu.memref_squeeze %dma_start3A_2958 : memref<1x32x128xf32, #tpu.memory_space<vmem>> -> memref<32x128xf32, #tpu.memory_space<vmem>>
        %dma_start3A_2960 = arith.constant 0 : i32
        %dma_start3A_2961 = tpu.memref_slice %arg4[%dma_start3A_2960, %multiple_of3A_2940] : memref<32x1000000xf32, #tpu.memory_space<hbm>> -> memref<32x128xf32, #tpu.memory_space<hbm>>
        tpu.enqueue_dma source(%dma_start3A_2961 : memref<32x128xf32, #tpu.memory_space<hbm>>) target(%dma_start3A_2959 : memref<32x128xf32, #tpu.memory_space<vmem>>) target_semaphore(%dma_start3A_2955 : memref<!tpu.dma_semaphore, #tpu.memory_space<semaphore_mem>>)
        %dma_start3A_2962 = arith.constant 0 : i32
        %dma_start3A_2963 = arith.constant 0 : i32
        %dma_start3A_2964 = tpu.memref_slice %arg12[%rem3A_2947, %dma_start3A_2962, %dma_start3A_2963] : memref<14x32x128xf32, #tpu.memory_space<vmem>> -> memref<1x32x128xf32, #tpu.memory_space<vmem>>
        %dma_start3A_2965 = tpu.memref_squeeze %dma_start3A_2964 : memref<1x32x128xf32, #tpu.memory_space<vmem>> -> memref<32x128xf32, #tpu.memory_space<vmem>>
        %dma_start3A_2966 = arith.constant 0 : i32
        %dma_start3A_2967 = tpu.memref_slice %arg5[%dma_start3A_2966, %multiple_of3A_2943] : memref<32x1000000xf32, #tpu.memory_space<hbm>> -> memref<32x128xf32, #tpu.memory_space<hbm>>
        %dma_start3A_2968 = tpu.memref_slice %arg14[%rem3A_2947] : memref<14x!tpu.dma_semaphore, #tpu.memory_space<semaphore_mem>> -> memref<1x!tpu.dma_semaphore, #tpu.memory_space<semaphore_mem>>
        %dma_start3A_2969 = tpu.memref_squeeze %dma_start3A_2968 : memref<1x!tpu.dma_semaphore, #tpu.memory_space<semaphore_mem>> -> memref<!tpu.dma_semaphore, #tpu.memory_space<semaphore_mem>>
        %dma_start3A_2970 = arith.constant 0 : i32
        %dma_start3A_2971 = arith.constant 0 : i32
        %dma_start3A_2972 = tpu.memref_slice %arg12[%rem3A_2947, %dma_start3A_2970, %dma_start3A_2971] : memref<14x32x128xf32, #tpu.memory_space<vmem>> -> memref<1x32x128xf32, #tpu.memory_space<vmem>>
        %dma_start3A_2973 = tpu.memref_squeeze %dma_start3A_2972 : memref<1x32x128xf32, #tpu.memory_space<vmem>> -> memref<32x128xf32, #tpu.memory_space<vmem>>
        %dma_start3A_2974 = arith.constant 0 : i32
        %dma_start3A_2975 = tpu.memref_slice %arg5[%dma_start3A_2974, %multiple_of3A_2943] : memref<32x1000000xf32, #tpu.memory_space<hbm>> -> memref<32x128xf32, #tpu.memory_space<hbm>>
        tpu.enqueue_dma source(%dma_start3A_2975 : memref<32x128xf32, #tpu.memory_space<hbm>>) target(%dma_start3A_2973 : memref<32x128xf32, #tpu.memory_space<vmem>>) target_semaphore(%dma_start3A_2969 : memref<!tpu.dma_semaphore, #tpu.memory_space<semaphore_mem>>)
      } else {
      }
      %rem3A_2299 = arith.constant 14 : i32
      %rem3A_2300 = arith.remsi %add3A_2291, %rem3A_2299 : i32
      %dma_wait3A_2301 = arith.constant 0 : i32
      %dma_wait3A_2302 = arith.constant 0 : i32
      %dma_wait3A_2303 = tpu.memref_slice %arg11[%rem3A_2300, %dma_wait3A_2301, %dma_wait3A_2302] : memref<14x32x128xf32, #tpu.memory_space<vmem>> -> memref<1x32x128xf32, #tpu.memory_space<vmem>>
      %dma_wait3A_2304 = tpu.memref_squeeze %dma_wait3A_2303 : memref<1x32x128xf32, #tpu.memory_space<vmem>> -> memref<32x128xf32, #tpu.memory_space<vmem>>
      %dma_wait3A_2305 = arith.constant 0 : i32
      %dma_wait3A_2306 = arith.constant 0 : i32
      %dma_wait3A_2307 = tpu.memref_slice %arg4[%dma_wait3A_2305, %dma_wait3A_2306] : memref<32x1000000xf32, #tpu.memory_space<hbm>> -> memref<32x128xf32, #tpu.memory_space<hbm>>
      %dma_wait3A_2308 = tpu.memref_slice %arg14[%rem3A_2300] : memref<14x!tpu.dma_semaphore, #tpu.memory_space<semaphore_mem>> -> memref<1x!tpu.dma_semaphore, #tpu.memory_space<semaphore_mem>>
      %dma_wait3A_2309 = tpu.memref_squeeze %dma_wait3A_2308 : memref<1x!tpu.dma_semaphore, #tpu.memory_space<semaphore_mem>> -> memref<!tpu.dma_semaphore, #tpu.memory_space<semaphore_mem>>
      %dma_wait3A_2310 = arith.constant 0 : i32
      %dma_wait3A_2311 = arith.constant 0 : i32
      %dma_wait3A_2312 = tpu.memref_slice %arg11[%rem3A_2300, %dma_wait3A_2310, %dma_wait3A_2311] : memref<14x32x128xf32, #tpu.memory_space<vmem>> -> memref<1x32x128xf32, #tpu.memory_space<vmem>>
      %dma_wait3A_2313 = tpu.memref_squeeze %dma_wait3A_2312 : memref<1x32x128xf32, #tpu.memory_space<vmem>> -> memref<32x128xf32, #tpu.memory_space<vmem>>
      %dma_wait3A_2314 = arith.constant 0 : i32
      %dma_wait3A_2315 = arith.constant 0 : i32
      %dma_wait3A_2316 = tpu.memref_slice %arg4[%dma_wait3A_2314, %dma_wait3A_2315] : memref<32x1000000xf32, #tpu.memory_space<hbm>> -> memref<32x128xf32, #tpu.memory_space<hbm>>
      tpu.wait_dma2 semaphore(%dma_wait3A_2309 : memref<!tpu.dma_semaphore, #tpu.memory_space<semaphore_mem>>) src(%dma_wait3A_2316 : memref<32x128xf32, #tpu.memory_space<hbm>>) dst(%dma_wait3A_2313 : memref<32x128xf32, #tpu.memory_space<vmem>>)
      %dma_wait3A_2317 = arith.constant 0 : i32
      %dma_wait3A_2318 = arith.constant 0 : i32
      %dma_wait3A_2319 = tpu.memref_slice %arg12[%rem3A_2300, %dma_wait3A_2317, %dma_wait3A_2318] : memref<14x32x128xf32, #tpu.memory_space<vmem>> -> memref<1x32x128xf32, #tpu.memory_space<vmem>>
      %dma_wait3A_2320 = tpu.memref_squeeze %dma_wait3A_2319 : memref<1x32x128xf32, #tpu.memory_space<vmem>> -> memref<32x128xf32, #tpu.memory_space<vmem>>
      %dma_wait3A_2321 = arith.constant 0 : i32
      %dma_wait3A_2322 = arith.constant 0 : i32
      %dma_wait3A_2323 = tpu.memref_slice %arg5[%dma_wait3A_2321, %dma_wait3A_2322] : memref<32x1000000xf32, #tpu.memory_space<hbm>> -> memref<32x128xf32, #tpu.memory_space<hbm>>
      %dma_wait3A_2324 = tpu.memref_slice %arg14[%rem3A_2300] : memref<14x!tpu.dma_semaphore, #tpu.memory_space<semaphore_mem>> -> memref<1x!tpu.dma_semaphore, #tpu.memory_space<semaphore_mem>>
      %dma_wait3A_2325 = tpu.memref_squeeze %dma_wait3A_2324 : memref<1x!tpu.dma_semaphore, #tpu.memory_space<semaphore_mem>> -> memref<!tpu.dma_semaphore, #tpu.memory_space<semaphore_mem>>
      %dma_wait3A_2326 = arith.constant 0 : i32
      %dma_wait3A_2327 = arith.constant 0 : i32
      %dma_wait3A_2328 = tpu.memref_slice %arg12[%rem3A_2300, %dma_wait3A_2326, %dma_wait3A_2327] : memref<14x32x128xf32, #tpu.memory_space<vmem>> -> memref<1x32x128xf32, #tpu.memory_space<vmem>>
      %dma_wait3A_2329 = tpu.memref_squeeze %dma_wait3A_2328 : memref<1x32x128xf32, #tpu.memory_space<vmem>> -> memref<32x128xf32, #tpu.memory_space<vmem>>
      %dma_wait3A_2330 = arith.constant 0 : i32
      %dma_wait3A_2331 = arith.constant 0 : i32
      %dma_wait3A_2332 = tpu.memref_slice %arg5[%dma_wait3A_2330, %dma_wait3A_2331] : memref<32x1000000xf32, #tpu.memory_space<hbm>> -> memref<32x128xf32, #tpu.memory_space<hbm>>
      tpu.wait_dma2 semaphore(%dma_wait3A_2325 : memref<!tpu.dma_semaphore, #tpu.memory_space<semaphore_mem>>) src(%dma_wait3A_2332 : memref<32x128xf32, #tpu.memory_space<hbm>>) dst(%dma_wait3A_2329 : memref<32x128xf32, #tpu.memory_space<vmem>>)
      %slice3A_2333 = vector.extract_strided_slice %get3A_1781 {offsets = [7], sizes = [1], strides = [1]} : vector<16xi32> to vector<1xi32>
      %squeeze3A_2334 = vector.extract %slice3A_2333[0] : i32 from vector<1xi32>
      %broadcast_in_dim3A_2335 = vector.broadcast %squeeze3A_2334 : i32 to vector<16xi32>
      %slice3A_2336 = vector.extract_strided_slice %get3A_1783 {offsets = [7], sizes = [1], strides = [1]} : vector<16xi32> to vector<1xi32>
      %squeeze3A_2337 = vector.extract %slice3A_2336[0] : i32 from vector<1xi32>
      %broadcast_in_dim3A_2338 = vector.broadcast %squeeze3A_2337 : i32 to vector<16xi32>
      %broadcast_in_dim3A_2339 = vector.broadcast %rem3A_2300 : i32 to vector<16xi32>
      %gather3A_2340 = tpu.vector_load_idx %arg11[%broadcast_in_dim3A_2339, %iota3A, %broadcast_in_dim3A_2335] : memref<14x32x128xf32, #tpu.memory_space<vmem>>[vector<16xi32>, vector<16xi32>, vector<16xi32>], vector<16xf32>,
      %add3A_2341 = arith.constant 16 : i32
      %add3A_2342 = vector.broadcast %add3A_2341 : i32 to vector<16xi32>
      %add3A_2343 = arith.addi %iota3A, %add3A_2342 : vector<16xi32>
      %gather3A_2344 = tpu.vector_load_idx %arg11[%broadcast_in_dim3A_2339, %add3A_2343, %broadcast_in_dim3A_2335] : memref<14x32x128xf32, #tpu.memory_space<vmem>>[vector<16xi32>, vector<16xi32>, vector<16xi32>], vector<16xf32>,
      %gather3A_2345 = tpu.vector_load_idx %arg12[%broadcast_in_dim3A_2339, %iota3A, %broadcast_in_dim3A_2338] : memref<14x32x128xf32, #tpu.memory_space<vmem>>[vector<16xi32>, vector<16xi32>, vector<16xi32>], vector<16xf32>,
      %add3A_2346 = arith.constant 16 : i32
      %add3A_2347 = vector.broadcast %add3A_2346 : i32 to vector<16xi32>
      %add3A_2348 = arith.addi %iota3A, %add3A_2347 : vector<16xi32>
      %gather3A_2349 = tpu.vector_load_idx %arg12[%broadcast_in_dim3A_2339, %add3A_2348, %broadcast_in_dim3A_2338] : memref<14x32x128xf32, #tpu.memory_space<vmem>>[vector<16xi32>, vector<16xi32>, vector<16xi32>], vector<16xf32>,
      %mul3A_2350 = arith.mulf %gather3A_2340, %gather3A_2345 : vector<16xf32>
      %mul3A_2351 = arith.mulf %gather3A_2344, %gather3A_2349 : vector<16xf32>
      %add3A_2352 = arith.addf %mul3A_2350, %mul3A_2351 : vector<16xf32>
      %reduce_sum3A_2353 = arith.constant true
      %reduce_sum3A_2354 = vector.broadcast %reduce_sum3A_2353 : i1 to vector<16xi1>
      %reduce_sum3A_2355 = tpu.scan <sum>, %add3A_2352 masked %reduce_sum3A_2354 : vector<16xf32>, vector<16xi1> -> vector<16xf32>
      %reduce_sum3A_2356 = vector.extract %reduce_sum3A_2355[15] : f32 from vector<16xf32>
      %broadcast_in_dim3A_2357 = vector.broadcast %add3A_2291 : i32 to vector<16xi32>
      %broadcast_in_dim3A_2358 = vector.broadcast %reduce_sum3A_2356 : f32 to vector<16xf32>
      %eq3A_2359 = arith.constant 0 : i32
      %eq3A_2360 = vector.broadcast %eq3A_2359 : i32 to vector<16xi32>
      %eq3A_2361 = arith.cmpi eq, %iota3A, %eq3A_2360 : vector<16xi32>
      tpu.vector_store_idx %arg13[%broadcast_in_dim3A_2357], %broadcast_in_dim3A_2358 masked %eq3A_2361 : memref<512xf32, #tpu.memory_space<vmem>>[vector<16xi32>], vector<16xf32>, vector<16xi1>
      %add3A_2362 = arith.constant 8 : i32
      %add3A_2363 = arith.addi %mul3A_1775, %add3A_2362 : i32
      %add3A_2364 = arith.constant 13 : i32
      %add3A_2365 = arith.addi %add3A_2363, %add3A_2364 : i32
      %lt3A_2366 = arith.constant 512 : i32
      %lt3A_2367 = arith.cmpi slt, %add3A_2365, %lt3A_2366 : i32
      %convert_element_type3A_2368 = arith.extui %lt3A_2367 : i1 to i32
      %cond3A_2369 = arith.constant 0 : i32
      %cond3A_2370 = arith.cmpi ne, %convert_element_type3A_2368, %cond3A_2369 : i32
      scf.if %cond3A_2370 {
        %slice3A_2938 = vector.extract_strided_slice %get3A_1791 {offsets = [5], sizes = [1], strides = [1]} : vector<16xi32> to vector<1xi32>
        %squeeze3A_2939 = vector.extract %slice3A_2938[0] : i32 from vector<1xi32>
        %multiple_of3A_2940 = tpu.assume_multiple %squeeze3A_2939, 128 : i32
        %slice3A_2941 = vector.extract_strided_slice %get3A_1793 {offsets = [5], sizes = [1], strides = [1]} : vector<16xi32> to vector<1xi32>
        %squeeze3A_2942 = vector.extract %slice3A_2941[0] : i32 from vector<1xi32>
        %multiple_of3A_2943 = tpu.assume_multiple %squeeze3A_2942, 128 : i32
        %add3A_2944 = arith.constant 13 : i32
        %add3A_2945 = arith.addi %add3A_2363, %add3A_2944 : i32
        %rem3A_2946 = arith.constant 14 : i32
        %rem3A_2947 = arith.remsi %add3A_2945, %rem3A_2946 : i32
        %dma_start3A_2948 = arith.constant 0 : i32
        %dma_start3A_2949 = arith.constant 0 : i32
        %dma_start3A_2950 = tpu.memref_slice %arg11[%rem3A_2947, %dma_start3A_2948, %dma_start3A_2949] : memref<14x32x128xf32, #tpu.memory_space<vmem>> -> memref<1x32x128xf32, #tpu.memory_space<vmem>>
        %dma_start3A_2951 = tpu.memref_squeeze %dma_start3A_2950 : memref<1x32x128xf32, #tpu.memory_space<vmem>> -> memref<32x128xf32, #tpu.memory_space<vmem>>
        %dma_start3A_2952 = arith.constant 0 : i32
        %dma_start3A_2953 = tpu.memref_slice %arg4[%dma_start3A_2952, %multiple_of3A_2940] : memref<32x1000000xf32, #tpu.memory_space<hbm>> -> memref<32x128xf32, #tpu.memory_space<hbm>>
        %dma_start3A_2954 = tpu.memref_slice %arg14[%rem3A_2947] : memref<14x!tpu.dma_semaphore, #tpu.memory_space<semaphore_mem>> -> memref<1x!tpu.dma_semaphore, #tpu.memory_space<semaphore_mem>>
        %dma_start3A_2955 = tpu.memref_squeeze %dma_start3A_2954 : memref<1x!tpu.dma_semaphore, #tpu.memory_space<semaphore_mem>> -> memref<!tpu.dma_semaphore, #tpu.memory_space<semaphore_mem>>
        %dma_start3A_2956 = arith.constant 0 : i32
        %dma_start3A_2957 = arith.constant 0 : i32
        %dma_start3A_2958 = tpu.memref_slice %arg11[%rem3A_2947, %dma_start3A_2956, %dma_start3A_2957] : memref<14x32x128xf32, #tpu.memory_space<vmem>> -> memref<1x32x128xf32, #tpu.memory_space<vmem>>
        %dma_start3A_2959 = tpu.memref_squeeze %dma_start3A_2958 : memref<1x32x128xf32, #tpu.memory_space<vmem>> -> memref<32x128xf32, #tpu.memory_space<vmem>>
        %dma_start3A_2960 = arith.constant 0 : i32
        %dma_start3A_2961 = tpu.memref_slice %arg4[%dma_start3A_2960, %multiple_of3A_2940] : memref<32x1000000xf32, #tpu.memory_space<hbm>> -> memref<32x128xf32, #tpu.memory_space<hbm>>
        tpu.enqueue_dma source(%dma_start3A_2961 : memref<32x128xf32, #tpu.memory_space<hbm>>) target(%dma_start3A_2959 : memref<32x128xf32, #tpu.memory_space<vmem>>) target_semaphore(%dma_start3A_2955 : memref<!tpu.dma_semaphore, #tpu.memory_space<semaphore_mem>>)
        %dma_start3A_2962 = arith.constant 0 : i32
        %dma_start3A_2963 = arith.constant 0 : i32
        %dma_start3A_2964 = tpu.memref_slice %arg12[%rem3A_2947, %dma_start3A_2962, %dma_start3A_2963] : memref<14x32x128xf32, #tpu.memory_space<vmem>> -> memref<1x32x128xf32, #tpu.memory_space<vmem>>
        %dma_start3A_2965 = tpu.memref_squeeze %dma_start3A_2964 : memref<1x32x128xf32, #tpu.memory_space<vmem>> -> memref<32x128xf32, #tpu.memory_space<vmem>>
        %dma_start3A_2966 = arith.constant 0 : i32
        %dma_start3A_2967 = tpu.memref_slice %arg5[%dma_start3A_2966, %multiple_of3A_2943] : memref<32x1000000xf32, #tpu.memory_space<hbm>> -> memref<32x128xf32, #tpu.memory_space<hbm>>
        %dma_start3A_2968 = tpu.memref_slice %arg14[%rem3A_2947] : memref<14x!tpu.dma_semaphore, #tpu.memory_space<semaphore_mem>> -> memref<1x!tpu.dma_semaphore, #tpu.memory_space<semaphore_mem>>
        %dma_start3A_2969 = tpu.memref_squeeze %dma_start3A_2968 : memref<1x!tpu.dma_semaphore, #tpu.memory_space<semaphore_mem>> -> memref<!tpu.dma_semaphore, #tpu.memory_space<semaphore_mem>>
        %dma_start3A_2970 = arith.constant 0 : i32
        %dma_start3A_2971 = arith.constant 0 : i32
        %dma_start3A_2972 = tpu.memref_slice %arg12[%rem3A_2947, %dma_start3A_2970, %dma_start3A_2971] : memref<14x32x128xf32, #tpu.memory_space<vmem>> -> memref<1x32x128xf32, #tpu.memory_space<vmem>>
        %dma_start3A_2973 = tpu.memref_squeeze %dma_start3A_2972 : memref<1x32x128xf32, #tpu.memory_space<vmem>> -> memref<32x128xf32, #tpu.memory_space<vmem>>
        %dma_start3A_2974 = arith.constant 0 : i32
        %dma_start3A_2975 = tpu.memref_slice %arg5[%dma_start3A_2974, %multiple_of3A_2943] : memref<32x1000000xf32, #tpu.memory_space<hbm>> -> memref<32x128xf32, #tpu.memory_space<hbm>>
        tpu.enqueue_dma source(%dma_start3A_2975 : memref<32x128xf32, #tpu.memory_space<hbm>>) target(%dma_start3A_2973 : memref<32x128xf32, #tpu.memory_space<vmem>>) target_semaphore(%dma_start3A_2969 : memref<!tpu.dma_semaphore, #tpu.memory_space<semaphore_mem>>)
      } else {
      }
      %rem3A_2371 = arith.constant 14 : i32
      %rem3A_2372 = arith.remsi %add3A_2363, %rem3A_2371 : i32
      %dma_wait3A_2373 = arith.constant 0 : i32
      %dma_wait3A_2374 = arith.constant 0 : i32
      %dma_wait3A_2375 = tpu.memref_slice %arg11[%rem3A_2372, %dma_wait3A_2373, %dma_wait3A_2374] : memref<14x32x128xf32, #tpu.memory_space<vmem>> -> memref<1x32x128xf32, #tpu.memory_space<vmem>>
      %dma_wait3A_2376 = tpu.memref_squeeze %dma_wait3A_2375 : memref<1x32x128xf32, #tpu.memory_space<vmem>> -> memref<32x128xf32, #tpu.memory_space<vmem>>
      %dma_wait3A_2377 = arith.constant 0 : i32
      %dma_wait3A_2378 = arith.constant 0 : i32
      %dma_wait3A_2379 = tpu.memref_slice %arg4[%dma_wait3A_2377, %dma_wait3A_2378] : memref<32x1000000xf32, #tpu.memory_space<hbm>> -> memref<32x128xf32, #tpu.memory_space<hbm>>
      %dma_wait3A_2380 = tpu.memref_slice %arg14[%rem3A_2372] : memref<14x!tpu.dma_semaphore, #tpu.memory_space<semaphore_mem>> -> memref<1x!tpu.dma_semaphore, #tpu.memory_space<semaphore_mem>>
      %dma_wait3A_2381 = tpu.memref_squeeze %dma_wait3A_2380 : memref<1x!tpu.dma_semaphore, #tpu.memory_space<semaphore_mem>> -> memref<!tpu.dma_semaphore, #tpu.memory_space<semaphore_mem>>
      %dma_wait3A_2382 = arith.constant 0 : i32
      %dma_wait3A_2383 = arith.constant 0 : i32
      %dma_wait3A_2384 = tpu.memref_slice %arg11[%rem3A_2372, %dma_wait3A_2382, %dma_wait3A_2383] : memref<14x32x128xf32, #tpu.memory_space<vmem>> -> memref<1x32x128xf32, #tpu.memory_space<vmem>>
      %dma_wait3A_2385 = tpu.memref_squeeze %dma_wait3A_2384 : memref<1x32x128xf32, #tpu.memory_space<vmem>> -> memref<32x128xf32, #tpu.memory_space<vmem>>
      %dma_wait3A_2386 = arith.constant 0 : i32
      %dma_wait3A_2387 = arith.constant 0 : i32
      %dma_wait3A_2388 = tpu.memref_slice %arg4[%dma_wait3A_2386, %dma_wait3A_2387] : memref<32x1000000xf32, #tpu.memory_space<hbm>> -> memref<32x128xf32, #tpu.memory_space<hbm>>
      tpu.wait_dma2 semaphore(%dma_wait3A_2381 : memref<!tpu.dma_semaphore, #tpu.memory_space<semaphore_mem>>) src(%dma_wait3A_2388 : memref<32x128xf32, #tpu.memory_space<hbm>>) dst(%dma_wait3A_2385 : memref<32x128xf32, #tpu.memory_space<vmem>>)
      %dma_wait3A_2389 = arith.constant 0 : i32
      %dma_wait3A_2390 = arith.constant 0 : i32
      %dma_wait3A_2391 = tpu.memref_slice %arg12[%rem3A_2372, %dma_wait3A_2389, %dma_wait3A_2390] : memref<14x32x128xf32, #tpu.memory_space<vmem>> -> memref<1x32x128xf32, #tpu.memory_space<vmem>>
      %dma_wait3A_2392 = tpu.memref_squeeze %dma_wait3A_2391 : memref<1x32x128xf32, #tpu.memory_space<vmem>> -> memref<32x128xf32, #tpu.memory_space<vmem>>
      %dma_wait3A_2393 = arith.constant 0 : i32
      %dma_wait3A_2394 = arith.constant 0 : i32
      %dma_wait3A_2395 = tpu.memref_slice %arg5[%dma_wait3A_2393, %dma_wait3A_2394] : memref<32x1000000xf32, #tpu.memory_space<hbm>> -> memref<32x128xf32, #tpu.memory_space<hbm>>
      %dma_wait3A_2396 = tpu.memref_slice %arg14[%rem3A_2372] : memref<14x!tpu.dma_semaphore, #tpu.memory_space<semaphore_mem>> -> memref<1x!tpu.dma_semaphore, #tpu.memory_space<semaphore_mem>>
      %dma_wait3A_2397 = tpu.memref_squeeze %dma_wait3A_2396 : memref<1x!tpu.dma_semaphore, #tpu.memory_space<semaphore_mem>> -> memref<!tpu.dma_semaphore, #tpu.memory_space<semaphore_mem>>
      %dma_wait3A_2398 = arith.constant 0 : i32
      %dma_wait3A_2399 = arith.constant 0 : i32
      %dma_wait3A_2400 = tpu.memref_slice %arg12[%rem3A_2372, %dma_wait3A_2398, %dma_wait3A_2399] : memref<14x32x128xf32, #tpu.memory_space<vmem>> -> memref<1x32x128xf32, #tpu.memory_space<vmem>>
      %dma_wait3A_2401 = tpu.memref_squeeze %dma_wait3A_2400 : memref<1x32x128xf32, #tpu.memory_space<vmem>> -> memref<32x128xf32, #tpu.memory_space<vmem>>
      %dma_wait3A_2402 = arith.constant 0 : i32
      %dma_wait3A_2403 = arith.constant 0 : i32
      %dma_wait3A_2404 = tpu.memref_slice %arg5[%dma_wait3A_2402, %dma_wait3A_2403] : memref<32x1000000xf32, #tpu.memory_space<hbm>> -> memref<32x128xf32, #tpu.memory_space<hbm>>
      tpu.wait_dma2 semaphore(%dma_wait3A_2397 : memref<!tpu.dma_semaphore, #tpu.memory_space<semaphore_mem>>) src(%dma_wait3A_2404 : memref<32x128xf32, #tpu.memory_space<hbm>>) dst(%dma_wait3A_2401 : memref<32x128xf32, #tpu.memory_space<vmem>>)
      %slice3A_2405 = vector.extract_strided_slice %get3A_1781 {offsets = [8], sizes = [1], strides = [1]} : vector<16xi32> to vector<1xi32>
      %squeeze3A_2406 = vector.extract %slice3A_2405[0] : i32 from vector<1xi32>
      %broadcast_in_dim3A_2407 = vector.broadcast %squeeze3A_2406 : i32 to vector<16xi32>
      %slice3A_2408 = vector.extract_strided_slice %get3A_1783 {offsets = [8], sizes = [1], strides = [1]} : vector<16xi32> to vector<1xi32>
      %squeeze3A_2409 = vector.extract %slice3A_2408[0] : i32 from vector<1xi32>
      %broadcast_in_dim3A_2410 = vector.broadcast %squeeze3A_2409 : i32 to vector<16xi32>
      %broadcast_in_dim3A_2411 = vector.broadcast %rem3A_2372 : i32 to vector<16xi32>
      %gather3A_2412 = tpu.vector_load_idx %arg11[%broadcast_in_dim3A_2411, %iota3A, %broadcast_in_dim3A_2407] : memref<14x32x128xf32, #tpu.memory_space<vmem>>[vector<16xi32>, vector<16xi32>, vector<16xi32>], vector<16xf32>,
      %add3A_2413 = arith.constant 16 : i32
      %add3A_2414 = vector.broadcast %add3A_2413 : i32 to vector<16xi32>
      %add3A_2415 = arith.addi %iota3A, %add3A_2414 : vector<16xi32>
      %gather3A_2416 = tpu.vector_load_idx %arg11[%broadcast_in_dim3A_2411, %add3A_2415, %broadcast_in_dim3A_2407] : memref<14x32x128xf32, #tpu.memory_space<vmem>>[vector<16xi32>, vector<16xi32>, vector<16xi32>], vector<16xf32>,
      %gather3A_2417 = tpu.vector_load_idx %arg12[%broadcast_in_dim3A_2411, %iota3A, %broadcast_in_dim3A_2410] : memref<14x32x128xf32, #tpu.memory_space<vmem>>[vector<16xi32>, vector<16xi32>, vector<16xi32>], vector<16xf32>,
      %add3A_2418 = arith.constant 16 : i32
      %add3A_2419 = vector.broadcast %add3A_2418 : i32 to vector<16xi32>
      %add3A_2420 = arith.addi %iota3A, %add3A_2419 : vector<16xi32>
      %gather3A_2421 = tpu.vector_load_idx %arg12[%broadcast_in_dim3A_2411, %add3A_2420, %broadcast_in_dim3A_2410] : memref<14x32x128xf32, #tpu.memory_space<vmem>>[vector<16xi32>, vector<16xi32>, vector<16xi32>], vector<16xf32>,
      %mul3A_2422 = arith.mulf %gather3A_2412, %gather3A_2417 : vector<16xf32>
      %mul3A_2423 = arith.mulf %gather3A_2416, %gather3A_2421 : vector<16xf32>
      %add3A_2424 = arith.addf %mul3A_2422, %mul3A_2423 : vector<16xf32>
      %reduce_sum3A_2425 = arith.constant true
      %reduce_sum3A_2426 = vector.broadcast %reduce_sum3A_2425 : i1 to vector<16xi1>
      %reduce_sum3A_2427 = tpu.scan <sum>, %add3A_2424 masked %reduce_sum3A_2426 : vector<16xf32>, vector<16xi1> -> vector<16xf32>
      %reduce_sum3A_2428 = vector.extract %reduce_sum3A_2427[15] : f32 from vector<16xf32>
      %broadcast_in_dim3A_2429 = vector.broadcast %add3A_2363 : i32 to vector<16xi32>
      %broadcast_in_dim3A_2430 = vector.broadcast %reduce_sum3A_2428 : f32 to vector<16xf32>
      %eq3A_2431 = arith.constant 0 : i32
      %eq3A_2432 = vector.broadcast %eq3A_2431 : i32 to vector<16xi32>
      %eq3A_2433 = arith.cmpi eq, %iota3A, %eq3A_2432 : vector<16xi32>
      tpu.vector_store_idx %arg13[%broadcast_in_dim3A_2429], %broadcast_in_dim3A_2430 masked %eq3A_2433 : memref<512xf32, #tpu.memory_space<vmem>>[vector<16xi32>], vector<16xf32>, vector<16xi1>
      %add3A_2434 = arith.constant 9 : i32
      %add3A_2435 = arith.addi %mul3A_1775, %add3A_2434 : i32
      %add3A_2436 = arith.constant 13 : i32
      %add3A_2437 = arith.addi %add3A_2435, %add3A_2436 : i32
      %lt3A_2438 = arith.constant 512 : i32
      %lt3A_2439 = arith.cmpi slt, %add3A_2437, %lt3A_2438 : i32
      %convert_element_type3A_2440 = arith.extui %lt3A_2439 : i1 to i32
      %cond3A_2441 = arith.constant 0 : i32
      %cond3A_2442 = arith.cmpi ne, %convert_element_type3A_2440, %cond3A_2441 : i32
      scf.if %cond3A_2442 {
        %slice3A_2938 = vector.extract_strided_slice %get3A_1791 {offsets = [6], sizes = [1], strides = [1]} : vector<16xi32> to vector<1xi32>
        %squeeze3A_2939 = vector.extract %slice3A_2938[0] : i32 from vector<1xi32>
        %multiple_of3A_2940 = tpu.assume_multiple %squeeze3A_2939, 128 : i32
        %slice3A_2941 = vector.extract_strided_slice %get3A_1793 {offsets = [6], sizes = [1], strides = [1]} : vector<16xi32> to vector<1xi32>
        %squeeze3A_2942 = vector.extract %slice3A_2941[0] : i32 from vector<1xi32>
        %multiple_of3A_2943 = tpu.assume_multiple %squeeze3A_2942, 128 : i32
        %add3A_2944 = arith.constant 13 : i32
        %add3A_2945 = arith.addi %add3A_2435, %add3A_2944 : i32
        %rem3A_2946 = arith.constant 14 : i32
        %rem3A_2947 = arith.remsi %add3A_2945, %rem3A_2946 : i32
        %dma_start3A_2948 = arith.constant 0 : i32
        %dma_start3A_2949 = arith.constant 0 : i32
        %dma_start3A_2950 = tpu.memref_slice %arg11[%rem3A_2947, %dma_start3A_2948, %dma_start3A_2949] : memref<14x32x128xf32, #tpu.memory_space<vmem>> -> memref<1x32x128xf32, #tpu.memory_space<vmem>>
        %dma_start3A_2951 = tpu.memref_squeeze %dma_start3A_2950 : memref<1x32x128xf32, #tpu.memory_space<vmem>> -> memref<32x128xf32, #tpu.memory_space<vmem>>
        %dma_start3A_2952 = arith.constant 0 : i32
        %dma_start3A_2953 = tpu.memref_slice %arg4[%dma_start3A_2952, %multiple_of3A_2940] : memref<32x1000000xf32, #tpu.memory_space<hbm>> -> memref<32x128xf32, #tpu.memory_space<hbm>>
        %dma_start3A_2954 = tpu.memref_slice %arg14[%rem3A_2947] : memref<14x!tpu.dma_semaphore, #tpu.memory_space<semaphore_mem>> -> memref<1x!tpu.dma_semaphore, #tpu.memory_space<semaphore_mem>>
        %dma_start3A_2955 = tpu.memref_squeeze %dma_start3A_2954 : memref<1x!tpu.dma_semaphore, #tpu.memory_space<semaphore_mem>> -> memref<!tpu.dma_semaphore, #tpu.memory_space<semaphore_mem>>
        %dma_start3A_2956 = arith.constant 0 : i32
        %dma_start3A_2957 = arith.constant 0 : i32
        %dma_start3A_2958 = tpu.memref_slice %arg11[%rem3A_2947, %dma_start3A_2956, %dma_start3A_2957] : memref<14x32x128xf32, #tpu.memory_space<vmem>> -> memref<1x32x128xf32, #tpu.memory_space<vmem>>
        %dma_start3A_2959 = tpu.memref_squeeze %dma_start3A_2958 : memref<1x32x128xf32, #tpu.memory_space<vmem>> -> memref<32x128xf32, #tpu.memory_space<vmem>>
        %dma_start3A_2960 = arith.constant 0 : i32
        %dma_start3A_2961 = tpu.memref_slice %arg4[%dma_start3A_2960, %multiple_of3A_2940] : memref<32x1000000xf32, #tpu.memory_space<hbm>> -> memref<32x128xf32, #tpu.memory_space<hbm>>
        tpu.enqueue_dma source(%dma_start3A_2961 : memref<32x128xf32, #tpu.memory_space<hbm>>) target(%dma_start3A_2959 : memref<32x128xf32, #tpu.memory_space<vmem>>) target_semaphore(%dma_start3A_2955 : memref<!tpu.dma_semaphore, #tpu.memory_space<semaphore_mem>>)
        %dma_start3A_2962 = arith.constant 0 : i32
        %dma_start3A_2963 = arith.constant 0 : i32
        %dma_start3A_2964 = tpu.memref_slice %arg12[%rem3A_2947, %dma_start3A_2962, %dma_start3A_2963] : memref<14x32x128xf32, #tpu.memory_space<vmem>> -> memref<1x32x128xf32, #tpu.memory_space<vmem>>
        %dma_start3A_2965 = tpu.memref_squeeze %dma_start3A_2964 : memref<1x32x128xf32, #tpu.memory_space<vmem>> -> memref<32x128xf32, #tpu.memory_space<vmem>>
        %dma_start3A_2966 = arith.constant 0 : i32
        %dma_start3A_2967 = tpu.memref_slice %arg5[%dma_start3A_2966, %multiple_of3A_2943] : memref<32x1000000xf32, #tpu.memory_space<hbm>> -> memref<32x128xf32, #tpu.memory_space<hbm>>
        %dma_start3A_2968 = tpu.memref_slice %arg14[%rem3A_2947] : memref<14x!tpu.dma_semaphore, #tpu.memory_space<semaphore_mem>> -> memref<1x!tpu.dma_semaphore, #tpu.memory_space<semaphore_mem>>
        %dma_start3A_2969 = tpu.memref_squeeze %dma_start3A_2968 : memref<1x!tpu.dma_semaphore, #tpu.memory_space<semaphore_mem>> -> memref<!tpu.dma_semaphore, #tpu.memory_space<semaphore_mem>>
        %dma_start3A_2970 = arith.constant 0 : i32
        %dma_start3A_2971 = arith.constant 0 : i32
        %dma_start3A_2972 = tpu.memref_slice %arg12[%rem3A_2947, %dma_start3A_2970, %dma_start3A_2971] : memref<14x32x128xf32, #tpu.memory_space<vmem>> -> memref<1x32x128xf32, #tpu.memory_space<vmem>>
        %dma_start3A_2973 = tpu.memref_squeeze %dma_start3A_2972 : memref<1x32x128xf32, #tpu.memory_space<vmem>> -> memref<32x128xf32, #tpu.memory_space<vmem>>
        %dma_start3A_2974 = arith.constant 0 : i32
        %dma_start3A_2975 = tpu.memref_slice %arg5[%dma_start3A_2974, %multiple_of3A_2943] : memref<32x1000000xf32, #tpu.memory_space<hbm>> -> memref<32x128xf32, #tpu.memory_space<hbm>>
        tpu.enqueue_dma source(%dma_start3A_2975 : memref<32x128xf32, #tpu.memory_space<hbm>>) target(%dma_start3A_2973 : memref<32x128xf32, #tpu.memory_space<vmem>>) target_semaphore(%dma_start3A_2969 : memref<!tpu.dma_semaphore, #tpu.memory_space<semaphore_mem>>)
      } else {
      }
      %rem3A_2443 = arith.constant 14 : i32
      %rem3A_2444 = arith.remsi %add3A_2435, %rem3A_2443 : i32
      %dma_wait3A_2445 = arith.constant 0 : i32
      %dma_wait3A_2446 = arith.constant 0 : i32
      %dma_wait3A_2447 = tpu.memref_slice %arg11[%rem3A_2444, %dma_wait3A_2445, %dma_wait3A_2446] : memref<14x32x128xf32, #tpu.memory_space<vmem>> -> memref<1x32x128xf32, #tpu.memory_space<vmem>>
      %dma_wait3A_2448 = tpu.memref_squeeze %dma_wait3A_2447 : memref<1x32x128xf32, #tpu.memory_space<vmem>> -> memref<32x128xf32, #tpu.memory_space<vmem>>
      %dma_wait3A_2449 = arith.constant 0 : i32
      %dma_wait3A_2450 = arith.constant 0 : i32
      %dma_wait3A_2451 = tpu.memref_slice %arg4[%dma_wait3A_2449, %dma_wait3A_2450] : memref<32x1000000xf32, #tpu.memory_space<hbm>> -> memref<32x128xf32, #tpu.memory_space<hbm>>
      %dma_wait3A_2452 = tpu.memref_slice %arg14[%rem3A_2444] : memref<14x!tpu.dma_semaphore, #tpu.memory_space<semaphore_mem>> -> memref<1x!tpu.dma_semaphore, #tpu.memory_space<semaphore_mem>>
      %dma_wait3A_2453 = tpu.memref_squeeze %dma_wait3A_2452 : memref<1x!tpu.dma_semaphore, #tpu.memory_space<semaphore_mem>> -> memref<!tpu.dma_semaphore, #tpu.memory_space<semaphore_mem>>
      %dma_wait3A_2454 = arith.constant 0 : i32
      %dma_wait3A_2455 = arith.constant 0 : i32
      %dma_wait3A_2456 = tpu.memref_slice %arg11[%rem3A_2444, %dma_wait3A_2454, %dma_wait3A_2455] : memref<14x32x128xf32, #tpu.memory_space<vmem>> -> memref<1x32x128xf32, #tpu.memory_space<vmem>>
      %dma_wait3A_2457 = tpu.memref_squeeze %dma_wait3A_2456 : memref<1x32x128xf32, #tpu.memory_space<vmem>> -> memref<32x128xf32, #tpu.memory_space<vmem>>
      %dma_wait3A_2458 = arith.constant 0 : i32
      %dma_wait3A_2459 = arith.constant 0 : i32
      %dma_wait3A_2460 = tpu.memref_slice %arg4[%dma_wait3A_2458, %dma_wait3A_2459] : memref<32x1000000xf32, #tpu.memory_space<hbm>> -> memref<32x128xf32, #tpu.memory_space<hbm>>
      tpu.wait_dma2 semaphore(%dma_wait3A_2453 : memref<!tpu.dma_semaphore, #tpu.memory_space<semaphore_mem>>) src(%dma_wait3A_2460 : memref<32x128xf32, #tpu.memory_space<hbm>>) dst(%dma_wait3A_2457 : memref<32x128xf32, #tpu.memory_space<vmem>>)
      %dma_wait3A_2461 = arith.constant 0 : i32
      %dma_wait3A_2462 = arith.constant 0 : i32
      %dma_wait3A_2463 = tpu.memref_slice %arg12[%rem3A_2444, %dma_wait3A_2461, %dma_wait3A_2462] : memref<14x32x128xf32, #tpu.memory_space<vmem>> -> memref<1x32x128xf32, #tpu.memory_space<vmem>>
      %dma_wait3A_2464 = tpu.memref_squeeze %dma_wait3A_2463 : memref<1x32x128xf32, #tpu.memory_space<vmem>> -> memref<32x128xf32, #tpu.memory_space<vmem>>
      %dma_wait3A_2465 = arith.constant 0 : i32
      %dma_wait3A_2466 = arith.constant 0 : i32
      %dma_wait3A_2467 = tpu.memref_slice %arg5[%dma_wait3A_2465, %dma_wait3A_2466] : memref<32x1000000xf32, #tpu.memory_space<hbm>> -> memref<32x128xf32, #tpu.memory_space<hbm>>
      %dma_wait3A_2468 = tpu.memref_slice %arg14[%rem3A_2444] : memref<14x!tpu.dma_semaphore, #tpu.memory_space<semaphore_mem>> -> memref<1x!tpu.dma_semaphore, #tpu.memory_space<semaphore_mem>>
      %dma_wait3A_2469 = tpu.memref_squeeze %dma_wait3A_2468 : memref<1x!tpu.dma_semaphore, #tpu.memory_space<semaphore_mem>> -> memref<!tpu.dma_semaphore, #tpu.memory_space<semaphore_mem>>
      %dma_wait3A_2470 = arith.constant 0 : i32
      %dma_wait3A_2471 = arith.constant 0 : i32
      %dma_wait3A_2472 = tpu.memref_slice %arg12[%rem3A_2444, %dma_wait3A_2470, %dma_wait3A_2471] : memref<14x32x128xf32, #tpu.memory_space<vmem>> -> memref<1x32x128xf32, #tpu.memory_space<vmem>>
      %dma_wait3A_2473 = tpu.memref_squeeze %dma_wait3A_2472 : memref<1x32x128xf32, #tpu.memory_space<vmem>> -> memref<32x128xf32, #tpu.memory_space<vmem>>
      %dma_wait3A_2474 = arith.constant 0 : i32
      %dma_wait3A_2475 = arith.constant 0 : i32
      %dma_wait3A_2476 = tpu.memref_slice %arg5[%dma_wait3A_2474, %dma_wait3A_2475] : memref<32x1000000xf32, #tpu.memory_space<hbm>> -> memref<32x128xf32, #tpu.memory_space<hbm>>
      tpu.wait_dma2 semaphore(%dma_wait3A_2469 : memref<!tpu.dma_semaphore, #tpu.memory_space<semaphore_mem>>) src(%dma_wait3A_2476 : memref<32x128xf32, #tpu.memory_space<hbm>>) dst(%dma_wait3A_2473 : memref<32x128xf32, #tpu.memory_space<vmem>>)
      %slice3A_2477 = vector.extract_strided_slice %get3A_1781 {offsets = [9], sizes = [1], strides = [1]} : vector<16xi32> to vector<1xi32>
      %squeeze3A_2478 = vector.extract %slice3A_2477[0] : i32 from vector<1xi32>
      %broadcast_in_dim3A_2479 = vector.broadcast %squeeze3A_2478 : i32 to vector<16xi32>
      %slice3A_2480 = vector.extract_strided_slice %get3A_1783 {offsets = [9], sizes = [1], strides = [1]} : vector<16xi32> to vector<1xi32>
      %squeeze3A_2481 = vector.extract %slice3A_2480[0] : i32 from vector<1xi32>
      %broadcast_in_dim3A_2482 = vector.broadcast %squeeze3A_2481 : i32 to vector<16xi32>
      %broadcast_in_dim3A_2483 = vector.broadcast %rem3A_2444 : i32 to vector<16xi32>
      %gather3A_2484 = tpu.vector_load_idx %arg11[%broadcast_in_dim3A_2483, %iota3A, %broadcast_in_dim3A_2479] : memref<14x32x128xf32, #tpu.memory_space<vmem>>[vector<16xi32>, vector<16xi32>, vector<16xi32>], vector<16xf32>,
      %add3A_2485 = arith.constant 16 : i32
      %add3A_2486 = vector.broadcast %add3A_2485 : i32 to vector<16xi32>
      %add3A_2487 = arith.addi %iota3A, %add3A_2486 : vector<16xi32>
      %gather3A_2488 = tpu.vector_load_idx %arg11[%broadcast_in_dim3A_2483, %add3A_2487, %broadcast_in_dim3A_2479] : memref<14x32x128xf32, #tpu.memory_space<vmem>>[vector<16xi32>, vector<16xi32>, vector<16xi32>], vector<16xf32>,
      %gather3A_2489 = tpu.vector_load_idx %arg12[%broadcast_in_dim3A_2483, %iota3A, %broadcast_in_dim3A_2482] : memref<14x32x128xf32, #tpu.memory_space<vmem>>[vector<16xi32>, vector<16xi32>, vector<16xi32>], vector<16xf32>,
      %add3A_2490 = arith.constant 16 : i32
      %add3A_2491 = vector.broadcast %add3A_2490 : i32 to vector<16xi32>
      %add3A_2492 = arith.addi %iota3A, %add3A_2491 : vector<16xi32>
      %gather3A_2493 = tpu.vector_load_idx %arg12[%broadcast_in_dim3A_2483, %add3A_2492, %broadcast_in_dim3A_2482] : memref<14x32x128xf32, #tpu.memory_space<vmem>>[vector<16xi32>, vector<16xi32>, vector<16xi32>], vector<16xf32>,
      %mul3A_2494 = arith.mulf %gather3A_2484, %gather3A_2489 : vector<16xf32>
      %mul3A_2495 = arith.mulf %gather3A_2488, %gather3A_2493 : vector<16xf32>
      %add3A_2496 = arith.addf %mul3A_2494, %mul3A_2495 : vector<16xf32>
      %reduce_sum3A_2497 = arith.constant true
      %reduce_sum3A_2498 = vector.broadcast %reduce_sum3A_2497 : i1 to vector<16xi1>
      %reduce_sum3A_2499 = tpu.scan <sum>, %add3A_2496 masked %reduce_sum3A_2498 : vector<16xf32>, vector<16xi1> -> vector<16xf32>
      %reduce_sum3A_2500 = vector.extract %reduce_sum3A_2499[15] : f32 from vector<16xf32>
      %broadcast_in_dim3A_2501 = vector.broadcast %add3A_2435 : i32 to vector<16xi32>
      %broadcast_in_dim3A_2502 = vector.broadcast %reduce_sum3A_2500 : f32 to vector<16xf32>
      %eq3A_2503 = arith.constant 0 : i32
      %eq3A_2504 = vector.broadcast %eq3A_2503 : i32 to vector<16xi32>
      %eq3A_2505 = arith.cmpi eq, %iota3A, %eq3A_2504 : vector<16xi32>
      tpu.vector_store_idx %arg13[%broadcast_in_dim3A_2501], %broadcast_in_dim3A_2502 masked %eq3A_2505 : memref<512xf32, #tpu.memory_space<vmem>>[vector<16xi32>], vector<16xf32>, vector<16xi1>
      %add3A_2506 = arith.constant 10 : i32
      %add3A_2507 = arith.addi %mul3A_1775, %add3A_2506 : i32
      %add3A_2508 = arith.constant 13 : i32
      %add3A_2509 = arith.addi %add3A_2507, %add3A_2508 : i32
      %lt3A_2510 = arith.constant 512 : i32
      %lt3A_2511 = arith.cmpi slt, %add3A_2509, %lt3A_2510 : i32
      %convert_element_type3A_2512 = arith.extui %lt3A_2511 : i1 to i32
      %cond3A_2513 = arith.constant 0 : i32
      %cond3A_2514 = arith.cmpi ne, %convert_element_type3A_2512, %cond3A_2513 : i32
      scf.if %cond3A_2514 {
        %slice3A_2938 = vector.extract_strided_slice %get3A_1791 {offsets = [7], sizes = [1], strides = [1]} : vector<16xi32> to vector<1xi32>
        %squeeze3A_2939 = vector.extract %slice3A_2938[0] : i32 from vector<1xi32>
        %multiple_of3A_2940 = tpu.assume_multiple %squeeze3A_2939, 128 : i32
        %slice3A_2941 = vector.extract_strided_slice %get3A_1793 {offsets = [7], sizes = [1], strides = [1]} : vector<16xi32> to vector<1xi32>
        %squeeze3A_2942 = vector.extract %slice3A_2941[0] : i32 from vector<1xi32>
        %multiple_of3A_2943 = tpu.assume_multiple %squeeze3A_2942, 128 : i32
        %add3A_2944 = arith.constant 13 : i32
        %add3A_2945 = arith.addi %add3A_2507, %add3A_2944 : i32
        %rem3A_2946 = arith.constant 14 : i32
        %rem3A_2947 = arith.remsi %add3A_2945, %rem3A_2946 : i32
        %dma_start3A_2948 = arith.constant 0 : i32
        %dma_start3A_2949 = arith.constant 0 : i32
        %dma_start3A_2950 = tpu.memref_slice %arg11[%rem3A_2947, %dma_start3A_2948, %dma_start3A_2949] : memref<14x32x128xf32, #tpu.memory_space<vmem>> -> memref<1x32x128xf32, #tpu.memory_space<vmem>>
        %dma_start3A_2951 = tpu.memref_squeeze %dma_start3A_2950 : memref<1x32x128xf32, #tpu.memory_space<vmem>> -> memref<32x128xf32, #tpu.memory_space<vmem>>
        %dma_start3A_2952 = arith.constant 0 : i32
        %dma_start3A_2953 = tpu.memref_slice %arg4[%dma_start3A_2952, %multiple_of3A_2940] : memref<32x1000000xf32, #tpu.memory_space<hbm>> -> memref<32x128xf32, #tpu.memory_space<hbm>>
        %dma_start3A_2954 = tpu.memref_slice %arg14[%rem3A_2947] : memref<14x!tpu.dma_semaphore, #tpu.memory_space<semaphore_mem>> -> memref<1x!tpu.dma_semaphore, #tpu.memory_space<semaphore_mem>>
        %dma_start3A_2955 = tpu.memref_squeeze %dma_start3A_2954 : memref<1x!tpu.dma_semaphore, #tpu.memory_space<semaphore_mem>> -> memref<!tpu.dma_semaphore, #tpu.memory_space<semaphore_mem>>
        %dma_start3A_2956 = arith.constant 0 : i32
        %dma_start3A_2957 = arith.constant 0 : i32
        %dma_start3A_2958 = tpu.memref_slice %arg11[%rem3A_2947, %dma_start3A_2956, %dma_start3A_2957] : memref<14x32x128xf32, #tpu.memory_space<vmem>> -> memref<1x32x128xf32, #tpu.memory_space<vmem>>
        %dma_start3A_2959 = tpu.memref_squeeze %dma_start3A_2958 : memref<1x32x128xf32, #tpu.memory_space<vmem>> -> memref<32x128xf32, #tpu.memory_space<vmem>>
        %dma_start3A_2960 = arith.constant 0 : i32
        %dma_start3A_2961 = tpu.memref_slice %arg4[%dma_start3A_2960, %multiple_of3A_2940] : memref<32x1000000xf32, #tpu.memory_space<hbm>> -> memref<32x128xf32, #tpu.memory_space<hbm>>
        tpu.enqueue_dma source(%dma_start3A_2961 : memref<32x128xf32, #tpu.memory_space<hbm>>) target(%dma_start3A_2959 : memref<32x128xf32, #tpu.memory_space<vmem>>) target_semaphore(%dma_start3A_2955 : memref<!tpu.dma_semaphore, #tpu.memory_space<semaphore_mem>>)
        %dma_start3A_2962 = arith.constant 0 : i32
        %dma_start3A_2963 = arith.constant 0 : i32
        %dma_start3A_2964 = tpu.memref_slice %arg12[%rem3A_2947, %dma_start3A_2962, %dma_start3A_2963] : memref<14x32x128xf32, #tpu.memory_space<vmem>> -> memref<1x32x128xf32, #tpu.memory_space<vmem>>
        %dma_start3A_2965 = tpu.memref_squeeze %dma_start3A_2964 : memref<1x32x128xf32, #tpu.memory_space<vmem>> -> memref<32x128xf32, #tpu.memory_space<vmem>>
        %dma_start3A_2966 = arith.constant 0 : i32
        %dma_start3A_2967 = tpu.memref_slice %arg5[%dma_start3A_2966, %multiple_of3A_2943] : memref<32x1000000xf32, #tpu.memory_space<hbm>> -> memref<32x128xf32, #tpu.memory_space<hbm>>
        %dma_start3A_2968 = tpu.memref_slice %arg14[%rem3A_2947] : memref<14x!tpu.dma_semaphore, #tpu.memory_space<semaphore_mem>> -> memref<1x!tpu.dma_semaphore, #tpu.memory_space<semaphore_mem>>
        %dma_start3A_2969 = tpu.memref_squeeze %dma_start3A_2968 : memref<1x!tpu.dma_semaphore, #tpu.memory_space<semaphore_mem>> -> memref<!tpu.dma_semaphore, #tpu.memory_space<semaphore_mem>>
        %dma_start3A_2970 = arith.constant 0 : i32
        %dma_start3A_2971 = arith.constant 0 : i32
        %dma_start3A_2972 = tpu.memref_slice %arg12[%rem3A_2947, %dma_start3A_2970, %dma_start3A_2971] : memref<14x32x128xf32, #tpu.memory_space<vmem>> -> memref<1x32x128xf32, #tpu.memory_space<vmem>>
        %dma_start3A_2973 = tpu.memref_squeeze %dma_start3A_2972 : memref<1x32x128xf32, #tpu.memory_space<vmem>> -> memref<32x128xf32, #tpu.memory_space<vmem>>
        %dma_start3A_2974 = arith.constant 0 : i32
        %dma_start3A_2975 = tpu.memref_slice %arg5[%dma_start3A_2974, %multiple_of3A_2943] : memref<32x1000000xf32, #tpu.memory_space<hbm>> -> memref<32x128xf32, #tpu.memory_space<hbm>>
        tpu.enqueue_dma source(%dma_start3A_2975 : memref<32x128xf32, #tpu.memory_space<hbm>>) target(%dma_start3A_2973 : memref<32x128xf32, #tpu.memory_space<vmem>>) target_semaphore(%dma_start3A_2969 : memref<!tpu.dma_semaphore, #tpu.memory_space<semaphore_mem>>)
      } else {
      }
      %rem3A_2515 = arith.constant 14 : i32
      %rem3A_2516 = arith.remsi %add3A_2507, %rem3A_2515 : i32
      %dma_wait3A_2517 = arith.constant 0 : i32
      %dma_wait3A_2518 = arith.constant 0 : i32
      %dma_wait3A_2519 = tpu.memref_slice %arg11[%rem3A_2516, %dma_wait3A_2517, %dma_wait3A_2518] : memref<14x32x128xf32, #tpu.memory_space<vmem>> -> memref<1x32x128xf32, #tpu.memory_space<vmem>>
      %dma_wait3A_2520 = tpu.memref_squeeze %dma_wait3A_2519 : memref<1x32x128xf32, #tpu.memory_space<vmem>> -> memref<32x128xf32, #tpu.memory_space<vmem>>
      %dma_wait3A_2521 = arith.constant 0 : i32
      %dma_wait3A_2522 = arith.constant 0 : i32
      %dma_wait3A_2523 = tpu.memref_slice %arg4[%dma_wait3A_2521, %dma_wait3A_2522] : memref<32x1000000xf32, #tpu.memory_space<hbm>> -> memref<32x128xf32, #tpu.memory_space<hbm>>
      %dma_wait3A_2524 = tpu.memref_slice %arg14[%rem3A_2516] : memref<14x!tpu.dma_semaphore, #tpu.memory_space<semaphore_mem>> -> memref<1x!tpu.dma_semaphore, #tpu.memory_space<semaphore_mem>>
      %dma_wait3A_2525 = tpu.memref_squeeze %dma_wait3A_2524 : memref<1x!tpu.dma_semaphore, #tpu.memory_space<semaphore_mem>> -> memref<!tpu.dma_semaphore, #tpu.memory_space<semaphore_mem>>
      %dma_wait3A_2526 = arith.constant 0 : i32
      %dma_wait3A_2527 = arith.constant 0 : i32
      %dma_wait3A_2528 = tpu.memref_slice %arg11[%rem3A_2516, %dma_wait3A_2526, %dma_wait3A_2527] : memref<14x32x128xf32, #tpu.memory_space<vmem>> -> memref<1x32x128xf32, #tpu.memory_space<vmem>>
      %dma_wait3A_2529 = tpu.memref_squeeze %dma_wait3A_2528 : memref<1x32x128xf32, #tpu.memory_space<vmem>> -> memref<32x128xf32, #tpu.memory_space<vmem>>
      %dma_wait3A_2530 = arith.constant 0 : i32
      %dma_wait3A_2531 = arith.constant 0 : i32
      %dma_wait3A_2532 = tpu.memref_slice %arg4[%dma_wait3A_2530, %dma_wait3A_2531] : memref<32x1000000xf32, #tpu.memory_space<hbm>> -> memref<32x128xf32, #tpu.memory_space<hbm>>
      tpu.wait_dma2 semaphore(%dma_wait3A_2525 : memref<!tpu.dma_semaphore, #tpu.memory_space<semaphore_mem>>) src(%dma_wait3A_2532 : memref<32x128xf32, #tpu.memory_space<hbm>>) dst(%dma_wait3A_2529 : memref<32x128xf32, #tpu.memory_space<vmem>>)
      %dma_wait3A_2533 = arith.constant 0 : i32
      %dma_wait3A_2534 = arith.constant 0 : i32
      %dma_wait3A_2535 = tpu.memref_slice %arg12[%rem3A_2516, %dma_wait3A_2533, %dma_wait3A_2534] : memref<14x32x128xf32, #tpu.memory_space<vmem>> -> memref<1x32x128xf32, #tpu.memory_space<vmem>>
      %dma_wait3A_2536 = tpu.memref_squeeze %dma_wait3A_2535 : memref<1x32x128xf32, #tpu.memory_space<vmem>> -> memref<32x128xf32, #tpu.memory_space<vmem>>
      %dma_wait3A_2537 = arith.constant 0 : i32
      %dma_wait3A_2538 = arith.constant 0 : i32
      %dma_wait3A_2539 = tpu.memref_slice %arg5[%dma_wait3A_2537, %dma_wait3A_2538] : memref<32x1000000xf32, #tpu.memory_space<hbm>> -> memref<32x128xf32, #tpu.memory_space<hbm>>
      %dma_wait3A_2540 = tpu.memref_slice %arg14[%rem3A_2516] : memref<14x!tpu.dma_semaphore, #tpu.memory_space<semaphore_mem>> -> memref<1x!tpu.dma_semaphore, #tpu.memory_space<semaphore_mem>>
      %dma_wait3A_2541 = tpu.memref_squeeze %dma_wait3A_2540 : memref<1x!tpu.dma_semaphore, #tpu.memory_space<semaphore_mem>> -> memref<!tpu.dma_semaphore, #tpu.memory_space<semaphore_mem>>
      %dma_wait3A_2542 = arith.constant 0 : i32
      %dma_wait3A_2543 = arith.constant 0 : i32
      %dma_wait3A_2544 = tpu.memref_slice %arg12[%rem3A_2516, %dma_wait3A_2542, %dma_wait3A_2543] : memref<14x32x128xf32, #tpu.memory_space<vmem>> -> memref<1x32x128xf32, #tpu.memory_space<vmem>>
      %dma_wait3A_2545 = tpu.memref_squeeze %dma_wait3A_2544 : memref<1x32x128xf32, #tpu.memory_space<vmem>> -> memref<32x128xf32, #tpu.memory_space<vmem>>
      %dma_wait3A_2546 = arith.constant 0 : i32
      %dma_wait3A_2547 = arith.constant 0 : i32
      %dma_wait3A_2548 = tpu.memref_slice %arg5[%dma_wait3A_2546, %dma_wait3A_2547] : memref<32x1000000xf32, #tpu.memory_space<hbm>> -> memref<32x128xf32, #tpu.memory_space<hbm>>
      tpu.wait_dma2 semaphore(%dma_wait3A_2541 : memref<!tpu.dma_semaphore, #tpu.memory_space<semaphore_mem>>) src(%dma_wait3A_2548 : memref<32x128xf32, #tpu.memory_space<hbm>>) dst(%dma_wait3A_2545 : memref<32x128xf32, #tpu.memory_space<vmem>>)
      %slice3A_2549 = vector.extract_strided_slice %get3A_1781 {offsets = [10], sizes = [1], strides = [1]} : vector<16xi32> to vector<1xi32>
      %squeeze3A_2550 = vector.extract %slice3A_2549[0] : i32 from vector<1xi32>
      %broadcast_in_dim3A_2551 = vector.broadcast %squeeze3A_2550 : i32 to vector<16xi32>
      %slice3A_2552 = vector.extract_strided_slice %get3A_1783 {offsets = [10], sizes = [1], strides = [1]} : vector<16xi32> to vector<1xi32>
      %squeeze3A_2553 = vector.extract %slice3A_2552[0] : i32 from vector<1xi32>
      %broadcast_in_dim3A_2554 = vector.broadcast %squeeze3A_2553 : i32 to vector<16xi32>
      %broadcast_in_dim3A_2555 = vector.broadcast %rem3A_2516 : i32 to vector<16xi32>
      %gather3A_2556 = tpu.vector_load_idx %arg11[%broadcast_in_dim3A_2555, %iota3A, %broadcast_in_dim3A_2551] : memref<14x32x128xf32, #tpu.memory_space<vmem>>[vector<16xi32>, vector<16xi32>, vector<16xi32>], vector<16xf32>,
      %add3A_2557 = arith.constant 16 : i32
      %add3A_2558 = vector.broadcast %add3A_2557 : i32 to vector<16xi32>
      %add3A_2559 = arith.addi %iota3A, %add3A_2558 : vector<16xi32>
      %gather3A_2560 = tpu.vector_load_idx %arg11[%broadcast_in_dim3A_2555, %add3A_2559, %broadcast_in_dim3A_2551] : memref<14x32x128xf32, #tpu.memory_space<vmem>>[vector<16xi32>, vector<16xi32>, vector<16xi32>], vector<16xf32>,
      %gather3A_2561 = tpu.vector_load_idx %arg12[%broadcast_in_dim3A_2555, %iota3A, %broadcast_in_dim3A_2554] : memref<14x32x128xf32, #tpu.memory_space<vmem>>[vector<16xi32>, vector<16xi32>, vector<16xi32>], vector<16xf32>,
      %add3A_2562 = arith.constant 16 : i32
      %add3A_2563 = vector.broadcast %add3A_2562 : i32 to vector<16xi32>
      %add3A_2564 = arith.addi %iota3A, %add3A_2563 : vector<16xi32>
      %gather3A_2565 = tpu.vector_load_idx %arg12[%broadcast_in_dim3A_2555, %add3A_2564, %broadcast_in_dim3A_2554] : memref<14x32x128xf32, #tpu.memory_space<vmem>>[vector<16xi32>, vector<16xi32>, vector<16xi32>], vector<16xf32>,
      %mul3A_2566 = arith.mulf %gather3A_2556, %gather3A_2561 : vector<16xf32>
      %mul3A_2567 = arith.mulf %gather3A_2560, %gather3A_2565 : vector<16xf32>
      %add3A_2568 = arith.addf %mul3A_2566, %mul3A_2567 : vector<16xf32>
      %reduce_sum3A_2569 = arith.constant true
      %reduce_sum3A_2570 = vector.broadcast %reduce_sum3A_2569 : i1 to vector<16xi1>
      %reduce_sum3A_2571 = tpu.scan <sum>, %add3A_2568 masked %reduce_sum3A_2570 : vector<16xf32>, vector<16xi1> -> vector<16xf32>
      %reduce_sum3A_2572 = vector.extract %reduce_sum3A_2571[15] : f32 from vector<16xf32>
      %broadcast_in_dim3A_2573 = vector.broadcast %add3A_2507 : i32 to vector<16xi32>
      %broadcast_in_dim3A_2574 = vector.broadcast %reduce_sum3A_2572 : f32 to vector<16xf32>
      %eq3A_2575 = arith.constant 0 : i32
      %eq3A_2576 = vector.broadcast %eq3A_2575 : i32 to vector<16xi32>
      %eq3A_2577 = arith.cmpi eq, %iota3A, %eq3A_2576 : vector<16xi32>
      tpu.vector_store_idx %arg13[%broadcast_in_dim3A_2573], %broadcast_in_dim3A_2574 masked %eq3A_2577 : memref<512xf32, #tpu.memory_space<vmem>>[vector<16xi32>], vector<16xf32>, vector<16xi1>
      %add3A_2578 = arith.constant 11 : i32
      %add3A_2579 = arith.addi %mul3A_1775, %add3A_2578 : i32
      %add3A_2580 = arith.constant 13 : i32
      %add3A_2581 = arith.addi %add3A_2579, %add3A_2580 : i32
      %lt3A_2582 = arith.constant 512 : i32
      %lt3A_2583 = arith.cmpi slt, %add3A_2581, %lt3A_2582 : i32
      %convert_element_type3A_2584 = arith.extui %lt3A_2583 : i1 to i32
      %cond3A_2585 = arith.constant 0 : i32
      %cond3A_2586 = arith.cmpi ne, %convert_element_type3A_2584, %cond3A_2585 : i32
      scf.if %cond3A_2586 {
        %slice3A_2938 = vector.extract_strided_slice %get3A_1791 {offsets = [8], sizes = [1], strides = [1]} : vector<16xi32> to vector<1xi32>
        %squeeze3A_2939 = vector.extract %slice3A_2938[0] : i32 from vector<1xi32>
        %multiple_of3A_2940 = tpu.assume_multiple %squeeze3A_2939, 128 : i32
        %slice3A_2941 = vector.extract_strided_slice %get3A_1793 {offsets = [8], sizes = [1], strides = [1]} : vector<16xi32> to vector<1xi32>
        %squeeze3A_2942 = vector.extract %slice3A_2941[0] : i32 from vector<1xi32>
        %multiple_of3A_2943 = tpu.assume_multiple %squeeze3A_2942, 128 : i32
        %add3A_2944 = arith.constant 13 : i32
        %add3A_2945 = arith.addi %add3A_2579, %add3A_2944 : i32
        %rem3A_2946 = arith.constant 14 : i32
        %rem3A_2947 = arith.remsi %add3A_2945, %rem3A_2946 : i32
        %dma_start3A_2948 = arith.constant 0 : i32
        %dma_start3A_2949 = arith.constant 0 : i32
        %dma_start3A_2950 = tpu.memref_slice %arg11[%rem3A_2947, %dma_start3A_2948, %dma_start3A_2949] : memref<14x32x128xf32, #tpu.memory_space<vmem>> -> memref<1x32x128xf32, #tpu.memory_space<vmem>>
        %dma_start3A_2951 = tpu.memref_squeeze %dma_start3A_2950 : memref<1x32x128xf32, #tpu.memory_space<vmem>> -> memref<32x128xf32, #tpu.memory_space<vmem>>
        %dma_start3A_2952 = arith.constant 0 : i32
        %dma_start3A_2953 = tpu.memref_slice %arg4[%dma_start3A_2952, %multiple_of3A_2940] : memref<32x1000000xf32, #tpu.memory_space<hbm>> -> memref<32x128xf32, #tpu.memory_space<hbm>>
        %dma_start3A_2954 = tpu.memref_slice %arg14[%rem3A_2947] : memref<14x!tpu.dma_semaphore, #tpu.memory_space<semaphore_mem>> -> memref<1x!tpu.dma_semaphore, #tpu.memory_space<semaphore_mem>>
        %dma_start3A_2955 = tpu.memref_squeeze %dma_start3A_2954 : memref<1x!tpu.dma_semaphore, #tpu.memory_space<semaphore_mem>> -> memref<!tpu.dma_semaphore, #tpu.memory_space<semaphore_mem>>
        %dma_start3A_2956 = arith.constant 0 : i32
        %dma_start3A_2957 = arith.constant 0 : i32
        %dma_start3A_2958 = tpu.memref_slice %arg11[%rem3A_2947, %dma_start3A_2956, %dma_start3A_2957] : memref<14x32x128xf32, #tpu.memory_space<vmem>> -> memref<1x32x128xf32, #tpu.memory_space<vmem>>
        %dma_start3A_2959 = tpu.memref_squeeze %dma_start3A_2958 : memref<1x32x128xf32, #tpu.memory_space<vmem>> -> memref<32x128xf32, #tpu.memory_space<vmem>>
        %dma_start3A_2960 = arith.constant 0 : i32
        %dma_start3A_2961 = tpu.memref_slice %arg4[%dma_start3A_2960, %multiple_of3A_2940] : memref<32x1000000xf32, #tpu.memory_space<hbm>> -> memref<32x128xf32, #tpu.memory_space<hbm>>
        tpu.enqueue_dma source(%dma_start3A_2961 : memref<32x128xf32, #tpu.memory_space<hbm>>) target(%dma_start3A_2959 : memref<32x128xf32, #tpu.memory_space<vmem>>) target_semaphore(%dma_start3A_2955 : memref<!tpu.dma_semaphore, #tpu.memory_space<semaphore_mem>>)
        %dma_start3A_2962 = arith.constant 0 : i32
        %dma_start3A_2963 = arith.constant 0 : i32
        %dma_start3A_2964 = tpu.memref_slice %arg12[%rem3A_2947, %dma_start3A_2962, %dma_start3A_2963] : memref<14x32x128xf32, #tpu.memory_space<vmem>> -> memref<1x32x128xf32, #tpu.memory_space<vmem>>
        %dma_start3A_2965 = tpu.memref_squeeze %dma_start3A_2964 : memref<1x32x128xf32, #tpu.memory_space<vmem>> -> memref<32x128xf32, #tpu.memory_space<vmem>>
        %dma_start3A_2966 = arith.constant 0 : i32
        %dma_start3A_2967 = tpu.memref_slice %arg5[%dma_start3A_2966, %multiple_of3A_2943] : memref<32x1000000xf32, #tpu.memory_space<hbm>> -> memref<32x128xf32, #tpu.memory_space<hbm>>
        %dma_start3A_2968 = tpu.memref_slice %arg14[%rem3A_2947] : memref<14x!tpu.dma_semaphore, #tpu.memory_space<semaphore_mem>> -> memref<1x!tpu.dma_semaphore, #tpu.memory_space<semaphore_mem>>
        %dma_start3A_2969 = tpu.memref_squeeze %dma_start3A_2968 : memref<1x!tpu.dma_semaphore, #tpu.memory_space<semaphore_mem>> -> memref<!tpu.dma_semaphore, #tpu.memory_space<semaphore_mem>>
        %dma_start3A_2970 = arith.constant 0 : i32
        %dma_start3A_2971 = arith.constant 0 : i32
        %dma_start3A_2972 = tpu.memref_slice %arg12[%rem3A_2947, %dma_start3A_2970, %dma_start3A_2971] : memref<14x32x128xf32, #tpu.memory_space<vmem>> -> memref<1x32x128xf32, #tpu.memory_space<vmem>>
        %dma_start3A_2973 = tpu.memref_squeeze %dma_start3A_2972 : memref<1x32x128xf32, #tpu.memory_space<vmem>> -> memref<32x128xf32, #tpu.memory_space<vmem>>
        %dma_start3A_2974 = arith.constant 0 : i32
        %dma_start3A_2975 = tpu.memref_slice %arg5[%dma_start3A_2974, %multiple_of3A_2943] : memref<32x1000000xf32, #tpu.memory_space<hbm>> -> memref<32x128xf32, #tpu.memory_space<hbm>>
        tpu.enqueue_dma source(%dma_start3A_2975 : memref<32x128xf32, #tpu.memory_space<hbm>>) target(%dma_start3A_2973 : memref<32x128xf32, #tpu.memory_space<vmem>>) target_semaphore(%dma_start3A_2969 : memref<!tpu.dma_semaphore, #tpu.memory_space<semaphore_mem>>)
      } else {
      }
      %rem3A_2587 = arith.constant 14 : i32
      %rem3A_2588 = arith.remsi %add3A_2579, %rem3A_2587 : i32
      %dma_wait3A_2589 = arith.constant 0 : i32
      %dma_wait3A_2590 = arith.constant 0 : i32
      %dma_wait3A_2591 = tpu.memref_slice %arg11[%rem3A_2588, %dma_wait3A_2589, %dma_wait3A_2590] : memref<14x32x128xf32, #tpu.memory_space<vmem>> -> memref<1x32x128xf32, #tpu.memory_space<vmem>>
      %dma_wait3A_2592 = tpu.memref_squeeze %dma_wait3A_2591 : memref<1x32x128xf32, #tpu.memory_space<vmem>> -> memref<32x128xf32, #tpu.memory_space<vmem>>
      %dma_wait3A_2593 = arith.constant 0 : i32
      %dma_wait3A_2594 = arith.constant 0 : i32
      %dma_wait3A_2595 = tpu.memref_slice %arg4[%dma_wait3A_2593, %dma_wait3A_2594] : memref<32x1000000xf32, #tpu.memory_space<hbm>> -> memref<32x128xf32, #tpu.memory_space<hbm>>
      %dma_wait3A_2596 = tpu.memref_slice %arg14[%rem3A_2588] : memref<14x!tpu.dma_semaphore, #tpu.memory_space<semaphore_mem>> -> memref<1x!tpu.dma_semaphore, #tpu.memory_space<semaphore_mem>>
      %dma_wait3A_2597 = tpu.memref_squeeze %dma_wait3A_2596 : memref<1x!tpu.dma_semaphore, #tpu.memory_space<semaphore_mem>> -> memref<!tpu.dma_semaphore, #tpu.memory_space<semaphore_mem>>
      %dma_wait3A_2598 = arith.constant 0 : i32
      %dma_wait3A_2599 = arith.constant 0 : i32
      %dma_wait3A_2600 = tpu.memref_slice %arg11[%rem3A_2588, %dma_wait3A_2598, %dma_wait3A_2599] : memref<14x32x128xf32, #tpu.memory_space<vmem>> -> memref<1x32x128xf32, #tpu.memory_space<vmem>>
      %dma_wait3A_2601 = tpu.memref_squeeze %dma_wait3A_2600 : memref<1x32x128xf32, #tpu.memory_space<vmem>> -> memref<32x128xf32, #tpu.memory_space<vmem>>
      %dma_wait3A_2602 = arith.constant 0 : i32
      %dma_wait3A_2603 = arith.constant 0 : i32
      %dma_wait3A_2604 = tpu.memref_slice %arg4[%dma_wait3A_2602, %dma_wait3A_2603] : memref<32x1000000xf32, #tpu.memory_space<hbm>> -> memref<32x128xf32, #tpu.memory_space<hbm>>
      tpu.wait_dma2 semaphore(%dma_wait3A_2597 : memref<!tpu.dma_semaphore, #tpu.memory_space<semaphore_mem>>) src(%dma_wait3A_2604 : memref<32x128xf32, #tpu.memory_space<hbm>>) dst(%dma_wait3A_2601 : memref<32x128xf32, #tpu.memory_space<vmem>>)
      %dma_wait3A_2605 = arith.constant 0 : i32
      %dma_wait3A_2606 = arith.constant 0 : i32
      %dma_wait3A_2607 = tpu.memref_slice %arg12[%rem3A_2588, %dma_wait3A_2605, %dma_wait3A_2606] : memref<14x32x128xf32, #tpu.memory_space<vmem>> -> memref<1x32x128xf32, #tpu.memory_space<vmem>>
      %dma_wait3A_2608 = tpu.memref_squeeze %dma_wait3A_2607 : memref<1x32x128xf32, #tpu.memory_space<vmem>> -> memref<32x128xf32, #tpu.memory_space<vmem>>
      %dma_wait3A_2609 = arith.constant 0 : i32
      %dma_wait3A_2610 = arith.constant 0 : i32
      %dma_wait3A_2611 = tpu.memref_slice %arg5[%dma_wait3A_2609, %dma_wait3A_2610] : memref<32x1000000xf32, #tpu.memory_space<hbm>> -> memref<32x128xf32, #tpu.memory_space<hbm>>
      %dma_wait3A_2612 = tpu.memref_slice %arg14[%rem3A_2588] : memref<14x!tpu.dma_semaphore, #tpu.memory_space<semaphore_mem>> -> memref<1x!tpu.dma_semaphore, #tpu.memory_space<semaphore_mem>>
      %dma_wait3A_2613 = tpu.memref_squeeze %dma_wait3A_2612 : memref<1x!tpu.dma_semaphore, #tpu.memory_space<semaphore_mem>> -> memref<!tpu.dma_semaphore, #tpu.memory_space<semaphore_mem>>
      %dma_wait3A_2614 = arith.constant 0 : i32
      %dma_wait3A_2615 = arith.constant 0 : i32
      %dma_wait3A_2616 = tpu.memref_slice %arg12[%rem3A_2588, %dma_wait3A_2614, %dma_wait3A_2615] : memref<14x32x128xf32, #tpu.memory_space<vmem>> -> memref<1x32x128xf32, #tpu.memory_space<vmem>>
      %dma_wait3A_2617 = tpu.memref_squeeze %dma_wait3A_2616 : memref<1x32x128xf32, #tpu.memory_space<vmem>> -> memref<32x128xf32, #tpu.memory_space<vmem>>
      %dma_wait3A_2618 = arith.constant 0 : i32
      %dma_wait3A_2619 = arith.constant 0 : i32
      %dma_wait3A_2620 = tpu.memref_slice %arg5[%dma_wait3A_2618, %dma_wait3A_2619] : memref<32x1000000xf32, #tpu.memory_space<hbm>> -> memref<32x128xf32, #tpu.memory_space<hbm>>
      tpu.wait_dma2 semaphore(%dma_wait3A_2613 : memref<!tpu.dma_semaphore, #tpu.memory_space<semaphore_mem>>) src(%dma_wait3A_2620 : memref<32x128xf32, #tpu.memory_space<hbm>>) dst(%dma_wait3A_2617 : memref<32x128xf32, #tpu.memory_space<vmem>>)
      %slice3A_2621 = vector.extract_strided_slice %get3A_1781 {offsets = [11], sizes = [1], strides = [1]} : vector<16xi32> to vector<1xi32>
      %squeeze3A_2622 = vector.extract %slice3A_2621[0] : i32 from vector<1xi32>
      %broadcast_in_dim3A_2623 = vector.broadcast %squeeze3A_2622 : i32 to vector<16xi32>
      %slice3A_2624 = vector.extract_strided_slice %get3A_1783 {offsets = [11], sizes = [1], strides = [1]} : vector<16xi32> to vector<1xi32>
      %squeeze3A_2625 = vector.extract %slice3A_2624[0] : i32 from vector<1xi32>
      %broadcast_in_dim3A_2626 = vector.broadcast %squeeze3A_2625 : i32 to vector<16xi32>
      %broadcast_in_dim3A_2627 = vector.broadcast %rem3A_2588 : i32 to vector<16xi32>
      %gather3A_2628 = tpu.vector_load_idx %arg11[%broadcast_in_dim3A_2627, %iota3A, %broadcast_in_dim3A_2623] : memref<14x32x128xf32, #tpu.memory_space<vmem>>[vector<16xi32>, vector<16xi32>, vector<16xi32>], vector<16xf32>,
      %add3A_2629 = arith.constant 16 : i32
      %add3A_2630 = vector.broadcast %add3A_2629 : i32 to vector<16xi32>
      %add3A_2631 = arith.addi %iota3A, %add3A_2630 : vector<16xi32>
      %gather3A_2632 = tpu.vector_load_idx %arg11[%broadcast_in_dim3A_2627, %add3A_2631, %broadcast_in_dim3A_2623] : memref<14x32x128xf32, #tpu.memory_space<vmem>>[vector<16xi32>, vector<16xi32>, vector<16xi32>], vector<16xf32>,
      %gather3A_2633 = tpu.vector_load_idx %arg12[%broadcast_in_dim3A_2627, %iota3A, %broadcast_in_dim3A_2626] : memref<14x32x128xf32, #tpu.memory_space<vmem>>[vector<16xi32>, vector<16xi32>, vector<16xi32>], vector<16xf32>,
      %add3A_2634 = arith.constant 16 : i32
      %add3A_2635 = vector.broadcast %add3A_2634 : i32 to vector<16xi32>
      %add3A_2636 = arith.addi %iota3A, %add3A_2635 : vector<16xi32>
      %gather3A_2637 = tpu.vector_load_idx %arg12[%broadcast_in_dim3A_2627, %add3A_2636, %broadcast_in_dim3A_2626] : memref<14x32x128xf32, #tpu.memory_space<vmem>>[vector<16xi32>, vector<16xi32>, vector<16xi32>], vector<16xf32>,
      %mul3A_2638 = arith.mulf %gather3A_2628, %gather3A_2633 : vector<16xf32>
      %mul3A_2639 = arith.mulf %gather3A_2632, %gather3A_2637 : vector<16xf32>
      %add3A_2640 = arith.addf %mul3A_2638, %mul3A_2639 : vector<16xf32>
      %reduce_sum3A_2641 = arith.constant true
      %reduce_sum3A_2642 = vector.broadcast %reduce_sum3A_2641 : i1 to vector<16xi1>
      %reduce_sum3A_2643 = tpu.scan <sum>, %add3A_2640 masked %reduce_sum3A_2642 : vector<16xf32>, vector<16xi1> -> vector<16xf32>
      %reduce_sum3A_2644 = vector.extract %reduce_sum3A_2643[15] : f32 from vector<16xf32>
      %broadcast_in_dim3A_2645 = vector.broadcast %add3A_2579 : i32 to vector<16xi32>
      %broadcast_in_dim3A_2646 = vector.broadcast %reduce_sum3A_2644 : f32 to vector<16xf32>
      %eq3A_2647 = arith.constant 0 : i32
      %eq3A_2648 = vector.broadcast %eq3A_2647 : i32 to vector<16xi32>
      %eq3A_2649 = arith.cmpi eq, %iota3A, %eq3A_2648 : vector<16xi32>
      tpu.vector_store_idx %arg13[%broadcast_in_dim3A_2645], %broadcast_in_dim3A_2646 masked %eq3A_2649 : memref<512xf32, #tpu.memory_space<vmem>>[vector<16xi32>], vector<16xf32>, vector<16xi1>
      %add3A_2650 = arith.constant 12 : i32
      %add3A_2651 = arith.addi %mul3A_1775, %add3A_2650 : i32
      %add3A_2652 = arith.constant 13 : i32
      %add3A_2653 = arith.addi %add3A_2651, %add3A_2652 : i32
      %lt3A_2654 = arith.constant 512 : i32
      %lt3A_2655 = arith.cmpi slt, %add3A_2653, %lt3A_2654 : i32
      %convert_element_type3A_2656 = arith.extui %lt3A_2655 : i1 to i32
      %cond3A_2657 = arith.constant 0 : i32
      %cond3A_2658 = arith.cmpi ne, %convert_element_type3A_2656, %cond3A_2657 : i32
      scf.if %cond3A_2658 {
        %slice3A_2938 = vector.extract_strided_slice %get3A_1791 {offsets = [9], sizes = [1], strides = [1]} : vector<16xi32> to vector<1xi32>
        %squeeze3A_2939 = vector.extract %slice3A_2938[0] : i32 from vector<1xi32>
        %multiple_of3A_2940 = tpu.assume_multiple %squeeze3A_2939, 128 : i32
        %slice3A_2941 = vector.extract_strided_slice %get3A_1793 {offsets = [9], sizes = [1], strides = [1]} : vector<16xi32> to vector<1xi32>
        %squeeze3A_2942 = vector.extract %slice3A_2941[0] : i32 from vector<1xi32>
        %multiple_of3A_2943 = tpu.assume_multiple %squeeze3A_2942, 128 : i32
        %add3A_2944 = arith.constant 13 : i32
        %add3A_2945 = arith.addi %add3A_2651, %add3A_2944 : i32
        %rem3A_2946 = arith.constant 14 : i32
        %rem3A_2947 = arith.remsi %add3A_2945, %rem3A_2946 : i32
        %dma_start3A_2948 = arith.constant 0 : i32
        %dma_start3A_2949 = arith.constant 0 : i32
        %dma_start3A_2950 = tpu.memref_slice %arg11[%rem3A_2947, %dma_start3A_2948, %dma_start3A_2949] : memref<14x32x128xf32, #tpu.memory_space<vmem>> -> memref<1x32x128xf32, #tpu.memory_space<vmem>>
        %dma_start3A_2951 = tpu.memref_squeeze %dma_start3A_2950 : memref<1x32x128xf32, #tpu.memory_space<vmem>> -> memref<32x128xf32, #tpu.memory_space<vmem>>
        %dma_start3A_2952 = arith.constant 0 : i32
        %dma_start3A_2953 = tpu.memref_slice %arg4[%dma_start3A_2952, %multiple_of3A_2940] : memref<32x1000000xf32, #tpu.memory_space<hbm>> -> memref<32x128xf32, #tpu.memory_space<hbm>>
        %dma_start3A_2954 = tpu.memref_slice %arg14[%rem3A_2947] : memref<14x!tpu.dma_semaphore, #tpu.memory_space<semaphore_mem>> -> memref<1x!tpu.dma_semaphore, #tpu.memory_space<semaphore_mem>>
        %dma_start3A_2955 = tpu.memref_squeeze %dma_start3A_2954 : memref<1x!tpu.dma_semaphore, #tpu.memory_space<semaphore_mem>> -> memref<!tpu.dma_semaphore, #tpu.memory_space<semaphore_mem>>
        %dma_start3A_2956 = arith.constant 0 : i32
        %dma_start3A_2957 = arith.constant 0 : i32
        %dma_start3A_2958 = tpu.memref_slice %arg11[%rem3A_2947, %dma_start3A_2956, %dma_start3A_2957] : memref<14x32x128xf32, #tpu.memory_space<vmem>> -> memref<1x32x128xf32, #tpu.memory_space<vmem>>
        %dma_start3A_2959 = tpu.memref_squeeze %dma_start3A_2958 : memref<1x32x128xf32, #tpu.memory_space<vmem>> -> memref<32x128xf32, #tpu.memory_space<vmem>>
        %dma_start3A_2960 = arith.constant 0 : i32
        %dma_start3A_2961 = tpu.memref_slice %arg4[%dma_start3A_2960, %multiple_of3A_2940] : memref<32x1000000xf32, #tpu.memory_space<hbm>> -> memref<32x128xf32, #tpu.memory_space<hbm>>
        tpu.enqueue_dma source(%dma_start3A_2961 : memref<32x128xf32, #tpu.memory_space<hbm>>) target(%dma_start3A_2959 : memref<32x128xf32, #tpu.memory_space<vmem>>) target_semaphore(%dma_start3A_2955 : memref<!tpu.dma_semaphore, #tpu.memory_space<semaphore_mem>>)
        %dma_start3A_2962 = arith.constant 0 : i32
        %dma_start3A_2963 = arith.constant 0 : i32
        %dma_start3A_2964 = tpu.memref_slice %arg12[%rem3A_2947, %dma_start3A_2962, %dma_start3A_2963] : memref<14x32x128xf32, #tpu.memory_space<vmem>> -> memref<1x32x128xf32, #tpu.memory_space<vmem>>
        %dma_start3A_2965 = tpu.memref_squeeze %dma_start3A_2964 : memref<1x32x128xf32, #tpu.memory_space<vmem>> -> memref<32x128xf32, #tpu.memory_space<vmem>>
        %dma_start3A_2966 = arith.constant 0 : i32
        %dma_start3A_2967 = tpu.memref_slice %arg5[%dma_start3A_2966, %multiple_of3A_2943] : memref<32x1000000xf32, #tpu.memory_space<hbm>> -> memref<32x128xf32, #tpu.memory_space<hbm>>
        %dma_start3A_2968 = tpu.memref_slice %arg14[%rem3A_2947] : memref<14x!tpu.dma_semaphore, #tpu.memory_space<semaphore_mem>> -> memref<1x!tpu.dma_semaphore, #tpu.memory_space<semaphore_mem>>
        %dma_start3A_2969 = tpu.memref_squeeze %dma_start3A_2968 : memref<1x!tpu.dma_semaphore, #tpu.memory_space<semaphore_mem>> -> memref<!tpu.dma_semaphore, #tpu.memory_space<semaphore_mem>>
        %dma_start3A_2970 = arith.constant 0 : i32
        %dma_start3A_2971 = arith.constant 0 : i32
        %dma_start3A_2972 = tpu.memref_slice %arg12[%rem3A_2947, %dma_start3A_2970, %dma_start3A_2971] : memref<14x32x128xf32, #tpu.memory_space<vmem>> -> memref<1x32x128xf32, #tpu.memory_space<vmem>>
        %dma_start3A_2973 = tpu.memref_squeeze %dma_start3A_2972 : memref<1x32x128xf32, #tpu.memory_space<vmem>> -> memref<32x128xf32, #tpu.memory_space<vmem>>
        %dma_start3A_2974 = arith.constant 0 : i32
        %dma_start3A_2975 = tpu.memref_slice %arg5[%dma_start3A_2974, %multiple_of3A_2943] : memref<32x1000000xf32, #tpu.memory_space<hbm>> -> memref<32x128xf32, #tpu.memory_space<hbm>>
        tpu.enqueue_dma source(%dma_start3A_2975 : memref<32x128xf32, #tpu.memory_space<hbm>>) target(%dma_start3A_2973 : memref<32x128xf32, #tpu.memory_space<vmem>>) target_semaphore(%dma_start3A_2969 : memref<!tpu.dma_semaphore, #tpu.memory_space<semaphore_mem>>)
      } else {
      }
      %rem3A_2659 = arith.constant 14 : i32
      %rem3A_2660 = arith.remsi %add3A_2651, %rem3A_2659 : i32
      %dma_wait3A_2661 = arith.constant 0 : i32
      %dma_wait3A_2662 = arith.constant 0 : i32
      %dma_wait3A_2663 = tpu.memref_slice %arg11[%rem3A_2660, %dma_wait3A_2661, %dma_wait3A_2662] : memref<14x32x128xf32, #tpu.memory_space<vmem>> -> memref<1x32x128xf32, #tpu.memory_space<vmem>>
      %dma_wait3A_2664 = tpu.memref_squeeze %dma_wait3A_2663 : memref<1x32x128xf32, #tpu.memory_space<vmem>> -> memref<32x128xf32, #tpu.memory_space<vmem>>
      %dma_wait3A_2665 = arith.constant 0 : i32
      %dma_wait3A_2666 = arith.constant 0 : i32
      %dma_wait3A_2667 = tpu.memref_slice %arg4[%dma_wait3A_2665, %dma_wait3A_2666] : memref<32x1000000xf32, #tpu.memory_space<hbm>> -> memref<32x128xf32, #tpu.memory_space<hbm>>
      %dma_wait3A_2668 = tpu.memref_slice %arg14[%rem3A_2660] : memref<14x!tpu.dma_semaphore, #tpu.memory_space<semaphore_mem>> -> memref<1x!tpu.dma_semaphore, #tpu.memory_space<semaphore_mem>>
      %dma_wait3A_2669 = tpu.memref_squeeze %dma_wait3A_2668 : memref<1x!tpu.dma_semaphore, #tpu.memory_space<semaphore_mem>> -> memref<!tpu.dma_semaphore, #tpu.memory_space<semaphore_mem>>
      %dma_wait3A_2670 = arith.constant 0 : i32
      %dma_wait3A_2671 = arith.constant 0 : i32
      %dma_wait3A_2672 = tpu.memref_slice %arg11[%rem3A_2660, %dma_wait3A_2670, %dma_wait3A_2671] : memref<14x32x128xf32, #tpu.memory_space<vmem>> -> memref<1x32x128xf32, #tpu.memory_space<vmem>>
      %dma_wait3A_2673 = tpu.memref_squeeze %dma_wait3A_2672 : memref<1x32x128xf32, #tpu.memory_space<vmem>> -> memref<32x128xf32, #tpu.memory_space<vmem>>
      %dma_wait3A_2674 = arith.constant 0 : i32
      %dma_wait3A_2675 = arith.constant 0 : i32
      %dma_wait3A_2676 = tpu.memref_slice %arg4[%dma_wait3A_2674, %dma_wait3A_2675] : memref<32x1000000xf32, #tpu.memory_space<hbm>> -> memref<32x128xf32, #tpu.memory_space<hbm>>
      tpu.wait_dma2 semaphore(%dma_wait3A_2669 : memref<!tpu.dma_semaphore, #tpu.memory_space<semaphore_mem>>) src(%dma_wait3A_2676 : memref<32x128xf32, #tpu.memory_space<hbm>>) dst(%dma_wait3A_2673 : memref<32x128xf32, #tpu.memory_space<vmem>>)
      %dma_wait3A_2677 = arith.constant 0 : i32
      %dma_wait3A_2678 = arith.constant 0 : i32
      %dma_wait3A_2679 = tpu.memref_slice %arg12[%rem3A_2660, %dma_wait3A_2677, %dma_wait3A_2678] : memref<14x32x128xf32, #tpu.memory_space<vmem>> -> memref<1x32x128xf32, #tpu.memory_space<vmem>>
      %dma_wait3A_2680 = tpu.memref_squeeze %dma_wait3A_2679 : memref<1x32x128xf32, #tpu.memory_space<vmem>> -> memref<32x128xf32, #tpu.memory_space<vmem>>
      %dma_wait3A_2681 = arith.constant 0 : i32
      %dma_wait3A_2682 = arith.constant 0 : i32
      %dma_wait3A_2683 = tpu.memref_slice %arg5[%dma_wait3A_2681, %dma_wait3A_2682] : memref<32x1000000xf32, #tpu.memory_space<hbm>> -> memref<32x128xf32, #tpu.memory_space<hbm>>
      %dma_wait3A_2684 = tpu.memref_slice %arg14[%rem3A_2660] : memref<14x!tpu.dma_semaphore, #tpu.memory_space<semaphore_mem>> -> memref<1x!tpu.dma_semaphore, #tpu.memory_space<semaphore_mem>>
      %dma_wait3A_2685 = tpu.memref_squeeze %dma_wait3A_2684 : memref<1x!tpu.dma_semaphore, #tpu.memory_space<semaphore_mem>> -> memref<!tpu.dma_semaphore, #tpu.memory_space<semaphore_mem>>
      %dma_wait3A_2686 = arith.constant 0 : i32
      %dma_wait3A_2687 = arith.constant 0 : i32
      %dma_wait3A_2688 = tpu.memref_slice %arg12[%rem3A_2660, %dma_wait3A_2686, %dma_wait3A_2687] : memref<14x32x128xf32, #tpu.memory_space<vmem>> -> memref<1x32x128xf32, #tpu.memory_space<vmem>>
      %dma_wait3A_2689 = tpu.memref_squeeze %dma_wait3A_2688 : memref<1x32x128xf32, #tpu.memory_space<vmem>> -> memref<32x128xf32, #tpu.memory_space<vmem>>
      %dma_wait3A_2690 = arith.constant 0 : i32
      %dma_wait3A_2691 = arith.constant 0 : i32
      %dma_wait3A_2692 = tpu.memref_slice %arg5[%dma_wait3A_2690, %dma_wait3A_2691] : memref<32x1000000xf32, #tpu.memory_space<hbm>> -> memref<32x128xf32, #tpu.memory_space<hbm>>
      tpu.wait_dma2 semaphore(%dma_wait3A_2685 : memref<!tpu.dma_semaphore, #tpu.memory_space<semaphore_mem>>) src(%dma_wait3A_2692 : memref<32x128xf32, #tpu.memory_space<hbm>>) dst(%dma_wait3A_2689 : memref<32x128xf32, #tpu.memory_space<vmem>>)
      %slice3A_2693 = vector.extract_strided_slice %get3A_1781 {offsets = [12], sizes = [1], strides = [1]} : vector<16xi32> to vector<1xi32>
      %squeeze3A_2694 = vector.extract %slice3A_2693[0] : i32 from vector<1xi32>
      %broadcast_in_dim3A_2695 = vector.broadcast %squeeze3A_2694 : i32 to vector<16xi32>
      %slice3A_2696 = vector.extract_strided_slice %get3A_1783 {offsets = [12], sizes = [1], strides = [1]} : vector<16xi32> to vector<1xi32>
      %squeeze3A_2697 = vector.extract %slice3A_2696[0] : i32 from vector<1xi32>
      %broadcast_in_dim3A_2698 = vector.broadcast %squeeze3A_2697 : i32 to vector<16xi32>
      %broadcast_in_dim3A_2699 = vector.broadcast %rem3A_2660 : i32 to vector<16xi32>
      %gather3A_2700 = tpu.vector_load_idx %arg11[%broadcast_in_dim3A_2699, %iota3A, %broadcast_in_dim3A_2695] : memref<14x32x128xf32, #tpu.memory_space<vmem>>[vector<16xi32>, vector<16xi32>, vector<16xi32>], vector<16xf32>,
      %add3A_2701 = arith.constant 16 : i32
      %add3A_2702 = vector.broadcast %add3A_2701 : i32 to vector<16xi32>
      %add3A_2703 = arith.addi %iota3A, %add3A_2702 : vector<16xi32>
      %gather3A_2704 = tpu.vector_load_idx %arg11[%broadcast_in_dim3A_2699, %add3A_2703, %broadcast_in_dim3A_2695] : memref<14x32x128xf32, #tpu.memory_space<vmem>>[vector<16xi32>, vector<16xi32>, vector<16xi32>], vector<16xf32>,
      %gather3A_2705 = tpu.vector_load_idx %arg12[%broadcast_in_dim3A_2699, %iota3A, %broadcast_in_dim3A_2698] : memref<14x32x128xf32, #tpu.memory_space<vmem>>[vector<16xi32>, vector<16xi32>, vector<16xi32>], vector<16xf32>,
      %add3A_2706 = arith.constant 16 : i32
      %add3A_2707 = vector.broadcast %add3A_2706 : i32 to vector<16xi32>
      %add3A_2708 = arith.addi %iota3A, %add3A_2707 : vector<16xi32>
      %gather3A_2709 = tpu.vector_load_idx %arg12[%broadcast_in_dim3A_2699, %add3A_2708, %broadcast_in_dim3A_2698] : memref<14x32x128xf32, #tpu.memory_space<vmem>>[vector<16xi32>, vector<16xi32>, vector<16xi32>], vector<16xf32>,
      %mul3A_2710 = arith.mulf %gather3A_2700, %gather3A_2705 : vector<16xf32>
      %mul3A_2711 = arith.mulf %gather3A_2704, %gather3A_2709 : vector<16xf32>
      %add3A_2712 = arith.addf %mul3A_2710, %mul3A_2711 : vector<16xf32>
      %reduce_sum3A_2713 = arith.constant true
      %reduce_sum3A_2714 = vector.broadcast %reduce_sum3A_2713 : i1 to vector<16xi1>
      %reduce_sum3A_2715 = tpu.scan <sum>, %add3A_2712 masked %reduce_sum3A_2714 : vector<16xf32>, vector<16xi1> -> vector<16xf32>
      %reduce_sum3A_2716 = vector.extract %reduce_sum3A_2715[15] : f32 from vector<16xf32>
      %broadcast_in_dim3A_2717 = vector.broadcast %add3A_2651 : i32 to vector<16xi32>
      %broadcast_in_dim3A_2718 = vector.broadcast %reduce_sum3A_2716 : f32 to vector<16xf32>
      %eq3A_2719 = arith.constant 0 : i32
      %eq3A_2720 = vector.broadcast %eq3A_2719 : i32 to vector<16xi32>
      %eq3A_2721 = arith.cmpi eq, %iota3A, %eq3A_2720 : vector<16xi32>
      tpu.vector_store_idx %arg13[%broadcast_in_dim3A_2717], %broadcast_in_dim3A_2718 masked %eq3A_2721 : memref<512xf32, #tpu.memory_space<vmem>>[vector<16xi32>], vector<16xf32>, vector<16xi1>
      %add3A_2722 = arith.constant 13 : i32
      %add3A_2723 = arith.addi %mul3A_1775, %add3A_2722 : i32
      %add3A_2724 = arith.constant 13 : i32
      %add3A_2725 = arith.addi %add3A_2723, %add3A_2724 : i32
      %lt3A_2726 = arith.constant 512 : i32
      %lt3A_2727 = arith.cmpi slt, %add3A_2725, %lt3A_2726 : i32
      %convert_element_type3A_2728 = arith.extui %lt3A_2727 : i1 to i32
      %cond3A_2729 = arith.constant 0 : i32
      %cond3A_2730 = arith.cmpi ne, %convert_element_type3A_2728, %cond3A_2729 : i32
      scf.if %cond3A_2730 {
        %slice3A_2938 = vector.extract_strided_slice %get3A_1791 {offsets = [10], sizes = [1], strides = [1]} : vector<16xi32> to vector<1xi32>
        %squeeze3A_2939 = vector.extract %slice3A_2938[0] : i32 from vector<1xi32>
        %multiple_of3A_2940 = tpu.assume_multiple %squeeze3A_2939, 128 : i32
        %slice3A_2941 = vector.extract_strided_slice %get3A_1793 {offsets = [10], sizes = [1], strides = [1]} : vector<16xi32> to vector<1xi32>
        %squeeze3A_2942 = vector.extract %slice3A_2941[0] : i32 from vector<1xi32>
        %multiple_of3A_2943 = tpu.assume_multiple %squeeze3A_2942, 128 : i32
        %add3A_2944 = arith.constant 13 : i32
        %add3A_2945 = arith.addi %add3A_2723, %add3A_2944 : i32
        %rem3A_2946 = arith.constant 14 : i32
        %rem3A_2947 = arith.remsi %add3A_2945, %rem3A_2946 : i32
        %dma_start3A_2948 = arith.constant 0 : i32
        %dma_start3A_2949 = arith.constant 0 : i32
        %dma_start3A_2950 = tpu.memref_slice %arg11[%rem3A_2947, %dma_start3A_2948, %dma_start3A_2949] : memref<14x32x128xf32, #tpu.memory_space<vmem>> -> memref<1x32x128xf32, #tpu.memory_space<vmem>>
        %dma_start3A_2951 = tpu.memref_squeeze %dma_start3A_2950 : memref<1x32x128xf32, #tpu.memory_space<vmem>> -> memref<32x128xf32, #tpu.memory_space<vmem>>
        %dma_start3A_2952 = arith.constant 0 : i32
        %dma_start3A_2953 = tpu.memref_slice %arg4[%dma_start3A_2952, %multiple_of3A_2940] : memref<32x1000000xf32, #tpu.memory_space<hbm>> -> memref<32x128xf32, #tpu.memory_space<hbm>>
        %dma_start3A_2954 = tpu.memref_slice %arg14[%rem3A_2947] : memref<14x!tpu.dma_semaphore, #tpu.memory_space<semaphore_mem>> -> memref<1x!tpu.dma_semaphore, #tpu.memory_space<semaphore_mem>>
        %dma_start3A_2955 = tpu.memref_squeeze %dma_start3A_2954 : memref<1x!tpu.dma_semaphore, #tpu.memory_space<semaphore_mem>> -> memref<!tpu.dma_semaphore, #tpu.memory_space<semaphore_mem>>
        %dma_start3A_2956 = arith.constant 0 : i32
        %dma_start3A_2957 = arith.constant 0 : i32
        %dma_start3A_2958 = tpu.memref_slice %arg11[%rem3A_2947, %dma_start3A_2956, %dma_start3A_2957] : memref<14x32x128xf32, #tpu.memory_space<vmem>> -> memref<1x32x128xf32, #tpu.memory_space<vmem>>
        %dma_start3A_2959 = tpu.memref_squeeze %dma_start3A_2958 : memref<1x32x128xf32, #tpu.memory_space<vmem>> -> memref<32x128xf32, #tpu.memory_space<vmem>>
        %dma_start3A_2960 = arith.constant 0 : i32
        %dma_start3A_2961 = tpu.memref_slice %arg4[%dma_start3A_2960, %multiple_of3A_2940] : memref<32x1000000xf32, #tpu.memory_space<hbm>> -> memref<32x128xf32, #tpu.memory_space<hbm>>
        tpu.enqueue_dma source(%dma_start3A_2961 : memref<32x128xf32, #tpu.memory_space<hbm>>) target(%dma_start3A_2959 : memref<32x128xf32, #tpu.memory_space<vmem>>) target_semaphore(%dma_start3A_2955 : memref<!tpu.dma_semaphore, #tpu.memory_space<semaphore_mem>>)
        %dma_start3A_2962 = arith.constant 0 : i32
        %dma_start3A_2963 = arith.constant 0 : i32
        %dma_start3A_2964 = tpu.memref_slice %arg12[%rem3A_2947, %dma_start3A_2962, %dma_start3A_2963] : memref<14x32x128xf32, #tpu.memory_space<vmem>> -> memref<1x32x128xf32, #tpu.memory_space<vmem>>
        %dma_start3A_2965 = tpu.memref_squeeze %dma_start3A_2964 : memref<1x32x128xf32, #tpu.memory_space<vmem>> -> memref<32x128xf32, #tpu.memory_space<vmem>>
        %dma_start3A_2966 = arith.constant 0 : i32
        %dma_start3A_2967 = tpu.memref_slice %arg5[%dma_start3A_2966, %multiple_of3A_2943] : memref<32x1000000xf32, #tpu.memory_space<hbm>> -> memref<32x128xf32, #tpu.memory_space<hbm>>
        %dma_start3A_2968 = tpu.memref_slice %arg14[%rem3A_2947] : memref<14x!tpu.dma_semaphore, #tpu.memory_space<semaphore_mem>> -> memref<1x!tpu.dma_semaphore, #tpu.memory_space<semaphore_mem>>
        %dma_start3A_2969 = tpu.memref_squeeze %dma_start3A_2968 : memref<1x!tpu.dma_semaphore, #tpu.memory_space<semaphore_mem>> -> memref<!tpu.dma_semaphore, #tpu.memory_space<semaphore_mem>>
        %dma_start3A_2970 = arith.constant 0 : i32
        %dma_start3A_2971 = arith.constant 0 : i32
        %dma_start3A_2972 = tpu.memref_slice %arg12[%rem3A_2947, %dma_start3A_2970, %dma_start3A_2971] : memref<14x32x128xf32, #tpu.memory_space<vmem>> -> memref<1x32x128xf32, #tpu.memory_space<vmem>>
        %dma_start3A_2973 = tpu.memref_squeeze %dma_start3A_2972 : memref<1x32x128xf32, #tpu.memory_space<vmem>> -> memref<32x128xf32, #tpu.memory_space<vmem>>
        %dma_start3A_2974 = arith.constant 0 : i32
        %dma_start3A_2975 = tpu.memref_slice %arg5[%dma_start3A_2974, %multiple_of3A_2943] : memref<32x1000000xf32, #tpu.memory_space<hbm>> -> memref<32x128xf32, #tpu.memory_space<hbm>>
        tpu.enqueue_dma source(%dma_start3A_2975 : memref<32x128xf32, #tpu.memory_space<hbm>>) target(%dma_start3A_2973 : memref<32x128xf32, #tpu.memory_space<vmem>>) target_semaphore(%dma_start3A_2969 : memref<!tpu.dma_semaphore, #tpu.memory_space<semaphore_mem>>)
      } else {
      }
      %rem3A_2731 = arith.constant 14 : i32
      %rem3A_2732 = arith.remsi %add3A_2723, %rem3A_2731 : i32
      %dma_wait3A_2733 = arith.constant 0 : i32
      %dma_wait3A_2734 = arith.constant 0 : i32
      %dma_wait3A_2735 = tpu.memref_slice %arg11[%rem3A_2732, %dma_wait3A_2733, %dma_wait3A_2734] : memref<14x32x128xf32, #tpu.memory_space<vmem>> -> memref<1x32x128xf32, #tpu.memory_space<vmem>>
      %dma_wait3A_2736 = tpu.memref_squeeze %dma_wait3A_2735 : memref<1x32x128xf32, #tpu.memory_space<vmem>> -> memref<32x128xf32, #tpu.memory_space<vmem>>
      %dma_wait3A_2737 = arith.constant 0 : i32
      %dma_wait3A_2738 = arith.constant 0 : i32
      %dma_wait3A_2739 = tpu.memref_slice %arg4[%dma_wait3A_2737, %dma_wait3A_2738] : memref<32x1000000xf32, #tpu.memory_space<hbm>> -> memref<32x128xf32, #tpu.memory_space<hbm>>
      %dma_wait3A_2740 = tpu.memref_slice %arg14[%rem3A_2732] : memref<14x!tpu.dma_semaphore, #tpu.memory_space<semaphore_mem>> -> memref<1x!tpu.dma_semaphore, #tpu.memory_space<semaphore_mem>>
      %dma_wait3A_2741 = tpu.memref_squeeze %dma_wait3A_2740 : memref<1x!tpu.dma_semaphore, #tpu.memory_space<semaphore_mem>> -> memref<!tpu.dma_semaphore, #tpu.memory_space<semaphore_mem>>
      %dma_wait3A_2742 = arith.constant 0 : i32
      %dma_wait3A_2743 = arith.constant 0 : i32
      %dma_wait3A_2744 = tpu.memref_slice %arg11[%rem3A_2732, %dma_wait3A_2742, %dma_wait3A_2743] : memref<14x32x128xf32, #tpu.memory_space<vmem>> -> memref<1x32x128xf32, #tpu.memory_space<vmem>>
      %dma_wait3A_2745 = tpu.memref_squeeze %dma_wait3A_2744 : memref<1x32x128xf32, #tpu.memory_space<vmem>> -> memref<32x128xf32, #tpu.memory_space<vmem>>
      %dma_wait3A_2746 = arith.constant 0 : i32
      %dma_wait3A_2747 = arith.constant 0 : i32
      %dma_wait3A_2748 = tpu.memref_slice %arg4[%dma_wait3A_2746, %dma_wait3A_2747] : memref<32x1000000xf32, #tpu.memory_space<hbm>> -> memref<32x128xf32, #tpu.memory_space<hbm>>
      tpu.wait_dma2 semaphore(%dma_wait3A_2741 : memref<!tpu.dma_semaphore, #tpu.memory_space<semaphore_mem>>) src(%dma_wait3A_2748 : memref<32x128xf32, #tpu.memory_space<hbm>>) dst(%dma_wait3A_2745 : memref<32x128xf32, #tpu.memory_space<vmem>>)
      %dma_wait3A_2749 = arith.constant 0 : i32
      %dma_wait3A_2750 = arith.constant 0 : i32
      %dma_wait3A_2751 = tpu.memref_slice %arg12[%rem3A_2732, %dma_wait3A_2749, %dma_wait3A_2750] : memref<14x32x128xf32, #tpu.memory_space<vmem>> -> memref<1x32x128xf32, #tpu.memory_space<vmem>>
      %dma_wait3A_2752 = tpu.memref_squeeze %dma_wait3A_2751 : memref<1x32x128xf32, #tpu.memory_space<vmem>> -> memref<32x128xf32, #tpu.memory_space<vmem>>
      %dma_wait3A_2753 = arith.constant 0 : i32
      %dma_wait3A_2754 = arith.constant 0 : i32
      %dma_wait3A_2755 = tpu.memref_slice %arg5[%dma_wait3A_2753, %dma_wait3A_2754] : memref<32x1000000xf32, #tpu.memory_space<hbm>> -> memref<32x128xf32, #tpu.memory_space<hbm>>
      %dma_wait3A_2756 = tpu.memref_slice %arg14[%rem3A_2732] : memref<14x!tpu.dma_semaphore, #tpu.memory_space<semaphore_mem>> -> memref<1x!tpu.dma_semaphore, #tpu.memory_space<semaphore_mem>>
      %dma_wait3A_2757 = tpu.memref_squeeze %dma_wait3A_2756 : memref<1x!tpu.dma_semaphore, #tpu.memory_space<semaphore_mem>> -> memref<!tpu.dma_semaphore, #tpu.memory_space<semaphore_mem>>
      %dma_wait3A_2758 = arith.constant 0 : i32
      %dma_wait3A_2759 = arith.constant 0 : i32
      %dma_wait3A_2760 = tpu.memref_slice %arg12[%rem3A_2732, %dma_wait3A_2758, %dma_wait3A_2759] : memref<14x32x128xf32, #tpu.memory_space<vmem>> -> memref<1x32x128xf32, #tpu.memory_space<vmem>>
      %dma_wait3A_2761 = tpu.memref_squeeze %dma_wait3A_2760 : memref<1x32x128xf32, #tpu.memory_space<vmem>> -> memref<32x128xf32, #tpu.memory_space<vmem>>
      %dma_wait3A_2762 = arith.constant 0 : i32
      %dma_wait3A_2763 = arith.constant 0 : i32
      %dma_wait3A_2764 = tpu.memref_slice %arg5[%dma_wait3A_2762, %dma_wait3A_2763] : memref<32x1000000xf32, #tpu.memory_space<hbm>> -> memref<32x128xf32, #tpu.memory_space<hbm>>
      tpu.wait_dma2 semaphore(%dma_wait3A_2757 : memref<!tpu.dma_semaphore, #tpu.memory_space<semaphore_mem>>) src(%dma_wait3A_2764 : memref<32x128xf32, #tpu.memory_space<hbm>>) dst(%dma_wait3A_2761 : memref<32x128xf32, #tpu.memory_space<vmem>>)
      %slice3A_2765 = vector.extract_strided_slice %get3A_1781 {offsets = [13], sizes = [1], strides = [1]} : vector<16xi32> to vector<1xi32>
      %squeeze3A_2766 = vector.extract %slice3A_2765[0] : i32 from vector<1xi32>
      %broadcast_in_dim3A_2767 = vector.broadcast %squeeze3A_2766 : i32 to vector<16xi32>
      %slice3A_2768 = vector.extract_strided_slice %get3A_1783 {offsets = [13], sizes = [1], strides = [1]} : vector<16xi32> to vector<1xi32>
      %squeeze3A_2769 = vector.extract %slice3A_2768[0] : i32 from vector<1xi32>
      %broadcast_in_dim3A_2770 = vector.broadcast %squeeze3A_2769 : i32 to vector<16xi32>
      %broadcast_in_dim3A_2771 = vector.broadcast %rem3A_2732 : i32 to vector<16xi32>
      %gather3A_2772 = tpu.vector_load_idx %arg11[%broadcast_in_dim3A_2771, %iota3A, %broadcast_in_dim3A_2767] : memref<14x32x128xf32, #tpu.memory_space<vmem>>[vector<16xi32>, vector<16xi32>, vector<16xi32>], vector<16xf32>,
      %add3A_2773 = arith.constant 16 : i32
      %add3A_2774 = vector.broadcast %add3A_2773 : i32 to vector<16xi32>
      %add3A_2775 = arith.addi %iota3A, %add3A_2774 : vector<16xi32>
      %gather3A_2776 = tpu.vector_load_idx %arg11[%broadcast_in_dim3A_2771, %add3A_2775, %broadcast_in_dim3A_2767] : memref<14x32x128xf32, #tpu.memory_space<vmem>>[vector<16xi32>, vector<16xi32>, vector<16xi32>], vector<16xf32>,
      %gather3A_2777 = tpu.vector_load_idx %arg12[%broadcast_in_dim3A_2771, %iota3A, %broadcast_in_dim3A_2770] : memref<14x32x128xf32, #tpu.memory_space<vmem>>[vector<16xi32>, vector<16xi32>, vector<16xi32>], vector<16xf32>,
      %add3A_2778 = arith.constant 16 : i32
      %add3A_2779 = vector.broadcast %add3A_2778 : i32 to vector<16xi32>
      %add3A_2780 = arith.addi %iota3A, %add3A_2779 : vector<16xi32>
      %gather3A_2781 = tpu.vector_load_idx %arg12[%broadcast_in_dim3A_2771, %add3A_2780, %broadcast_in_dim3A_2770] : memref<14x32x128xf32, #tpu.memory_space<vmem>>[vector<16xi32>, vector<16xi32>, vector<16xi32>], vector<16xf32>,
      %mul3A_2782 = arith.mulf %gather3A_2772, %gather3A_2777 : vector<16xf32>
      %mul3A_2783 = arith.mulf %gather3A_2776, %gather3A_2781 : vector<16xf32>
      %add3A_2784 = arith.addf %mul3A_2782, %mul3A_2783 : vector<16xf32>
      %reduce_sum3A_2785 = arith.constant true
      %reduce_sum3A_2786 = vector.broadcast %reduce_sum3A_2785 : i1 to vector<16xi1>
      %reduce_sum3A_2787 = tpu.scan <sum>, %add3A_2784 masked %reduce_sum3A_2786 : vector<16xf32>, vector<16xi1> -> vector<16xf32>
      %reduce_sum3A_2788 = vector.extract %reduce_sum3A_2787[15] : f32 from vector<16xf32>
      %broadcast_in_dim3A_2789 = vector.broadcast %add3A_2723 : i32 to vector<16xi32>
      %broadcast_in_dim3A_2790 = vector.broadcast %reduce_sum3A_2788 : f32 to vector<16xf32>
      %eq3A_2791 = arith.constant 0 : i32
      %eq3A_2792 = vector.broadcast %eq3A_2791 : i32 to vector<16xi32>
      %eq3A_2793 = arith.cmpi eq, %iota3A, %eq3A_2792 : vector<16xi32>
      tpu.vector_store_idx %arg13[%broadcast_in_dim3A_2789], %broadcast_in_dim3A_2790 masked %eq3A_2793 : memref<512xf32, #tpu.memory_space<vmem>>[vector<16xi32>], vector<16xf32>, vector<16xi1>
      %add3A_2794 = arith.constant 14 : i32
      %add3A_2795 = arith.addi %mul3A_1775, %add3A_2794 : i32
      %add3A_2796 = arith.constant 13 : i32
      %add3A_2797 = arith.addi %add3A_2795, %add3A_2796 : i32
      %lt3A_2798 = arith.constant 512 : i32
      %lt3A_2799 = arith.cmpi slt, %add3A_2797, %lt3A_2798 : i32
      %convert_element_type3A_2800 = arith.extui %lt3A_2799 : i1 to i32
      %cond3A_2801 = arith.constant 0 : i32
      %cond3A_2802 = arith.cmpi ne, %convert_element_type3A_2800, %cond3A_2801 : i32
      scf.if %cond3A_2802 {
        %slice3A_2938 = vector.extract_strided_slice %get3A_1791 {offsets = [11], sizes = [1], strides = [1]} : vector<16xi32> to vector<1xi32>
        %squeeze3A_2939 = vector.extract %slice3A_2938[0] : i32 from vector<1xi32>
        %multiple_of3A_2940 = tpu.assume_multiple %squeeze3A_2939, 128 : i32
        %slice3A_2941 = vector.extract_strided_slice %get3A_1793 {offsets = [11], sizes = [1], strides = [1]} : vector<16xi32> to vector<1xi32>
        %squeeze3A_2942 = vector.extract %slice3A_2941[0] : i32 from vector<1xi32>
        %multiple_of3A_2943 = tpu.assume_multiple %squeeze3A_2942, 128 : i32
        %add3A_2944 = arith.constant 13 : i32
        %add3A_2945 = arith.addi %add3A_2795, %add3A_2944 : i32
        %rem3A_2946 = arith.constant 14 : i32
        %rem3A_2947 = arith.remsi %add3A_2945, %rem3A_2946 : i32
        %dma_start3A_2948 = arith.constant 0 : i32
        %dma_start3A_2949 = arith.constant 0 : i32
        %dma_start3A_2950 = tpu.memref_slice %arg11[%rem3A_2947, %dma_start3A_2948, %dma_start3A_2949] : memref<14x32x128xf32, #tpu.memory_space<vmem>> -> memref<1x32x128xf32, #tpu.memory_space<vmem>>
        %dma_start3A_2951 = tpu.memref_squeeze %dma_start3A_2950 : memref<1x32x128xf32, #tpu.memory_space<vmem>> -> memref<32x128xf32, #tpu.memory_space<vmem>>
        %dma_start3A_2952 = arith.constant 0 : i32
        %dma_start3A_2953 = tpu.memref_slice %arg4[%dma_start3A_2952, %multiple_of3A_2940] : memref<32x1000000xf32, #tpu.memory_space<hbm>> -> memref<32x128xf32, #tpu.memory_space<hbm>>
        %dma_start3A_2954 = tpu.memref_slice %arg14[%rem3A_2947] : memref<14x!tpu.dma_semaphore, #tpu.memory_space<semaphore_mem>> -> memref<1x!tpu.dma_semaphore, #tpu.memory_space<semaphore_mem>>
        %dma_start3A_2955 = tpu.memref_squeeze %dma_start3A_2954 : memref<1x!tpu.dma_semaphore, #tpu.memory_space<semaphore_mem>> -> memref<!tpu.dma_semaphore, #tpu.memory_space<semaphore_mem>>
        %dma_start3A_2956 = arith.constant 0 : i32
        %dma_start3A_2957 = arith.constant 0 : i32
        %dma_start3A_2958 = tpu.memref_slice %arg11[%rem3A_2947, %dma_start3A_2956, %dma_start3A_2957] : memref<14x32x128xf32, #tpu.memory_space<vmem>> -> memref<1x32x128xf32, #tpu.memory_space<vmem>>
        %dma_start3A_2959 = tpu.memref_squeeze %dma_start3A_2958 : memref<1x32x128xf32, #tpu.memory_space<vmem>> -> memref<32x128xf32, #tpu.memory_space<vmem>>
        %dma_start3A_2960 = arith.constant 0 : i32
        %dma_start3A_2961 = tpu.memref_slice %arg4[%dma_start3A_2960, %multiple_of3A_2940] : memref<32x1000000xf32, #tpu.memory_space<hbm>> -> memref<32x128xf32, #tpu.memory_space<hbm>>
        tpu.enqueue_dma source(%dma_start3A_2961 : memref<32x128xf32, #tpu.memory_space<hbm>>) target(%dma_start3A_2959 : memref<32x128xf32, #tpu.memory_space<vmem>>) target_semaphore(%dma_start3A_2955 : memref<!tpu.dma_semaphore, #tpu.memory_space<semaphore_mem>>)
        %dma_start3A_2962 = arith.constant 0 : i32
        %dma_start3A_2963 = arith.constant 0 : i32
        %dma_start3A_2964 = tpu.memref_slice %arg12[%rem3A_2947, %dma_start3A_2962, %dma_start3A_2963] : memref<14x32x128xf32, #tpu.memory_space<vmem>> -> memref<1x32x128xf32, #tpu.memory_space<vmem>>
        %dma_start3A_2965 = tpu.memref_squeeze %dma_start3A_2964 : memref<1x32x128xf32, #tpu.memory_space<vmem>> -> memref<32x128xf32, #tpu.memory_space<vmem>>
        %dma_start3A_2966 = arith.constant 0 : i32
        %dma_start3A_2967 = tpu.memref_slice %arg5[%dma_start3A_2966, %multiple_of3A_2943] : memref<32x1000000xf32, #tpu.memory_space<hbm>> -> memref<32x128xf32, #tpu.memory_space<hbm>>
        %dma_start3A_2968 = tpu.memref_slice %arg14[%rem3A_2947] : memref<14x!tpu.dma_semaphore, #tpu.memory_space<semaphore_mem>> -> memref<1x!tpu.dma_semaphore, #tpu.memory_space<semaphore_mem>>
        %dma_start3A_2969 = tpu.memref_squeeze %dma_start3A_2968 : memref<1x!tpu.dma_semaphore, #tpu.memory_space<semaphore_mem>> -> memref<!tpu.dma_semaphore, #tpu.memory_space<semaphore_mem>>
        %dma_start3A_2970 = arith.constant 0 : i32
        %dma_start3A_2971 = arith.constant 0 : i32
        %dma_start3A_2972 = tpu.memref_slice %arg12[%rem3A_2947, %dma_start3A_2970, %dma_start3A_2971] : memref<14x32x128xf32, #tpu.memory_space<vmem>> -> memref<1x32x128xf32, #tpu.memory_space<vmem>>
        %dma_start3A_2973 = tpu.memref_squeeze %dma_start3A_2972 : memref<1x32x128xf32, #tpu.memory_space<vmem>> -> memref<32x128xf32, #tpu.memory_space<vmem>>
        %dma_start3A_2974 = arith.constant 0 : i32
        %dma_start3A_2975 = tpu.memref_slice %arg5[%dma_start3A_2974, %multiple_of3A_2943] : memref<32x1000000xf32, #tpu.memory_space<hbm>> -> memref<32x128xf32, #tpu.memory_space<hbm>>
        tpu.enqueue_dma source(%dma_start3A_2975 : memref<32x128xf32, #tpu.memory_space<hbm>>) target(%dma_start3A_2973 : memref<32x128xf32, #tpu.memory_space<vmem>>) target_semaphore(%dma_start3A_2969 : memref<!tpu.dma_semaphore, #tpu.memory_space<semaphore_mem>>)
      } else {
      }
      %rem3A_2803 = arith.constant 14 : i32
      %rem3A_2804 = arith.remsi %add3A_2795, %rem3A_2803 : i32
      %dma_wait3A_2805 = arith.constant 0 : i32
      %dma_wait3A_2806 = arith.constant 0 : i32
      %dma_wait3A_2807 = tpu.memref_slice %arg11[%rem3A_2804, %dma_wait3A_2805, %dma_wait3A_2806] : memref<14x32x128xf32, #tpu.memory_space<vmem>> -> memref<1x32x128xf32, #tpu.memory_space<vmem>>
      %dma_wait3A_2808 = tpu.memref_squeeze %dma_wait3A_2807 : memref<1x32x128xf32, #tpu.memory_space<vmem>> -> memref<32x128xf32, #tpu.memory_space<vmem>>
      %dma_wait3A_2809 = arith.constant 0 : i32
      %dma_wait3A_2810 = arith.constant 0 : i32
      %dma_wait3A_2811 = tpu.memref_slice %arg4[%dma_wait3A_2809, %dma_wait3A_2810] : memref<32x1000000xf32, #tpu.memory_space<hbm>> -> memref<32x128xf32, #tpu.memory_space<hbm>>
      %dma_wait3A_2812 = tpu.memref_slice %arg14[%rem3A_2804] : memref<14x!tpu.dma_semaphore, #tpu.memory_space<semaphore_mem>> -> memref<1x!tpu.dma_semaphore, #tpu.memory_space<semaphore_mem>>
      %dma_wait3A_2813 = tpu.memref_squeeze %dma_wait3A_2812 : memref<1x!tpu.dma_semaphore, #tpu.memory_space<semaphore_mem>> -> memref<!tpu.dma_semaphore, #tpu.memory_space<semaphore_mem>>
      %dma_wait3A_2814 = arith.constant 0 : i32
      %dma_wait3A_2815 = arith.constant 0 : i32
      %dma_wait3A_2816 = tpu.memref_slice %arg11[%rem3A_2804, %dma_wait3A_2814, %dma_wait3A_2815] : memref<14x32x128xf32, #tpu.memory_space<vmem>> -> memref<1x32x128xf32, #tpu.memory_space<vmem>>
      %dma_wait3A_2817 = tpu.memref_squeeze %dma_wait3A_2816 : memref<1x32x128xf32, #tpu.memory_space<vmem>> -> memref<32x128xf32, #tpu.memory_space<vmem>>
      %dma_wait3A_2818 = arith.constant 0 : i32
      %dma_wait3A_2819 = arith.constant 0 : i32
      %dma_wait3A_2820 = tpu.memref_slice %arg4[%dma_wait3A_2818, %dma_wait3A_2819] : memref<32x1000000xf32, #tpu.memory_space<hbm>> -> memref<32x128xf32, #tpu.memory_space<hbm>>
      tpu.wait_dma2 semaphore(%dma_wait3A_2813 : memref<!tpu.dma_semaphore, #tpu.memory_space<semaphore_mem>>) src(%dma_wait3A_2820 : memref<32x128xf32, #tpu.memory_space<hbm>>) dst(%dma_wait3A_2817 : memref<32x128xf32, #tpu.memory_space<vmem>>)
      %dma_wait3A_2821 = arith.constant 0 : i32
      %dma_wait3A_2822 = arith.constant 0 : i32
      %dma_wait3A_2823 = tpu.memref_slice %arg12[%rem3A_2804, %dma_wait3A_2821, %dma_wait3A_2822] : memref<14x32x128xf32, #tpu.memory_space<vmem>> -> memref<1x32x128xf32, #tpu.memory_space<vmem>>
      %dma_wait3A_2824 = tpu.memref_squeeze %dma_wait3A_2823 : memref<1x32x128xf32, #tpu.memory_space<vmem>> -> memref<32x128xf32, #tpu.memory_space<vmem>>
      %dma_wait3A_2825 = arith.constant 0 : i32
      %dma_wait3A_2826 = arith.constant 0 : i32
      %dma_wait3A_2827 = tpu.memref_slice %arg5[%dma_wait3A_2825, %dma_wait3A_2826] : memref<32x1000000xf32, #tpu.memory_space<hbm>> -> memref<32x128xf32, #tpu.memory_space<hbm>>
      %dma_wait3A_2828 = tpu.memref_slice %arg14[%rem3A_2804] : memref<14x!tpu.dma_semaphore, #tpu.memory_space<semaphore_mem>> -> memref<1x!tpu.dma_semaphore, #tpu.memory_space<semaphore_mem>>
      %dma_wait3A_2829 = tpu.memref_squeeze %dma_wait3A_2828 : memref<1x!tpu.dma_semaphore, #tpu.memory_space<semaphore_mem>> -> memref<!tpu.dma_semaphore, #tpu.memory_space<semaphore_mem>>
      %dma_wait3A_2830 = arith.constant 0 : i32
      %dma_wait3A_2831 = arith.constant 0 : i32
      %dma_wait3A_2832 = tpu.memref_slice %arg12[%rem3A_2804, %dma_wait3A_2830, %dma_wait3A_2831] : memref<14x32x128xf32, #tpu.memory_space<vmem>> -> memref<1x32x128xf32, #tpu.memory_space<vmem>>
      %dma_wait3A_2833 = tpu.memref_squeeze %dma_wait3A_2832 : memref<1x32x128xf32, #tpu.memory_space<vmem>> -> memref<32x128xf32, #tpu.memory_space<vmem>>
      %dma_wait3A_2834 = arith.constant 0 : i32
      %dma_wait3A_2835 = arith.constant 0 : i32
      %dma_wait3A_2836 = tpu.memref_slice %arg5[%dma_wait3A_2834, %dma_wait3A_2835] : memref<32x1000000xf32, #tpu.memory_space<hbm>> -> memref<32x128xf32, #tpu.memory_space<hbm>>
      tpu.wait_dma2 semaphore(%dma_wait3A_2829 : memref<!tpu.dma_semaphore, #tpu.memory_space<semaphore_mem>>) src(%dma_wait3A_2836 : memref<32x128xf32, #tpu.memory_space<hbm>>) dst(%dma_wait3A_2833 : memref<32x128xf32, #tpu.memory_space<vmem>>)
      %slice3A_2837 = vector.extract_strided_slice %get3A_1781 {offsets = [14], sizes = [1], strides = [1]} : vector<16xi32> to vector<1xi32>
      %squeeze3A_2838 = vector.extract %slice3A_2837[0] : i32 from vector<1xi32>
      %broadcast_in_dim3A_2839 = vector.broadcast %squeeze3A_2838 : i32 to vector<16xi32>
      %slice3A_2840 = vector.extract_strided_slice %get3A_1783 {offsets = [14], sizes = [1], strides = [1]} : vector<16xi32> to vector<1xi32>
      %squeeze3A_2841 = vector.extract %slice3A_2840[0] : i32 from vector<1xi32>
      %broadcast_in_dim3A_2842 = vector.broadcast %squeeze3A_2841 : i32 to vector<16xi32>
      %broadcast_in_dim3A_2843 = vector.broadcast %rem3A_2804 : i32 to vector<16xi32>
      %gather3A_2844 = tpu.vector_load_idx %arg11[%broadcast_in_dim3A_2843, %iota3A, %broadcast_in_dim3A_2839] : memref<14x32x128xf32, #tpu.memory_space<vmem>>[vector<16xi32>, vector<16xi32>, vector<16xi32>], vector<16xf32>,
      %add3A_2845 = arith.constant 16 : i32
      %add3A_2846 = vector.broadcast %add3A_2845 : i32 to vector<16xi32>
      %add3A_2847 = arith.addi %iota3A, %add3A_2846 : vector<16xi32>
      %gather3A_2848 = tpu.vector_load_idx %arg11[%broadcast_in_dim3A_2843, %add3A_2847, %broadcast_in_dim3A_2839] : memref<14x32x128xf32, #tpu.memory_space<vmem>>[vector<16xi32>, vector<16xi32>, vector<16xi32>], vector<16xf32>,
      %gather3A_2849 = tpu.vector_load_idx %arg12[%broadcast_in_dim3A_2843, %iota3A, %broadcast_in_dim3A_2842] : memref<14x32x128xf32, #tpu.memory_space<vmem>>[vector<16xi32>, vector<16xi32>, vector<16xi32>], vector<16xf32>,
      %add3A_2850 = arith.constant 16 : i32
      %add3A_2851 = vector.broadcast %add3A_2850 : i32 to vector<16xi32>
      %add3A_2852 = arith.addi %iota3A, %add3A_2851 : vector<16xi32>
      %gather3A_2853 = tpu.vector_load_idx %arg12[%broadcast_in_dim3A_2843, %add3A_2852, %broadcast_in_dim3A_2842] : memref<14x32x128xf32, #tpu.memory_space<vmem>>[vector<16xi32>, vector<16xi32>, vector<16xi32>], vector<16xf32>,
      %mul3A_2854 = arith.mulf %gather3A_2844, %gather3A_2849 : vector<16xf32>
      %mul3A_2855 = arith.mulf %gather3A_2848, %gather3A_2853 : vector<16xf32>
      %add3A_2856 = arith.addf %mul3A_2854, %mul3A_2855 : vector<16xf32>
      %reduce_sum3A_2857 = arith.constant true
      %reduce_sum3A_2858 = vector.broadcast %reduce_sum3A_2857 : i1 to vector<16xi1>
      %reduce_sum3A_2859 = tpu.scan <sum>, %add3A_2856 masked %reduce_sum3A_2858 : vector<16xf32>, vector<16xi1> -> vector<16xf32>
      %reduce_sum3A_2860 = vector.extract %reduce_sum3A_2859[15] : f32 from vector<16xf32>
      %broadcast_in_dim3A_2861 = vector.broadcast %add3A_2795 : i32 to vector<16xi32>
      %broadcast_in_dim3A_2862 = vector.broadcast %reduce_sum3A_2860 : f32 to vector<16xf32>
      %eq3A_2863 = arith.constant 0 : i32
      %eq3A_2864 = vector.broadcast %eq3A_2863 : i32 to vector<16xi32>
      %eq3A_2865 = arith.cmpi eq, %iota3A, %eq3A_2864 : vector<16xi32>
      tpu.vector_store_idx %arg13[%broadcast_in_dim3A_2861], %broadcast_in_dim3A_2862 masked %eq3A_2865 : memref<512xf32, #tpu.memory_space<vmem>>[vector<16xi32>], vector<16xf32>, vector<16xi1>
      %add3A_2866 = arith.constant 15 : i32
      %add3A_2867 = arith.addi %mul3A_1775, %add3A_2866 : i32
      %add3A_2868 = arith.constant 13 : i32
      %add3A_2869 = arith.addi %add3A_2867, %add3A_2868 : i32
      %lt3A_2870 = arith.constant 512 : i32
      %lt3A_2871 = arith.cmpi slt, %add3A_2869, %lt3A_2870 : i32
      %convert_element_type3A_2872 = arith.extui %lt3A_2871 : i1 to i32
      %cond3A_2873 = arith.constant 0 : i32
      %cond3A_2874 = arith.cmpi ne, %convert_element_type3A_2872, %cond3A_2873 : i32
      scf.if %cond3A_2874 {
        %slice3A_2938 = vector.extract_strided_slice %get3A_1791 {offsets = [12], sizes = [1], strides = [1]} : vector<16xi32> to vector<1xi32>
        %squeeze3A_2939 = vector.extract %slice3A_2938[0] : i32 from vector<1xi32>
        %multiple_of3A_2940 = tpu.assume_multiple %squeeze3A_2939, 128 : i32
        %slice3A_2941 = vector.extract_strided_slice %get3A_1793 {offsets = [12], sizes = [1], strides = [1]} : vector<16xi32> to vector<1xi32>
        %squeeze3A_2942 = vector.extract %slice3A_2941[0] : i32 from vector<1xi32>
        %multiple_of3A_2943 = tpu.assume_multiple %squeeze3A_2942, 128 : i32
        %add3A_2944 = arith.constant 13 : i32
        %add3A_2945 = arith.addi %add3A_2867, %add3A_2944 : i32
        %rem3A_2946 = arith.constant 14 : i32
        %rem3A_2947 = arith.remsi %add3A_2945, %rem3A_2946 : i32
        %dma_start3A_2948 = arith.constant 0 : i32
        %dma_start3A_2949 = arith.constant 0 : i32
        %dma_start3A_2950 = tpu.memref_slice %arg11[%rem3A_2947, %dma_start3A_2948, %dma_start3A_2949] : memref<14x32x128xf32, #tpu.memory_space<vmem>> -> memref<1x32x128xf32, #tpu.memory_space<vmem>>
        %dma_start3A_2951 = tpu.memref_squeeze %dma_start3A_2950 : memref<1x32x128xf32, #tpu.memory_space<vmem>> -> memref<32x128xf32, #tpu.memory_space<vmem>>
        %dma_start3A_2952 = arith.constant 0 : i32
        %dma_start3A_2953 = tpu.memref_slice %arg4[%dma_start3A_2952, %multiple_of3A_2940] : memref<32x1000000xf32, #tpu.memory_space<hbm>> -> memref<32x128xf32, #tpu.memory_space<hbm>>
        %dma_start3A_2954 = tpu.memref_slice %arg14[%rem3A_2947] : memref<14x!tpu.dma_semaphore, #tpu.memory_space<semaphore_mem>> -> memref<1x!tpu.dma_semaphore, #tpu.memory_space<semaphore_mem>>
        %dma_start3A_2955 = tpu.memref_squeeze %dma_start3A_2954 : memref<1x!tpu.dma_semaphore, #tpu.memory_space<semaphore_mem>> -> memref<!tpu.dma_semaphore, #tpu.memory_space<semaphore_mem>>
        %dma_start3A_2956 = arith.constant 0 : i32
        %dma_start3A_2957 = arith.constant 0 : i32
        %dma_start3A_2958 = tpu.memref_slice %arg11[%rem3A_2947, %dma_start3A_2956, %dma_start3A_2957] : memref<14x32x128xf32, #tpu.memory_space<vmem>> -> memref<1x32x128xf32, #tpu.memory_space<vmem>>
        %dma_start3A_2959 = tpu.memref_squeeze %dma_start3A_2958 : memref<1x32x128xf32, #tpu.memory_space<vmem>> -> memref<32x128xf32, #tpu.memory_space<vmem>>
        %dma_start3A_2960 = arith.constant 0 : i32
        %dma_start3A_2961 = tpu.memref_slice %arg4[%dma_start3A_2960, %multiple_of3A_2940] : memref<32x1000000xf32, #tpu.memory_space<hbm>> -> memref<32x128xf32, #tpu.memory_space<hbm>>
        tpu.enqueue_dma source(%dma_start3A_2961 : memref<32x128xf32, #tpu.memory_space<hbm>>) target(%dma_start3A_2959 : memref<32x128xf32, #tpu.memory_space<vmem>>) target_semaphore(%dma_start3A_2955 : memref<!tpu.dma_semaphore, #tpu.memory_space<semaphore_mem>>)
        %dma_start3A_2962 = arith.constant 0 : i32
        %dma_start3A_2963 = arith.constant 0 : i32
        %dma_start3A_2964 = tpu.memref_slice %arg12[%rem3A_2947, %dma_start3A_2962, %dma_start3A_2963] : memref<14x32x128xf32, #tpu.memory_space<vmem>> -> memref<1x32x128xf32, #tpu.memory_space<vmem>>
        %dma_start3A_2965 = tpu.memref_squeeze %dma_start3A_2964 : memref<1x32x128xf32, #tpu.memory_space<vmem>> -> memref<32x128xf32, #tpu.memory_space<vmem>>
        %dma_start3A_2966 = arith.constant 0 : i32
        %dma_start3A_2967 = tpu.memref_slice %arg5[%dma_start3A_2966, %multiple_of3A_2943] : memref<32x1000000xf32, #tpu.memory_space<hbm>> -> memref<32x128xf32, #tpu.memory_space<hbm>>
        %dma_start3A_2968 = tpu.memref_slice %arg14[%rem3A_2947] : memref<14x!tpu.dma_semaphore, #tpu.memory_space<semaphore_mem>> -> memref<1x!tpu.dma_semaphore, #tpu.memory_space<semaphore_mem>>
        %dma_start3A_2969 = tpu.memref_squeeze %dma_start3A_2968 : memref<1x!tpu.dma_semaphore, #tpu.memory_space<semaphore_mem>> -> memref<!tpu.dma_semaphore, #tpu.memory_space<semaphore_mem>>
        %dma_start3A_2970 = arith.constant 0 : i32
        %dma_start3A_2971 = arith.constant 0 : i32
        %dma_start3A_2972 = tpu.memref_slice %arg12[%rem3A_2947, %dma_start3A_2970, %dma_start3A_2971] : memref<14x32x128xf32, #tpu.memory_space<vmem>> -> memref<1x32x128xf32, #tpu.memory_space<vmem>>
        %dma_start3A_2973 = tpu.memref_squeeze %dma_start3A_2972 : memref<1x32x128xf32, #tpu.memory_space<vmem>> -> memref<32x128xf32, #tpu.memory_space<vmem>>
        %dma_start3A_2974 = arith.constant 0 : i32
        %dma_start3A_2975 = tpu.memref_slice %arg5[%dma_start3A_2974, %multiple_of3A_2943] : memref<32x1000000xf32, #tpu.memory_space<hbm>> -> memref<32x128xf32, #tpu.memory_space<hbm>>
        tpu.enqueue_dma source(%dma_start3A_2975 : memref<32x128xf32, #tpu.memory_space<hbm>>) target(%dma_start3A_2973 : memref<32x128xf32, #tpu.memory_space<vmem>>) target_semaphore(%dma_start3A_2969 : memref<!tpu.dma_semaphore, #tpu.memory_space<semaphore_mem>>)
      } else {
      }
      %rem3A_2875 = arith.constant 14 : i32
      %rem3A_2876 = arith.remsi %add3A_2867, %rem3A_2875 : i32
      %dma_wait3A_2877 = arith.constant 0 : i32
      %dma_wait3A_2878 = arith.constant 0 : i32
      %dma_wait3A_2879 = tpu.memref_slice %arg11[%rem3A_2876, %dma_wait3A_2877, %dma_wait3A_2878] : memref<14x32x128xf32, #tpu.memory_space<vmem>> -> memref<1x32x128xf32, #tpu.memory_space<vmem>>
      %dma_wait3A_2880 = tpu.memref_squeeze %dma_wait3A_2879 : memref<1x32x128xf32, #tpu.memory_space<vmem>> -> memref<32x128xf32, #tpu.memory_space<vmem>>
      %dma_wait3A_2881 = arith.constant 0 : i32
      %dma_wait3A_2882 = arith.constant 0 : i32
      %dma_wait3A_2883 = tpu.memref_slice %arg4[%dma_wait3A_2881, %dma_wait3A_2882] : memref<32x1000000xf32, #tpu.memory_space<hbm>> -> memref<32x128xf32, #tpu.memory_space<hbm>>
      %dma_wait3A_2884 = tpu.memref_slice %arg14[%rem3A_2876] : memref<14x!tpu.dma_semaphore, #tpu.memory_space<semaphore_mem>> -> memref<1x!tpu.dma_semaphore, #tpu.memory_space<semaphore_mem>>
      %dma_wait3A_2885 = tpu.memref_squeeze %dma_wait3A_2884 : memref<1x!tpu.dma_semaphore, #tpu.memory_space<semaphore_mem>> -> memref<!tpu.dma_semaphore, #tpu.memory_space<semaphore_mem>>
      %dma_wait3A_2886 = arith.constant 0 : i32
      %dma_wait3A_2887 = arith.constant 0 : i32
      %dma_wait3A_2888 = tpu.memref_slice %arg11[%rem3A_2876, %dma_wait3A_2886, %dma_wait3A_2887] : memref<14x32x128xf32, #tpu.memory_space<vmem>> -> memref<1x32x128xf32, #tpu.memory_space<vmem>>
      %dma_wait3A_2889 = tpu.memref_squeeze %dma_wait3A_2888 : memref<1x32x128xf32, #tpu.memory_space<vmem>> -> memref<32x128xf32, #tpu.memory_space<vmem>>
      %dma_wait3A_2890 = arith.constant 0 : i32
      %dma_wait3A_2891 = arith.constant 0 : i32
      %dma_wait3A_2892 = tpu.memref_slice %arg4[%dma_wait3A_2890, %dma_wait3A_2891] : memref<32x1000000xf32, #tpu.memory_space<hbm>> -> memref<32x128xf32, #tpu.memory_space<hbm>>
      tpu.wait_dma2 semaphore(%dma_wait3A_2885 : memref<!tpu.dma_semaphore, #tpu.memory_space<semaphore_mem>>) src(%dma_wait3A_2892 : memref<32x128xf32, #tpu.memory_space<hbm>>) dst(%dma_wait3A_2889 : memref<32x128xf32, #tpu.memory_space<vmem>>)
      %dma_wait3A_2893 = arith.constant 0 : i32
      %dma_wait3A_2894 = arith.constant 0 : i32
      %dma_wait3A_2895 = tpu.memref_slice %arg12[%rem3A_2876, %dma_wait3A_2893, %dma_wait3A_2894] : memref<14x32x128xf32, #tpu.memory_space<vmem>> -> memref<1x32x128xf32, #tpu.memory_space<vmem>>
      %dma_wait3A_2896 = tpu.memref_squeeze %dma_wait3A_2895 : memref<1x32x128xf32, #tpu.memory_space<vmem>> -> memref<32x128xf32, #tpu.memory_space<vmem>>
      %dma_wait3A_2897 = arith.constant 0 : i32
      %dma_wait3A_2898 = arith.constant 0 : i32
      %dma_wait3A_2899 = tpu.memref_slice %arg5[%dma_wait3A_2897, %dma_wait3A_2898] : memref<32x1000000xf32, #tpu.memory_space<hbm>> -> memref<32x128xf32, #tpu.memory_space<hbm>>
      %dma_wait3A_2900 = tpu.memref_slice %arg14[%rem3A_2876] : memref<14x!tpu.dma_semaphore, #tpu.memory_space<semaphore_mem>> -> memref<1x!tpu.dma_semaphore, #tpu.memory_space<semaphore_mem>>
      %dma_wait3A_2901 = tpu.memref_squeeze %dma_wait3A_2900 : memref<1x!tpu.dma_semaphore, #tpu.memory_space<semaphore_mem>> -> memref<!tpu.dma_semaphore, #tpu.memory_space<semaphore_mem>>
      %dma_wait3A_2902 = arith.constant 0 : i32
      %dma_wait3A_2903 = arith.constant 0 : i32
      %dma_wait3A_2904 = tpu.memref_slice %arg12[%rem3A_2876, %dma_wait3A_2902, %dma_wait3A_2903] : memref<14x32x128xf32, #tpu.memory_space<vmem>> -> memref<1x32x128xf32, #tpu.memory_space<vmem>>
      %dma_wait3A_2905 = tpu.memref_squeeze %dma_wait3A_2904 : memref<1x32x128xf32, #tpu.memory_space<vmem>> -> memref<32x128xf32, #tpu.memory_space<vmem>>
      %dma_wait3A_2906 = arith.constant 0 : i32
      %dma_wait3A_2907 = arith.constant 0 : i32
      %dma_wait3A_2908 = tpu.memref_slice %arg5[%dma_wait3A_2906, %dma_wait3A_2907] : memref<32x1000000xf32, #tpu.memory_space<hbm>> -> memref<32x128xf32, #tpu.memory_space<hbm>>
      tpu.wait_dma2 semaphore(%dma_wait3A_2901 : memref<!tpu.dma_semaphore, #tpu.memory_space<semaphore_mem>>) src(%dma_wait3A_2908 : memref<32x128xf32, #tpu.memory_space<hbm>>) dst(%dma_wait3A_2905 : memref<32x128xf32, #tpu.memory_space<vmem>>)
      %slice3A_2909 = vector.extract_strided_slice %get3A_1781 {offsets = [15], sizes = [1], strides = [1]} : vector<16xi32> to vector<1xi32>
      %squeeze3A_2910 = vector.extract %slice3A_2909[0] : i32 from vector<1xi32>
      %broadcast_in_dim3A_2911 = vector.broadcast %squeeze3A_2910 : i32 to vector<16xi32>
      %slice3A_2912 = vector.extract_strided_slice %get3A_1783 {offsets = [15], sizes = [1], strides = [1]} : vector<16xi32> to vector<1xi32>
      %squeeze3A_2913 = vector.extract %slice3A_2912[0] : i32 from vector<1xi32>
      %broadcast_in_dim3A_2914 = vector.broadcast %squeeze3A_2913 : i32 to vector<16xi32>
      %broadcast_in_dim3A_2915 = vector.broadcast %rem3A_2876 : i32 to vector<16xi32>
      %gather3A_2916 = tpu.vector_load_idx %arg11[%broadcast_in_dim3A_2915, %iota3A, %broadcast_in_dim3A_2911] : memref<14x32x128xf32, #tpu.memory_space<vmem>>[vector<16xi32>, vector<16xi32>, vector<16xi32>], vector<16xf32>,
      %add3A_2917 = arith.constant 16 : i32
      %add3A_2918 = vector.broadcast %add3A_2917 : i32 to vector<16xi32>
      %add3A_2919 = arith.addi %iota3A, %add3A_2918 : vector<16xi32>
      %gather3A_2920 = tpu.vector_load_idx %arg11[%broadcast_in_dim3A_2915, %add3A_2919, %broadcast_in_dim3A_2911] : memref<14x32x128xf32, #tpu.memory_space<vmem>>[vector<16xi32>, vector<16xi32>, vector<16xi32>], vector<16xf32>,
      %gather3A_2921 = tpu.vector_load_idx %arg12[%broadcast_in_dim3A_2915, %iota3A, %broadcast_in_dim3A_2914] : memref<14x32x128xf32, #tpu.memory_space<vmem>>[vector<16xi32>, vector<16xi32>, vector<16xi32>], vector<16xf32>,
      %add3A_2922 = arith.constant 16 : i32
      %add3A_2923 = vector.broadcast %add3A_2922 : i32 to vector<16xi32>
      %add3A_2924 = arith.addi %iota3A, %add3A_2923 : vector<16xi32>
      %gather3A_2925 = tpu.vector_load_idx %arg12[%broadcast_in_dim3A_2915, %add3A_2924, %broadcast_in_dim3A_2914] : memref<14x32x128xf32, #tpu.memory_space<vmem>>[vector<16xi32>, vector<16xi32>, vector<16xi32>], vector<16xf32>,
      %mul3A_2926 = arith.mulf %gather3A_2916, %gather3A_2921 : vector<16xf32>
      %mul3A_2927 = arith.mulf %gather3A_2920, %gather3A_2925 : vector<16xf32>
      %add3A_2928 = arith.addf %mul3A_2926, %mul3A_2927 : vector<16xf32>
      %reduce_sum3A_2929 = arith.constant true
      %reduce_sum3A_2930 = vector.broadcast %reduce_sum3A_2929 : i1 to vector<16xi1>
      %reduce_sum3A_2931 = tpu.scan <sum>, %add3A_2928 masked %reduce_sum3A_2930 : vector<16xf32>, vector<16xi1> -> vector<16xf32>
      %reduce_sum3A_2932 = vector.extract %reduce_sum3A_2931[15] : f32 from vector<16xf32>
      %broadcast_in_dim3A_2933 = vector.broadcast %add3A_2867 : i32 to vector<16xi32>
      %broadcast_in_dim3A_2934 = vector.broadcast %reduce_sum3A_2932 : f32 to vector<16xf32>
      %eq3A_2935 = arith.constant 0 : i32
      %eq3A_2936 = vector.broadcast %eq3A_2935 : i32 to vector<16xi32>
      %eq3A_2937 = arith.cmpi eq, %iota3A, %eq3A_2936 : vector<16xi32>
      tpu.vector_store_idx %arg13[%broadcast_in_dim3A_2933], %broadcast_in_dim3A_2934 masked %eq3A_2937 : memref<512xf32, #tpu.memory_space<vmem>>[vector<16xi32>], vector<16xf32>, vector<16xi1>
    }
    %scan3A_1772 = arith.constant 32 : i32
    "tpu.region"() ({
      %run_scoped3A = tpu.sem_alloc : memref<!tpu.dma_semaphore, #tpu.memory_space<semaphore_mem>>
      %dma_start3A_1773 = tpu.memref_slice %arg6[%mul3A_2] : memref<16384xf32, #tpu.memory_space<hbm>> -> memref<512xf32, #tpu.memory_space<hbm>>
      %dma_start3A_1774 = tpu.memref_slice %arg6[%mul3A_2] : memref<16384xf32, #tpu.memory_space<hbm>> -> memref<512xf32, #tpu.memory_space<hbm>>
      tpu.enqueue_dma source(%arg13 : memref<512xf32, #tpu.memory_space<vmem>>) target(%dma_start3A_1774 : memref<512xf32, #tpu.memory_space<hbm>>) target_semaphore(%run_scoped3A : memref<!tpu.dma_semaphore, #tpu.memory_space<semaphore_mem>>)
      %dma_wait3A = tpu.memref_slice %arg6[%mul3A_2] : memref<16384xf32, #tpu.memory_space<hbm>> -> memref<512xf32, #tpu.memory_space<hbm>>
      %dma_wait3A_1775 = tpu.memref_slice %arg6[%mul3A_2] : memref<16384xf32, #tpu.memory_space<hbm>> -> memref<512xf32, #tpu.memory_space<hbm>>
      tpu.wait_dma2 semaphore(%run_scoped3A : memref<!tpu.dma_semaphore, #tpu.memory_space<semaphore_mem>>) src(%arg13 : memref<512xf32, #tpu.memory_space<vmem>>) dst(%dma_wait3A_1775 : memref<512xf32, #tpu.memory_space<hbm>>)
      tpu.yield
    }) : () -> ()
    return
  }
}

</mosaic_0001>

<sc_bundles>
// kernel: kernel.3.cloned.1.call-start
scs
__scs_entry_jumppad:
0x0: {  	(pc) =	sbr.rel $0x88, $3  }
0x1: {  	(tag) =	ssettag $0x0;
	lr =	simm.s32 $0x1  }
0x2: {  	[smem:$0x3F9D] =	sst lr;
	_ =	strace $0xD0000000  }
0x3: {  	_ = 	snop  }
0x4: {  	_ = 	snop  }
0x5: {  	_ = 	snop  }
0x6: {  	_ = 	snop  }
0x7: {  	_ = 	snop  }
__scs_overlays_trampoline_lowered:
0x8: {  	[smem:$0x3FAC] =	sst s0  }
0x9: {  	[smem:$0x3FAD] =	sst s1  }
0xa: {  	[smem:$0x3FAE] =	sst s2  }
0xb: {  	[smem:$0x3FAF] =	sst s3  }
0xc: {  	[smem:$0x3FB0] =	sst s4  }
0xd: {  	[smem:$0x3FB1] =	sst s5  }
0xe: {  	[smem:$0x3FB2] =	sst s6  }
0xf: {  	[smem:$0x3FB3] =	sst s7  }
0x10: {  	[smem:$0x3FB4] =	sst s8  }
0x11: {  	[smem:$0x3FB5] =	sst s9;
	s0 =	simm.s32 @!p0 $0x0  }
0x12: {  	s1 =	sld [smem:$0x3F9B];
	s0 =	simm.s32 @p0 $0x1  }
0x13: {  	[smem:$0x3FB6] =	sst s0;
	s0 =	simm.s32 @!p1 $0x0  }
0x14: {  	s2 =	sld [smem:$0x3F9A];
	s0 =	simm.s32 @p1 $0x1  }
0x15: {  	[smem:$0x3FB7] =	sst s0;
	s0 =	simm.s32 @!p2 $0x0  }
0x16: {  	s3 =	sld [smem:$0x3FDB];
	s0 =	simm.s32 @p2 $0x1  }
0x17: {  	s4 =	simm.s32 $0x1BF5;
	[smem:$0x3FB9] =	sst s0  }
0x18: {  	s0 =	sld [smem:$0x3F9C];
	_ =	swait.ge [sflag:s4], $0x0  }
0x19: {  	s7 =	sld [smem:$0x3F9D]  }
0x1a: {  	s8 =	sadd.s32 $0xFFFFE003, lr  }
0x1b: {  	s9 =	sadd.s32 $0xFFFFFEF7, lr;
	s5 =	simm.s32 $0xFFFFFFFF;
	p2 =	slt.u32 s8, $0xFFFFF086  }
0x1c: {  	p1 =	slt.u32 s9, $0xF7A;
	s5 =	simm.s32 @!p2 $0x0  }
0x1d: {  	s5 =	simm.s32 @p1 $0x1;
	p0 =	seq.s32 s7, s2  }
0x1e: {  	s7 =	smul.u32 @!p0 $0xF7A, s2;
	p2 =	seq.s32 @!p0 s5, $0x0  }
0x1f: {  	s9 =	smul.u32 $0xF7A, s1;
	s8 =	simm.s32 @!p0 $0x1BF5;
	p2 =	por !p2, p0  }
0x20: {  	[sflag:s8] =	ssyncset.s32 @!p0 $0xFFFFF086;
	s6 =	sadd.s32 @!p0 s3, s7;
	s7 =	simm.s32 @!p0 $0x108  }
0x21: {  	s3 =	sadd.s32 s3, s9;
	s6 =	sadd.s32 @!p0 $0x88, s6;
	s7 =	simm.s32 @p2 $0x1082  }
0x22: {  	[simem:s7], [sflag:s8] =	dma.local @!p0 [hbm:s6], $0xF7A  }
0x23: {  	s9 =	sor.u32 $0xD0000000, s2;
	s6 =	simm.s32 $0x108;
	_ =	swait.ge @!p0 [sflag:s8], $0x0  }
0x24: {  	s3 =	sadd.s32 $0x88, s3;
	s6 =	simm.s32 @!p1 $0x1082;
	[sflag:s4] =	ssyncset.s32 $0xFFFFF086  }
0x25: {  	[simem:s6], [sflag:s4] =	dma.local [hbm:s3], $0xF7A  }
0x26: {  	[smem:$0x3F9D] =	sst s1;
	(tag) =	ssettag s2;
	_ =	strace s9  }
0x27: {  	s1 =	sld [smem:$0x3FAD]  }
0x28: {  	s2 =	sld [smem:$0x3FAE]  }
0x29: {  	s4 =	sld [smem:$0x3FB0]  }
0x2a: {  	p0 =	seq.s32 s5, $0x0;
	s5 =	sld [smem:$0x3FB1]  }
0x2b: {  	s6 =	sld [smem:$0x3FB2]  }
0x2c: {  	s7 =	sld [smem:$0x3FB3]  }
0x2d: {  	s3 =	simm.s32 $0x108;
	s8 =	sld [smem:$0x3FB4]  }
0x2e: {  	s3 =	simm.s32 @!p0 $0x1082;
	s9 =	sld [smem:$0x3FB5]  }
0x2f: {  	lr =	sadd.s32 s0, s3;
	s0 =	sld [smem:$0x3FAC]  }
0x30: {  	s3 =	sld [smem:$0x3FAF]  }
0x31: {  	[smem:$0x3FB8] =	sst s10  }
0x32: {  	s10 =	sld [smem:$0x3FB6];
	_ =	sdelay $0x3  }
0x33: {  	p0 =	seq.s32 s10, $0x1;
	s10 =	sld [smem:$0x3FB8];
	_ =	sdelay $0x3  }
0x34: {  	[smem:$0x3FB8] =	sst s10  }
0x35: {  	s10 =	sld [smem:$0x3FB7];
	_ =	sdelay $0x3  }
0x36: {  	p1 =	seq.s32 s10, $0x1;
	s10 =	sld [smem:$0x3FB8];
	_ =	sdelay $0x3  }
0x37: {  	[smem:$0x3FB8] =	sst s10  }
0x38: {  	s10 =	sld [smem:$0x3FB9]  }
0x39: {  	_ = 	snop;
	(pc) =	sbr.ind lr, $3  }
0x3a: {  	_ = 	snop  }
0x3b: {  	_ = 	snop  }
0x3c: {  	p2 =	seq.s32 s10, $0x1;
	s10 =	sld [smem:$0x3FB8]  }
0x3d: {  	_ =	shalt  }
0x3e: {  	_ =	shalt  }
0x3f: {  	_ =	shalt  }
0x40: {  	_ =	shalt  }
0x41: {  	_ =	shalt  }
0x42: {  	_ =	shalt  }
0x43: {  	_ =	shalt  }
0x44: {  	_ =	shalt  }
0x45: {  	_ =	shalt  }
0x46: {  	_ =	shalt  }
0x47: {  	_ =	shalt  }
0x48: {  	_ =	shalt  }
0x49: {  	_ =	shalt  }
0x4a: {  	_ =	shalt  }
0x4b: {  	_ =	shalt  }
0x4c: {  	_ =	shalt  }
0x4d: {  	_ =	shalt  }
0x4e: {  	_ =	shalt  }
0x4f: {  	_ =	shalt  }
0x50: {  	_ =	shalt  }
0x51: {  	_ =	shalt  }
0x52: {  	_ =	shalt  }
0x53: {  	_ =	shalt  }
0x54: {  	_ =	shalt  }
0x55: {  	_ =	shalt  }
0x56: {  	_ =	shalt  }
0x57: {  	_ =	shalt  }
0x58: {  	_ =	shalt  }
0x59: {  	_ =	shalt  }
0x5a: {  	_ =	shalt  }
0x5b: {  	_ =	shalt  }
0x5c: {  	_ =	shalt  }
0x5d: {  	_ =	shalt  }
0x5e: {  	_ =	shalt  }
0x5f: {  	_ =	shalt  }
0x60: {  	_ =	shalt  }
0x61: {  	_ =	shalt  }
0x62: {  	_ =	shalt  }
0x63: {  	_ =	shalt  }
0x64: {  	_ =	shalt  }
0x65: {  	_ =	shalt  }
0x66: {  	_ =	shalt  }
0x67: {  	_ =	shalt  }
0x68: {  	_ =	shalt  }
0x69: {  	_ =	shalt  }
0x6a: {  	_ =	shalt  }
0x6b: {  	_ =	shalt  }
0x6c: {  	_ =	shalt  }
0x6d: {  	_ =	shalt  }
0x6e: {  	_ =	shalt  }
0x6f: {  	_ =	shalt  }
0x70: {  	_ =	shalt  }
0x71: {  	_ =	shalt  }
0x72: {  	_ =	shalt  }
0x73: {  	_ =	shalt  }
0x74: {  	_ =	shalt  }
0x75: {  	_ =	shalt  }
0x76: {  	_ =	shalt  }
0x77: {  	_ =	shalt  }
0x78: {  	_ =	shalt  }
0x79: {  	_ =	shalt  }
0x7a: {  	_ =	shalt  }
0x7b: {  	_ =	shalt  }
0x7c: {  	_ =	shalt  }
0x7d: {  	_ =	shalt  }
0x7e: {  	_ =	shalt  }
0x7f: {  	_ =	shalt  }
0x80: {  	_ =	shalt  }
0x81: {  	_ =	shalt  }
0x82: {  	_ =	shalt  }
0x83: {  	_ =	shalt  }
0x84: {  	_ =	shalt  }
0x85: {  	_ =	shalt  }
0x86: {  	_ =	shalt  }
0x87: {  	_ =	shalt  }
.Lfunc_end0:
.L_simem_size_0:
called_computation_lowered:
.L_overlay_start_0:
0x88: {  	s2 =	sld [smem:$0x3FD9]  }
0x89: {  	s3 =	sld [smem:$0x3FFE];
	_ =	sdelay $0x1  }
0x8a: {  	s1 =	srdreg.scid  }
0x8b: {  	s0 =	sand.u32 $0x1, s1  }
0x8c: {  	s18 =	sshll.u32 s0, $0xA;
	s2 =	sadd.s32 s3, s2  }
0x8d: {  	s2 =	sadd.s32 s2, s18  }
0x8e: {  	[smem:$0x3FC4] =	sst s2  }
0x8f: {  	_ = 	snop  }
0x90: {  	s2 =	sld [smem:$0x3FC9]  }
0x91: {  	s19 =	sld [smem:$0x3FC8]  }
0x92: {  	s4 =	sld [smem:$0x3FC7]  }
0x93: {  	s5 =	sld [smem:$0x3FC6]  }
0x94: {  	s6 =	sld [smem:$0x3FD0];
	(tm) =	ssettm $0x1  }
0x95: {  	s7 =	sld [smem:$0x3FFB];
	_ =	sdelay $0x3  }
0x96: {  	_ =	strace s7  }
0x97: {  	s7 =	sld [smem:$0x3FFC];
	_ =	sdelay $0x3  }
0x98: {  	_ =	strace s7  }
0x99: {  	s7 =	sld [smem:$0x3FFD];
	_ =	sdelay $0x3  }
0x9a: {  	_ =	strace s7  }
0x9b: {  	_ =	strace $0x8FFFFFFF  }
0x9c: {  	s20 =	sld [smem:$0x3FDB];
	_ =	sdelay $0x1  }
0x9d: {  	s8 =	simm.s32 $_scs_section_size  }
0x9e: {  	s9 =	simm.s32 $_size__tile_overlayer_lowered;
	s10 =	simm.s32 $_tile_overlayer_lowered  }
0x9f: {  	s23 =	simm.s32 $0x1BFF;
	s22 =	sshll.u32 s10, $0x1;
	s7 =	sadd.s32 s8, s20  }
0xa0: {  	s11 =	simm.s32 $0x0;
	s21 =	sshll.u32 s9, $0x1;
	s9 =	sadd.s32 s22, s7  }
0xa1: {  	[timem:s11], [sflag:s23] =	dma.local [hbm:s9], s21  }
0xa2: {  	_ =	swait.ge [sflag:s23], s21  }
0xa3: {  	s8 =	ssub.s32 $0x0, s21;
	[sflag:s23] =	ssyncset.done $0x0  }
0xa4: {  	[sflag:s23] =	ssyncadd.s32 s8;
	_ =	sdelay $0x1  }
0xa5: {  	s24 =	simm.s32 $0x1B8B  }
0xa6: {  	_ =	swait.ge [sflag:s24], $0x1  }
0xa7: {  	[sflag:s24] =	ssyncset.done $0x0  }
0xa8: {  	s25 =	simm.s32 $0x1B8E;
	[sflag:s24] =	ssyncadd.s32 $0xFFFFFFFF  }
0xa9: {  	s26 =	simm.s32 $execute0_lowered;
	[smem:$0x3FD2] =	sst s25  }
0xaa: {  	s8 =	sshll.u32 s26, $0x1;
	_ =	strace $0x80000046;
	[dreg:$0x1] =	wrdreg $0xFFFFFFFF  }
0xab: {  	s28 =	simm.s32 $_size_execute0_lowered;
	s7 =	sadd.s32 s7, s8;
	[dreg:$0x0] =	wrdreg $0x0  }
0xac: {  	s8 =	sshll.u32 s28, $0x1;
	[dreg:$0x2] =	wrdreg s7  }
0xad: {  	[dreg:$0x3] =	wrdreg s8  }
0xae: {  	[dreg:$0x4] =	wrdreg $0xC0  }
0xaf: {  	_ =	task [dreg:s11], $0x5FFFF  }
0xb0: {  	[dreg:$0x1] =	wrdreg $0xFFFFFFFF  }
0xb1: {  	[dreg:$0x0] =	wrdreg $0x60  }
0xb2: {  	[dreg:$0x2] =	wrdreg s2  }
0xb3: {  	[dreg:$0x3] =	wrdreg s19  }
0xb4: {  	[dreg:$0x4] =	wrdreg s4  }
0xb5: {  	[dreg:$0x5] =	wrdreg s5  }
0xb6: {  	[dreg:$0x6] =	wrdreg s6  }
0xb7: {  	[dreg:$0x7] =	wrdreg $0x9  }
0xb8: {  	_ =	task.clear_ibuf [dreg:s11], $0x8FFFF;
	_ =	strace $0x90000046  }
0xb9: {  	s29 =	simm.s32 $0x9;
	_ =	strace $0x80000048  }
0xba: {  	_ =	swait.ge [sflag:s29], $0x1  }
0xbb: {  	[sflag:s29] =	ssyncadd.s32 $0xFFFFFFFF  }
0xbc: {  	_ =	strace $0x90000048  }
0xbd: {  	_ =	sfence  }
0xbe: {  	s30 =	sld [smem:$0x0];
	_ =	sdelay $0x2  }
0xbf: {  	s31 =	sshll.u32 s1, $0xD;
	s1 =	sshrl.u32 s1, $0x2  }
0xc0: {  	s3 =	sand.u32 $0x4000, s31;
	s1 =	sadd.s32 s1, s30  }
0xc1: {  	s0 =	sor.u32 s3, s0;
	s1 =	sshll.u32 s1, $0x11  }
0xc2: {  	s0 =	sor.u32 s1, s0  }
0xc3: {  	s0 =	sadd.s32 $0x8F2B, s0  }
0xc4: {  	[sflag:s0] =	ssyncadd.remote.s32 $0x1  }
0xc5: {  	_ =	sfence.sel $0xFFFF  }
0xc6: {  	[dreg:$0x0] =	wrdreg $0xFFFFFFFF;
	(pc) =	sbr.abs _section_cstart, $3  }
0xc7: {  	[dreg:$0x1] =	wrdreg $0xFFFFFFFF  }
0xc8: {  	_ =	task.clear_ibuf [dreg:s11], $0x2FFFF;
	_ =	strace $0x9FFFFFFF  }
0xc9: {  	(tm) =	ssettm $0x7FFFFFFF  }
tec
execute0_lowered:
.L_overlay_start_1:
0x0: {  	(tag) =	ssettag $0x1  }
0x1: {  	s0 =	rddreg [dreg:$0x0]  }
0x2: {  	s3 =	rddreg [dreg:$0x1]  }
0x3: {  	s1 =	rddreg [dreg:$0x2]  }
0x4: {  	s2 =	rddreg [dreg:$0x3]  }
0x5: {  	s7 =	rddreg [dreg:$0x4]  }
0x6: {  	s13 =	simm.s32 $0x0;
	s5 =	srdreg.scid;
	s4 =	stileid.u32  }
0x7: {  	s10 =	simm.s32 $0x7A1400;
	s11 =	simm.s32 $0x800;
	s5 =	sand.u32 $0x1, s5  }
0x8: {  	s8 =	sshll.u32 s4, $0x7;
	s6 =	ssub.s32 $0x2, s5;
	s5 =	sshll.u32 s5, $0x6  }
0x9: {  	s12 =	simm.s32 $0xE800;
	[smem:$0x7FF] =	sst s13;
	s8 =	sor.u32 s5, s8  }
0xa: {  	vm0 =	vmmov $0x1;
	vm1 =	vcmask $0x308;
	vm2 =	vcmask $0x70C;
	s17 =	simm.s32 $0x400;
	_ =	strace $0x80000047;
	s0 =	sadd.s32 s0, s8  }
0xb: {  	vm3 =	vcmask $0xB10;
	vm4 =	vcmask $0xF14;
	vm5 =	vcmask $0x1318;
	s9 =	sshrl.u32 s6, $0x1;
	s29 =	sadd.s32 s3, s8;
	[dreg:$0x6] =	wrdreg s0  }
0xc: {  	vm6 =	vcmask $0x171C;
	vm7 =	vcmask $0x1B20;
	vm8 =	vcmask $0x1F24;
	s9 =	ssub.s32 s6, s9;
	s30 =	sadd.s32 s7, s8;
	[dreg:$0x7] =	wrdreg s29  }
0xd: {  	vm9 =	vcmask $0x2328;
	vm10 =	vcmask $0x272C;
	v0 =	vlaneseq.u32;
	s18 =	simm.s32 $0x1C800;
	[dreg:$0x8] =	wrdreg s30;
	s31 =	smax.u32 s9, $0x1  }
0xe: {  	vm11 =	vcmask $0x2B30;
	vm12 =	vcmask $0x2F34;
	s19 =	simm.s32 $0x0;
	v0 =	vmul.u32 $0x80, v0;
	s9 =	simm.s32 $0xF;
	[dreg:$0x9] =	wrdreg s31  }
.LBB2_1:
0xf: {  	s0 =	rddreg [dreg:$0x6]  }
0x10: {  	[tilespmem:s17], [sflag:$0xF] =	stream.linear.gather [hbm4b:s0+s13], $0x200, $0x38;
	[tilespmem:$0x1CA00] =	vst v63  }
0x11: {  	_ =	swait.ge [sflag:s9], $0x200  }
0x12: {  	[sflag:s9] =	ssyncset.done $0x0  }
0x13: {  	s20 =	simm.s32 $0x600;
	s21 =	rddreg [dreg:$0x7];
	[sflag:s9] =	ssyncadd.s32 $0xFFFFFE00  }
0x14: {  	[tilespmem:s20], [sflag:$0xF] =	stream.linear.gather [hbm4b:s21+s13], $0x200, $0x38;
	[tilespmem:$0x1CA00] =	vst v63  }
0x15: {  	_ =	swait.ge [sflag:s9], $0x200  }
0x16: {  	[sflag:s9] =	ssyncset.done $0x0  }
0x17: {  	[sflag:s9] =	ssyncadd.s32 $0xFFFFFE00  }
0x18: {  	v1 =	vld [tilespmem:$0x400];
	_ =	sdelay $0x1  }
0x19: {  	v2 =	vld [tilespmem:$0x600];
	_ =	sdelay $0x1  }
0x1a: {  	v3 =	vld [tilespmem:$0x410]  }
0x1b: {  	v4 =	vand.u32 $0xFFFFFF80, v1  }
0x1c: {  	v5 =	vld [tilespmem:$0x610];
	vm13 =	vlt.s32 v4, $0xF4200  }
0x1d: {  	v6 =	vand.u32 $0xFFFFFF80, v2;
	v4 =	vnsel vm13, $0xF4200, v4  }
0x1e: {  	v25 =	vld [tilespmem:$0x420];
	vm13 =	vlt.s32 v6, $0xF4200;
	[tilespmem:$0x0] =	vst v4;
	v1 =	vsub.s32 v1, v4  }
0x1f: {  	v26 =	vand.u32 $0xFFFFFF80, v3;
	[tilespmem:$0x400] =	vst v1;
	v1 =	vnsel vm13, $0xF4200, v6  }
0x20: {  	vm13 =	vlt.s32 v26, $0xF4200;
	[tilespmem:$0x200] =	vst v1;
	v1 =	vsub.s32 v2, v1;
	v2 =	vld [tilespmem:$0x620]  }
0x21: {  	v27 =	vand.u32 $0xFFFFFF80, v5;
	[tilespmem:$0x600] =	vst v1;
	v1 =	vnsel vm13, $0xF4200, v26  }
0x22: {  	vm13 =	vlt.s32 v27, $0xF4200;
	[tilespmem:$0x10] =	vst v1;
	v1 =	vsub.s32 v3, v1;
	v3 =	vld [tilespmem:$0x430]  }
0x23: {  	v28 =	vand.u32 $0xFFFFFF80, v25;
	[tilespmem:$0x410] =	vst v1;
	v1 =	vnsel vm13, $0xF4200, v27  }
0x24: {  	v29 =	vld [tilespmem:$0x630];
	vm13 =	vlt.s32 v28, $0xF4200;
	[tilespmem:$0x210] =	vst v1;
	v1 =	vsub.s32 v5, v1  }
0x25: {  	[tilespmem:$0x610] =	vst v1;
	v1 =	vnsel vm13, $0xF4200, v28;
	v30 =	vand.u32 $0xFFFFFF80, v2  }
0x26: {  	v31 =	vld [tilespmem:$0x440];
	[tilespmem:$0x20] =	vst v1;
	v1 =	vsub.s32 v25, v1;
	vm13 =	vlt.s32 v30, $0xF4200  }
0x27: {  	[tilespmem:$0x420] =	vst v1;
	v1 =	vnsel vm13, $0xF4200, v30;
	v32 =	vand.u32 $0xFFFFFF80, v3  }
0x28: {  	[tilespmem:$0x220] =	vst v1;
	v1 =	vsub.s32 v2, v1;
	vm13 =	vlt.s32 v32, $0xF4200;
	v2 =	vld [tilespmem:$0x640]  }
0x29: {  	v33 =	vand.u32 $0xFFFFFF80, v29;
	[tilespmem:$0x620] =	vst v1;
	v1 =	vnsel vm13, $0xF4200, v32  }
0x2a: {  	vm13 =	vlt.s32 v33, $0xF4200;
	[tilespmem:$0x30] =	vst v1;
	v1 =	vsub.s32 v3, v1;
	v3 =	vld [tilespmem:$0x450]  }
0x2b: {  	v34 =	vand.u32 $0xFFFFFF80, v31;
	[tilespmem:$0x430] =	vst v1;
	v1 =	vnsel vm13, $0xF4200, v33  }
0x2c: {  	v35 =	vld [tilespmem:$0x650];
	vm13 =	vlt.s32 v34, $0xF4200;
	[tilespmem:$0x230] =	vst v1;
	v1 =	vsub.s32 v29, v1  }
0x2d: {  	[tilespmem:$0x630] =	vst v1;
	v1 =	vnsel vm13, $0xF4200, v34;
	v36 =	vand.u32 $0xFFFFFF80, v2  }
0x2e: {  	v37 =	vld [tilespmem:$0x460];
	[tilespmem:$0x40] =	vst v1;
	v1 =	vsub.s32 v31, v1;
	vm13 =	vlt.s32 v36, $0xF4200  }
0x2f: {  	[tilespmem:$0x440] =	vst v1;
	v1 =	vnsel vm13, $0xF4200, v36;
	v38 =	vand.u32 $0xFFFFFF80, v3  }
0x30: {  	[tilespmem:$0x240] =	vst v1;
	v1 =	vsub.s32 v2, v1;
	vm13 =	vlt.s32 v38, $0xF4200;
	v2 =	vld [tilespmem:$0x660]  }
0x31: {  	v39 =	vand.u32 $0xFFFFFF80, v35;
	[tilespmem:$0x640] =	vst v1;
	v1 =	vnsel vm13, $0xF4200, v38  }
0x32: {  	vm13 =	vlt.s32 v39, $0xF4200;
	[tilespmem:$0x50] =	vst v1;
	v1 =	vsub.s32 v3, v1;
	v3 =	vld [tilespmem:$0x470]  }
0x33: {  	v40 =	vand.u32 $0xFFFFFF80, v37;
	[tilespmem:$0x450] =	vst v1;
	v1 =	vnsel vm13, $0xF4200, v39  }
0x34: {  	v41 =	vld [tilespmem:$0x670];
	vm13 =	vlt.s32 v40, $0xF4200;
	[tilespmem:$0x250] =	vst v1;
	v1 =	vsub.s32 v35, v1  }
0x35: {  	[tilespmem:$0x650] =	vst v1;
	v1 =	vnsel vm13, $0xF4200, v40;
	v42 =	vand.u32 $0xFFFFFF80, v2  }
0x36: {  	v43 =	vld [tilespmem:$0x480];
	[tilespmem:$0x60] =	vst v1;
	v1 =	vsub.s32 v37, v1;
	vm13 =	vlt.s32 v42, $0xF4200  }
0x37: {  	[tilespmem:$0x460] =	vst v1;
	v1 =	vnsel vm13, $0xF4200, v42;
	v44 =	vand.u32 $0xFFFFFF80, v3  }
0x38: {  	[tilespmem:$0x260] =	vst v1;
	v1 =	vsub.s32 v2, v1;
	vm13 =	vlt.s32 v44, $0xF4200;
	v2 =	vld [tilespmem:$0x680]  }
0x39: {  	v45 =	vand.u32 $0xFFFFFF80, v41;
	[tilespmem:$0x660] =	vst v1;
	v1 =	vnsel vm13, $0xF4200, v44  }
0x3a: {  	vm13 =	vlt.s32 v45, $0xF4200;
	[tilespmem:$0x70] =	vst v1;
	v1 =	vsub.s32 v3, v1;
	v3 =	vld [tilespmem:$0x490]  }
0x3b: {  	v46 =	vand.u32 $0xFFFFFF80, v43;
	[tilespmem:$0x470] =	vst v1;
	v1 =	vnsel vm13, $0xF4200, v45  }
0x3c: {  	v47 =	vld [tilespmem:$0x690];
	vm13 =	vlt.s32 v46, $0xF4200;
	[tilespmem:$0x270] =	vst v1;
	v1 =	vsub.s32 v41, v1  }
0x3d: {  	[tilespmem:$0x670] =	vst v1;
	v1 =	vnsel vm13, $0xF4200, v46;
	v48 =	vand.u32 $0xFFFFFF80, v2  }
0x3e: {  	v49 =	vld [tilespmem:$0x4A0];
	[tilespmem:$0x80] =	vst v1;
	v1 =	vsub.s32 v43, v1;
	vm13 =	vlt.s32 v48, $0xF4200  }
0x3f: {  	[tilespmem:$0x480] =	vst v1;
	v1 =	vnsel vm13, $0xF4200, v48;
	v50 =	vand.u32 $0xFFFFFF80, v3  }
0x40: {  	[tilespmem:$0x280] =	vst v1;
	v1 =	vsub.s32 v2, v1;
	vm13 =	vlt.s32 v50, $0xF4200;
	v2 =	vld [tilespmem:$0x6A0]  }
0x41: {  	v51 =	vand.u32 $0xFFFFFF80, v47;
	[tilespmem:$0x680] =	vst v1;
	v1 =	vnsel vm13, $0xF4200, v50  }
0x42: {  	vm13 =	vlt.s32 v51, $0xF4200;
	[tilespmem:$0x90] =	vst v1;
	v1 =	vsub.s32 v3, v1;
	v3 =	vld [tilespmem:$0x4B0]  }
0x43: {  	v52 =	vand.u32 $0xFFFFFF80, v49;
	[tilespmem:$0x490] =	vst v1;
	v1 =	vnsel vm13, $0xF4200, v51  }
0x44: {  	v53 =	vld [tilespmem:$0x6B0];
	vm13 =	vlt.s32 v52, $0xF4200;
	[tilespmem:$0x290] =	vst v1;
	v1 =	vsub.s32 v47, v1  }
0x45: {  	[tilespmem:$0x690] =	vst v1;
	v1 =	vnsel vm13, $0xF4200, v52;
	v54 =	vand.u32 $0xFFFFFF80, v2  }
0x46: {  	v55 =	vld [tilespmem:$0x4C0];
	[tilespmem:$0xA0] =	vst v1;
	v1 =	vsub.s32 v49, v1;
	vm13 =	vlt.s32 v54, $0xF4200  }
0x47: {  	[tilespmem:$0x4A0] =	vst v1;
	v1 =	vnsel vm13, $0xF4200, v54;
	v56 =	vand.u32 $0xFFFFFF80, v3  }
0x48: {  	[tilespmem:$0x2A0] =	vst v1;
	v1 =	vsub.s32 v2, v1;
	vm13 =	vlt.s32 v56, $0xF4200;
	v2 =	vld [tilespmem:$0x6C0]  }
0x49: {  	v57 =	vand.u32 $0xFFFFFF80, v53;
	[tilespmem:$0x6A0] =	vst v1;
	v1 =	vnsel vm13, $0xF4200, v56  }
0x4a: {  	vm13 =	vlt.s32 v57, $0xF4200;
	[tilespmem:$0xB0] =	vst v1;
	v1 =	vsub.s32 v3, v1;
	v3 =	vld [tilespmem:$0x4D0]  }
0x4b: {  	v58 =	vand.u32 $0xFFFFFF80, v55;
	[tilespmem:$0x4B0] =	vst v1;
	v1 =	vnsel vm13, $0xF4200, v57  }
0x4c: {  	v59 =	vld [tilespmem:$0x6D0];
	vm13 =	vlt.s32 v58, $0xF4200;
	[tilespmem:$0x2B0] =	vst v1;
	v1 =	vsub.s32 v53, v1  }
0x4d: {  	[tilespmem:$0x6B0] =	vst v1;
	v1 =	vnsel vm13, $0xF4200, v58;
	v60 =	vand.u32 $0xFFFFFF80, v2  }
0x4e: {  	v61 =	vld [tilespmem:$0x4E0];
	[tilespmem:$0xC0] =	vst v1;
	v1 =	vsub.s32 v55, v1;
	vm13 =	vlt.s32 v60, $0xF4200  }
0x4f: {  	[tilespmem:$0x4C0] =	vst v1;
	v1 =	vnsel vm13, $0xF4200, v60;
	v62 =	vand.u32 $0xFFFFFF80, v3  }
0x50: {  	[tilespmem:$0x2C0] =	vst v1;
	v1 =	vsub.s32 v2, v1;
	vm13 =	vlt.s32 v62, $0xF4200;
	v2 =	vld [tilespmem:$0x6E0]  }
0x51: {  	v63 =	vand.u32 $0xFFFFFF80, v59;
	[tilespmem:$0x6C0] =	vst v1;
	v1 =	vnsel vm13, $0xF4200, v62  }
0x52: {  	vm13 =	vlt.s32 v63, $0xF4200;
	[tilespmem:$0xD0] =	vst v1;
	v1 =	vsub.s32 v3, v1;
	v3 =	vld [tilespmem:$0x4F0]  }
0x53: {  	v9 =	vand.u32 $0xFFFFFF80, v61;
	[tilespmem:$0x4D0] =	vst v1;
	v1 =	vnsel vm13, $0xF4200, v63  }
0x54: {  	v10 =	vld [tilespmem:$0x6F0];
	vm13 =	vlt.s32 v9, $0xF4200;
	[tilespmem:$0x2D0] =	vst v1;
	v1 =	vsub.s32 v59, v1  }
0x55: {  	[tilespmem:$0x6D0] =	vst v1;
	v1 =	vnsel vm13, $0xF4200, v9;
	v11 =	vand.u32 $0xFFFFFF80, v2  }
0x56: {  	v12 =	vld [tilespmem:$0x500];
	[tilespmem:$0xE0] =	vst v1;
	v1 =	vsub.s32 v61, v1;
	vm13 =	vlt.s32 v11, $0xF4200  }
0x57: {  	[tilespmem:$0x4E0] =	vst v1;
	v1 =	vnsel vm13, $0xF4200, v11;
	v13 =	vand.u32 $0xFFFFFF80, v3  }
0x58: {  	[tilespmem:$0x2E0] =	vst v1;
	v1 =	vsub.s32 v2, v1;
	vm13 =	vlt.s32 v13, $0xF4200;
	v2 =	vld [tilespmem:$0x700]  }
0x59: {  	v14 =	vand.u32 $0xFFFFFF80, v10;
	[tilespmem:$0x6E0] =	vst v1;
	v1 =	vnsel vm13, $0xF4200, v13  }
0x5a: {  	vm13 =	vlt.s32 v14, $0xF4200;
	[tilespmem:$0xF0] =	vst v1;
	v1 =	vsub.s32 v3, v1;
	v3 =	vld [tilespmem:$0x510]  }
0x5b: {  	v15 =	vand.u32 $0xFFFFFF80, v12;
	[tilespmem:$0x4F0] =	vst v1;
	v1 =	vnsel vm13, $0xF4200, v14  }
0x5c: {  	v16 =	vld [tilespmem:$0x710];
	vm13 =	vlt.s32 v15, $0xF4200;
	[tilespmem:$0x2F0] =	vst v1;
	v1 =	vsub.s32 v10, v1  }
0x5d: {  	[tilespmem:$0x6F0] =	vst v1;
	v1 =	vnsel vm13, $0xF4200, v15;
	v17 =	vand.u32 $0xFFFFFF80, v2  }
0x5e: {  	v18 =	vld [tilespmem:$0x520];
	[tilespmem:$0x100] =	vst v1;
	v1 =	vsub.s32 v12, v1;
	vm13 =	vlt.s32 v17, $0xF4200  }
0x5f: {  	[tilespmem:$0x500] =	vst v1;
	v1 =	vnsel vm13, $0xF4200, v17;
	v19 =	vand.u32 $0xFFFFFF80, v3  }
0x60: {  	[tilespmem:$0x300] =	vst v1;
	v1 =	vsub.s32 v2, v1;
	vm13 =	vlt.s32 v19, $0xF4200;
	v2 =	vld [tilespmem:$0x720]  }
0x61: {  	v20 =	vand.u32 $0xFFFFFF80, v16;
	[tilespmem:$0x700] =	vst v1;
	v1 =	vnsel vm13, $0xF4200, v19  }
0x62: {  	vm13 =	vlt.s32 v20, $0xF4200;
	[tilespmem:$0x110] =	vst v1;
	v1 =	vsub.s32 v3, v1;
	v3 =	vld [tilespmem:$0x530]  }
0x63: {  	v21 =	vand.u32 $0xFFFFFF80, v18;
	[tilespmem:$0x510] =	vst v1;
	v1 =	vnsel vm13, $0xF4200, v20  }
0x64: {  	v22 =	vld [tilespmem:$0x730];
	vm13 =	vlt.s32 v21, $0xF4200;
	[tilespmem:$0x310] =	vst v1;
	v1 =	vsub.s32 v16, v1  }
0x65: {  	[tilespmem:$0x710] =	vst v1;
	v1 =	vnsel vm13, $0xF4200, v21;
	v23 =	vand.u32 $0xFFFFFF80, v2  }
0x66: {  	v24 =	vld [tilespmem:$0x540];
	[tilespmem:$0x120] =	vst v1;
	v1 =	vsub.s32 v18, v1;
	vm13 =	vlt.s32 v23, $0xF4200  }
0x67: {  	[tilespmem:$0x520] =	vst v1;
	v1 =	vnsel vm13, $0xF4200, v23;
	v25 =	vand.u32 $0xFFFFFF80, v3  }
0x68: {  	[tilespmem:$0x320] =	vst v1;
	v1 =	vsub.s32 v2, v1;
	vm13 =	vlt.s32 v25, $0xF4200;
	v2 =	vld [tilespmem:$0x740]  }
0x69: {  	v26 =	vand.u32 $0xFFFFFF80, v22;
	[tilespmem:$0x720] =	vst v1;
	v1 =	vnsel vm13, $0xF4200, v25  }
0x6a: {  	vm13 =	vlt.s32 v26, $0xF4200;
	[tilespmem:$0x130] =	vst v1;
	v1 =	vsub.s32 v3, v1;
	v3 =	vld [tilespmem:$0x550]  }
0x6b: {  	v27 =	vand.u32 $0xFFFFFF80, v24;
	[tilespmem:$0x530] =	vst v1;
	v1 =	vnsel vm13, $0xF4200, v26  }
0x6c: {  	v28 =	vld [tilespmem:$0x750];
	vm13 =	vlt.s32 v27, $0xF4200;
	[tilespmem:$0x330] =	vst v1;
	v1 =	vsub.s32 v22, v1  }
0x6d: {  	[tilespmem:$0x730] =	vst v1;
	v1 =	vnsel vm13, $0xF4200, v27;
	v29 =	vand.u32 $0xFFFFFF80, v2  }
0x6e: {  	v30 =	vld [tilespmem:$0x560];
	[tilespmem:$0x140] =	vst v1;
	v1 =	vsub.s32 v24, v1;
	vm13 =	vlt.s32 v29, $0xF4200  }
0x6f: {  	[tilespmem:$0x540] =	vst v1;
	v1 =	vnsel vm13, $0xF4200, v29;
	v31 =	vand.u32 $0xFFFFFF80, v3  }
0x70: {  	[tilespmem:$0x340] =	vst v1;
	v1 =	vsub.s32 v2, v1;
	vm13 =	vlt.s32 v31, $0xF4200;
	v2 =	vld [tilespmem:$0x760]  }
0x71: {  	v32 =	vand.u32 $0xFFFFFF80, v28;
	[tilespmem:$0x740] =	vst v1;
	v1 =	vnsel vm13, $0xF4200, v31  }
0x72: {  	vm13 =	vlt.s32 v32, $0xF4200;
	[tilespmem:$0x150] =	vst v1;
	v1 =	vsub.s32 v3, v1;
	v3 =	vld [tilespmem:$0x570]  }
0x73: {  	v33 =	vand.u32 $0xFFFFFF80, v30;
	[tilespmem:$0x550] =	vst v1;
	v1 =	vnsel vm13, $0xF4200, v32  }
0x74: {  	v34 =	vld [tilespmem:$0x770];
	vm13 =	vlt.s32 v33, $0xF4200;
	[tilespmem:$0x350] =	vst v1;
	v1 =	vsub.s32 v28, v1  }
0x75: {  	[tilespmem:$0x750] =	vst v1;
	v1 =	vnsel vm13, $0xF4200, v33;
	v35 =	vand.u32 $0xFFFFFF80, v2  }
0x76: {  	v36 =	vld [tilespmem:$0x580];
	[tilespmem:$0x160] =	vst v1;
	v1 =	vsub.s32 v30, v1;
	vm13 =	vlt.s32 v35, $0xF4200  }
0x77: {  	[tilespmem:$0x560] =	vst v1;
	v1 =	vnsel vm13, $0xF4200, v35;
	v37 =	vand.u32 $0xFFFFFF80, v3  }
0x78: {  	[tilespmem:$0x360] =	vst v1;
	v1 =	vsub.s32 v2, v1;
	vm13 =	vlt.s32 v37, $0xF4200;
	v2 =	vld [tilespmem:$0x780]  }
0x79: {  	v38 =	vand.u32 $0xFFFFFF80, v34;
	[tilespmem:$0x760] =	vst v1;
	v1 =	vnsel vm13, $0xF4200, v37  }
0x7a: {  	vm13 =	vlt.s32 v38, $0xF4200;
	[tilespmem:$0x170] =	vst v1;
	v1 =	vsub.s32 v3, v1;
	v3 =	vld [tilespmem:$0x590]  }
0x7b: {  	v39 =	vand.u32 $0xFFFFFF80, v36;
	[tilespmem:$0x570] =	vst v1;
	v1 =	vnsel vm13, $0xF4200, v38  }
0x7c: {  	v40 =	vld [tilespmem:$0x790];
	vm13 =	vlt.s32 v39, $0xF4200;
	[tilespmem:$0x370] =	vst v1;
	v1 =	vsub.s32 v34, v1  }
0x7d: {  	[tilespmem:$0x770] =	vst v1;
	v1 =	vnsel vm13, $0xF4200, v39;
	v41 =	vand.u32 $0xFFFFFF80, v2  }
0x7e: {  	v42 =	vld [tilespmem:$0x5A0];
	[tilespmem:$0x180] =	vst v1;
	v1 =	vsub.s32 v36, v1;
	vm13 =	vlt.s32 v41, $0xF4200  }
0x7f: {  	v7 =	vld [tilespmem:$0x0];
	[tilespmem:$0x580] =	vst v1;
	v1 =	vnsel vm13, $0xF4200, v41;
	v43 =	vand.u32 $0xFFFFFF80, v3  }
0x80: {  	[tilespmem:$0x380] =	vst v1;
	v1 =	vsub.s32 v2, v1;
	vm13 =	vlt.s32 v43, $0xF4200;
	v2 =	vld [tilespmem:$0x7A0]  }
0x81: {  	v8 =	vld [tilespmem:$0x200];
	v44 =	vand.u32 $0xFFFFFF80, v40;
	[tilespmem:$0x780] =	vst v1;
	v1 =	vnsel vm13, $0xF4200, v43  }
0x82: {  	vm13 =	vlt.s32 v44, $0xF4200;
	[tilespmem:$0x190] =	vst v1;
	v1 =	vsub.s32 v3, v1;
	v3 =	vld [tilespmem:$0x5B0]  }
0x83: {  	v45 =	vand.u32 $0xFFFFFF80, v42;
	[tilespmem:$0x590] =	vst v1;
	v1 =	vnsel vm13, $0xF4200, v44  }
0x84: {  	v7 =	vnsel vm0, $0x0, v7;
	v46 =	vld [tilespmem:$0x7B0];
	vm13 =	vlt.s32 v45, $0xF4200;
	[tilespmem:$0x390] =	vst v1;
	v1 =	vsub.s32 v40, v1  }
0x85: {  	(xrf0) =	vadd.scan.msk.s32 $0xffff, v7;
	[tilespmem:$0x790] =	vst v1;
	v1 =	vnsel vm13, $0xF4200, v45;
	v47 =	vand.u32 $0xFFFFFF80, v2  }
0x86: {  	v48 =	vld [tilespmem:$0x5C0];
	v50 =	vnsel vm0, $0x0, v8;
	[tilespmem:$0x1A0] =	vst v1;
	v1 =	vsub.s32 v42, v1;
	vm13 =	vlt.s32 v47, $0xF4200  }
0x87: {  	(xrf0) =	vadd.scan.msk.s32 $0xffff, v50;
	[tilespmem:$0x5A0] =	vst v1;
	v1 =	vnsel vm13, $0xF4200, v47;
	v49 =	vand.u32 $0xFFFFFF80, v3  }
0x88: {  	[tilespmem:$0x3A0] =	vst v1;
	v1 =	vsub.s32 v2, v1;
	vm13 =	vlt.s32 v49, $0xF4200;
	v2 =	vld [tilespmem:$0x7C0]  }
0x89: {  	v51 =	vand.u32 $0xFFFFFF80, v46;
	[tilespmem:$0x7A0] =	vst v1;
	v1 =	vnsel vm13, $0xF4200, v49  }
0x8a: {  	vm13 =	vlt.s32 v51, $0xF4200;
	[tilespmem:$0x1B0] =	vst v1;
	v1 =	vsub.s32 v3, v1;
	v3 =	vld [tilespmem:$0x5D0]  }
0x8b: {  	v52 =	vand.u32 $0xFFFFFF80, v48;
	v53, _, _ =	vpop (xrf0);
	[tilespmem:$0x5B0] =	vst v1;
	v1 =	vnsel vm13, $0xF4200, v51  }
0x8c: {  	v54 =	vld [tilespmem:$0x7D0];
	(v2sf) =	vpush v53, $0xF;
	vm13 =	vlt.s32 v52, $0xF4200;
	[tilespmem:$0x3B0] =	vst v1;
	v1 =	vsub.s32 v46, v1  }
0x8d: {  	v58, _, _ =	vpop (xrf0);
	[tilespmem:$0x7B0] =	vst v1;
	v1 =	vnsel vm13, $0xF4200, v52;
	v55 =	vand.u32 $0xFFFFFF80, v2  }
0x8e: {  	v56 =	vld [tilespmem:$0x5E0];
	(v2sf) =	vpush v58, $0xF;
	[tilespmem:$0x1C0] =	vst v1;
	v1 =	vsub.s32 v48, v1;
	vm13 =	vlt.s32 v55, $0xF4200  }
0x8f: {  	[tilespmem:$0x5C0] =	vst v1;
	v1 =	vnsel vm13, $0xF4200, v55;
	v57 =	vand.u32 $0xFFFFFF80, v3  }
0x90: {  	[tilespmem:$0x3C0] =	vst v1;
	v1 =	vsub.s32 v2, v1;
	vm13 =	vlt.s32 v57, $0xF4200;
	v2 =	vld [tilespmem:$0x7E0]  }
0x91: {  	v59 =	vand.u32 $0xFFFFFF80, v54;
	[tilespmem:$0x7C0] =	vst v1;
	v1 =	vnsel vm13, $0xF4200, v57  }
0x92: {  	vm13 =	vlt.s32 v59, $0xF4200;
	[tilespmem:$0x1D0] =	vst v1;
	v1 =	vsub.s32 v3, v1;
	v3 =	vld [tilespmem:$0x5F0]  }
0x93: {  	v60 =	vand.u32 $0xFFFFFF80, v56;
	[tilespmem:$0x5D0] =	vst v1;
	v1 =	vnsel vm13, $0xF4200, v59  }
0x94: {  	v61 =	vld [tilespmem:$0x7F0];
	vm13 =	vlt.s32 v60, $0xF4200;
	[tilespmem:$0x3D0] =	vst v1;
	v1 =	vsub.s32 v54, v1  }
0x95: {  	[tilespmem:$0x7D0] =	vst v1;
	v1 =	vnsel vm13, $0xF4200, v60;
	v62 =	vand.u32 $0xFFFFFF80, v2  }
0x96: {  	[tilespmem:$0x1E0] =	vst v1;
	v1 =	vsub.s32 v56, v1;
	vm13 =	vlt.s32 v62, $0xF4200  }
0x97: {  	[tilespmem:$0x5E0] =	vst v1;
	v1 =	vnsel vm13, $0xF4200, v62;
	v63 =	vand.u32 $0xFFFFFF80, v3  }
0x98: {  	[tilespmem:$0x3E0] =	vst v1;
	v1 =	vsub.s32 v2, v1;
	vm13 =	vlt.s32 v63, $0xF4200  }
0x99: {  	v2 =	vand.u32 $0xFFFFFF80, v61;
	[tilespmem:$0x7E0] =	vst v1;
	v1 =	vnsel vm13, $0xF4200, v63  }
0x9a: {  	vm13 =	vlt.s32 v2, $0xF4200;
	[tilespmem:$0x1F0] =	vst v1;
	v1 =	vsub.s32 v3, v1  }
0x9b: {  	s22 =	spop (v2sf);
	[tilespmem:$0x5F0] =	vst v1;
	v1 =	vnsel vm13, $0xF4200, v2  }
0x9c: {  	s0 =	sand.u32 $0xFFFFF80, s22;
	[tilespmem:$0x3F0] =	vst v1;
	v1 =	vsub.s32 v61, v1  }
0x9d: {  	s23 =	spop (v2sf);
	s0 =	sadd.s32 s1, s0;
	[tilespmem:$0x7F0] =	vst v1  }
0x9e: {  	[tilespmem:s11], [sflag:$0x1] =	stream.strided.gather [hbm4b:s0+s17], $0x1000, s10, s17, $0x38;
	[tilespmem:$0x1CA00] =	vst v63  }
0x9f: {  	s0 =	sand.u32 $0xFFFFF80, s23  }
0xa0: {  	s0 =	sadd.s32 s2, s0  }
0xa1: {  	[tilespmem:s12], [sflag:$0x1] =	stream.strided.gather [hbm4b:s0+s17], $0x1000, s10, s17, $0x38;
	[tilespmem:$0x1CA00] =	vst v63  }
0xa2: {  	v1 =	vld [tilespmem:$0x0];
	_ =	sdelay $0x1  }
0xa3: {  	v2 =	vld [tilespmem:$0x200];
	_ =	sdelay $0x2  }
0xa4: {  	v1 =	vsel vm1, $0x0, v1  }
0xa5: {  	(xrf0) =	vadd.scan.msk.s32 $0xffff, v1  }
0xa6: {  	v1 =	vsel vm1, $0x0, v2  }
0xa7: {  	(xrf0) =	vadd.scan.msk.s32 $0xffff, v1;
	_ =	sdelay $0x3  }
0xa8: {  	v1, _, _ =	vpop (xrf0)  }
0xa9: {  	(v2sf) =	vpush v1, $0xF  }
0xaa: {  	v1, _, _ =	vpop (xrf0)  }
0xab: {  	(v2sf) =	vpush v1, $0xF;
	_ =	sdelay $0xc  }
0xac: {  	s24 =	spop (v2sf)  }
0xad: {  	s0 =	sand.u32 $0xFFFFF80, s24  }
0xae: {  	s3 =	simm.s32 $0x1800;
	s25 =	spop (v2sf);
	s0 =	sadd.s32 s1, s0  }
0xaf: {  	[tilespmem:s3], [sflag:$0x2] =	stream.strided.gather [hbm4b:s0+s17], $0x1000, s10, s17, $0x38;
	[tilespmem:$0x1CA00] =	vst v63  }
0xb0: {  	s0 =	sand.u32 $0xFFFFF80, s25  }
0xb1: {  	s26 =	simm.s32 $0xF800;
	s0 =	sadd.s32 s2, s0  }
0xb2: {  	[tilespmem:s26], [sflag:$0x2] =	stream.strided.gather [hbm4b:s0+s17], $0x1000, s10, s17, $0x38;
	[tilespmem:$0x1CA00] =	vst v63  }
0xb3: {  	v1 =	vld [tilespmem:$0x0];
	_ =	sdelay $0x1  }
0xb4: {  	v2 =	vld [tilespmem:$0x200];
	_ =	sdelay $0x2  }
0xb5: {  	v1 =	vsel vm2, $0x0, v1  }
0xb6: {  	(xrf0) =	vadd.scan.msk.s32 $0xffff, v1  }
0xb7: {  	v1 =	vsel vm2, $0x0, v2  }
0xb8: {  	(xrf0) =	vadd.scan.msk.s32 $0xffff, v1;
	_ =	sdelay $0x3  }
0xb9: {  	v1, _, _ =	vpop (xrf0)  }
0xba: {  	(v2sf) =	vpush v1, $0xF  }
0xbb: {  	v1, _, _ =	vpop (xrf0)  }
0xbc: {  	(v2sf) =	vpush v1, $0xF;
	_ =	sdelay $0xc  }
0xbd: {  	s28 =	spop (v2sf)  }
0xbe: {  	s0 =	sand.u32 $0xFFFFF80, s28  }
0xbf: {  	s29 =	simm.s32 $0x2800;
	s30 =	spop (v2sf);
	s0 =	sadd.s32 s1, s0  }
0xc0: {  	[tilespmem:s29], [sflag:$0x3] =	stream.strided.gather [hbm4b:s0+s17], $0x1000, s10, s17, $0x38;
	[tilespmem:$0x1CA00] =	vst v63  }
0xc1: {  	s0 =	sand.u32 $0xFFFFF80, s30  }
0xc2: {  	s31 =	simm.s32 $0x10800;
	s0 =	sadd.s32 s2, s0  }
0xc3: {  	[tilespmem:s31], [sflag:$0x3] =	stream.strided.gather [hbm4b:s0+s17], $0x1000, s10, s17, $0x38;
	[tilespmem:$0x1CA00] =	vst v63  }
0xc4: {  	v1 =	vld [tilespmem:$0x0];
	_ =	sdelay $0x1  }
0xc5: {  	v2 =	vld [tilespmem:$0x200];
	_ =	sdelay $0x2  }
0xc6: {  	v1 =	vsel vm3, $0x0, v1  }
0xc7: {  	(xrf0) =	vadd.scan.msk.s32 $0xffff, v1  }
0xc8: {  	v1 =	vsel vm3, $0x0, v2  }
0xc9: {  	(xrf0) =	vadd.scan.msk.s32 $0xffff, v1;
	_ =	sdelay $0x3  }
0xca: {  	v1, _, _ =	vpop (xrf0)  }
0xcb: {  	(v2sf) =	vpush v1, $0xF  }
0xcc: {  	v1, _, _ =	vpop (xrf0)  }
0xcd: {  	(v2sf) =	vpush v1, $0xF;
	_ =	sdelay $0xc  }
0xce: {  	s3 =	spop (v2sf)  }
0xcf: {  	s0 =	sand.u32 $0xFFFFF80, s3  }
0xd0: {  	s4 =	simm.s32 $0x3800;
	s5 =	spop (v2sf);
	s0 =	sadd.s32 s1, s0  }
0xd1: {  	[tilespmem:s4], [sflag:$0x4] =	stream.strided.gather [hbm4b:s0+s17], $0x1000, s10, s17, $0x38;
	[tilespmem:$0x1CA00] =	vst v63  }
0xd2: {  	s0 =	sand.u32 $0xFFFFF80, s5  }
0xd3: {  	s6 =	simm.s32 $0x11800;
	s0 =	sadd.s32 s2, s0  }
0xd4: {  	[tilespmem:s6], [sflag:$0x4] =	stream.strided.gather [hbm4b:s0+s17], $0x1000, s10, s17, $0x38;
	[tilespmem:$0x1CA00] =	vst v63  }
0xd5: {  	v1 =	vld [tilespmem:$0x0];
	_ =	sdelay $0x1  }
0xd6: {  	v2 =	vld [tilespmem:$0x200];
	_ =	sdelay $0x2  }
0xd7: {  	v1 =	vsel vm4, $0x0, v1  }
0xd8: {  	(xrf0) =	vadd.scan.msk.s32 $0xffff, v1  }
0xd9: {  	v1 =	vsel vm4, $0x0, v2  }
0xda: {  	(xrf0) =	vadd.scan.msk.s32 $0xffff, v1;
	_ =	sdelay $0x3  }
0xdb: {  	v1, _, _ =	vpop (xrf0)  }
0xdc: {  	(v2sf) =	vpush v1, $0xF  }
0xdd: {  	v1, _, _ =	vpop (xrf0)  }
0xde: {  	(v2sf) =	vpush v1, $0xF;
	_ =	sdelay $0xc  }
0xdf: {  	s7 =	spop (v2sf)  }
0xe0: {  	s0 =	sand.u32 $0xFFFFF80, s7  }
0xe1: {  	s8 =	simm.s32 $0x4800;
	s13 =	spop (v2sf);
	s0 =	sadd.s32 s1, s0  }
0xe2: {  	[tilespmem:s8], [sflag:$0x5] =	stream.strided.gather [hbm4b:s0+s17], $0x1000, s10, s17, $0x38;
	[tilespmem:$0x1CA00] =	vst v63  }
0xe3: {  	s0 =	sand.u32 $0xFFFFF80, s13  }
0xe4: {  	s14 =	simm.s32 $0x12800;
	s0 =	sadd.s32 s2, s0  }
0xe5: {  	[tilespmem:s14], [sflag:$0x5] =	stream.strided.gather [hbm4b:s0+s17], $0x1000, s10, s17, $0x38;
	[tilespmem:$0x1CA00] =	vst v63  }
0xe6: {  	v1 =	vld [tilespmem:$0x0];
	_ =	sdelay $0x1  }
0xe7: {  	v2 =	vld [tilespmem:$0x200];
	_ =	sdelay $0x2  }
0xe8: {  	v1 =	vsel vm5, $0x0, v1  }
0xe9: {  	(xrf0) =	vadd.scan.msk.s32 $0xffff, v1  }
0xea: {  	v1 =	vsel vm5, $0x0, v2  }
0xeb: {  	(xrf0) =	vadd.scan.msk.s32 $0xffff, v1;
	_ =	sdelay $0x3  }
0xec: {  	v1, _, _ =	vpop (xrf0)  }
0xed: {  	(v2sf) =	vpush v1, $0xF  }
0xee: {  	v1, _, _ =	vpop (xrf0)  }
0xef: {  	(v2sf) =	vpush v1, $0xF;
	_ =	sdelay $0xc  }
0xf0: {  	s15 =	spop (v2sf)  }
0xf1: {  	s0 =	sand.u32 $0xFFFFF80, s15  }
0xf2: {  	s16 =	simm.s32 $0x5800;
	s21 =	spop (v2sf);
	s0 =	sadd.s32 s1, s0  }
0xf3: {  	[tilespmem:s16], [sflag:$0x6] =	stream.strided.gather [hbm4b:s0+s17], $0x1000, s10, s17, $0x38;
	[tilespmem:$0x1CA00] =	vst v63  }
0xf4: {  	s0 =	sand.u32 $0xFFFFF80, s21  }
0xf5: {  	s22 =	simm.s32 $0x13800;
	s0 =	sadd.s32 s2, s0  }
0xf6: {  	[tilespmem:s22], [sflag:$0x6] =	stream.strided.gather [hbm4b:s0+s17], $0x1000, s10, s17, $0x38;
	[tilespmem:$0x1CA00] =	vst v63  }
0xf7: {  	v1 =	vld [tilespmem:$0x0];
	_ =	sdelay $0x1  }
0xf8: {  	v2 =	vld [tilespmem:$0x200];
	_ =	sdelay $0x2  }
0xf9: {  	v1 =	vsel vm6, $0x0, v1  }
0xfa: {  	(xrf0) =	vadd.scan.msk.s32 $0xffff, v1  }
0xfb: {  	v1 =	vsel vm6, $0x0, v2  }
0xfc: {  	(xrf0) =	vadd.scan.msk.s32 $0xffff, v1;
	_ =	sdelay $0x3  }
0xfd: {  	v1, _, _ =	vpop (xrf0)  }
0xfe: {  	(v2sf) =	vpush v1, $0xF  }
0xff: {  	v1, _, _ =	vpop (xrf0)  }
0x100: {  	(v2sf) =	vpush v1, $0xF;
	_ =	sdelay $0xc  }
0x101: {  	s23 =	spop (v2sf)  }
0x102: {  	s0 =	sand.u32 $0xFFFFF80, s23  }
0x103: {  	s24 =	simm.s32 $0x6800;
	s25 =	spop (v2sf);
	s0 =	sadd.s32 s1, s0  }
0x104: {  	[tilespmem:s24], [sflag:$0x7] =	stream.strided.gather [hbm4b:s0+s17], $0x1000, s10, s17, $0x38;
	[tilespmem:$0x1CA00] =	vst v63  }
0x105: {  	s0 =	sand.u32 $0xFFFFF80, s25  }
0x106: {  	s26 =	simm.s32 $0x14800;
	s0 =	sadd.s32 s2, s0  }
0x107: {  	[tilespmem:s26], [sflag:$0x7] =	stream.strided.gather [hbm4b:s0+s17], $0x1000, s10, s17, $0x38;
	[tilespmem:$0x1CA00] =	vst v63  }
0x108: {  	v1 =	vld [tilespmem:$0x0];
	_ =	sdelay $0x1  }
0x109: {  	v2 =	vld [tilespmem:$0x200];
	_ =	sdelay $0x2  }
0x10a: {  	v1 =	vsel vm7, $0x0, v1  }
0x10b: {  	(xrf0) =	vadd.scan.msk.s32 $0xffff, v1  }
0x10c: {  	v1 =	vsel vm7, $0x0, v2  }
0x10d: {  	(xrf0) =	vadd.scan.msk.s32 $0xffff, v1;
	_ =	sdelay $0x3  }
0x10e: {  	v1, _, _ =	vpop (xrf0)  }
0x10f: {  	(v2sf) =	vpush v1, $0xF  }
0x110: {  	v1, _, _ =	vpop (xrf0)  }
0x111: {  	(v2sf) =	vpush v1, $0xF;
	_ =	sdelay $0xc  }
0x112: {  	s28 =	spop (v2sf)  }
0x113: {  	s0 =	sand.u32 $0xFFFFF80, s28  }
0x114: {  	s29 =	simm.s32 $0x7800;
	s30 =	spop (v2sf);
	s0 =	sadd.s32 s1, s0  }
0x115: {  	[tilespmem:s29], [sflag:$0x8] =	stream.strided.gather [hbm4b:s0+s17], $0x1000, s10, s17, $0x38;
	[tilespmem:$0x1CA00] =	vst v63  }
0x116: {  	s0 =	sand.u32 $0xFFFFF80, s30  }
0x117: {  	s31 =	simm.s32 $0x15800;
	s0 =	sadd.s32 s2, s0  }
0x118: {  	[tilespmem:s31], [sflag:$0x8] =	stream.strided.gather [hbm4b:s0+s17], $0x1000, s10, s17, $0x38;
	[tilespmem:$0x1CA00] =	vst v63  }
0x119: {  	v1 =	vld [tilespmem:$0x0];
	_ =	sdelay $0x1  }
0x11a: {  	v2 =	vld [tilespmem:$0x200];
	_ =	sdelay $0x2  }
0x11b: {  	v1 =	vsel vm8, $0x0, v1  }
0x11c: {  	(xrf0) =	vadd.scan.msk.s32 $0xffff, v1  }
0x11d: {  	v1 =	vsel vm8, $0x0, v2  }
0x11e: {  	(xrf0) =	vadd.scan.msk.s32 $0xffff, v1;
	_ =	sdelay $0x3  }
0x11f: {  	v1, _, _ =	vpop (xrf0)  }
0x120: {  	(v2sf) =	vpush v1, $0xF  }
0x121: {  	v1, _, _ =	vpop (xrf0)  }
0x122: {  	(v2sf) =	vpush v1, $0xF;
	_ =	sdelay $0xc  }
0x123: {  	s3 =	spop (v2sf)  }
0x124: {  	s0 =	sand.u32 $0xFFFFF80, s3  }
0x125: {  	s4 =	simm.s32 $0x8800;
	s5 =	spop (v2sf);
	s0 =	sadd.s32 s1, s0  }
0x126: {  	[tilespmem:s4], [sflag:$0x9] =	stream.strided.gather [hbm4b:s0+s17], $0x1000, s10, s17, $0x38;
	[tilespmem:$0x1CA00] =	vst v63  }
0x127: {  	s0 =	sand.u32 $0xFFFFF80, s5  }
0x128: {  	s6 =	simm.s32 $0x16800;
	s0 =	sadd.s32 s2, s0  }
0x129: {  	[tilespmem:s6], [sflag:$0x9] =	stream.strided.gather [hbm4b:s0+s17], $0x1000, s10, s17, $0x38;
	[tilespmem:$0x1CA00] =	vst v63  }
0x12a: {  	v1 =	vld [tilespmem:$0x0];
	_ =	sdelay $0x1  }
0x12b: {  	v2 =	vld [tilespmem:$0x200];
	_ =	sdelay $0x2  }
0x12c: {  	v1 =	vsel vm9, $0x0, v1  }
0x12d: {  	(xrf0) =	vadd.scan.msk.s32 $0xffff, v1  }
0x12e: {  	v1 =	vsel vm9, $0x0, v2  }
0x12f: {  	(xrf0) =	vadd.scan.msk.s32 $0xffff, v1;
	_ =	sdelay $0x3  }
0x130: {  	v1, _, _ =	vpop (xrf0)  }
0x131: {  	(v2sf) =	vpush v1, $0xF  }
0x132: {  	v1, _, _ =	vpop (xrf0)  }
0x133: {  	(v2sf) =	vpush v1, $0xF;
	_ =	sdelay $0xc  }
0x134: {  	s7 =	spop (v2sf)  }
0x135: {  	s0 =	sand.u32 $0xFFFFF80, s7  }
0x136: {  	s8 =	simm.s32 $0x9800;
	s13 =	spop (v2sf);
	s0 =	sadd.s32 s1, s0  }
0x137: {  	[tilespmem:s8], [sflag:$0xA] =	stream.strided.gather [hbm4b:s0+s17], $0x1000, s10, s17, $0x38;
	[tilespmem:$0x1CA00] =	vst v63  }
0x138: {  	s0 =	sand.u32 $0xFFFFF80, s13  }
0x139: {  	s14 =	simm.s32 $0x17800;
	s0 =	sadd.s32 s2, s0  }
0x13a: {  	[tilespmem:s14], [sflag:$0xA] =	stream.strided.gather [hbm4b:s0+s17], $0x1000, s10, s17, $0x38;
	[tilespmem:$0x1CA00] =	vst v63  }
0x13b: {  	v1 =	vld [tilespmem:$0x0];
	_ =	sdelay $0x1  }
0x13c: {  	v2 =	vld [tilespmem:$0x200];
	_ =	sdelay $0x2  }
0x13d: {  	v1 =	vsel vm10, $0x0, v1  }
0x13e: {  	(xrf0) =	vadd.scan.msk.s32 $0xffff, v1  }
0x13f: {  	v1 =	vsel vm10, $0x0, v2  }
0x140: {  	(xrf0) =	vadd.scan.msk.s32 $0xffff, v1;
	_ =	sdelay $0x3  }
0x141: {  	v1, _, _ =	vpop (xrf0)  }
0x142: {  	(v2sf) =	vpush v1, $0xF  }
0x143: {  	v1, _, _ =	vpop (xrf0)  }
0x144: {  	(v2sf) =	vpush v1, $0xF;
	_ =	sdelay $0xc  }
0x145: {  	s15 =	spop (v2sf)  }
0x146: {  	s0 =	sand.u32 $0xFFFFF80, s15  }
0x147: {  	s16 =	simm.s32 $0xA800;
	s21 =	spop (v2sf);
	s0 =	sadd.s32 s1, s0  }
0x148: {  	[tilespmem:s16], [sflag:$0xB] =	stream.strided.gather [hbm4b:s0+s17], $0x1000, s10, s17, $0x38;
	[tilespmem:$0x1CA00] =	vst v63  }
0x149: {  	s0 =	sand.u32 $0xFFFFF80, s21  }
0x14a: {  	s22 =	simm.s32 $0x18800;
	s0 =	sadd.s32 s2, s0  }
0x14b: {  	[tilespmem:s22], [sflag:$0xB] =	stream.strided.gather [hbm4b:s0+s17], $0x1000, s10, s17, $0x38;
	[tilespmem:$0x1CA00] =	vst v63  }
0x14c: {  	v1 =	vld [tilespmem:$0x0];
	_ =	sdelay $0x1  }
0x14d: {  	v2 =	vld [tilespmem:$0x200];
	_ =	sdelay $0x2  }
0x14e: {  	v1 =	vsel vm11, $0x0, v1  }
0x14f: {  	(xrf0) =	vadd.scan.msk.s32 $0xffff, v1  }
0x150: {  	v1 =	vsel vm11, $0x0, v2  }
0x151: {  	(xrf0) =	vadd.scan.msk.s32 $0xffff, v1;
	_ =	sdelay $0x3  }
0x152: {  	v1, _, _ =	vpop (xrf0)  }
0x153: {  	(v2sf) =	vpush v1, $0xF  }
0x154: {  	v1, _, _ =	vpop (xrf0)  }
0x155: {  	(v2sf) =	vpush v1, $0xF;
	_ =	sdelay $0xc  }
0x156: {  	s23 =	spop (v2sf)  }
0x157: {  	s0 =	sand.u32 $0xFFFFF80, s23  }
0x158: {  	s24 =	simm.s32 $0xB800;
	s25 =	spop (v2sf);
	s0 =	sadd.s32 s1, s0  }
0x159: {  	[tilespmem:s24], [sflag:$0xC] =	stream.strided.gather [hbm4b:s0+s17], $0x1000, s10, s17, $0x38;
	[tilespmem:$0x1CA00] =	vst v63  }
0x15a: {  	s0 =	sand.u32 $0xFFFFF80, s25  }
0x15b: {  	s26 =	simm.s32 $0x19800;
	s0 =	sadd.s32 s2, s0  }
0x15c: {  	[tilespmem:s26], [sflag:$0xC] =	stream.strided.gather [hbm4b:s0+s17], $0x1000, s10, s17, $0x38;
	[tilespmem:$0x1CA00] =	vst v63  }
0x15d: {  	v1 =	vld [tilespmem:$0x0];
	_ =	sdelay $0x1  }
0x15e: {  	v2 =	vld [tilespmem:$0x200];
	_ =	sdelay $0x2  }
0x15f: {  	v1 =	vsel vm12, $0x0, v1  }
0x160: {  	(xrf0) =	vadd.scan.msk.s32 $0xffff, v1  }
0x161: {  	v1 =	vsel vm12, $0x0, v2  }
0x162: {  	(xrf0) =	vadd.scan.msk.s32 $0xffff, v1;
	_ =	sdelay $0x3  }
0x163: {  	v1, _, _ =	vpop (xrf0)  }
0x164: {  	(v2sf) =	vpush v1, $0xF  }
0x165: {  	v1, _, _ =	vpop (xrf0)  }
0x166: {  	(v2sf) =	vpush v1, $0xF;
	_ =	sdelay $0xc  }
0x167: {  	s28 =	spop (v2sf)  }
0x168: {  	s29 =	simm.s32 $0xC800;
	s31 =	simm.s32 $0x1A800;
	s0 =	sand.u32 $0xFFFFF80, s28  }
0x169: {  	s21 =	simm.s32 $0x1;
	s30 =	spop (v2sf);
	s0 =	sadd.s32 s1, s0  }
0x16a: {  	[tilespmem:s29], [sflag:$0xD] =	stream.strided.gather [hbm4b:s0+s17], $0x1000, s10, s17, $0x38;
	[tilespmem:$0x1CA00] =	vst v63  }
0x16b: {  	s22 =	simm.s32 $0x200;
	s23 =	simm.s32 $0x400;
	s0 =	sand.u32 $0xFFFFF80, s30  }
0x16c: {  	s24 =	simm.s32 $0x0;
	s25 =	simm.s32 $0x0;
	s0 =	sadd.s32 s2, s0  }
0x16d: {  	[tilespmem:s31], [sflag:$0xD] =	stream.strided.gather [hbm4b:s0+s17], $0x1000, s10, s17, $0x38;
	[tilespmem:$0x1CA00] =	vst v63  }
.LBB2_2:
0x16e: {  	v7 =	vld [tilespmem:s24+$0x0]  }
0x16f: {  	v6 =	vld [tilespmem:s22+$0x0];
	_ =	sdelay $0x3  }
0x170: {  	(v2sf) =	vpush v7, $0xD  }
0x171: {  	(v2sf) =	vpush v6, $0xD;
	_ =	sdelay $0x2  }
0x172: {  	s26 =	sadd.s32 $0xD, s25;
	s3 =	smin.u32 s21, $0x1F  }
0x173: {  	s0 =	sand.u32 $0xFFFE, s26;
	s3 =	sshll.u32 s3, $0x4  }
0x174: {  	s29 =	sand.u32 $0xFFFE, s25;
	s0 =	sshrl.u32 s0, $0x1;
	v4 =	vld [tilespmem:s3+$0x0]  }
0x175: {  	v5 =	vld [tilespmem:s3+$0x200];
	s3 =	sshrl.u32 s29, $0x1;
	s0 =	smul.u32 $0x4925, s0  }
0x176: {  	s3 =	smul.u32 $0x4925, s3  }
0x177: {  	s0 =	sshrl.u32 s0, $0x11  }
0x178: {  	s3 =	sshrl.u32 s3, $0x11;
	s0 =	smul.u32 $0xE, s0  }
0x179: {  	s3 =	smul.u32 $0xE, s3;
	_ =	sdelay $0x1  }
0x17a: {  	v2 =	vld [tilespmem:s23+$0x0];
	s0 =	ssub.s32 s26, s0;
	s3 =	ssub.s32 s25, s3  }
0x17b: {  	s13 =	sand.u32 $0xFFFF, s0;
	s3 =	sand.u32 $0xFFFF, s3  }
0x17c: {  	v1 =	vld [tilespmem:s20+$0x0];
	s0 =	sshll.u32 s13, $0xC;
	s30 =	sadd.s32 $0x1, s13;
	s15 =	spop (v2sf)  }
0x17d: {  	s5 =	sshll.u32 s3, $0xC;
	s14 =	sand.u32 $0xFFFFF80, s15;
	s31 =	spop (v2sf)  }
0x17e: {  	s16 =	sor.u32 $0x800, s0;
	s28 =	sadd.s32 s1, s14;
	s13 =	sand.u32 $0xFFFFF80, s31  }
0x17f: {  	v8 =	vbroadcast v2, $0x0;
	[tilespmem:s16], [sflag:s30] =	stream.strided.gather [hbm4b:s28+s17], $0x1000, s10, s17, $0x38;
	[tilespmem:$0x1CA00] =	vst v63  }
0x180: {  	v3 =	vor.u32 $0x800, v0;
	s3 =	sadd.s32 $0x1, s3;
	s4 =	sadd.s32 $0xE800, s0;
	s13 =	sadd.s32 s2, s13  }
0x181: {  	v9 =	vbroadcast v1, $0x0;
	v10 =	vand.u32 $0xFFFFFF80, v8;
	v11 =	vor.u32 s5, v0;
	[tilespmem:s4], [sflag:s30] =	stream.strided.gather [hbm4b:s13+s17], $0x1000, s10, s17, $0x38;
	[tilespmem:$0x1CA00] =	vst v63  }
0x182: {  	v8 =	vand.u32 $0x7F, v8;
	v13 =	vor.u32 s5, v3;
	v12 =	vadd.s32 v11, v10;
	_ =	swait.ge [sflag:s3], $0x1000  }
0x183: {  	v14 =	vand.u32 $0xFFFFFF80, v9;
	v10 =	vadd.s32 v13, v10;
	v12 =	vor.u32 v8, v12;
	[sflag:s3] =	ssyncset.done $0x0  }
0x184: {  	v9 =	vand.u32 $0x7F, v9;
	v29 =	vadd.s32 v11, v14;
	v8 =	vor.u32 v8, v10;
	[sflag:s3] =	ssyncadd.s32 $0xFFFFF000  }
0x185: {  	v30 =	vadd.s32 v13, v14;
	v10 =	vor.u32 v9, v29;
	_ =	swait.ge [sflag:s3], $0x1000  }
0x186: {  	v9 =	vor.u32 v9, v30;
	[sflag:s3] =	ssyncset.done $0x0  }
0x187: {  	[sflag:s3] =	ssyncadd.s32 $0xFFFFF000  }
0x188: {  	v31 =	vld.idx.msk [tilespmem:v12+s11+$0x0], $0xffff  }
0x189: {  	v8 =	vld.idx.msk [tilespmem:v8+s11+$0x0], $0xffff  }
0x18a: {  	v10 =	vld.idx.msk [tilespmem:v10+s12+$0x0], $0xffff  }
0x18b: {  	v9 =	vld.idx.msk [tilespmem:v9+s12+$0x0], $0xffff;
	_ =	sdelay $0x4  }
0x18c: {  	s28 =	sadd.s32 $0xE, s25;
	(v2sf) =	vpush v7, $0xE;
	v10 =	vmul.f32 v10, v31;
	v8 =	vmul.f32 v9, v8  }
0x18d: {  	s6 =	sand.u32 $0xFFFE, s28  }
0x18e: {  	(v2sf) =	vpush v6, $0xE;
	s3 =	sshrl.u32 s6, $0x1;
	v8 =	vadd.f32 v8, v10  }
0x18f: {  	s3 =	smul.u32 $0x4925, s3  }
0x190: {  	(xrf2) =	vadd.scan.msk.f32 $0xffff, v8  }
0x191: {  	s3 =	sshrl.u32 s3, $0x11  }
0x192: {  	s3 =	smul.u32 $0xE, s3;
	_ =	sdelay $0x1  }
0x193: {  	s8 =	sadd.s32 $0x1, s25;
	s3 =	ssub.s32 s28, s3  }
0x194: {  	v32 =	vmov s25;
	s29 =	sand.u32 $0xFFFE, s8;
	s3 =	sand.u32 $0xFFFF, s3  }
0x195: {  	s13 =	sshll.u32 s3, $0xC;
	s31 =	sadd.s32 $0x1, s3;
	s3 =	sshrl.u32 s29, $0x1;
	v8 =	vand.u32 $0xFFFFFFF0, v32  }
0x196: {  	s3 =	smul.u32 $0x4925, s3;
	v8 =	vbroadcast v8, $0x0;
	_ =	sdelay $0x1  }
0x197: {  	s3 =	sshrl.u32 s3, $0x11  }
0x198: {  	s3 =	smul.u32 $0xE, s3;
	v33, _, _ =	vpop (xrf2)  }
0x199: {  	s7 =	spop (v2sf);
	v9 =	vbroadcast v33, $0xF  }
0x19a: {  	s16 =	sor.u32 $0x800, s13;
	s3 =	ssub.s32 s8, s3;
	s15 =	sand.u32 $0xFFFFF80, s7  }
0x19b: {  	s4 =	spop (v2sf);
	s3 =	sand.u32 $0xFFFF, s3;
	s15 =	sadd.s32 s1, s15;
	[tilespmem:v8+s18+$0x0] =	vst.idx.msk $0x1, v9  }
0x19c: {  	[tilespmem:s16], [sflag:s31] =	stream.strided.gather [hbm4b:s15+s17], $0x1000, s10, s17, $0x38;
	[tilespmem:$0x1CA00] =	vst v63  }
0x19d: {  	v34 =	vbroadcast v2, $0x1;
	s5 =	sshll.u32 s3, $0xC;
	s15 =	sand.u32 $0xFFFFF80, s4  }
0x19e: {  	s3 =	sadd.s32 $0x1, s3;
	s16 =	sadd.s32 $0xE800, s13;
	s15 =	sadd.s32 s2, s15  }
0x19f: {  	v35 =	vbroadcast v1, $0x1;
	v36 =	vand.u32 $0xFFFFFF80, v34;
	v37 =	vor.u32 s5, v0;
	[tilespmem:s16], [sflag:s31] =	stream.strided.gather [hbm4b:s15+s17], $0x1000, s10, s17, $0x38;
	[tilespmem:$0x1CA00] =	vst v63  }
0x1a0: {  	v39 =	vor.u32 s5, v3;
	v38 =	vadd.s32 v37, v36;
	v8 =	vand.u32 $0x7F, v34;
	_ =	swait.ge [sflag:s3], $0x1000  }
0x1a1: {  	v40 =	vand.u32 $0xFFFFFF80, v35;
	v10 =	vadd.s32 v39, v36;
	v12 =	vor.u32 v8, v38;
	[sflag:s3] =	ssyncset.done $0x0  }
0x1a2: {  	v41 =	vadd.s32 v37, v40;
	v9 =	vand.u32 $0x7F, v35;
	v8 =	vor.u32 v8, v10;
	[sflag:s3] =	ssyncadd.s32 $0xFFFFF000  }
0x1a3: {  	v42 =	vadd.s32 v39, v40;
	v10 =	vor.u32 v9, v41;
	_ =	swait.ge [sflag:s3], $0x1000  }
0x1a4: {  	v9 =	vor.u32 v9, v42;
	[sflag:s3] =	ssyncset.done $0x0  }
0x1a5: {  	[sflag:s3] =	ssyncadd.s32 $0xFFFFF000  }
0x1a6: {  	v43 =	vld.idx.msk [tilespmem:v12+s11+$0x0], $0xffff  }
0x1a7: {  	v8 =	vld.idx.msk [tilespmem:v8+s11+$0x0], $0xffff  }
0x1a8: {  	v10 =	vld.idx.msk [tilespmem:v10+s12+$0x0], $0xffff  }
0x1a9: {  	v9 =	vld.idx.msk [tilespmem:v9+s12+$0x0], $0xffff;
	_ =	sdelay $0x4  }
0x1aa: {  	(v2sf) =	vpush v7, $0xF;
	v10 =	vmul.f32 v10, v43;
	v8 =	vmul.f32 v9, v8;
	_ =	sdelay $0x1  }
0x1ab: {  	v44 =	vadd.f32 v8, v10;
	_ =	sdelay $0x1  }
0x1ac: {  	(xrf2) =	vadd.scan.msk.f32 $0xffff, v44;
	_ =	sdelay $0x1  }
0x1ad: {  	s29 =	sadd.s32 $0xF, s25;
	(v2sf) =	vpush v6, $0xF  }
0x1ae: {  	s6 =	sand.u32 $0xFFFE, s29  }
0x1af: {  	s3 =	sshrl.u32 s6, $0x1  }
0x1b0: {  	v45 =	vmov s8;
	s3 =	smul.u32 $0x4925, s3  }
0x1b1: {  	v6 =	vand.u32 $0xFFFFFFF1, v45  }
0x1b2: {  	v6 =	vbroadcast v6, $0x0;
	s3 =	sshrl.u32 s3, $0x11  }
0x1b3: {  	s3 =	smul.u32 $0xE, s3;
	_ =	sdelay $0x1  }
0x1b4: {  	s3 =	ssub.s32 s29, s3;
	v7, _, _ =	vpop (xrf2)  }
0x1b5: {  	s15 =	sadd.s32 $0x2, s25;
	s3 =	sand.u32 $0xFFFF, s3;
	s7 =	spop (v2sf);
	v7 =	vbroadcast v7, $0xF  }
0x1b6: {  	s4 =	sand.u32 $0xFFFE, s15;
	s14 =	sshll.u32 s3, $0xC;
	s8 =	sand.u32 $0xFFFFF80, s7  }
0x1b7: {  	s3 =	sadd.s32 $0x1, s3;
	s5 =	sor.u32 $0x800, s14;
	s16 =	sadd.s32 s1, s8;
	[tilespmem:v6+s18+$0x0] =	vst.idx.msk $0x1, v7  }
0x1b8: {  	[tilespmem:s5], [sflag:s3] =	stream.strided.gather [hbm4b:s16+s17], $0x1000, s10, s17, $0x38;
	[tilespmem:$0x1CA00] =	vst v63  }
0x1b9: {  	s5 =	sshrl.u32 s4, $0x1  }
0x1ba: {  	s5 =	smul.u32 $0x4925, s5  }
0x1bb: {  	s6 =	spop (v2sf)  }
0x1bc: {  	s16 =	sand.u32 $0xFFFFF80, s6;
	s5 =	sshrl.u32 s5, $0x11  }
0x1bd: {  	s6 =	sadd.s32 $0xE800, s14;
	s16 =	sadd.s32 s2, s16;
	s5 =	smul.u32 $0xE, s5  }
0x1be: {  	[tilespmem:s6], [sflag:s3] =	stream.strided.gather [hbm4b:s16+s17], $0x1000, s10, s17, $0x38;
	[tilespmem:$0x1CA00] =	vst v63  }
0x1bf: {  	s5 =	ssub.s32 s15, s5  }
0x1c0: {  	v46 =	vbroadcast v2, $0x2;
	s5 =	sand.u32 $0xFFFF, s5  }
0x1c1: {  	s7 =	sshll.u32 s5, $0xC  }
0x1c2: {  	v47 =	vbroadcast v1, $0x2;
	v48 =	vand.u32 $0xFFFFFF80, v46;
	s5 =	sadd.s32 $0x1, s5;
	v49 =	vor.u32 s7, v0  }
0x1c3: {  	v6 =	vand.u32 $0x7F, v46;
	_ =	swait.ge [sflag:s5], $0x1000;
	v51 =	vor.u32 s7, v3;
	v50 =	vadd.s32 v49, v48  }
0x1c4: {  	v52 =	vand.u32 $0xFFFFFF80, v47;
	[sflag:s5] =	ssyncset.done $0x0;
	v8 =	vadd.s32 v51, v48;
	v10 =	vor.u32 v6, v50  }
0x1c5: {  	v7 =	vand.u32 $0x7F, v47;
	v53 =	vadd.s32 v49, v52;
	[sflag:s5] =	ssyncadd.s32 $0xFFFFF000;
	v6 =	vor.u32 v6, v8  }
0x1c6: {  	v54 =	vadd.s32 v51, v52;
	v8 =	vor.u32 v7, v53;
	_ =	swait.ge [sflag:s5], $0x1000  }
0x1c7: {  	v7 =	vor.u32 v7, v54;
	[sflag:s5] =	ssyncset.done $0x0  }
0x1c8: {  	[sflag:s5] =	ssyncadd.s32 $0xFFFFF000  }
0x1c9: {  	v55 =	vld.idx.msk [tilespmem:v10+s11+$0x0], $0xffff  }
0x1ca: {  	v6 =	vld.idx.msk [tilespmem:v6+s11+$0x0], $0xffff  }
0x1cb: {  	v8 =	vld.idx.msk [tilespmem:v8+s12+$0x0], $0xffff  }
0x1cc: {  	v7 =	vld.idx.msk [tilespmem:v7+s12+$0x0], $0xffff;
	_ =	sdelay $0x3  }
0x1cd: {  	p0 =	seq.s32 s25, $0x1F0  }
0x1ce: {  	(v2sf) =	vpush @!p0 v4, $0x0;
	v8 =	vmul.f32 v8, v55;
	v6 =	vmul.f32 v7, v6;
	_ =	sdelay $0x1  }
0x1cf: {  	v6 =	vadd.f32 v6, v8;
	_ =	sdelay $0x1  }
0x1d0: {  	(xrf2) =	vadd.scan.msk.f32 $0xffff, v6;
	_ =	sdelay $0x1  }
0x1d1: {  	s5 =	sadd.s32 @!p0 $0x10, s25  }
0x1d2: {  	(v2sf) =	vpush @!p0 v5, $0x0;
	s6 =	sand.u32 @!p0 $0xFFFE, s5  }
0x1d3: {  	s6 =	sshrl.u32 @!p0 s6, $0x1  }
0x1d4: {  	v56 =	vmov s15;
	s6 =	smul.u32 @!p0 $0x4925, s6  }
0x1d5: {  	v6 =	vand.u32 $0xFFFFFFF2, v56  }
0x1d6: {  	s6 =	sshrl.u32 @!p0 s6, $0x11;
	v6 =	vbroadcast v6, $0x0  }
0x1d7: {  	s6 =	smul.u32 @!p0 $0xE, s6;
	_ =	sdelay $0x1  }
0x1d8: {  	s16 =	simm.s32 @!p0 $0x7A1400;
	s5 =	ssub.s32 @!p0 s5, s6;
	v57, _, _ =	vpop (xrf2)  }
0x1d9: {  	s6 =	sadd.s32 $0x3, s25;
	s5 =	sand.u32 @!p0 $0xFFFF, s5;
	s15 =	spop @!p0 (v2sf);
	v7 =	vbroadcast v57, $0xF  }
0x1da: {  	s7 =	sshll.u32 @!p0 s5, $0xC;
	s5 =	sadd.s32 @!p0 $0x1, s5;
	s15 =	sand.u32 @!p0 $0xFFFFF80, s15  }
0x1db: {  	s8 =	sor.u32 @!p0 $0x800, s7;
	s4 =	sadd.s32 @!p0 s1, s15;
	s15 =	simm.s32 @!p0 $0x400;
	[tilespmem:v6+s18+$0x0] =	vst.idx.msk $0x1, v7  }
0x1dc: {  	[tilespmem:s8], [sflag:s5] =	stream.strided.gather @!p0 [hbm4b:s4+s15], $0x1000, s16, s15, $0x38;
	[tilespmem:$0x1CA00] =	vst v63  }
0x1dd: {  	s8 =	sand.u32 $0xFFFE, s6  }
0x1de: {  	s4 =	sshrl.u32 s8, $0x1  }
0x1df: {  	s4 =	smul.u32 $0x4925, s4  }
0x1e0: {  	s8 =	spop @!p0 (v2sf)  }
0x1e1: {  	s8 =	sand.u32 @!p0 $0xFFFFF80, s8;
	s4 =	sshrl.u32 s4, $0x11  }
0x1e2: {  	s7 =	sadd.s32 @!p0 $0xE800, s7;
	s8 =	sadd.s32 @!p0 s2, s8;
	s4 =	smul.u32 $0xE, s4  }
0x1e3: {  	[tilespmem:s7], [sflag:s5] =	stream.strided.gather @!p0 [hbm4b:s8+s15], $0x1000, s16, s15, $0x38;
	[tilespmem:$0x1CA00] =	vst v63  }
0x1e4: {  	s4 =	ssub.s32 s6, s4  }
0x1e5: {  	v58 =	vbroadcast v2, $0x3;
	s4 =	sand.u32 $0xFFFF, s4  }
0x1e6: {  	s7 =	sshll.u32 s4, $0xC  }
0x1e7: {  	v59 =	vbroadcast v1, $0x3;
	v60 =	vand.u32 $0xFFFFFF80, v58;
	s4 =	sadd.s32 $0x1, s4;
	v61 =	vor.u32 s7, v0  }
0x1e8: {  	v6 =	vand.u32 $0x7F, v58;
	_ =	swait.ge [sflag:s4], $0x1000;
	v63 =	vor.u32 s7, v3;
	v62 =	vadd.s32 v61, v60  }
0x1e9: {  	v16 =	vand.u32 $0xFFFFFF80, v59;
	[sflag:s4] =	ssyncset.done $0x0;
	v8 =	vadd.s32 v63, v60;
	v10 =	vor.u32 v6, v62  }
0x1ea: {  	v7 =	vand.u32 $0x7F, v59;
	v17 =	vadd.s32 v61, v16;
	[sflag:s4] =	ssyncadd.s32 $0xFFFFF000;
	v6 =	vor.u32 v6, v8  }
0x1eb: {  	v18 =	vadd.s32 v63, v16;
	v8 =	vor.u32 v7, v17;
	_ =	swait.ge [sflag:s4], $0x1000  }
0x1ec: {  	v7 =	vor.u32 v7, v18;
	[sflag:s4] =	ssyncset.done $0x0  }
0x1ed: {  	[sflag:s4] =	ssyncadd.s32 $0xFFFFF000  }
0x1ee: {  	v19 =	vld.idx.msk [tilespmem:v10+s11+$0x0], $0xffff  }
0x1ef: {  	v6 =	vld.idx.msk [tilespmem:v6+s11+$0x0], $0xffff  }
0x1f0: {  	v8 =	vld.idx.msk [tilespmem:v8+s12+$0x0], $0xffff  }
0x1f1: {  	v7 =	vld.idx.msk [tilespmem:v7+s12+$0x0], $0xffff;
	_ =	sdelay $0x4  }
0x1f2: {  	(v2sf) =	vpush @!p0 v4, $0x1;
	v8 =	vmul.f32 v8, v19;
	v6 =	vmul.f32 v7, v6;
	_ =	sdelay $0x1  }
0x1f3: {  	v6 =	vadd.f32 v6, v8;
	_ =	sdelay $0x1  }
0x1f4: {  	(xrf2) =	vadd.scan.msk.f32 $0xffff, v6;
	_ =	sdelay $0x1  }
0x1f5: {  	s4 =	sadd.s32 @!p0 $0x11, s25  }
0x1f6: {  	(v2sf) =	vpush @!p0 v5, $0x1;
	s5 =	sand.u32 @!p0 $0xFFFE, s4  }
0x1f7: {  	s5 =	sshrl.u32 @!p0 s5, $0x1  }
0x1f8: {  	v20 =	vmov s6;
	s5 =	smul.u32 @!p0 $0x4925, s5  }
0x1f9: {  	v6 =	vand.u32 $0xFFFFFFF3, v20  }
0x1fa: {  	s5 =	sshrl.u32 @!p0 s5, $0x11;
	v6 =	vbroadcast v6, $0x0  }
0x1fb: {  	s5 =	smul.u32 @!p0 $0xE, s5;
	_ =	sdelay $0x1  }
0x1fc: {  	s4 =	ssub.s32 @!p0 s4, s5;
	v21, _, _ =	vpop (xrf2)  }
0x1fd: {  	s4 =	sand.u32 @!p0 $0xFFFF, s4;
	s5 =	spop @!p0 (v2sf);
	v7 =	vbroadcast v21, $0xF  }
0x1fe: {  	s6 =	sadd.s32 $0x4, s25;
	s7 =	sshll.u32 @!p0 s4, $0xC;
	s5 =	sand.u32 @!p0 $0xFFFFF80, s5  }
0x1ff: {  	s4 =	sadd.s32 @!p0 $0x1, s4;
	s8 =	sor.u32 @!p0 $0x800, s7;
	s5 =	sadd.s32 @!p0 s1, s5;
	[tilespmem:v6+s18+$0x0] =	vst.idx.msk $0x1, v7  }
0x200: {  	[tilespmem:s8], [sflag:s4] =	stream.strided.gather @!p0 [hbm4b:s5+s15], $0x1000, s16, s15, $0x38;
	[tilespmem:$0x1CA00] =	vst v63  }
0x201: {  	s8 =	sand.u32 $0xFFFE, s6  }
0x202: {  	s5 =	sshrl.u32 s8, $0x1  }
0x203: {  	s5 =	smul.u32 $0x4925, s5  }
0x204: {  	s8 =	spop @!p0 (v2sf)  }
0x205: {  	s8 =	sand.u32 @!p0 $0xFFFFF80, s8;
	s5 =	sshrl.u32 s5, $0x11  }
0x206: {  	s7 =	sadd.s32 @!p0 $0xE800, s7;
	s8 =	sadd.s32 @!p0 s2, s8;
	s5 =	smul.u32 $0xE, s5  }
0x207: {  	[tilespmem:s7], [sflag:s4] =	stream.strided.gather @!p0 [hbm4b:s8+s15], $0x1000, s16, s15, $0x38;
	[tilespmem:$0x1CA00] =	vst v63  }
0x208: {  	s5 =	ssub.s32 s6, s5  }
0x209: {  	v22 =	vbroadcast v2, $0x4;
	s4 =	sand.u32 $0xFFFF, s5  }
0x20a: {  	s7 =	sshll.u32 s4, $0xC  }
0x20b: {  	v23 =	vbroadcast v1, $0x4;
	v24 =	vand.u32 $0xFFFFFF80, v22;
	s4 =	sadd.s32 $0x1, s4;
	v25 =	vor.u32 s7, v0  }
0x20c: {  	v6 =	vand.u32 $0x7F, v22;
	_ =	swait.ge [sflag:s4], $0x1000;
	v27 =	vor.u32 s7, v3;
	v26 =	vadd.s32 v25, v24  }
0x20d: {  	v28 =	vand.u32 $0xFFFFFF80, v23;
	[sflag:s4] =	ssyncset.done $0x0;
	v8 =	vadd.s32 v27, v24;
	v10 =	vor.u32 v6, v26  }
0x20e: {  	v7 =	vand.u32 $0x7F, v23;
	v29 =	vadd.s32 v25, v28;
	[sflag:s4] =	ssyncadd.s32 $0xFFFFF000;
	v6 =	vor.u32 v6, v8  }
0x20f: {  	v30 =	vadd.s32 v27, v28;
	v8 =	vor.u32 v7, v29;
	_ =	swait.ge [sflag:s4], $0x1000  }
0x210: {  	v7 =	vor.u32 v7, v30;
	[sflag:s4] =	ssyncset.done $0x0  }
0x211: {  	[sflag:s4] =	ssyncadd.s32 $0xFFFFF000  }
0x212: {  	v31 =	vld.idx.msk [tilespmem:v10+s11+$0x0], $0xffff  }
0x213: {  	v6 =	vld.idx.msk [tilespmem:v6+s11+$0x0], $0xffff  }
0x214: {  	v8 =	vld.idx.msk [tilespmem:v8+s12+$0x0], $0xffff  }
0x215: {  	v7 =	vld.idx.msk [tilespmem:v7+s12+$0x0], $0xffff;
	_ =	sdelay $0x4  }
0x216: {  	(v2sf) =	vpush @!p0 v4, $0x2;
	v8 =	vmul.f32 v8, v31;
	v6 =	vmul.f32 v7, v6;
	_ =	sdelay $0x1  }
0x217: {  	v6 =	vadd.f32 v6, v8;
	_ =	sdelay $0x1  }
0x218: {  	(xrf2) =	vadd.scan.msk.f32 $0xffff, v6;
	_ =	sdelay $0x1  }
0x219: {  	s4 =	sadd.s32 @!p0 $0x12, s25  }
0x21a: {  	(v2sf) =	vpush @!p0 v5, $0x2;
	s5 =	sand.u32 @!p0 $0xFFFE, s4  }
0x21b: {  	s5 =	sshrl.u32 @!p0 s5, $0x1  }
0x21c: {  	v32 =	vmov s6;
	s5 =	smul.u32 @!p0 $0x4925, s5  }
0x21d: {  	v6 =	vand.u32 $0xFFFFFFF4, v32  }
0x21e: {  	s5 =	sshrl.u32 @!p0 s5, $0x11;
	v6 =	vbroadcast v6, $0x0  }
0x21f: {  	s5 =	smul.u32 @!p0 $0xE, s5;
	_ =	sdelay $0x1  }
0x220: {  	s4 =	ssub.s32 @!p0 s4, s5;
	v33, _, _ =	vpop (xrf2)  }
0x221: {  	s4 =	sand.u32 @!p0 $0xFFFF, s4;
	s5 =	spop @!p0 (v2sf);
	v7 =	vbroadcast v33, $0xF  }
0x222: {  	s6 =	sadd.s32 $0x5, s25;
	s7 =	sshll.u32 @!p0 s4, $0xC;
	s5 =	sand.u32 @!p0 $0xFFFFF80, s5  }
0x223: {  	s4 =	sadd.s32 @!p0 $0x1, s4;
	s8 =	sor.u32 @!p0 $0x800, s7;
	s5 =	sadd.s32 @!p0 s1, s5;
	[tilespmem:v6+s18+$0x0] =	vst.idx.msk $0x1, v7  }
0x224: {  	[tilespmem:s8], [sflag:s4] =	stream.strided.gather @!p0 [hbm4b:s5+s15], $0x1000, s16, s15, $0x38;
	[tilespmem:$0x1CA00] =	vst v63  }
0x225: {  	s8 =	sand.u32 $0xFFFE, s6  }
0x226: {  	s5 =	sshrl.u32 s8, $0x1  }
0x227: {  	s5 =	smul.u32 $0x4925, s5  }
0x228: {  	s8 =	spop @!p0 (v2sf)  }
0x229: {  	s8 =	sand.u32 @!p0 $0xFFFFF80, s8;
	s5 =	sshrl.u32 s5, $0x11  }
0x22a: {  	s7 =	sadd.s32 @!p0 $0xE800, s7;
	s8 =	sadd.s32 @!p0 s2, s8;
	s5 =	smul.u32 $0xE, s5  }
0x22b: {  	[tilespmem:s7], [sflag:s4] =	stream.strided.gather @!p0 [hbm4b:s8+s15], $0x1000, s16, s15, $0x38;
	[tilespmem:$0x1CA00] =	vst v63  }
0x22c: {  	s5 =	ssub.s32 s6, s5  }
0x22d: {  	v34 =	vbroadcast v2, $0x5;
	s4 =	sand.u32 $0xFFFF, s5  }
0x22e: {  	s7 =	sshll.u32 s4, $0xC  }
0x22f: {  	v35 =	vbroadcast v1, $0x5;
	v36 =	vand.u32 $0xFFFFFF80, v34;
	s4 =	sadd.s32 $0x1, s4;
	v37 =	vor.u32 s7, v0  }
0x230: {  	v6 =	vand.u32 $0x7F, v34;
	_ =	swait.ge [sflag:s4], $0x1000;
	v39 =	vor.u32 s7, v3;
	v38 =	vadd.s32 v37, v36  }
0x231: {  	v40 =	vand.u32 $0xFFFFFF80, v35;
	[sflag:s4] =	ssyncset.done $0x0;
	v8 =	vadd.s32 v39, v36;
	v10 =	vor.u32 v6, v38  }
0x232: {  	v7 =	vand.u32 $0x7F, v35;
	v41 =	vadd.s32 v37, v40;
	[sflag:s4] =	ssyncadd.s32 $0xFFFFF000;
	v6 =	vor.u32 v6, v8  }
0x233: {  	v42 =	vadd.s32 v39, v40;
	v8 =	vor.u32 v7, v41;
	_ =	swait.ge [sflag:s4], $0x1000  }
0x234: {  	v7 =	vor.u32 v7, v42;
	[sflag:s4] =	ssyncset.done $0x0  }
0x235: {  	[sflag:s4] =	ssyncadd.s32 $0xFFFFF000  }
0x236: {  	v43 =	vld.idx.msk [tilespmem:v10+s11+$0x0], $0xffff  }
0x237: {  	v6 =	vld.idx.msk [tilespmem:v6+s11+$0x0], $0xffff  }
0x238: {  	v8 =	vld.idx.msk [tilespmem:v8+s12+$0x0], $0xffff  }
0x239: {  	v7 =	vld.idx.msk [tilespmem:v7+s12+$0x0], $0xffff;
	_ =	sdelay $0x4  }
0x23a: {  	(v2sf) =	vpush @!p0 v4, $0x3;
	v8 =	vmul.f32 v8, v43;
	v6 =	vmul.f32 v7, v6;
	_ =	sdelay $0x1  }
0x23b: {  	v6 =	vadd.f32 v6, v8;
	_ =	sdelay $0x1  }
0x23c: {  	(xrf2) =	vadd.scan.msk.f32 $0xffff, v6;
	_ =	sdelay $0x1  }
0x23d: {  	s4 =	sadd.s32 @!p0 $0x13, s25  }
0x23e: {  	(v2sf) =	vpush @!p0 v5, $0x3;
	s5 =	sand.u32 @!p0 $0xFFFE, s4  }
0x23f: {  	s5 =	sshrl.u32 @!p0 s5, $0x1  }
0x240: {  	v44 =	vmov s6;
	s5 =	smul.u32 @!p0 $0x4925, s5  }
0x241: {  	v6 =	vand.u32 $0xFFFFFFF5, v44  }
0x242: {  	s5 =	sshrl.u32 @!p0 s5, $0x11;
	v6 =	vbroadcast v6, $0x0  }
0x243: {  	s5 =	smul.u32 @!p0 $0xE, s5;
	_ =	sdelay $0x1  }
0x244: {  	s4 =	ssub.s32 @!p0 s4, s5;
	v45, _, _ =	vpop (xrf2)  }
0x245: {  	s4 =	sand.u32 @!p0 $0xFFFF, s4;
	s5 =	spop @!p0 (v2sf);
	v7 =	vbroadcast v45, $0xF  }
0x246: {  	s6 =	sadd.s32 $0x6, s25;
	s7 =	sshll.u32 @!p0 s4, $0xC;
	s5 =	sand.u32 @!p0 $0xFFFFF80, s5  }
0x247: {  	s4 =	sadd.s32 @!p0 $0x1, s4;
	s8 =	sor.u32 @!p0 $0x800, s7;
	s5 =	sadd.s32 @!p0 s1, s5;
	[tilespmem:v6+s18+$0x0] =	vst.idx.msk $0x1, v7  }
0x248: {  	[tilespmem:s8], [sflag:s4] =	stream.strided.gather @!p0 [hbm4b:s5+s15], $0x1000, s16, s15, $0x38;
	[tilespmem:$0x1CA00] =	vst v63  }
0x249: {  	s8 =	sand.u32 $0xFFFE, s6  }
0x24a: {  	s5 =	sshrl.u32 s8, $0x1  }
0x24b: {  	s5 =	smul.u32 $0x4925, s5  }
0x24c: {  	s8 =	spop @!p0 (v2sf)  }
0x24d: {  	s8 =	sand.u32 @!p0 $0xFFFFF80, s8;
	s5 =	sshrl.u32 s5, $0x11  }
0x24e: {  	s7 =	sadd.s32 @!p0 $0xE800, s7;
	s8 =	sadd.s32 @!p0 s2, s8;
	s5 =	smul.u32 $0xE, s5  }
0x24f: {  	[tilespmem:s7], [sflag:s4] =	stream.strided.gather @!p0 [hbm4b:s8+s15], $0x1000, s16, s15, $0x38;
	[tilespmem:$0x1CA00] =	vst v63  }
0x250: {  	s5 =	ssub.s32 s6, s5  }
0x251: {  	v46 =	vbroadcast v2, $0x6;
	s4 =	sand.u32 $0xFFFF, s5  }
0x252: {  	s7 =	sshll.u32 s4, $0xC  }
0x253: {  	v47 =	vbroadcast v1, $0x6;
	v48 =	vand.u32 $0xFFFFFF80, v46;
	s4 =	sadd.s32 $0x1, s4;
	v49 =	vor.u32 s7, v0  }
0x254: {  	v6 =	vand.u32 $0x7F, v46;
	_ =	swait.ge [sflag:s4], $0x1000;
	v51 =	vor.u32 s7, v3;
	v50 =	vadd.s32 v49, v48  }
0x255: {  	v52 =	vand.u32 $0xFFFFFF80, v47;
	[sflag:s4] =	ssyncset.done $0x0;
	v8 =	vadd.s32 v51, v48;
	v10 =	vor.u32 v6, v50  }
0x256: {  	v7 =	vand.u32 $0x7F, v47;
	v53 =	vadd.s32 v49, v52;
	[sflag:s4] =	ssyncadd.s32 $0xFFFFF000;
	v6 =	vor.u32 v6, v8  }
0x257: {  	v54 =	vadd.s32 v51, v52;
	v8 =	vor.u32 v7, v53;
	_ =	swait.ge [sflag:s4], $0x1000  }
0x258: {  	v7 =	vor.u32 v7, v54;
	[sflag:s4] =	ssyncset.done $0x0  }
0x259: {  	[sflag:s4] =	ssyncadd.s32 $0xFFFFF000  }
0x25a: {  	v55 =	vld.idx.msk [tilespmem:v10+s11+$0x0], $0xffff  }
0x25b: {  	v6 =	vld.idx.msk [tilespmem:v6+s11+$0x0], $0xffff  }
0x25c: {  	v8 =	vld.idx.msk [tilespmem:v8+s12+$0x0], $0xffff  }
0x25d: {  	v7 =	vld.idx.msk [tilespmem:v7+s12+$0x0], $0xffff;
	_ =	sdelay $0x4  }
0x25e: {  	(v2sf) =	vpush @!p0 v4, $0x4;
	v8 =	vmul.f32 v8, v55;
	v6 =	vmul.f32 v7, v6;
	_ =	sdelay $0x1  }
0x25f: {  	v6 =	vadd.f32 v6, v8;
	_ =	sdelay $0x1  }
0x260: {  	(xrf2) =	vadd.scan.msk.f32 $0xffff, v6;
	_ =	sdelay $0x1  }
0x261: {  	s4 =	sadd.s32 @!p0 $0x14, s25  }
0x262: {  	(v2sf) =	vpush @!p0 v5, $0x4;
	s5 =	sand.u32 @!p0 $0xFFFE, s4  }
0x263: {  	s5 =	sshrl.u32 @!p0 s5, $0x1  }
0x264: {  	v56 =	vmov s6;
	s5 =	smul.u32 @!p0 $0x4925, s5  }
0x265: {  	v6 =	vand.u32 $0xFFFFFFF6, v56  }
0x266: {  	s5 =	sshrl.u32 @!p0 s5, $0x11;
	v6 =	vbroadcast v6, $0x0  }
0x267: {  	s5 =	smul.u32 @!p0 $0xE, s5;
	_ =	sdelay $0x1  }
0x268: {  	s4 =	ssub.s32 @!p0 s4, s5;
	v57, _, _ =	vpop (xrf2)  }
0x269: {  	s4 =	sand.u32 @!p0 $0xFFFF, s4;
	s5 =	spop @!p0 (v2sf);
	v7 =	vbroadcast v57, $0xF  }
0x26a: {  	s6 =	sadd.s32 $0x7, s25;
	s7 =	sshll.u32 @!p0 s4, $0xC;
	s5 =	sand.u32 @!p0 $0xFFFFF80, s5  }
0x26b: {  	s4 =	sadd.s32 @!p0 $0x1, s4;
	s8 =	sor.u32 @!p0 $0x800, s7;
	s5 =	sadd.s32 @!p0 s1, s5;
	[tilespmem:v6+s18+$0x0] =	vst.idx.msk $0x1, v7  }
0x26c: {  	[tilespmem:s8], [sflag:s4] =	stream.strided.gather @!p0 [hbm4b:s5+s15], $0x1000, s16, s15, $0x38;
	[tilespmem:$0x1CA00] =	vst v63  }
0x26d: {  	s8 =	sand.u32 $0xFFFE, s6  }
0x26e: {  	s5 =	sshrl.u32 s8, $0x1  }
0x26f: {  	s5 =	smul.u32 $0x4925, s5  }
0x270: {  	s8 =	spop @!p0 (v2sf)  }
0x271: {  	s8 =	sand.u32 @!p0 $0xFFFFF80, s8;
	s5 =	sshrl.u32 s5, $0x11  }
0x272: {  	s7 =	sadd.s32 @!p0 $0xE800, s7;
	s8 =	sadd.s32 @!p0 s2, s8;
	s5 =	smul.u32 $0xE, s5  }
0x273: {  	[tilespmem:s7], [sflag:s4] =	stream.strided.gather @!p0 [hbm4b:s8+s15], $0x1000, s16, s15, $0x38;
	[tilespmem:$0x1CA00] =	vst v63  }
0x274: {  	s5 =	ssub.s32 s6, s5  }
0x275: {  	v58 =	vbroadcast v2, $0x7;
	s4 =	sand.u32 $0xFFFF, s5  }
0x276: {  	s7 =	sshll.u32 s4, $0xC  }
0x277: {  	v59 =	vbroadcast v1, $0x7;
	v60 =	vand.u32 $0xFFFFFF80, v58;
	s4 =	sadd.s32 $0x1, s4;
	v61 =	vor.u32 s7, v0  }
0x278: {  	v6 =	vand.u32 $0x7F, v58;
	_ =	swait.ge [sflag:s4], $0x1000;
	v63 =	vor.u32 s7, v3;
	v62 =	vadd.s32 v61, v60  }
0x279: {  	v16 =	vand.u32 $0xFFFFFF80, v59;
	[sflag:s4] =	ssyncset.done $0x0;
	v8 =	vadd.s32 v63, v60;
	v10 =	vor.u32 v6, v62  }
0x27a: {  	v7 =	vand.u32 $0x7F, v59;
	v17 =	vadd.s32 v61, v16;
	[sflag:s4] =	ssyncadd.s32 $0xFFFFF000;
	v6 =	vor.u32 v6, v8  }
0x27b: {  	v18 =	vadd.s32 v63, v16;
	v8 =	vor.u32 v7, v17;
	_ =	swait.ge [sflag:s4], $0x1000  }
0x27c: {  	v7 =	vor.u32 v7, v18;
	[sflag:s4] =	ssyncset.done $0x0  }
0x27d: {  	[sflag:s4] =	ssyncadd.s32 $0xFFFFF000  }
0x27e: {  	v19 =	vld.idx.msk [tilespmem:v10+s11+$0x0], $0xffff  }
0x27f: {  	v6 =	vld.idx.msk [tilespmem:v6+s11+$0x0], $0xffff  }
0x280: {  	v8 =	vld.idx.msk [tilespmem:v8+s12+$0x0], $0xffff  }
0x281: {  	v7 =	vld.idx.msk [tilespmem:v7+s12+$0x0], $0xffff;
	_ =	sdelay $0x4  }
0x282: {  	(v2sf) =	vpush @!p0 v4, $0x5;
	v8 =	vmul.f32 v8, v19;
	v6 =	vmul.f32 v7, v6;
	_ =	sdelay $0x1  }
0x283: {  	v6 =	vadd.f32 v6, v8;
	_ =	sdelay $0x1  }
0x284: {  	(xrf2) =	vadd.scan.msk.f32 $0xffff, v6;
	_ =	sdelay $0x1  }
0x285: {  	s4 =	sadd.s32 @!p0 $0x15, s25  }
0x286: {  	(v2sf) =	vpush @!p0 v5, $0x5;
	s5 =	sand.u32 @!p0 $0xFFFE, s4  }
0x287: {  	s5 =	sshrl.u32 @!p0 s5, $0x1  }
0x288: {  	v20 =	vmov s6;
	s5 =	smul.u32 @!p0 $0x4925, s5  }
0x289: {  	v6 =	vand.u32 $0xFFFFFFF7, v20  }
0x28a: {  	s5 =	sshrl.u32 @!p0 s5, $0x11;
	v6 =	vbroadcast v6, $0x0  }
0x28b: {  	s5 =	smul.u32 @!p0 $0xE, s5;
	_ =	sdelay $0x1  }
0x28c: {  	s4 =	ssub.s32 @!p0 s4, s5;
	v21, _, _ =	vpop (xrf2)  }
0x28d: {  	s4 =	sand.u32 @!p0 $0xFFFF, s4;
	s5 =	spop @!p0 (v2sf);
	v7 =	vbroadcast v21, $0xF  }
0x28e: {  	s6 =	sadd.s32 $0x8, s25;
	s7 =	sshll.u32 @!p0 s4, $0xC;
	s5 =	sand.u32 @!p0 $0xFFFFF80, s5  }
0x28f: {  	s4 =	sadd.s32 @!p0 $0x1, s4;
	s8 =	sor.u32 @!p0 $0x800, s7;
	s5 =	sadd.s32 @!p0 s1, s5;
	[tilespmem:v6+s18+$0x0] =	vst.idx.msk $0x1, v7  }
0x290: {  	[tilespmem:s8], [sflag:s4] =	stream.strided.gather @!p0 [hbm4b:s5+s15], $0x1000, s16, s15, $0x38;
	[tilespmem:$0x1CA00] =	vst v63  }
0x291: {  	s8 =	sand.u32 $0xFFFE, s6  }
0x292: {  	s5 =	sshrl.u32 s8, $0x1  }
0x293: {  	s5 =	smul.u32 $0x4925, s5  }
0x294: {  	s8 =	spop @!p0 (v2sf)  }
0x295: {  	s8 =	sand.u32 @!p0 $0xFFFFF80, s8;
	s5 =	sshrl.u32 s5, $0x11  }
0x296: {  	s7 =	sadd.s32 @!p0 $0xE800, s7;
	s8 =	sadd.s32 @!p0 s2, s8;
	s5 =	smul.u32 $0xE, s5  }
0x297: {  	[tilespmem:s7], [sflag:s4] =	stream.strided.gather @!p0 [hbm4b:s8+s15], $0x1000, s16, s15, $0x38;
	[tilespmem:$0x1CA00] =	vst v63  }
0x298: {  	s5 =	ssub.s32 s6, s5  }
0x299: {  	v22 =	vbroadcast v2, $0x8;
	s4 =	sand.u32 $0xFFFF, s5  }
0x29a: {  	s7 =	sshll.u32 s4, $0xC  }
0x29b: {  	v23 =	vbroadcast v1, $0x8;
	v24 =	vand.u32 $0xFFFFFF80, v22;
	s4 =	sadd.s32 $0x1, s4;
	v25 =	vor.u32 s7, v0  }
0x29c: {  	v6 =	vand.u32 $0x7F, v22;
	_ =	swait.ge [sflag:s4], $0x1000;
	v27 =	vor.u32 s7, v3;
	v26 =	vadd.s32 v25, v24  }
0x29d: {  	v28 =	vand.u32 $0xFFFFFF80, v23;
	[sflag:s4] =	ssyncset.done $0x0;
	v8 =	vadd.s32 v27, v24;
	v10 =	vor.u32 v6, v26  }
0x29e: {  	v7 =	vand.u32 $0x7F, v23;
	v29 =	vadd.s32 v25, v28;
	[sflag:s4] =	ssyncadd.s32 $0xFFFFF000;
	v6 =	vor.u32 v6, v8  }
0x29f: {  	v30 =	vadd.s32 v27, v28;
	v8 =	vor.u32 v7, v29;
	_ =	swait.ge [sflag:s4], $0x1000  }
0x2a0: {  	v7 =	vor.u32 v7, v30;
	[sflag:s4] =	ssyncset.done $0x0  }
0x2a1: {  	[sflag:s4] =	ssyncadd.s32 $0xFFFFF000  }
0x2a2: {  	v31 =	vld.idx.msk [tilespmem:v10+s11+$0x0], $0xffff  }
0x2a3: {  	v6 =	vld.idx.msk [tilespmem:v6+s11+$0x0], $0xffff  }
0x2a4: {  	v8 =	vld.idx.msk [tilespmem:v8+s12+$0x0], $0xffff  }
0x2a5: {  	v7 =	vld.idx.msk [tilespmem:v7+s12+$0x0], $0xffff;
	_ =	sdelay $0x4  }
0x2a6: {  	(v2sf) =	vpush @!p0 v4, $0x6;
	v8 =	vmul.f32 v8, v31;
	v6 =	vmul.f32 v7, v6;
	_ =	sdelay $0x1  }
0x2a7: {  	v6 =	vadd.f32 v6, v8;
	_ =	sdelay $0x1  }
0x2a8: {  	(xrf2) =	vadd.scan.msk.f32 $0xffff, v6;
	_ =	sdelay $0x1  }
0x2a9: {  	s4 =	sadd.s32 @!p0 $0x16, s25  }
0x2aa: {  	(v2sf) =	vpush @!p0 v5, $0x6;
	s5 =	sand.u32 @!p0 $0xFFFE, s4  }
0x2ab: {  	s5 =	sshrl.u32 @!p0 s5, $0x1  }
0x2ac: {  	v32 =	vmov s6;
	s5 =	smul.u32 @!p0 $0x4925, s5  }
0x2ad: {  	v6 =	vand.u32 $0xFFFFFFF8, v32  }
0x2ae: {  	s5 =	sshrl.u32 @!p0 s5, $0x11;
	v6 =	vbroadcast v6, $0x0  }
0x2af: {  	s5 =	smul.u32 @!p0 $0xE, s5;
	_ =	sdelay $0x1  }
0x2b0: {  	s4 =	ssub.s32 @!p0 s4, s5;
	v33, _, _ =	vpop (xrf2)  }
0x2b1: {  	s4 =	sand.u32 @!p0 $0xFFFF, s4;
	s5 =	spop @!p0 (v2sf);
	v7 =	vbroadcast v33, $0xF  }
0x2b2: {  	s6 =	sadd.s32 $0x9, s25;
	s7 =	sshll.u32 @!p0 s4, $0xC;
	s5 =	sand.u32 @!p0 $0xFFFFF80, s5  }
0x2b3: {  	s4 =	sadd.s32 @!p0 $0x1, s4;
	s8 =	sor.u32 @!p0 $0x800, s7;
	s5 =	sadd.s32 @!p0 s1, s5;
	[tilespmem:v6+s18+$0x0] =	vst.idx.msk $0x1, v7  }
0x2b4: {  	[tilespmem:s8], [sflag:s4] =	stream.strided.gather @!p0 [hbm4b:s5+s15], $0x1000, s16, s15, $0x38;
	[tilespmem:$0x1CA00] =	vst v63  }
0x2b5: {  	s8 =	sand.u32 $0xFFFE, s6  }
0x2b6: {  	s5 =	sshrl.u32 s8, $0x1  }
0x2b7: {  	s5 =	smul.u32 $0x4925, s5  }
0x2b8: {  	s8 =	spop @!p0 (v2sf)  }
0x2b9: {  	s8 =	sand.u32 @!p0 $0xFFFFF80, s8;
	s5 =	sshrl.u32 s5, $0x11  }
0x2ba: {  	s7 =	sadd.s32 @!p0 $0xE800, s7;
	s8 =	sadd.s32 @!p0 s2, s8;
	s5 =	smul.u32 $0xE, s5  }
0x2bb: {  	[tilespmem:s7], [sflag:s4] =	stream.strided.gather @!p0 [hbm4b:s8+s15], $0x1000, s16, s15, $0x38;
	[tilespmem:$0x1CA00] =	vst v63  }
0x2bc: {  	s5 =	ssub.s32 s6, s5  }
0x2bd: {  	v34 =	vbroadcast v2, $0x9;
	s4 =	sand.u32 $0xFFFF, s5  }
0x2be: {  	s7 =	sshll.u32 s4, $0xC  }
0x2bf: {  	v35 =	vbroadcast v1, $0x9;
	v36 =	vand.u32 $0xFFFFFF80, v34;
	s4 =	sadd.s32 $0x1, s4;
	v37 =	vor.u32 s7, v0  }
0x2c0: {  	v6 =	vand.u32 $0x7F, v34;
	_ =	swait.ge [sflag:s4], $0x1000;
	v39 =	vor.u32 s7, v3;
	v38 =	vadd.s32 v37, v36  }
0x2c1: {  	v40 =	vand.u32 $0xFFFFFF80, v35;
	[sflag:s4] =	ssyncset.done $0x0;
	v8 =	vadd.s32 v39, v36;
	v10 =	vor.u32 v6, v38  }
0x2c2: {  	v7 =	vand.u32 $0x7F, v35;
	v41 =	vadd.s32 v37, v40;
	[sflag:s4] =	ssyncadd.s32 $0xFFFFF000;
	v6 =	vor.u32 v6, v8  }
0x2c3: {  	v42 =	vadd.s32 v39, v40;
	v8 =	vor.u32 v7, v41;
	_ =	swait.ge [sflag:s4], $0x1000  }
0x2c4: {  	v7 =	vor.u32 v7, v42;
	[sflag:s4] =	ssyncset.done $0x0  }
0x2c5: {  	[sflag:s4] =	ssyncadd.s32 $0xFFFFF000  }
0x2c6: {  	v43 =	vld.idx.msk [tilespmem:v10+s11+$0x0], $0xffff  }
0x2c7: {  	v6 =	vld.idx.msk [tilespmem:v6+s11+$0x0], $0xffff  }
0x2c8: {  	v8 =	vld.idx.msk [tilespmem:v8+s12+$0x0], $0xffff  }
0x2c9: {  	v7 =	vld.idx.msk [tilespmem:v7+s12+$0x0], $0xffff;
	_ =	sdelay $0x4  }
0x2ca: {  	(v2sf) =	vpush @!p0 v4, $0x7;
	v8 =	vmul.f32 v8, v43;
	v6 =	vmul.f32 v7, v6;
	_ =	sdelay $0x1  }
0x2cb: {  	v6 =	vadd.f32 v6, v8;
	_ =	sdelay $0x1  }
0x2cc: {  	(xrf2) =	vadd.scan.msk.f32 $0xffff, v6;
	_ =	sdelay $0x1  }
0x2cd: {  	s4 =	sadd.s32 @!p0 $0x17, s25  }
0x2ce: {  	(v2sf) =	vpush @!p0 v5, $0x7;
	s5 =	sand.u32 @!p0 $0xFFFE, s4  }
0x2cf: {  	s5 =	sshrl.u32 @!p0 s5, $0x1  }
0x2d0: {  	v44 =	vmov s6;
	s5 =	smul.u32 @!p0 $0x4925, s5  }
0x2d1: {  	v6 =	vand.u32 $0xFFFFFFF9, v44  }
0x2d2: {  	s5 =	sshrl.u32 @!p0 s5, $0x11;
	v6 =	vbroadcast v6, $0x0  }
0x2d3: {  	s5 =	smul.u32 @!p0 $0xE, s5;
	_ =	sdelay $0x1  }
0x2d4: {  	s4 =	ssub.s32 @!p0 s4, s5;
	v45, _, _ =	vpop (xrf2)  }
0x2d5: {  	s4 =	sand.u32 @!p0 $0xFFFF, s4;
	s5 =	spop @!p0 (v2sf);
	v7 =	vbroadcast v45, $0xF  }
0x2d6: {  	s6 =	sadd.s32 $0xA, s25;
	s7 =	sshll.u32 @!p0 s4, $0xC;
	s5 =	sand.u32 @!p0 $0xFFFFF80, s5  }
0x2d7: {  	s4 =	sadd.s32 @!p0 $0x1, s4;
	s8 =	sor.u32 @!p0 $0x800, s7;
	s5 =	sadd.s32 @!p0 s1, s5;
	[tilespmem:v6+s18+$0x0] =	vst.idx.msk $0x1, v7  }
0x2d8: {  	[tilespmem:s8], [sflag:s4] =	stream.strided.gather @!p0 [hbm4b:s5+s15], $0x1000, s16, s15, $0x38;
	[tilespmem:$0x1CA00] =	vst v63  }
0x2d9: {  	s8 =	sand.u32 $0xFFFE, s6  }
0x2da: {  	s5 =	sshrl.u32 s8, $0x1  }
0x2db: {  	s5 =	smul.u32 $0x4925, s5  }
0x2dc: {  	s8 =	spop @!p0 (v2sf)  }
0x2dd: {  	s8 =	sand.u32 @!p0 $0xFFFFF80, s8;
	s5 =	sshrl.u32 s5, $0x11  }
0x2de: {  	s7 =	sadd.s32 @!p0 $0xE800, s7;
	s8 =	sadd.s32 @!p0 s2, s8;
	s5 =	smul.u32 $0xE, s5  }
0x2df: {  	[tilespmem:s7], [sflag:s4] =	stream.strided.gather @!p0 [hbm4b:s8+s15], $0x1000, s16, s15, $0x38;
	[tilespmem:$0x1CA00] =	vst v63  }
0x2e0: {  	s5 =	ssub.s32 s6, s5  }
0x2e1: {  	v46 =	vbroadcast v2, $0xA;
	s4 =	sand.u32 $0xFFFF, s5  }
0x2e2: {  	s7 =	sshll.u32 s4, $0xC  }
0x2e3: {  	v47 =	vbroadcast v1, $0xA;
	v48 =	vand.u32 $0xFFFFFF80, v46;
	s4 =	sadd.s32 $0x1, s4;
	v49 =	vor.u32 s7, v0  }
0x2e4: {  	v6 =	vand.u32 $0x7F, v46;
	_ =	swait.ge [sflag:s4], $0x1000;
	v51 =	vor.u32 s7, v3;
	v50 =	vadd.s32 v49, v48  }
0x2e5: {  	v52 =	vand.u32 $0xFFFFFF80, v47;
	[sflag:s4] =	ssyncset.done $0x0;
	v8 =	vadd.s32 v51, v48;
	v10 =	vor.u32 v6, v50  }
0x2e6: {  	v7 =	vand.u32 $0x7F, v47;
	v53 =	vadd.s32 v49, v52;
	[sflag:s4] =	ssyncadd.s32 $0xFFFFF000;
	v6 =	vor.u32 v6, v8  }
0x2e7: {  	v54 =	vadd.s32 v51, v52;
	v8 =	vor.u32 v7, v53;
	_ =	swait.ge [sflag:s4], $0x1000  }
0x2e8: {  	v7 =	vor.u32 v7, v54;
	[sflag:s4] =	ssyncset.done $0x0  }
0x2e9: {  	[sflag:s4] =	ssyncadd.s32 $0xFFFFF000  }
0x2ea: {  	v55 =	vld.idx.msk [tilespmem:v10+s11+$0x0], $0xffff  }
0x2eb: {  	v6 =	vld.idx.msk [tilespmem:v6+s11+$0x0], $0xffff  }
0x2ec: {  	v8 =	vld.idx.msk [tilespmem:v8+s12+$0x0], $0xffff  }
0x2ed: {  	v7 =	vld.idx.msk [tilespmem:v7+s12+$0x0], $0xffff;
	_ =	sdelay $0x4  }
0x2ee: {  	(v2sf) =	vpush @!p0 v4, $0x8;
	v8 =	vmul.f32 v8, v55;
	v6 =	vmul.f32 v7, v6;
	_ =	sdelay $0x1  }
0x2ef: {  	v6 =	vadd.f32 v6, v8;
	_ =	sdelay $0x1  }
0x2f0: {  	(xrf2) =	vadd.scan.msk.f32 $0xffff, v6;
	_ =	sdelay $0x1  }
0x2f1: {  	s4 =	sadd.s32 @!p0 $0x18, s25  }
0x2f2: {  	(v2sf) =	vpush @!p0 v5, $0x8;
	s5 =	sand.u32 @!p0 $0xFFFE, s4  }
0x2f3: {  	s5 =	sshrl.u32 @!p0 s5, $0x1  }
0x2f4: {  	v56 =	vmov s6;
	s5 =	smul.u32 @!p0 $0x4925, s5  }
0x2f5: {  	v6 =	vand.u32 $0xFFFFFFFA, v56  }
0x2f6: {  	s5 =	sshrl.u32 @!p0 s5, $0x11;
	v6 =	vbroadcast v6, $0x0  }
0x2f7: {  	s5 =	smul.u32 @!p0 $0xE, s5;
	_ =	sdelay $0x1  }
0x2f8: {  	s4 =	ssub.s32 @!p0 s4, s5;
	v57, _, _ =	vpop (xrf2)  }
0x2f9: {  	s4 =	sand.u32 @!p0 $0xFFFF, s4;
	s5 =	spop @!p0 (v2sf);
	v7 =	vbroadcast v57, $0xF  }
0x2fa: {  	s6 =	sadd.s32 $0xB, s25;
	s7 =	sshll.u32 @!p0 s4, $0xC;
	s5 =	sand.u32 @!p0 $0xFFFFF80, s5  }
0x2fb: {  	s4 =	sadd.s32 @!p0 $0x1, s4;
	s8 =	sor.u32 @!p0 $0x800, s7;
	s5 =	sadd.s32 @!p0 s1, s5;
	[tilespmem:v6+s18+$0x0] =	vst.idx.msk $0x1, v7  }
0x2fc: {  	[tilespmem:s8], [sflag:s4] =	stream.strided.gather @!p0 [hbm4b:s5+s15], $0x1000, s16, s15, $0x38;
	[tilespmem:$0x1CA00] =	vst v63  }
0x2fd: {  	s8 =	sand.u32 $0xFFFE, s6  }
0x2fe: {  	s5 =	sshrl.u32 s8, $0x1  }
0x2ff: {  	s5 =	smul.u32 $0x4925, s5  }
0x300: {  	s8 =	spop @!p0 (v2sf)  }
0x301: {  	s8 =	sand.u32 @!p0 $0xFFFFF80, s8;
	s5 =	sshrl.u32 s5, $0x11  }
0x302: {  	s7 =	sadd.s32 @!p0 $0xE800, s7;
	s8 =	sadd.s32 @!p0 s2, s8;
	s5 =	smul.u32 $0xE, s5  }
0x303: {  	[tilespmem:s7], [sflag:s4] =	stream.strided.gather @!p0 [hbm4b:s8+s15], $0x1000, s16, s15, $0x38;
	[tilespmem:$0x1CA00] =	vst v63  }
0x304: {  	s5 =	ssub.s32 s6, s5  }
0x305: {  	v58 =	vbroadcast v2, $0xB;
	s4 =	sand.u32 $0xFFFF, s5  }
0x306: {  	s7 =	sshll.u32 s4, $0xC  }
0x307: {  	v59 =	vbroadcast v1, $0xB;
	v60 =	vand.u32 $0xFFFFFF80, v58;
	s4 =	sadd.s32 $0x1, s4;
	v61 =	vor.u32 s7, v0  }
0x308: {  	v6 =	vand.u32 $0x7F, v58;
	_ =	swait.ge [sflag:s4], $0x1000;
	v63 =	vor.u32 s7, v3;
	v62 =	vadd.s32 v61, v60  }
0x309: {  	v16 =	vand.u32 $0xFFFFFF80, v59;
	[sflag:s4] =	ssyncset.done $0x0;
	v8 =	vadd.s32 v63, v60;
	v10 =	vor.u32 v6, v62  }
0x30a: {  	v7 =	vand.u32 $0x7F, v59;
	v17 =	vadd.s32 v61, v16;
	[sflag:s4] =	ssyncadd.s32 $0xFFFFF000;
	v6 =	vor.u32 v6, v8  }
0x30b: {  	v18 =	vadd.s32 v63, v16;
	v8 =	vor.u32 v7, v17;
	_ =	swait.ge [sflag:s4], $0x1000  }
0x30c: {  	v7 =	vor.u32 v7, v18;
	[sflag:s4] =	ssyncset.done $0x0  }
0x30d: {  	[sflag:s4] =	ssyncadd.s32 $0xFFFFF000  }
0x30e: {  	v19 =	vld.idx.msk [tilespmem:v10+s11+$0x0], $0xffff  }
0x30f: {  	v6 =	vld.idx.msk [tilespmem:v6+s11+$0x0], $0xffff  }
0x310: {  	v8 =	vld.idx.msk [tilespmem:v8+s12+$0x0], $0xffff  }
0x311: {  	v7 =	vld.idx.msk [tilespmem:v7+s12+$0x0], $0xffff;
	_ =	sdelay $0x4  }
0x312: {  	(v2sf) =	vpush @!p0 v4, $0x9;
	v8 =	vmul.f32 v8, v19;
	v6 =	vmul.f32 v7, v6;
	_ =	sdelay $0x1  }
0x313: {  	v6 =	vadd.f32 v6, v8;
	_ =	sdelay $0x1  }
0x314: {  	(xrf2) =	vadd.scan.msk.f32 $0xffff, v6;
	_ =	sdelay $0x1  }
0x315: {  	s4 =	sadd.s32 @!p0 $0x19, s25  }
0x316: {  	(v2sf) =	vpush @!p0 v5, $0x9;
	s5 =	sand.u32 @!p0 $0xFFFE, s4  }
0x317: {  	s5 =	sshrl.u32 @!p0 s5, $0x1  }
0x318: {  	v20 =	vmov s6;
	s5 =	smul.u32 @!p0 $0x4925, s5  }
0x319: {  	v6 =	vand.u32 $0xFFFFFFFB, v20  }
0x31a: {  	s5 =	sshrl.u32 @!p0 s5, $0x11;
	v6 =	vbroadcast v6, $0x0  }
0x31b: {  	s5 =	smul.u32 @!p0 $0xE, s5;
	_ =	sdelay $0x1  }
0x31c: {  	s4 =	ssub.s32 @!p0 s4, s5;
	v21, _, _ =	vpop (xrf2)  }
0x31d: {  	s4 =	sand.u32 @!p0 $0xFFFF, s4;
	s5 =	spop @!p0 (v2sf);
	v7 =	vbroadcast v21, $0xF  }
0x31e: {  	s6 =	sadd.s32 $0xC, s25;
	s7 =	sshll.u32 @!p0 s4, $0xC;
	s5 =	sand.u32 @!p0 $0xFFFFF80, s5  }
0x31f: {  	s4 =	sadd.s32 @!p0 $0x1, s4;
	s8 =	sor.u32 @!p0 $0x800, s7;
	s5 =	sadd.s32 @!p0 s1, s5;
	[tilespmem:v6+s18+$0x0] =	vst.idx.msk $0x1, v7  }
0x320: {  	[tilespmem:s8], [sflag:s4] =	stream.strided.gather @!p0 [hbm4b:s5+s15], $0x1000, s16, s15, $0x38;
	[tilespmem:$0x1CA00] =	vst v63  }
0x321: {  	s8 =	sand.u32 $0xFFFE, s6  }
0x322: {  	s5 =	sshrl.u32 s8, $0x1  }
0x323: {  	s5 =	smul.u32 $0x4925, s5  }
0x324: {  	s8 =	spop @!p0 (v2sf)  }
0x325: {  	s8 =	sand.u32 @!p0 $0xFFFFF80, s8;
	s5 =	sshrl.u32 s5, $0x11  }
0x326: {  	s7 =	sadd.s32 @!p0 $0xE800, s7;
	s8 =	sadd.s32 @!p0 s2, s8;
	s5 =	smul.u32 $0xE, s5  }
0x327: {  	[tilespmem:s7], [sflag:s4] =	stream.strided.gather @!p0 [hbm4b:s8+s15], $0x1000, s16, s15, $0x38;
	[tilespmem:$0x1CA00] =	vst v63  }
0x328: {  	s7 =	ssub.s32 s6, s5  }
0x329: {  	v22 =	vbroadcast v2, $0xC;
	s4 =	sand.u32 $0xFFFF, s7  }
0x32a: {  	s8 =	sshll.u32 s4, $0xC  }
0x32b: {  	v23 =	vbroadcast v1, $0xC;
	v24 =	vand.u32 $0xFFFFFF80, v22;
	s4 =	sadd.s32 $0x1, s4;
	v25 =	vor.u32 s8, v0  }
0x32c: {  	v6 =	vand.u32 $0x7F, v22;
	_ =	swait.ge [sflag:s4], $0x1000;
	v27 =	vor.u32 s8, v3;
	v26 =	vadd.s32 v25, v24  }
0x32d: {  	v28 =	vand.u32 $0xFFFFFF80, v23;
	[sflag:s4] =	ssyncset.done $0x0;
	v8 =	vadd.s32 v27, v24;
	v10 =	vor.u32 v6, v26  }
0x32e: {  	v7 =	vand.u32 $0x7F, v23;
	v29 =	vadd.s32 v25, v28;
	[sflag:s4] =	ssyncadd.s32 $0xFFFFF000;
	v6 =	vor.u32 v6, v8  }
0x32f: {  	v30 =	vadd.s32 v27, v28;
	v8 =	vor.u32 v7, v29;
	_ =	swait.ge [sflag:s4], $0x1000  }
0x330: {  	v7 =	vor.u32 v7, v30;
	[sflag:s4] =	ssyncset.done $0x0  }
0x331: {  	[sflag:s4] =	ssyncadd.s32 $0xFFFFF000  }
0x332: {  	v31 =	vld.idx.msk [tilespmem:v10+s11+$0x0], $0xffff  }
0x333: {  	v6 =	vld.idx.msk [tilespmem:v6+s11+$0x0], $0xffff  }
0x334: {  	v8 =	vld.idx.msk [tilespmem:v8+s12+$0x0], $0xffff  }
0x335: {  	v7 =	vld.idx.msk [tilespmem:v7+s12+$0x0], $0xffff;
	_ =	sdelay $0x4  }
0x336: {  	(v2sf) =	vpush @!p0 v4, $0xA;
	v8 =	vmul.f32 v8, v31;
	v6 =	vmul.f32 v7, v6;
	_ =	sdelay $0x1  }
0x337: {  	v6 =	vadd.f32 v6, v8;
	_ =	sdelay $0x1  }
0x338: {  	(v2sf) =	vpush @!p0 v5, $0xA;
	(xrf2) =	vadd.scan.msk.f32 $0xffff, v6;
	_ =	sdelay $0x1  }
0x339: {  	s4 =	sadd.s32 @!p0 $0x1A, s25  }
0x33a: {  	s5 =	sand.u32 @!p0 $0xFFFE, s4  }
0x33b: {  	s5 =	sshrl.u32 @!p0 s5, $0x1  }
0x33c: {  	v32 =	vmov s6;
	s5 =	smul.u32 @!p0 $0x4925, s5  }
0x33d: {  	v6 =	vand.u32 $0xFFFFFFFC, v32  }
0x33e: {  	s5 =	sshrl.u32 @!p0 s5, $0x11;
	v6 =	vbroadcast v6, $0x0  }
0x33f: {  	s5 =	smul.u32 @!p0 $0xE, s5;
	_ =	sdelay $0x1  }
0x340: {  	s4 =	ssub.s32 @!p0 s4, s5;
	v33, _, _ =	vpop (xrf2)  }
0x341: {  	s4 =	sand.u32 @!p0 $0xFFFF, s4;
	s5 =	spop @!p0 (v2sf);
	v7 =	vbroadcast v33, $0xF  }
0x342: {  	s6 =	sshll.u32 @!p0 s4, $0xC;
	s5 =	sand.u32 @!p0 $0xFFFFF80, s5  }
0x343: {  	s4 =	sadd.s32 @!p0 $0x1, s4;
	s7 =	sor.u32 @!p0 $0x800, s6;
	s5 =	sadd.s32 @!p0 s1, s5;
	[tilespmem:v6+s18+$0x0] =	vst.idx.msk $0x1, v7  }
0x344: {  	[tilespmem:s7], [sflag:s4] =	stream.strided.gather @!p0 [hbm4b:s5+s15], $0x1000, s16, s15, $0x38;
	[tilespmem:$0x1CA00] =	vst v63  }
0x345: {  	s5 =	spop @!p0 (v2sf)  }
0x346: {  	v34 =	vbroadcast v2, $0xD;
	s5 =	sand.u32 @!p0 $0xFFFFF80, s5  }
0x347: {  	s6 =	sadd.s32 @!p0 $0xE800, s6;
	s5 =	sadd.s32 @!p0 s2, s5  }
0x348: {  	v35 =	vbroadcast v1, $0xD;
	v36 =	vand.u32 $0xFFFFFF80, v34;
	v37 =	vor.u32 s0, v0;
	[tilespmem:s6], [sflag:s4] =	stream.strided.gather @!p0 [hbm4b:s5+s15], $0x1000, s16, s15, $0x38;
	[tilespmem:$0x1CA00] =	vst v63  }
0x349: {  	v39 =	vor.u32 s0, v3;
	v38 =	vadd.s32 v37, v36;
	v6 =	vand.u32 $0x7F, v34;
	_ =	swait.ge [sflag:s30], $0x1000  }
0x34a: {  	v40 =	vand.u32 $0xFFFFFF80, v35;
	v8 =	vadd.s32 v39, v36;
	v10 =	vor.u32 v6, v38;
	[sflag:s30] =	ssyncset.done $0x0  }
0x34b: {  	v41 =	vadd.s32 v37, v40;
	v7 =	vand.u32 $0x7F, v35;
	v6 =	vor.u32 v6, v8;
	[sflag:s30] =	ssyncadd.s32 $0xFFFFF000  }
0x34c: {  	v42 =	vadd.s32 v39, v40;
	v8 =	vor.u32 v7, v41;
	_ =	swait.ge [sflag:s30], $0x1000  }
0x34d: {  	v7 =	vor.u32 v7, v42;
	[sflag:s30] =	ssyncset.done $0x0  }
0x34e: {  	[sflag:s30] =	ssyncadd.s32 $0xFFFFF000  }
0x34f: {  	v43 =	vld.idx.msk [tilespmem:v10+s11+$0x0], $0xffff  }
0x350: {  	v6 =	vld.idx.msk [tilespmem:v6+s11+$0x0], $0xffff  }
0x351: {  	v8 =	vld.idx.msk [tilespmem:v8+s12+$0x0], $0xffff  }
0x352: {  	v7 =	vld.idx.msk [tilespmem:v7+s12+$0x0], $0xffff;
	_ =	sdelay $0x4  }
0x353: {  	(v2sf) =	vpush @!p0 v4, $0xB;
	v8 =	vmul.f32 v8, v43;
	v6 =	vmul.f32 v7, v6;
	_ =	sdelay $0x1  }
0x354: {  	v6 =	vadd.f32 v6, v8;
	_ =	sdelay $0x1  }
0x355: {  	(v2sf) =	vpush @!p0 v5, $0xB;
	(xrf2) =	vadd.scan.msk.f32 $0xffff, v6;
	_ =	sdelay $0x1  }
0x356: {  	s0 =	sadd.s32 @!p0 $0x1B, s25  }
0x357: {  	s4 =	sand.u32 @!p0 $0xFFFE, s0  }
0x358: {  	s4 =	sshrl.u32 @!p0 s4, $0x1  }
0x359: {  	v44 =	vmov s26;
	s4 =	smul.u32 @!p0 $0x4925, s4  }
0x35a: {  	v6 =	vand.u32 $0xFFFFFFFD, v44  }
0x35b: {  	s4 =	sshrl.u32 @!p0 s4, $0x11;
	v6 =	vbroadcast v6, $0x0  }
0x35c: {  	s4 =	smul.u32 @!p0 $0xE, s4;
	_ =	sdelay $0x1  }
0x35d: {  	s0 =	ssub.s32 @!p0 s0, s4;
	v45, _, _ =	vpop (xrf2)  }
0x35e: {  	s0 =	sand.u32 @!p0 $0xFFFF, s0;
	s4 =	spop @!p0 (v2sf);
	v7 =	vbroadcast v45, $0xF  }
0x35f: {  	s5 =	sshll.u32 @!p0 s0, $0xC;
	s4 =	sand.u32 @!p0 $0xFFFFF80, s4  }
0x360: {  	s0 =	sadd.s32 @!p0 $0x1, s0;
	s6 =	sor.u32 @!p0 $0x800, s5;
	s4 =	sadd.s32 @!p0 s1, s4;
	[tilespmem:v6+s18+$0x0] =	vst.idx.msk $0x1, v7  }
0x361: {  	[tilespmem:s6], [sflag:s0] =	stream.strided.gather @!p0 [hbm4b:s4+s15], $0x1000, s16, s15, $0x38;
	[tilespmem:$0x1CA00] =	vst v63  }
0x362: {  	s4 =	spop @!p0 (v2sf)  }
0x363: {  	v46 =	vbroadcast v2, $0xE;
	s4 =	sand.u32 @!p0 $0xFFFFF80, s4  }
0x364: {  	s5 =	sadd.s32 @!p0 $0xE800, s5;
	s4 =	sadd.s32 @!p0 s2, s4  }
0x365: {  	v47 =	vbroadcast v1, $0xE;
	v48 =	vand.u32 $0xFFFFFF80, v46;
	v49 =	vor.u32 s13, v0;
	[tilespmem:s5], [sflag:s0] =	stream.strided.gather @!p0 [hbm4b:s4+s15], $0x1000, s16, s15, $0x38;
	[tilespmem:$0x1CA00] =	vst v63  }
0x366: {  	v51 =	vor.u32 s13, v3;
	v50 =	vadd.s32 v49, v48;
	v6 =	vand.u32 $0x7F, v46;
	_ =	swait.ge [sflag:s31], $0x1000  }
0x367: {  	v52 =	vand.u32 $0xFFFFFF80, v47;
	v8 =	vadd.s32 v51, v48;
	v10 =	vor.u32 v6, v50;
	[sflag:s31] =	ssyncset.done $0x0  }
0x368: {  	v53 =	vadd.s32 v49, v52;
	v7 =	vand.u32 $0x7F, v47;
	v6 =	vor.u32 v6, v8;
	[sflag:s31] =	ssyncadd.s32 $0xFFFFF000  }
0x369: {  	v54 =	vadd.s32 v51, v52;
	v8 =	vor.u32 v7, v53;
	_ =	swait.ge [sflag:s31], $0x1000  }
0x36a: {  	v7 =	vor.u32 v7, v54;
	[sflag:s31] =	ssyncset.done $0x0  }
0x36b: {  	[sflag:s31] =	ssyncadd.s32 $0xFFFFF000  }
0x36c: {  	v55 =	vld.idx.msk [tilespmem:v10+s11+$0x0], $0xffff  }
0x36d: {  	v6 =	vld.idx.msk [tilespmem:v6+s11+$0x0], $0xffff  }
0x36e: {  	v8 =	vld.idx.msk [tilespmem:v8+s12+$0x0], $0xffff  }
0x36f: {  	v7 =	vld.idx.msk [tilespmem:v7+s12+$0x0], $0xffff;
	_ =	sdelay $0x4  }
0x370: {  	(v2sf) =	vpush @!p0 v4, $0xC;
	v8 =	vmul.f32 v8, v55;
	v6 =	vmul.f32 v7, v6;
	_ =	sdelay $0x1  }
0x371: {  	v56 =	vadd.f32 v6, v8;
	_ =	sdelay $0x1  }
0x372: {  	(v2sf) =	vpush @!p0 v5, $0xC;
	(xrf2) =	vadd.scan.msk.f32 $0xffff, v56;
	_ =	sdelay $0x1  }
0x373: {  	s0 =	sadd.s32 @!p0 $0x1C, s25  }
0x374: {  	s4 =	sand.u32 @!p0 $0xFFFE, s0  }
0x375: {  	s4 =	sshrl.u32 @!p0 s4, $0x1  }
0x376: {  	v57 =	vmov s28;
	s4 =	smul.u32 @!p0 $0x4925, s4  }
0x377: {  	v4 =	vand.u32 $0xFFFFFFFE, v57  }
0x378: {  	s4 =	sshrl.u32 @!p0 s4, $0x11;
	v4 =	vbroadcast v4, $0x0  }
0x379: {  	s4 =	smul.u32 @!p0 $0xE, s4;
	_ =	sdelay $0x1  }
0x37a: {  	s0 =	ssub.s32 @!p0 s0, s4;
	v58, _, _ =	vpop (xrf2)  }
0x37b: {  	s0 =	sand.u32 @!p0 $0xFFFF, s0;
	s4 =	spop @!p0 (v2sf);
	v5 =	vbroadcast v58, $0xF  }
0x37c: {  	s5 =	sshll.u32 @!p0 s0, $0xC;
	s4 =	sand.u32 @!p0 $0xFFFFF80, s4  }
0x37d: {  	s0 =	sadd.s32 @!p0 $0x1, s0;
	s6 =	sor.u32 @!p0 $0x800, s5;
	s4 =	sadd.s32 @!p0 s1, s4;
	[tilespmem:v4+s18+$0x0] =	vst.idx.msk $0x1, v5  }
0x37e: {  	[tilespmem:s6], [sflag:s0] =	stream.strided.gather @!p0 [hbm4b:s4+s15], $0x1000, s16, s15, $0x38;
	[tilespmem:$0x1CA00] =	vst v63  }
0x37f: {  	s4 =	spop @!p0 (v2sf)  }
0x380: {  	v2 =	vbroadcast v2, $0xF;
	s4 =	sand.u32 @!p0 $0xFFFFF80, s4  }
0x381: {  	s5 =	sadd.s32 @!p0 $0xE800, s5;
	s4 =	sadd.s32 @!p0 s2, s4  }
0x382: {  	v1 =	vbroadcast v1, $0xF;
	v59 =	vand.u32 $0xFFFFFF80, v2;
	v60 =	vor.u32 s14, v0;
	[tilespmem:s5], [sflag:s0] =	stream.strided.gather @!p0 [hbm4b:s4+s15], $0x1000, s16, s15, $0x38;
	[tilespmem:$0x1CA00] =	vst v63  }
0x383: {  	v2 =	vand.u32 $0x7F, v2;
	v61 =	vadd.s32 v60, v59;
	v3 =	vor.u32 s14, v3;
	_ =	swait.ge [sflag:s3], $0x1000  }
0x384: {  	v62 =	vand.u32 $0xFFFFFF80, v1;
	v6 =	vor.u32 v2, v61;
	v4 =	vadd.s32 v3, v59;
	[sflag:s3] =	ssyncset.done $0x0  }
0x385: {  	v1 =	vand.u32 $0x7F, v1;
	v63 =	vadd.s32 v60, v62;
	v2 =	vor.u32 v2, v4;
	[sflag:s3] =	ssyncadd.s32 $0xFFFFF000  }
0x386: {  	v3 =	vadd.s32 v3, v62;
	v4 =	vor.u32 v1, v63;
	_ =	swait.ge [sflag:s3], $0x1000  }
0x387: {  	v1 =	vor.u32 v1, v3;
	[sflag:s3] =	ssyncset.done $0x0  }
0x388: {  	[sflag:s3] =	ssyncadd.s32 $0xFFFFF000  }
0x389: {  	v3 =	vld.idx.msk [tilespmem:v6+s11+$0x0], $0xffff  }
0x38a: {  	v2 =	vld.idx.msk [tilespmem:v2+s11+$0x0], $0xffff  }
0x38b: {  	v4 =	vld.idx.msk [tilespmem:v4+s12+$0x0], $0xffff  }
0x38c: {  	v1 =	vld.idx.msk [tilespmem:v1+s12+$0x0], $0xffff;
	_ =	sdelay $0x4  }
0x38d: {  	v3 =	vmul.f32 v4, v3;
	v1 =	vmul.f32 v1, v2;
	_ =	sdelay $0x1  }
0x38e: {  	v1 =	vadd.f32 v1, v3;
	_ =	sdelay $0x1  }
0x38f: {  	(xrf2) =	vadd.scan.msk.f32 $0xffff, v1;
	_ =	sdelay $0x6  }
0x390: {  	s25 =	sadd.s32 $0x10, s25  }
0x391: {  	p0 =	sne.s32 s25, $0x200;
	v1 =	vmov s29  }
.Ltmp0:
0x392: {  	_ = 	snop;
	(pc) =	sbr.rel @p0 .LBB2_2-.Ltmp0, $4  }
0x393: {  	v2, _, _ =	vpop (xrf2)  }
0x394: {  	v2 =	vbroadcast v2, $0xF  }
0x395: {  	s21 =	sadd.s32 $0x1, s21;
	s24 =	sadd.s32 $0x10, s24  }
0x396: {  	s22 =	sadd.s32 $0x10, s22;
	s23 =	sadd.s32 $0x10, s23;
	s20 =	sadd.s32 $0x10, s20;
	[tilespmem:v1+s18+$0x0] =	vst.idx.msk $0x1, v2  }
0x397: {  	s13 =	simm.s32 $0x0;
	s0 =	rddreg [dreg:$0x8]  }
0x398: {  	[hbm4b:s0+s13] =	stream.linear.scatter [tilespmem:s18], [sflag:$0xF], $0x200, $0x38;
	[tilespmem:$0x1CA00] =	vst v63  }
0x399: {  	_ =	swait.ge [sflag:s9], $0x200  }
0x39a: {  	s19 =	sadd.s32 $0x1, s19;
	s31 =	rddreg [dreg:$0x9]  }
0x39b: {  	p0 =	sne.s32 s19, s31  }
.Ltmp1:
0x39c: {  	_ = 	snop;
	(pc) =	sbr.rel @p0 .LBB2_1-.Ltmp1, $3  }
0x39d: {  	_ =	sdelay $0x1  }
0x39e: {  	[sflag:s9] =	ssyncset.done $0x0  }
0x39f: {  	[sflag:s9] =	ssyncadd.s32 $0xFFFFFE00  }
0x3a0: {  	_ =	sfence.sel $0x180000  }
0x3a1: {  	[bflag:$0x0] =	sbarrier.arrive $0xFFFF  }
0x3a2: {  	_ =	strace $0x90000047  }
0x3a3: {  	s0 =	stileid.u32;
	[bflag:$0x2] =	sbarrier.arrive $0xFFFF  }
0x3a4: {  	p0 =	sne.s32 s0, $0x0;
	s0 =	rddreg [dreg:$0x5]  }
0x3a5: {  	s0 =	sadd.s32 @!p0 $0x100000, s0  }
0x3a6: {  	[sflag:s0] =	ssyncadd.tile.s32 @!p0 $0x1;
	_ =	shalt  }
.Lfunc_end2:
_tile_overlayer_lowered:
.L_overlay_start_2:
0x3a7: {  	(tag) =	ssettag $0x2  }
0x3a8: {  	s0 =	rddreg [dreg:$0x0];
	s2 =	stileid.u32  }
0x3a9: {  	s1 =	rddreg [dreg:$0x1];
	p0 =	sne.s32 s2, $0x0  }
0x3aa: {  	s3 =	rddreg [dreg:$0x2];
	[bflag:$0x3] =	sbarrier.arrive $0xFFFF;
	s2 =	simm.s32 @!p0 $0x1C0F  }
0x3ab: {  	[timem:s3], [sflag:s2] =	dma.local @!p0 [hbm:s0], s1  }
0x3ac: {  	s0 =	simm.s32 @!p0 $0xF  }
0x3ad: {  	_ =	swait.ge @!p0 [sflag:s0], s1  }
0x3ae: {  	s1 =	ssub.s32 @!p0 $0x0, s1;
	[sflag:s0] =	ssyncset.done @!p0 $0x0  }
0x3af: {  	[sflag:s0] =	ssyncadd.s32 @!p0 s1  }
0x3b0: {  	[bflag:$0x3] =	sbarrier.arrive $0xFFFF  }
0x3b1: {  	_ =	shalt  }

</sc_bundles>
